<compile_context>
chip_gen: v7x
topology: tpu7x:2x2x1
jax: 0.10.2.dev20260603
libtpu: 0.0.44.dev20260713+nightly
codegen_flags: <defaults>
</compile_context>

<pallas_src>
import functools

import jax
import jax.numpy as jnp
from jax import lax
from jax.experimental import pallas as pl
from jax.experimental.pallas import tpu as pltpu
from jax.experimental.pallas import tpu_sc as plsc

_N = 10000
_E = 320000
_HID = 64
_NG = 64
_NCLS = 10
_W = 80
_BLK = 80
_NTILES = 32
_EPT = _E // _NTILES
_NBLK = _EPT // _BLK
_RPT = _N // 16
_ZR = 125



@functools.lru_cache(maxsize=None)
def _make_gat_sc():
    mesh = plsc.VectorSubcoreMesh(core_axis_name="c", subcore_axis_name="s")
    f32 = jnp.float32

    def body(src_hbm, dst_hbm, xlg_hbm, xrp_hbm, ea_hbm, att_hbm, out_hbm,
             sidx, didx, xlb, xrb, eab, sidx2, didx2, xlb2, xrb2, eab2,
             orow, zbuf, attv, tmp, table,
             sga, sgb, sgc, sga2, sgb2, sgc2):
        c = lax.axis_index("c")
        s = lax.axis_index("s")
        wid = c * 16 + s

        def zrow(i, _):
            for kk in range(_W // 16):
                zbuf[i, pl.ds(kk * 16, 16)] = jnp.zeros((16,), f32)
            return 0
        lax.fori_loop(0, _ZR, zrow, 0)
        for j in range(_RPT // _ZR):
            pltpu.sync_copy(zbuf, table.at[pl.ds(s * _RPT + j * _ZR, _ZR)])
        plsc.subcore_barrier()
        pltpu.sync_copy(att_hbm, attv)
        ebase = wid * _EPT

        def fire(b, xi, di, xb, rb, eb, sa, sb_, sc_):
            off = ebase + b * _BLK
            pltpu.sync_copy(src_hbm.at[pl.ds(off, _BLK)], xi)
            pltpu.sync_copy(dst_hbm.at[pl.ds(off, _BLK)], di)
            pltpu.async_copy(xlg_hbm.at[xi], xb, sa)
            pltpu.async_copy(xrp_hbm.at[di], rb, sb_)
            pltpu.async_copy(ea_hbm.at[pl.ds(off, _BLK)], eb, sc_)

        def drain(xi, di, xb, rb, eb, sa, sb_, sc_):
            pltpu.make_async_copy(xlg_hbm.at[xi], xb, sa).wait()
            pltpu.make_async_copy(xrp_hbm.at[di], rb, sb_).wait()
            pltpu.make_async_copy(ea_hbm.at[pl.ds(0, _BLK)], eb, sc_).wait()

        def compute(di, xb, rb, eb):
            lane = lax.iota(jnp.int32, 16)
            e0c = jnp.where(lane == 0, 1.0, 0.0).astype(f32)

            def edge_body(e, _):
                acc = jnp.zeros((16,), f32)
                for kk in range(4):
                    sl = pl.ds(kk * 16, 16)
                    m = xb[e, sl] + rb[e, sl] + eb[e, sl]
                    m = jnp.where(m > 0.0, m, 0.2 * m)
                    acc = acc + m * attv[pl.ds(kk * 16, 16)]
                tmp[...] = acc
                for stp in (1, 2, 4, 8):
                    a = tmp[...]
                    bsh = plsc.load_gather(tmp, [lane ^ stp])
                    tmp[...] = a + bsh
                ex = jnp.exp(tmp[...])
                for kk in range(4):
                    sl = pl.ds(kk * 16, 16)
                    orow[e, sl] = ex * xb[e, sl]
                orow[e, pl.ds(64, 16)] = ex * e0c
                return 0
            lax.fori_loop(0, _BLK, edge_body, 0)
            pltpu.sync_copy(orow, table.at[di], add=True)

        s0 = (sidx, didx, xlb, xrb, eab, sga, sgb, sgc)
        s1 = (sidx2, didx2, xlb2, xrb2, eab2, sga2, sgb2, sgc2)

        def slot_bufs(t):
            return t[0:5], t[5:8]

        fire(0, *s0[0:5], *s0[5:8])

        def body2(i, _):
            b0 = 2 * i
            drain(*s0[0:5], *s0[5:8])
            fire(b0 + 1, *s1[0:5], *s1[5:8])
            compute(s0[1], s0[2], s0[3], s0[4])
            drain(*s1[0:5], *s1[5:8])
            fire(b0 + 2, *s0[0:5], *s0[5:8])
            compute(s1[1], s1[2], s1[3], s1[4])
            return 0
        lax.fori_loop(0, (_NBLK - 1) // 2, body2, 0)
        drain(*s0[0:5], *s0[5:8])
        compute(s0[1], s0[2], s0[3], s0[4])
        plsc.subcore_barrier()

        roff = pl.multiple_of(s * 632, 8)

        @pl.when(s < 15)
        def _():
            pltpu.sync_copy(table.at[pl.ds(roff, 632)],
                            out_hbm.at[c, pl.ds(roff, 632)])

        @pl.when(s == 15)
        def _():
            pltpu.sync_copy(table.at[pl.ds(15 * 632, 520)],
                            out_hbm.at[c, pl.ds(15 * 632, 520)])

    scratch = [
        pltpu.VMEM((_BLK,), jnp.int32),
        pltpu.VMEM((_BLK,), jnp.int32),
        pltpu.VMEM((_BLK, 64), f32),
        pltpu.VMEM((_BLK, 64), f32),
        pltpu.VMEM((_BLK, 64), f32),
        pltpu.VMEM((_BLK,), jnp.int32),
        pltpu.VMEM((_BLK,), jnp.int32),
        pltpu.VMEM((_BLK, 64), f32),
        pltpu.VMEM((_BLK, 64), f32),
        pltpu.VMEM((_BLK, 64), f32),
        pltpu.VMEM((_BLK, _W), f32),
        pltpu.VMEM((_ZR, _W), f32),
        pltpu.VMEM((64,), f32),
        pltpu.VMEM((16,), f32),
        pltpu.VMEM_SHARED((_N, _W), f32),
    ] + [pltpu.SemaphoreType.DMA] * 6
    return pl.kernel(
        body,
        out_type=jax.ShapeDtypeStruct((2, _N, _W), f32),
        mesh=mesh,
        scratch_types=scratch,
        compiler_params=pltpu.CompilerParams(needs_layout_passes=False,
                                             use_tc_tiling_on_sc=False),
    )



def _proj1_body(xref, wref, bref, xlg0, xlg1, xrp0, xrp1, xp):
    y = jnp.dot(xref[...], wref[...], preferred_element_type=jnp.float32)
    y = y + bref[...]
    xlg0[...] = y[:, 0:64]
    xlg1[...] = y[:, 64:128]
    xrp0[...] = y[:, 128:192]
    xrp1[...] = y[:, 192:256]
    xp[...] = y[:, 256:384]


def _proj1(x, w, b):
    bn = 1000
    g = _N // bn
    o128 = jax.ShapeDtypeStruct((_N, 128), jnp.float32)
    return pl.pallas_call(
        _proj1_body,
        grid=(g,),
        in_specs=[
            pl.BlockSpec((bn, 128), lambda i: (i, 0)),
            pl.BlockSpec((128, 384), lambda i: (0, 0)),
            pl.BlockSpec((1, 384), lambda i: (0, 0)),
        ],
        out_specs=[pl.BlockSpec((bn, 64), lambda i: (i, 0))] * 4
                  + [pl.BlockSpec((bn, 128), lambda i: (i, 0))],
        out_shape=[jax.ShapeDtypeStruct((_N, 64), jnp.float32)] * 4
                  + [o128],
    )(x, w, b)


def _ea_body(aref, wref, e0, e1, e2):
    y = jnp.dot(aref[...], wref[...], preferred_element_type=jnp.float32)
    e0[...] = y[:, 0:64]
    e1[...] = y[:, 64:128]
    e2[...] = y[:, 128:192]


def _ea(a, w):
    be = 4000
    g = _E // be
    o64 = jax.ShapeDtypeStruct((_E, 64), jnp.float32)
    return pl.pallas_call(
        _ea_body,
        grid=(g,),
        in_specs=[
            pl.BlockSpec((be, 16), lambda i: (i, 0)),
            pl.BlockSpec((16, 192), lambda i: (0, 0)),
        ],
        out_specs=[pl.BlockSpec((be, 64), lambda i: (i, 0))] * 3,
        out_shape=[o64] * 3,
    )(a, w)


def _make_post(nheads):
    ch = 64 * nheads

    def body(*refs):
        ts = refs[0:nheads]
        bref = refs[nheads]
        gat, psum, psumsq = refs[nheads + 1:nheads + 4]
        parts = []
        for h in range(nheads):
            num = ts[h][0, :, 0:64] + ts[h][1, :, 0:64]
            den = ts[h][0, :, 64:65] + ts[h][1, :, 64:65]
            parts.append(num / (den + 1e-16))
        g = jnp.concatenate(parts, axis=1) if nheads > 1 else parts[0]
        g = g + bref[...]
        gat[...] = g

        @pl.when(pl.program_id(0) == 0)
        def _():
            psum[...] = jnp.zeros_like(psum)
            psumsq[...] = jnp.zeros_like(psumsq)
        psum[...] += jnp.sum(g, axis=0, keepdims=True)
        psumsq[...] += jnp.sum(g * g, axis=0, keepdims=True)

    bn = 1000
    grid = (_N // bn,)

    def call(ts, b):
        return pl.pallas_call(
            body,
            grid=grid,
            in_specs=[pl.BlockSpec((2, bn, _W), lambda i: (0, i, 0))
                      for _ in range(nheads)]
                     + [pl.BlockSpec((1, ch), lambda i: (0, 0))],
            out_specs=[
                pl.BlockSpec((bn, ch), lambda i: (i, 0)),
                pl.BlockSpec((1, ch), lambda i: (0, 0)),
                pl.BlockSpec((1, ch), lambda i: (0, 0)),
            ],
            out_shape=[
                jax.ShapeDtypeStruct((_N, ch), jnp.float32),
                jax.ShapeDtypeStruct((1, ch), jnp.float32),
                jax.ShapeDtypeStruct((1, ch), jnp.float32),
            ],
        )(*ts, b)
    return call


_post_2h = _make_post(2)
_post_1h = _make_post(1)


def _proj2_body(gref, xpref, aref, bref, wref, b2ref, xlg2, xrp2, xp2):
    h = gref[...] * aref[...] + bref[...] + xpref[...]
    h = jnp.where(h > 0.0, h, jnp.exp(h) - 1.0)
    y = jnp.dot(h, wref[...], preferred_element_type=jnp.float32)
    y = y + b2ref[...]
    xlg2[...] = y[:, 0:64]
    xrp2[...] = y[:, 64:128]
    xp2[...] = y[:, 128:192]


def _proj2(gat1, xp1, a, b, w, b2):
    bn = 1000
    g = _N // bn
    return pl.pallas_call(
        _proj2_body,
        grid=(g,),
        in_specs=[
            pl.BlockSpec((bn, 128), lambda i: (i, 0)),
            pl.BlockSpec((bn, 128), lambda i: (i, 0)),
            pl.BlockSpec((1, 128), lambda i: (0, 0)),
            pl.BlockSpec((1, 128), lambda i: (0, 0)),
            pl.BlockSpec((128, 192), lambda i: (0, 0)),
            pl.BlockSpec((1, 192), lambda i: (0, 0)),
        ],
        out_specs=[
            pl.BlockSpec((bn, 64), lambda i: (i, 0)),
            pl.BlockSpec((bn, 64), lambda i: (i, 0)),
            pl.BlockSpec((bn, 64), lambda i: (i, 0)),
        ],
        out_shape=[
            jax.ShapeDtypeStruct((_N, 64), jnp.float32),
            jax.ShapeDtypeStruct((_N, 64), jnp.float32),
            jax.ShapeDtypeStruct((_N, 64), jnp.float32),
        ],
    )(gat1, xp1, a, b, w, b2)


def _pool_body(gref, xpref, aref, bref, batref, wref, cbref, out, sums, gmax):
    i = pl.program_id(0)
    h = gref[...] * aref[...] + bref[...] + xpref[...]
    h = jnp.where(h > 0.0, h, jnp.exp(h) - 1.0)
    bb = batref[...][:, 0]
    gids = lax.broadcasted_iota(jnp.int32, (1, _NG), 1)
    onehot = (bb[:, None] == gids).astype(jnp.float32)
    hext = jnp.concatenate(
        [h, jnp.ones((h.shape[0], 1), jnp.float32)], axis=1)
    sblk = lax.dot_general(onehot, hext, (((0,), (0,)), ((), ())),
                           preferred_element_type=jnp.float32)
    neg = jnp.float32(-3e38)
    cube = jnp.where(onehot[:, :, None] > 0.0, h[:, None, :], neg)
    mblk = jnp.max(cube, axis=0)

    @pl.when(i == 0)
    def _():
        sums[...] = jnp.zeros_like(sums)
        gmax[...] = jnp.full_like(gmax, neg)
    sums[...] += sblk
    gmax[...] = jnp.maximum(gmax[...], mblk)

    @pl.when(i == pl.num_programs(0) - 1)
    def _():
        cnt = sums[:, 64:65]
        xmean = sums[:, 0:64] / jnp.maximum(cnt, 1.0)
        xmax = jnp.where(cnt > 0.0, gmax[...], 0.0)
        pooled = jnp.concatenate([xmean, xmax], axis=1)
        out[...] = jnp.dot(pooled, wref[...],
                           preferred_element_type=jnp.float32) + cbref[...]


def _pool(gat2, xp2, a, b, batcol, wc, cb):
    bp = 200
    g = _N // bp
    return pl.pallas_call(
        _pool_body,
        grid=(g,),
        in_specs=[
            pl.BlockSpec((bp, 64), lambda i: (i, 0)),
            pl.BlockSpec((bp, 64), lambda i: (i, 0)),
            pl.BlockSpec((1, 64), lambda i: (0, 0)),
            pl.BlockSpec((1, 64), lambda i: (0, 0)),
            pl.BlockSpec((bp, 1), lambda i: (i, 0)),
            pl.BlockSpec((128, _NCLS), lambda i: (0, 0)),
            pl.BlockSpec((1, _NCLS), lambda i: (0, 0)),
        ],
        out_specs=pl.BlockSpec((_NG, _NCLS), lambda i: (0, 0)),
        out_shape=jax.ShapeDtypeStruct((_NG, _NCLS), jnp.float32),
        scratch_shapes=[
            pltpu.VMEM((_NG, 65), jnp.float32),
            pltpu.VMEM((_NG, 64), jnp.float32),
        ],
    )(gat2, xp2, a, b, batcol, wc, cb)



def kernel(x, edge_index, edge_attr, batch, conv1_Wl, conv1_Wr, conv1_We,
           conv1_att, conv1_b, bn1_g, bn1_b, skip1_W, skip1_b, conv2_Wl,
           conv2_Wr, conv2_We, conv2_att, conv2_b, bn2_g, bn2_b, skip2_W,
           skip2_b, cls_W, cls_b):
    src = edge_index[0]
    dst = edge_index[1]

    wc1 = jnp.concatenate([conv1_Wl.T, conv1_Wr.T, skip1_W.T], axis=1)
    bc1 = jnp.concatenate([jnp.zeros((256,), jnp.float32), skip1_b])[None, :]
    xlg0, xlg1, xrp0, xrp1, xp1 = _proj1(x, wc1, bc1)

    wec = jnp.concatenate([conv1_We.T, conv2_We.T], axis=1)
    ea0, ea1, ea2 = _ea(edge_attr, wec)

    gat_sc = _make_gat_sc()
    t10 = gat_sc(src, dst, xlg0, xrp0, ea0, conv1_att[0])
    t11 = gat_sc(src, dst, xlg1, xrp1, ea1, conv1_att[1])
    gat1, s1, ss1 = _post_2h([t10, t11], conv1_b[None, :])
    mean1 = s1 / _N
    var1 = ss1 / _N - mean1 * mean1
    rstd1 = 1.0 / jnp.sqrt(var1 + 1e-5)
    a1 = rstd1 * bn1_g[None, :]
    b1 = bn1_b[None, :] - mean1 * a1

    wc2 = jnp.concatenate([conv2_Wl.T, conv2_Wr.T, skip2_W.T], axis=1)
    bc2 = jnp.concatenate([jnp.zeros((128,), jnp.float32), skip2_b])[None, :]
    xlg2, xrp2, xp2 = _proj2(gat1, xp1, a1, b1, wc2, bc2)

    t2 = gat_sc(src, dst, xlg2, xrp2, ea2, conv2_att[0])
    gat2, s2, ss2 = _post_1h([t2], conv2_b[None, :])
    mean2 = s2 / _N
    var2 = ss2 / _N - mean2 * mean2
    rstd2 = 1.0 / jnp.sqrt(var2 + 1e-5)
    a2 = rstd2 * bn2_g[None, :]
    b2 = bn2_b[None, :] - mean2 * a2

    return _pool(gat2, xp2, a2, b2, batch.reshape(-1, 1), cls_W.T,
                 cls_b[None, :])

# --- scband reference (transcript-rebuilt; emitter-appended) ---
"""Pipeline reference for scband-gat-61692910240233 (READ-ONLY COPY).

The authoritative reference and input builder live on the scoring server;
editing this copy changes nothing except your own understanding.
"""

import jax, jax.numpy as jnp
import numpy as np

N = 10000
E = 320000
D_IN = 128
D_EDGE = 16
HID = 64
HEADS = 2
N_GRAPHS = 64
N_CLASSES = 10


def setup_inputs(seed: int = 0):
    key = jax.random.key(seed)
    ks = jax.random.split(key, 24)
    inp = {}
    inp["x"] = jax.random.normal(ks[0], (N, D_IN), dtype=jnp.float32)
    inp["edge_index"] = jax.random.randint(ks[1], (2, E), 0, N, dtype=jnp.int32)
    inp["edge_attr"] = jax.random.normal(ks[2], (E, D_EDGE), dtype=jnp.float32)
    inp["batch"] = jnp.sort(jax.random.randint(ks[3], (N,), 0, N_GRAPHS, dtype=jnp.int32))
    s1 = 1.0 / np.sqrt(D_IN)
    s2 = 1.0 / np.sqrt(HEADS * HID)
    se = 1.0 / np.sqrt(D_EDGE)
    sa = 1.0 / np.sqrt(HID)
    inp["conv1_Wl"] = jax.random.normal(ks[4], (HEADS * HID, D_IN), dtype=jnp.float32) * s1
    inp["conv1_Wr"] = jax.random.normal(ks[5], (HEADS * HID, D_IN), dtype=jnp.float32) * s1
    inp["conv1_We"] = jax.random.normal(ks[6], (HEADS * HID, D_EDGE), dtype=jnp.float32) * se
    inp["conv1_att"] = jax.random.normal(ks[7], (HEADS, HID), dtype=jnp.float32) * sa
    inp["conv1_b"] = jnp.zeros((HEADS * HID,), jnp.float32)
    inp["bn1_g"] = jnp.ones((HEADS * HID,), jnp.float32)
    inp["bn1_b"] = jnp.zeros((HEADS * HID,), jnp.float32)
    inp["skip1_W"] = jax.random.normal(ks[8], (HEADS * HID, D_IN), dtype=jnp.float32) * s1
    inp["skip1_b"] = jnp.zeros((HEADS * HID,), jnp.float32)
    inp["conv2_Wl"] = jax.random.normal(ks[9], (HID, HEADS * HID), dtype=jnp.float32) * s2
    inp["conv2_Wr"] = jax.random.normal(ks[10], (HID, HEADS * HID), dtype=jnp.float32) * s2
    inp["conv2_We"] = jax.random.normal(ks[11], (HID, D_EDGE), dtype=jnp.float32) * se
    inp["conv2_att"] = jax.random.normal(ks[12], (1, HID), dtype=jnp.float32) * sa
    inp["conv2_b"] = jnp.zeros((HID,), jnp.float32)
    inp["bn2_g"] = jnp.ones((HID,), jnp.float32)
    inp["bn2_b"] = jnp.zeros((HID,), jnp.float32)
    inp["skip2_W"] = jax.random.normal(ks[13], (HID, HEADS * HID), dtype=jnp.float32) * s2
    inp["skip2_b"] = jnp.zeros((HID,), jnp.float32)
    inp["cls_W"] = jax.random.normal(ks[14], (N_CLASSES, 2 * HID), dtype=jnp.float32) * (1.0 / np.sqrt(2 * HID))
    inp["cls_b"] = jnp.zeros((N_CLASSES,), jnp.float32)
    return inp


def _gatv2(x, edge_index, edge_attr, Wl, Wr, We, att, bias, heads, out_ch):
    n = x.shape[0]
    src = edge_index[0]
    dst = edge_index[1]
    xl = (x @ Wl.T).reshape(n, heads, out_ch)
    xr = (x @ Wr.T).reshape(n, heads, out_ch)
    ea = (edge_attr @ We.T).reshape(-1, heads, out_ch)
    m = xl[src] + xr[dst] + ea
    m = jnp.where(m > 0, m, 0.2 * m)
    e = jnp.sum(m * att[None, :, :], axis=-1)
    emax = jax.ops.segment_max(e, dst, num_segments=n)
    emax = jnp.where(jnp.isfinite(emax), emax, 0.0)
    ex = jnp.exp(e - emax[dst])
    denom = jax.ops.segment_sum(ex, dst, num_segments=n)
    alpha = ex / (denom[dst] + 1e-16)
    out = jax.ops.segment_sum(xl[src] * alpha[:, :, None], dst, num_segments=n)
    return out.reshape(n, heads * out_ch) + bias


def _bn(x, g, b):
    mean = jnp.mean(x, axis=0)
    var = jnp.var(x, axis=0)
    return (x - mean) / jnp.sqrt(var + 1e-5) * g + b


def reference(x, edge_index, edge_attr, batch, conv1_Wl, conv1_Wr, conv1_We, conv1_att, conv1_b, bn1_g, bn1_b, skip1_W, skip1_b, conv2_Wl, conv2_Wr, conv2_We, conv2_att, conv2_b, bn2_g, bn2_b, skip2_W, skip2_b, cls_W, cls_b):
    xp = x @ skip1_W.T + skip1_b
    h = _gatv2(x, edge_index, edge_attr, conv1_Wl, conv1_Wr, conv1_We, conv1_att, conv1_b, HEADS, HID)
    h = _bn(h, bn1_g, bn1_b)
    h = jax.nn.elu(h + xp)
    xp2 = h @ skip2_W.T + skip2_b
    h2 = _gatv2(h, edge_index, edge_attr, conv2_Wl, conv2_Wr, conv2_We, conv2_att, conv2_b, 1, HID)
    h2 = _bn(h2, bn2_g, bn2_b)
    h2 = jax.nn.elu(h2 + xp2)
    ones = jnp.ones((h2.shape[0],), jnp.float32)
    counts = jax.ops.segment_sum(ones, batch, num_segments=N_GRAPHS)
    xmean = jax.ops.segment_sum(h2, batch, num_segments=N_GRAPHS) / jnp.maximum(counts, 1.0)[:, None]
    xmax = jax.ops.segment_max(h2, batch, num_segments=N_GRAPHS)
    xmax = jnp.where(jnp.isfinite(xmax), xmax, 0.0)
    pooled = jnp.concatenate([xmean, xmax], axis=1)
    return pooled @ cls_W.T + cls_b

if __name__ == "__main__":
    import jax
    _d = setup_inputs()
    print(jax.jit(kernel)(*tuple(_d.values())))

</pallas_src>

<mosaic_0001>
#map = affine_map<(d0, d1) -> (0)>
#map1 = affine_map<(d0, d1) -> (0, 0)>
#map2 = affine_map<(d0, d1) -> (0, 0, 0)>
module attributes {stable_mosaic.version = 14 : i64} {
  func.func @body(%arg0: i32, %arg1: i32, %arg2: memref<320000xi32, #tpu.memory_space<hbm>>, %arg3: memref<320000xi32, #tpu.memory_space<hbm>>, %arg4: memref<10000x64xf32, #tpu.memory_space<hbm>>, %arg5: memref<10000x64xf32, #tpu.memory_space<hbm>>, %arg6: memref<320000x64xf32, #tpu.memory_space<hbm>>, %arg7: memref<64xf32, #tpu.memory_space<hbm>>, %arg8: memref<2x10000x80xf32, #tpu.memory_space<hbm>>, %arg9: memref<80xi32, #tpu.memory_space<vmem>>, %arg10: memref<80xi32, #tpu.memory_space<vmem>>, %arg11: memref<80x64xf32, #tpu.memory_space<vmem>>, %arg12: memref<80x64xf32, #tpu.memory_space<vmem>>, %arg13: memref<80x64xf32, #tpu.memory_space<vmem>>, %arg14: memref<80xi32, #tpu.memory_space<vmem>>, %arg15: memref<80xi32, #tpu.memory_space<vmem>>, %arg16: memref<80x64xf32, #tpu.memory_space<vmem>>, %arg17: memref<80x64xf32, #tpu.memory_space<vmem>>, %arg18: memref<80x64xf32, #tpu.memory_space<vmem>>, %arg19: memref<80x80xf32, #tpu.memory_space<vmem>>, %arg20: memref<125x80xf32, #tpu.memory_space<vmem>>, %arg21: memref<64xf32, #tpu.memory_space<vmem>>, %arg22: memref<16xf32, #tpu.memory_space<vmem>>, %arg23: memref<10000x80xf32, #tpu.memory_space<vmem_shared>>, %arg24: memref<!tpu.dma_semaphore, #tpu.memory_space<semaphore_mem>>, %arg25: memref<!tpu.dma_semaphore, #tpu.memory_space<semaphore_mem>>, %arg26: memref<!tpu.dma_semaphore, #tpu.memory_space<semaphore_mem>>, %arg27: memref<!tpu.dma_semaphore, #tpu.memory_space<semaphore_mem>>, %arg28: memref<!tpu.dma_semaphore, #tpu.memory_space<semaphore_mem>>, %arg29: memref<!tpu.dma_semaphore, #tpu.memory_space<semaphore_mem>>) attributes {dimension_semantics = [#tpu.dimension_semantics<core_parallel>, #tpu.dimension_semantics<subcore_parallel>], iteration_bounds = array<i64: 2, 16>, scalar_prefetch = 0 : i64, scratch_operands = 21 : i64, tpu.core_type = #tpu.core_type<sc_vector_subcore>, window_params = [{transform_indices = #map}, {transform_indices = #map}, {transform_indices = #map1}, {transform_indices = #map1}, {transform_indices = #map1}, {transform_indices = #map}, {transform_indices = #map2}]} {
    %mul3A = arith.constant 16 : i32
    %mul3A_0 = arith.muli %arg0, %mul3A : i32
    %add3A = arith.addi %mul3A_0, %arg1 : i32
    %scan3A = arith.constant 0 : i32
    %scan3A_1 = arith.constant 0 : i32
    %scan3A_2 = arith.constant 125 : i32
    %scan3A_3 = arith.addi %scan3A_1, %scan3A_2 : i32
    %scan3A_4 = arith.constant 1 : i32
    %scan3A_5 = scf.for %scan3A_79 = %scan3A_1 to %scan3A_3 step %scan3A_4 iter_args(%scan3A_80 = %scan3A) -> (i32)  : i32 {
      %broadcast_in_dim3A_81 = arith.constant 0.000000e+00 : f32
      %broadcast_in_dim3A_82 = vector.broadcast %broadcast_in_dim3A_81 : f32 to vector<16xf32>
      %swap3A = arith.index_cast %scan3A_79 : i32 to index
      %swap3A_83 = arith.constant 0 : index
      %swap3A_84 = tpu.vector_load %arg20[%swap3A, %swap3A_83] {strides = array<i32>} : memref<125x80xf32, #tpu.memory_space<vmem>>, vector<16xf32>,
      tpu.vector_store %arg20[%swap3A, %swap3A_83], %broadcast_in_dim3A_82 {strides = array<i32>} : memref<125x80xf32, #tpu.memory_space<vmem>>, vector<16xf32>,
      %broadcast_in_dim3A_85 = arith.constant 0.000000e+00 : f32
      %broadcast_in_dim3A_86 = vector.broadcast %broadcast_in_dim3A_85 : f32 to vector<16xf32>
      %swap3A_87 = arith.index_cast %scan3A_79 : i32 to index
      %swap3A_88 = arith.constant 16 : index
      %swap3A_89 = tpu.vector_load %arg20[%swap3A_87, %swap3A_88] {strides = array<i32>} : memref<125x80xf32, #tpu.memory_space<vmem>>, vector<16xf32>,
      tpu.vector_store %arg20[%swap3A_87, %swap3A_88], %broadcast_in_dim3A_86 {strides = array<i32>} : memref<125x80xf32, #tpu.memory_space<vmem>>, vector<16xf32>,
      %broadcast_in_dim3A_90 = arith.constant 0.000000e+00 : f32
      %broadcast_in_dim3A_91 = vector.broadcast %broadcast_in_dim3A_90 : f32 to vector<16xf32>
      %swap3A_92 = arith.index_cast %scan3A_79 : i32 to index
      %swap3A_93 = arith.constant 32 : index
      %swap3A_94 = tpu.vector_load %arg20[%swap3A_92, %swap3A_93] {strides = array<i32>} : memref<125x80xf32, #tpu.memory_space<vmem>>, vector<16xf32>,
      tpu.vector_store %arg20[%swap3A_92, %swap3A_93], %broadcast_in_dim3A_91 {strides = array<i32>} : memref<125x80xf32, #tpu.memory_space<vmem>>, vector<16xf32>,
      %broadcast_in_dim3A_95 = arith.constant 0.000000e+00 : f32
      %broadcast_in_dim3A_96 = vector.broadcast %broadcast_in_dim3A_95 : f32 to vector<16xf32>
      %swap3A_97 = arith.index_cast %scan3A_79 : i32 to index
      %swap3A_98 = arith.constant 48 : index
      %swap3A_99 = tpu.vector_load %arg20[%swap3A_97, %swap3A_98] {strides = array<i32>} : memref<125x80xf32, #tpu.memory_space<vmem>>, vector<16xf32>,
      tpu.vector_store %arg20[%swap3A_97, %swap3A_98], %broadcast_in_dim3A_96 {strides = array<i32>} : memref<125x80xf32, #tpu.memory_space<vmem>>, vector<16xf32>,
      %broadcast_in_dim3A_100 = arith.constant 0.000000e+00 : f32
      %broadcast_in_dim3A_101 = vector.broadcast %broadcast_in_dim3A_100 : f32 to vector<16xf32>
      %swap3A_102 = arith.index_cast %scan3A_79 : i32 to index
      %swap3A_103 = arith.constant 64 : index
      %swap3A_104 = tpu.vector_load %arg20[%swap3A_102, %swap3A_103] {strides = array<i32>} : memref<125x80xf32, #tpu.memory_space<vmem>>, vector<16xf32>,
      tpu.vector_store %arg20[%swap3A_102, %swap3A_103], %broadcast_in_dim3A_101 {strides = array<i32>} : memref<125x80xf32, #tpu.memory_space<vmem>>, vector<16xf32>,
      %scan3A_105 = arith.constant 0 : i32
      scf.yield %scan3A_105 : i32
    }
    %scan3A_6 = arith.constant 125 : i32
    %mul3A_7 = arith.constant 625 : i32
    %mul3A_8 = arith.muli %arg1, %mul3A_7 : i32
    %add3A_9 = arith.constant 0 : i32
    %add3A_10 = arith.addi %mul3A_8, %add3A_9 : i32
    "tpu.region"() ({
      %run_scoped3A = tpu.sem_alloc : memref<!tpu.dma_semaphore, #tpu.memory_space<semaphore_mem>>
      %dma_start3A_79 = arith.constant 0 : i32
      %dma_start3A_80 = tpu.memref_slice %arg23[%add3A_10, %dma_start3A_79] : memref<10000x80xf32, #tpu.memory_space<vmem_shared>> -> memref<125x80xf32, #tpu.memory_space<vmem_shared>>
      %dma_start3A_81 = arith.constant 0 : i32
      %dma_start3A_82 = tpu.memref_slice %arg23[%add3A_10, %dma_start3A_81] : memref<10000x80xf32, #tpu.memory_space<vmem_shared>> -> memref<125x80xf32, #tpu.memory_space<vmem_shared>>
      tpu.enqueue_dma source(%arg20 : memref<125x80xf32, #tpu.memory_space<vmem>>) target(%dma_start3A_82 : memref<125x80xf32, #tpu.memory_space<vmem_shared>>) target_semaphore(%run_scoped3A : memref<!tpu.dma_semaphore, #tpu.memory_space<semaphore_mem>>)
      %dma_wait3A_83 = arith.constant 0 : i32
      %dma_wait3A_84 = tpu.memref_slice %arg23[%add3A_10, %dma_wait3A_83] : memref<10000x80xf32, #tpu.memory_space<vmem_shared>> -> memref<125x80xf32, #tpu.memory_space<vmem_shared>>
      %dma_wait3A_85 = arith.constant 0 : i32
      %dma_wait3A_86 = tpu.memref_slice %arg23[%add3A_10, %dma_wait3A_85] : memref<10000x80xf32, #tpu.memory_space<vmem_shared>> -> memref<125x80xf32, #tpu.memory_space<vmem_shared>>
      tpu.wait_dma2 semaphore(%run_scoped3A : memref<!tpu.dma_semaphore, #tpu.memory_space<semaphore_mem>>) src(%arg20 : memref<125x80xf32, #tpu.memory_space<vmem>>) dst(%dma_wait3A_86 : memref<125x80xf32, #tpu.memory_space<vmem_shared>>)
      tpu.yield
    }) : () -> ()
    %mul3A_11 = arith.constant 625 : i32
    %mul3A_12 = arith.muli %arg1, %mul3A_11 : i32
    %add3A_13 = arith.constant 125 : i32
    %add3A_14 = arith.addi %mul3A_12, %add3A_13 : i32
    "tpu.region"() ({
      %run_scoped3A = tpu.sem_alloc : memref<!tpu.dma_semaphore, #tpu.memory_space<semaphore_mem>>
      %dma_start3A_79 = arith.constant 0 : i32
      %dma_start3A_80 = tpu.memref_slice %arg23[%add3A_14, %dma_start3A_79] : memref<10000x80xf32, #tpu.memory_space<vmem_shared>> -> memref<125x80xf32, #tpu.memory_space<vmem_shared>>
      %dma_start3A_81 = arith.constant 0 : i32
      %dma_start3A_82 = tpu.memref_slice %arg23[%add3A_14, %dma_start3A_81] : memref<10000x80xf32, #tpu.memory_space<vmem_shared>> -> memref<125x80xf32, #tpu.memory_space<vmem_shared>>
      tpu.enqueue_dma source(%arg20 : memref<125x80xf32, #tpu.memory_space<vmem>>) target(%dma_start3A_82 : memref<125x80xf32, #tpu.memory_space<vmem_shared>>) target_semaphore(%run_scoped3A : memref<!tpu.dma_semaphore, #tpu.memory_space<semaphore_mem>>)
      %dma_wait3A_83 = arith.constant 0 : i32
      %dma_wait3A_84 = tpu.memref_slice %arg23[%add3A_14, %dma_wait3A_83] : memref<10000x80xf32, #tpu.memory_space<vmem_shared>> -> memref<125x80xf32, #tpu.memory_space<vmem_shared>>
      %dma_wait3A_85 = arith.constant 0 : i32
      %dma_wait3A_86 = tpu.memref_slice %arg23[%add3A_14, %dma_wait3A_85] : memref<10000x80xf32, #tpu.memory_space<vmem_shared>> -> memref<125x80xf32, #tpu.memory_space<vmem_shared>>
      tpu.wait_dma2 semaphore(%run_scoped3A : memref<!tpu.dma_semaphore, #tpu.memory_space<semaphore_mem>>) src(%arg20 : memref<125x80xf32, #tpu.memory_space<vmem>>) dst(%dma_wait3A_86 : memref<125x80xf32, #tpu.memory_space<vmem_shared>>)
      tpu.yield
    }) : () -> ()
    %mul3A_15 = arith.constant 625 : i32
    %mul3A_16 = arith.muli %arg1, %mul3A_15 : i32
    %add3A_17 = arith.constant 250 : i32
    %add3A_18 = arith.addi %mul3A_16, %add3A_17 : i32
    "tpu.region"() ({
      %run_scoped3A = tpu.sem_alloc : memref<!tpu.dma_semaphore, #tpu.memory_space<semaphore_mem>>
      %dma_start3A_79 = arith.constant 0 : i32
      %dma_start3A_80 = tpu.memref_slice %arg23[%add3A_18, %dma_start3A_79] : memref<10000x80xf32, #tpu.memory_space<vmem_shared>> -> memref<125x80xf32, #tpu.memory_space<vmem_shared>>
      %dma_start3A_81 = arith.constant 0 : i32
      %dma_start3A_82 = tpu.memref_slice %arg23[%add3A_18, %dma_start3A_81] : memref<10000x80xf32, #tpu.memory_space<vmem_shared>> -> memref<125x80xf32, #tpu.memory_space<vmem_shared>>
      tpu.enqueue_dma source(%arg20 : memref<125x80xf32, #tpu.memory_space<vmem>>) target(%dma_start3A_82 : memref<125x80xf32, #tpu.memory_space<vmem_shared>>) target_semaphore(%run_scoped3A : memref<!tpu.dma_semaphore, #tpu.memory_space<semaphore_mem>>)
      %dma_wait3A_83 = arith.constant 0 : i32
      %dma_wait3A_84 = tpu.memref_slice %arg23[%add3A_18, %dma_wait3A_83] : memref<10000x80xf32, #tpu.memory_space<vmem_shared>> -> memref<125x80xf32, #tpu.memory_space<vmem_shared>>
      %dma_wait3A_85 = arith.constant 0 : i32
      %dma_wait3A_86 = tpu.memref_slice %arg23[%add3A_18, %dma_wait3A_85] : memref<10000x80xf32, #tpu.memory_space<vmem_shared>> -> memref<125x80xf32, #tpu.memory_space<vmem_shared>>
      tpu.wait_dma2 semaphore(%run_scoped3A : memref<!tpu.dma_semaphore, #tpu.memory_space<semaphore_mem>>) src(%arg20 : memref<125x80xf32, #tpu.memory_space<vmem>>) dst(%dma_wait3A_86 : memref<125x80xf32, #tpu.memory_space<vmem_shared>>)
      tpu.yield
    }) : () -> ()
    %mul3A_19 = arith.constant 625 : i32
    %mul3A_20 = arith.muli %arg1, %mul3A_19 : i32
    %add3A_21 = arith.constant 375 : i32
    %add3A_22 = arith.addi %mul3A_20, %add3A_21 : i32
    "tpu.region"() ({
      %run_scoped3A = tpu.sem_alloc : memref<!tpu.dma_semaphore, #tpu.memory_space<semaphore_mem>>
      %dma_start3A_79 = arith.constant 0 : i32
      %dma_start3A_80 = tpu.memref_slice %arg23[%add3A_22, %dma_start3A_79] : memref<10000x80xf32, #tpu.memory_space<vmem_shared>> -> memref<125x80xf32, #tpu.memory_space<vmem_shared>>
      %dma_start3A_81 = arith.constant 0 : i32
      %dma_start3A_82 = tpu.memref_slice %arg23[%add3A_22, %dma_start3A_81] : memref<10000x80xf32, #tpu.memory_space<vmem_shared>> -> memref<125x80xf32, #tpu.memory_space<vmem_shared>>
      tpu.enqueue_dma source(%arg20 : memref<125x80xf32, #tpu.memory_space<vmem>>) target(%dma_start3A_82 : memref<125x80xf32, #tpu.memory_space<vmem_shared>>) target_semaphore(%run_scoped3A : memref<!tpu.dma_semaphore, #tpu.memory_space<semaphore_mem>>)
      %dma_wait3A_83 = arith.constant 0 : i32
      %dma_wait3A_84 = tpu.memref_slice %arg23[%add3A_22, %dma_wait3A_83] : memref<10000x80xf32, #tpu.memory_space<vmem_shared>> -> memref<125x80xf32, #tpu.memory_space<vmem_shared>>
      %dma_wait3A_85 = arith.constant 0 : i32
      %dma_wait3A_86 = tpu.memref_slice %arg23[%add3A_22, %dma_wait3A_85] : memref<10000x80xf32, #tpu.memory_space<vmem_shared>> -> memref<125x80xf32, #tpu.memory_space<vmem_shared>>
      tpu.wait_dma2 semaphore(%run_scoped3A : memref<!tpu.dma_semaphore, #tpu.memory_space<semaphore_mem>>) src(%arg20 : memref<125x80xf32, #tpu.memory_space<vmem>>) dst(%dma_wait3A_86 : memref<125x80xf32, #tpu.memory_space<vmem_shared>>)
      tpu.yield
    }) : () -> ()
    %mul3A_23 = arith.constant 625 : i32
    %mul3A_24 = arith.muli %arg1, %mul3A_23 : i32
    %add3A_25 = arith.constant 500 : i32
    %add3A_26 = arith.addi %mul3A_24, %add3A_25 : i32
    "tpu.region"() ({
      %run_scoped3A = tpu.sem_alloc : memref<!tpu.dma_semaphore, #tpu.memory_space<semaphore_mem>>
      %dma_start3A_79 = arith.constant 0 : i32
      %dma_start3A_80 = tpu.memref_slice %arg23[%add3A_26, %dma_start3A_79] : memref<10000x80xf32, #tpu.memory_space<vmem_shared>> -> memref<125x80xf32, #tpu.memory_space<vmem_shared>>
      %dma_start3A_81 = arith.constant 0 : i32
      %dma_start3A_82 = tpu.memref_slice %arg23[%add3A_26, %dma_start3A_81] : memref<10000x80xf32, #tpu.memory_space<vmem_shared>> -> memref<125x80xf32, #tpu.memory_space<vmem_shared>>
      tpu.enqueue_dma source(%arg20 : memref<125x80xf32, #tpu.memory_space<vmem>>) target(%dma_start3A_82 : memref<125x80xf32, #tpu.memory_space<vmem_shared>>) target_semaphore(%run_scoped3A : memref<!tpu.dma_semaphore, #tpu.memory_space<semaphore_mem>>)
      %dma_wait3A_83 = arith.constant 0 : i32
      %dma_wait3A_84 = tpu.memref_slice %arg23[%add3A_26, %dma_wait3A_83] : memref<10000x80xf32, #tpu.memory_space<vmem_shared>> -> memref<125x80xf32, #tpu.memory_space<vmem_shared>>
      %dma_wait3A_85 = arith.constant 0 : i32
      %dma_wait3A_86 = tpu.memref_slice %arg23[%add3A_26, %dma_wait3A_85] : memref<10000x80xf32, #tpu.memory_space<vmem_shared>> -> memref<125x80xf32, #tpu.memory_space<vmem_shared>>
      tpu.wait_dma2 semaphore(%run_scoped3A : memref<!tpu.dma_semaphore, #tpu.memory_space<semaphore_mem>>) src(%arg20 : memref<125x80xf32, #tpu.memory_space<vmem>>) dst(%dma_wait3A_86 : memref<125x80xf32, #tpu.memory_space<vmem_shared>>)
      tpu.yield
    }) : () -> ()
    %barrier3A = arith.constant 0 : index
    tpu.barrier barrier_id(%barrier3A)
    "tpu.region"() ({
      %run_scoped3A = tpu.sem_alloc : memref<!tpu.dma_semaphore, #tpu.memory_space<semaphore_mem>>
      tpu.enqueue_dma source(%arg7 : memref<64xf32, #tpu.memory_space<hbm>>) target(%arg21 : memref<64xf32, #tpu.memory_space<vmem>>) target_semaphore(%run_scoped3A : memref<!tpu.dma_semaphore, #tpu.memory_space<semaphore_mem>>)
      tpu.wait_dma2 semaphore(%run_scoped3A : memref<!tpu.dma_semaphore, #tpu.memory_space<semaphore_mem>>) src(%arg7 : memref<64xf32, #tpu.memory_space<hbm>>) dst(%arg21 : memref<64xf32, #tpu.memory_space<vmem>>)
      tpu.yield
    }) : () -> ()
    %mul3A_27 = arith.constant 10000 : i32
    %mul3A_28 = arith.muli %add3A, %mul3A_27 : i32
    %add3A_29 = arith.constant 0 : i32
    %add3A_30 = arith.addi %mul3A_28, %add3A_29 : i32
    "tpu.region"() ({
      %run_scoped3A = tpu.sem_alloc : memref<!tpu.dma_semaphore, #tpu.memory_space<semaphore_mem>>
      %dma_start3A_79 = tpu.memref_slice %arg2[%add3A_30] : memref<320000xi32, #tpu.memory_space<hbm>> -> memref<80xi32, #tpu.memory_space<hbm>>
      %dma_start3A_80 = tpu.memref_slice %arg2[%add3A_30] : memref<320000xi32, #tpu.memory_space<hbm>> -> memref<80xi32, #tpu.memory_space<hbm>>
      tpu.enqueue_dma source(%dma_start3A_80 : memref<80xi32, #tpu.memory_space<hbm>>) target(%arg9 : memref<80xi32, #tpu.memory_space<vmem>>) target_semaphore(%run_scoped3A : memref<!tpu.dma_semaphore, #tpu.memory_space<semaphore_mem>>)
      %dma_wait3A_81 = tpu.memref_slice %arg2[%add3A_30] : memref<320000xi32, #tpu.memory_space<hbm>> -> memref<80xi32, #tpu.memory_space<hbm>>
      %dma_wait3A_82 = tpu.memref_slice %arg2[%add3A_30] : memref<320000xi32, #tpu.memory_space<hbm>> -> memref<80xi32, #tpu.memory_space<hbm>>
      tpu.wait_dma2 semaphore(%run_scoped3A : memref<!tpu.dma_semaphore, #tpu.memory_space<semaphore_mem>>) src(%dma_wait3A_82 : memref<80xi32, #tpu.memory_space<hbm>>) dst(%arg9 : memref<80xi32, #tpu.memory_space<vmem>>)
      tpu.yield
    }) : () -> ()
    "tpu.region"() ({
      %run_scoped3A = tpu.sem_alloc : memref<!tpu.dma_semaphore, #tpu.memory_space<semaphore_mem>>
      %dma_start3A_79 = tpu.memref_slice %arg3[%add3A_30] : memref<320000xi32, #tpu.memory_space<hbm>> -> memref<80xi32, #tpu.memory_space<hbm>>
      %dma_start3A_80 = tpu.memref_slice %arg3[%add3A_30] : memref<320000xi32, #tpu.memory_space<hbm>> -> memref<80xi32, #tpu.memory_space<hbm>>
      tpu.enqueue_dma source(%dma_start3A_80 : memref<80xi32, #tpu.memory_space<hbm>>) target(%arg10 : memref<80xi32, #tpu.memory_space<vmem>>) target_semaphore(%run_scoped3A : memref<!tpu.dma_semaphore, #tpu.memory_space<semaphore_mem>>)
      %dma_wait3A_81 = tpu.memref_slice %arg3[%add3A_30] : memref<320000xi32, #tpu.memory_space<hbm>> -> memref<80xi32, #tpu.memory_space<hbm>>
      %dma_wait3A_82 = tpu.memref_slice %arg3[%add3A_30] : memref<320000xi32, #tpu.memory_space<hbm>> -> memref<80xi32, #tpu.memory_space<hbm>>
      tpu.wait_dma2 semaphore(%run_scoped3A : memref<!tpu.dma_semaphore, #tpu.memory_space<semaphore_mem>>) src(%dma_wait3A_82 : memref<80xi32, #tpu.memory_space<hbm>>) dst(%arg10 : memref<80xi32, #tpu.memory_space<vmem>>)
      tpu.yield
    }) : () -> ()
    %dma_start3A = arith.constant 0 : i32
    %dma_start3A_31 = arith.constant 0 : i32
    %dma_start3A_32 = tpu.memref_slice %arg4[%dma_start3A, %dma_start3A_31] : memref<10000x64xf32, #tpu.memory_space<hbm>> -> memref<10000x64xf32, #tpu.memory_space<hbm>>
    tpu.enqueue_indirect_dma source(%dma_start3A_32 : memref<10000x64xf32, #tpu.memory_space<hbm>>) target(%arg11 : memref<80x64xf32, #tpu.memory_space<vmem>>) offsets(%arg9 : memref<80xi32, #tpu.memory_space<vmem>>) semaphore(%arg24 : memref<!tpu.dma_semaphore, #tpu.memory_space<semaphore_mem>>)
    %dma_start3A_33 = arith.constant 0 : i32
    %dma_start3A_34 = arith.constant 0 : i32
    %dma_start3A_35 = tpu.memref_slice %arg5[%dma_start3A_33, %dma_start3A_34] : memref<10000x64xf32, #tpu.memory_space<hbm>> -> memref<10000x64xf32, #tpu.memory_space<hbm>>
    tpu.enqueue_indirect_dma source(%dma_start3A_35 : memref<10000x64xf32, #tpu.memory_space<hbm>>) target(%arg12 : memref<80x64xf32, #tpu.memory_space<vmem>>) offsets(%arg10 : memref<80xi32, #tpu.memory_space<vmem>>) semaphore(%arg25 : memref<!tpu.dma_semaphore, #tpu.memory_space<semaphore_mem>>)
    %dma_start3A_36 = arith.constant 0 : i32
    %dma_start3A_37 = tpu.memref_slice %arg6[%add3A_30, %dma_start3A_36] : memref<320000x64xf32, #tpu.memory_space<hbm>> -> memref<80x64xf32, #tpu.memory_space<hbm>>
    %dma_start3A_38 = arith.constant 0 : i32
    %dma_start3A_39 = tpu.memref_slice %arg6[%add3A_30, %dma_start3A_38] : memref<320000x64xf32, #tpu.memory_space<hbm>> -> memref<80x64xf32, #tpu.memory_space<hbm>>
    tpu.enqueue_dma source(%dma_start3A_39 : memref<80x64xf32, #tpu.memory_space<hbm>>) target(%arg13 : memref<80x64xf32, #tpu.memory_space<vmem>>) target_semaphore(%arg26 : memref<!tpu.dma_semaphore, #tpu.memory_space<semaphore_mem>>)
    %scan3A_40 = arith.constant 0 : i32
    %scan3A_41 = arith.constant 0 : i32
    %scan3A_42 = arith.constant 62 : i32
    %scan3A_43 = arith.addi %scan3A_41, %scan3A_42 : i32
    %scan3A_44 = arith.constant 1 : i32
    %scan3A_45 = scf.for %scan3A_79 = %scan3A_41 to %scan3A_43 step %scan3A_44 iter_args(%scan3A_80 = %scan3A_40) -> (i32)  : i32 {
      %mul3A_81 = arith.constant 2 : i32
      %mul3A_82 = arith.muli %mul3A_81, %scan3A_79 : i32
      %dma_wait3A_83 = arith.constant 0 : i32
      %dma_wait3A_84 = arith.constant 0 : i32
      %dma_wait3A_85 = tpu.memref_slice %arg4[%dma_wait3A_83, %dma_wait3A_84] : memref<10000x64xf32, #tpu.memory_space<hbm>> -> memref<10000x64xf32, #tpu.memory_space<hbm>>
      tpu.wait_indirect_dma semaphore(%arg24 : memref<!tpu.dma_semaphore, #tpu.memory_space<semaphore_mem>>) src(%dma_wait3A_85 : memref<10000x64xf32, #tpu.memory_space<hbm>>) dst(%arg11 : memref<80x64xf32, #tpu.memory_space<vmem>>)
      %dma_wait3A_86 = arith.constant 0 : i32
      %dma_wait3A_87 = arith.constant 0 : i32
      %dma_wait3A_88 = tpu.memref_slice %arg5[%dma_wait3A_86, %dma_wait3A_87] : memref<10000x64xf32, #tpu.memory_space<hbm>> -> memref<10000x64xf32, #tpu.memory_space<hbm>>
      tpu.wait_indirect_dma semaphore(%arg25 : memref<!tpu.dma_semaphore, #tpu.memory_space<semaphore_mem>>) src(%dma_wait3A_88 : memref<10000x64xf32, #tpu.memory_space<hbm>>) dst(%arg12 : memref<80x64xf32, #tpu.memory_space<vmem>>)
      %dma_wait3A_89 = arith.constant 0 : i32
      %dma_wait3A_90 = arith.constant 0 : i32
      %dma_wait3A_91 = tpu.memref_slice %arg6[%dma_wait3A_89, %dma_wait3A_90] : memref<320000x64xf32, #tpu.memory_space<hbm>> -> memref<80x64xf32, #tpu.memory_space<hbm>>
      %dma_wait3A_92 = arith.constant 0 : i32
      %dma_wait3A_93 = arith.constant 0 : i32
      %dma_wait3A_94 = tpu.memref_slice %arg6[%dma_wait3A_92, %dma_wait3A_93] : memref<320000x64xf32, #tpu.memory_space<hbm>> -> memref<80x64xf32, #tpu.memory_space<hbm>>
      tpu.wait_dma2 semaphore(%arg26 : memref<!tpu.dma_semaphore, #tpu.memory_space<semaphore_mem>>) src(%dma_wait3A_94 : memref<80x64xf32, #tpu.memory_space<hbm>>) dst(%arg13 : memref<80x64xf32, #tpu.memory_space<vmem>>)
      %add3A_95 = arith.constant 1 : i32
      %add3A_96 = arith.addi %mul3A_82, %add3A_95 : i32
      %mul3A_97 = arith.constant 80 : i32
      %mul3A_98 = arith.muli %add3A_96, %mul3A_97 : i32
      %add3A_99 = arith.addi %mul3A_28, %mul3A_98 : i32
      "tpu.region"() ({
        %run_scoped3A = tpu.sem_alloc : memref<!tpu.dma_semaphore, #tpu.memory_space<semaphore_mem>>
        %dma_start3A_170 = tpu.memref_slice %arg2[%add3A_99] : memref<320000xi32, #tpu.memory_space<hbm>> -> memref<80xi32, #tpu.memory_space<hbm>>
        %dma_start3A_171 = tpu.memref_slice %arg2[%add3A_99] : memref<320000xi32, #tpu.memory_space<hbm>> -> memref<80xi32, #tpu.memory_space<hbm>>
        tpu.enqueue_dma source(%dma_start3A_171 : memref<80xi32, #tpu.memory_space<hbm>>) target(%arg14 : memref<80xi32, #tpu.memory_space<vmem>>) target_semaphore(%run_scoped3A : memref<!tpu.dma_semaphore, #tpu.memory_space<semaphore_mem>>)
        %dma_wait3A_172 = tpu.memref_slice %arg2[%add3A_99] : memref<320000xi32, #tpu.memory_space<hbm>> -> memref<80xi32, #tpu.memory_space<hbm>>
        %dma_wait3A_173 = tpu.memref_slice %arg2[%add3A_99] : memref<320000xi32, #tpu.memory_space<hbm>> -> memref<80xi32, #tpu.memory_space<hbm>>
        tpu.wait_dma2 semaphore(%run_scoped3A : memref<!tpu.dma_semaphore, #tpu.memory_space<semaphore_mem>>) src(%dma_wait3A_173 : memref<80xi32, #tpu.memory_space<hbm>>) dst(%arg14 : memref<80xi32, #tpu.memory_space<vmem>>)
        tpu.yield
      }) : () -> ()
      "tpu.region"() ({
        %run_scoped3A = tpu.sem_alloc : memref<!tpu.dma_semaphore, #tpu.memory_space<semaphore_mem>>
        %dma_start3A_170 = tpu.memref_slice %arg3[%add3A_99] : memref<320000xi32, #tpu.memory_space<hbm>> -> memref<80xi32, #tpu.memory_space<hbm>>
        %dma_start3A_171 = tpu.memref_slice %arg3[%add3A_99] : memref<320000xi32, #tpu.memory_space<hbm>> -> memref<80xi32, #tpu.memory_space<hbm>>
        tpu.enqueue_dma source(%dma_start3A_171 : memref<80xi32, #tpu.memory_space<hbm>>) target(%arg15 : memref<80xi32, #tpu.memory_space<vmem>>) target_semaphore(%run_scoped3A : memref<!tpu.dma_semaphore, #tpu.memory_space<semaphore_mem>>)
        %dma_wait3A_172 = tpu.memref_slice %arg3[%add3A_99] : memref<320000xi32, #tpu.memory_space<hbm>> -> memref<80xi32, #tpu.memory_space<hbm>>
        %dma_wait3A_173 = tpu.memref_slice %arg3[%add3A_99] : memref<320000xi32, #tpu.memory_space<hbm>> -> memref<80xi32, #tpu.memory_space<hbm>>
        tpu.wait_dma2 semaphore(%run_scoped3A : memref<!tpu.dma_semaphore, #tpu.memory_space<semaphore_mem>>) src(%dma_wait3A_173 : memref<80xi32, #tpu.memory_space<hbm>>) dst(%arg15 : memref<80xi32, #tpu.memory_space<vmem>>)
        tpu.yield
      }) : () -> ()
      %dma_start3A_100 = arith.constant 0 : i32
      %dma_start3A_101 = arith.constant 0 : i32
      %dma_start3A_102 = tpu.memref_slice %arg4[%dma_start3A_100, %dma_start3A_101] : memref<10000x64xf32, #tpu.memory_space<hbm>> -> memref<10000x64xf32, #tpu.memory_space<hbm>>
      tpu.enqueue_indirect_dma source(%dma_start3A_102 : memref<10000x64xf32, #tpu.memory_space<hbm>>) target(%arg16 : memref<80x64xf32, #tpu.memory_space<vmem>>) offsets(%arg14 : memref<80xi32, #tpu.memory_space<vmem>>) semaphore(%arg27 : memref<!tpu.dma_semaphore, #tpu.memory_space<semaphore_mem>>)
      %dma_start3A_103 = arith.constant 0 : i32
      %dma_start3A_104 = arith.constant 0 : i32
      %dma_start3A_105 = tpu.memref_slice %arg5[%dma_start3A_103, %dma_start3A_104] : memref<10000x64xf32, #tpu.memory_space<hbm>> -> memref<10000x64xf32, #tpu.memory_space<hbm>>
      tpu.enqueue_indirect_dma source(%dma_start3A_105 : memref<10000x64xf32, #tpu.memory_space<hbm>>) target(%arg17 : memref<80x64xf32, #tpu.memory_space<vmem>>) offsets(%arg15 : memref<80xi32, #tpu.memory_space<vmem>>) semaphore(%arg28 : memref<!tpu.dma_semaphore, #tpu.memory_space<semaphore_mem>>)
      %dma_start3A_106 = arith.constant 0 : i32
      %dma_start3A_107 = tpu.memref_slice %arg6[%add3A_99, %dma_start3A_106] : memref<320000x64xf32, #tpu.memory_space<hbm>> -> memref<80x64xf32, #tpu.memory_space<hbm>>
      %dma_start3A_108 = arith.constant 0 : i32
      %dma_start3A_109 = tpu.memref_slice %arg6[%add3A_99, %dma_start3A_108] : memref<320000x64xf32, #tpu.memory_space<hbm>> -> memref<80x64xf32, #tpu.memory_space<hbm>>
      tpu.enqueue_dma source(%dma_start3A_109 : memref<80x64xf32, #tpu.memory_space<hbm>>) target(%arg18 : memref<80x64xf32, #tpu.memory_space<vmem>>) target_semaphore(%arg29 : memref<!tpu.dma_semaphore, #tpu.memory_space<semaphore_mem>>)
      %iota3A_110 = tpu.iota {dimensions = array<i32: 0>} : vector<16xi32>
      %eq3A_111 = arith.constant 0 : i32
      %eq3A_112 = vector.broadcast %eq3A_111 : i32 to vector<16xi32>
      %eq3A_113 = arith.cmpi eq, %iota3A_110, %eq3A_112 : vector<16xi32>
      %jit3A_114 = arith.constant 1.000000e+00 : f32
      %jit3A_115 = arith.constant 0.000000e+00 : f32
      %broadcast_in_dim3A_116 = vector.broadcast %jit3A_114 : f32 to vector<16xf32>
      %broadcast_in_dim3A_117 = vector.broadcast %jit3A_115 : f32 to vector<16xf32>
      %select_n3A_118 = arith.select %eq3A_113, %broadcast_in_dim3A_116, %broadcast_in_dim3A_117 : vector<16xi1>, vector<16xf32>
      %scan3A_119 = arith.constant 0 : i32
      %scan3A_120 = arith.constant 0 : i32
      %scan3A_121 = arith.constant 80 : i32
      %scan3A_122 = arith.addi %scan3A_120, %scan3A_121 : i32
      %scan3A_123 = arith.constant 1 : i32
      %scan3A_124 = scf.for %scan3A_170 = %scan3A_120 to %scan3A_122 step %scan3A_123 iter_args(%scan3A_171 = %scan3A_119) -> (i32)  : i32 {
        %broadcast_in_dim3A_172 = arith.constant 0.000000e+00 : f32
        %broadcast_in_dim3A_173 = vector.broadcast %broadcast_in_dim3A_172 : f32 to vector<16xf32>
        %get3A = arith.index_cast %scan3A_170 : i32 to index
        %get3A_174 = arith.constant 0 : index
        %get3A_175 = tpu.vector_load %arg11[%get3A, %get3A_174] {strides = array<i32>} : memref<80x64xf32, #tpu.memory_space<vmem>>, vector<16xf32>,
        %get3A_176 = arith.index_cast %scan3A_170 : i32 to index
        %get3A_177 = arith.constant 0 : index
        %get3A_178 = tpu.vector_load %arg12[%get3A_176, %get3A_177] {strides = array<i32>} : memref<80x64xf32, #tpu.memory_space<vmem>>, vector<16xf32>,
        %add3A_179 = arith.addf %get3A_175, %get3A_178 : vector<16xf32>
        %get3A_180 = arith.index_cast %scan3A_170 : i32 to index
        %get3A_181 = arith.constant 0 : index
        %get3A_182 = tpu.vector_load %arg13[%get3A_180, %get3A_181] {strides = array<i32>} : memref<80x64xf32, #tpu.memory_space<vmem>>, vector<16xf32>,
        %add3A_183 = arith.addf %add3A_179, %get3A_182 : vector<16xf32>
        %gt3A = arith.constant 0.000000e+00 : f32
        %gt3A_184 = vector.broadcast %gt3A : f32 to vector<16xf32>
        %gt3A_185 = arith.cmpf ogt, %add3A_183, %gt3A_184 : vector<16xf32>
        %mul3A_186 = arith.constant 2.000000e-01 : f32
        %mul3A_187 = vector.broadcast %mul3A_186 : f32 to vector<16xf32>
        %mul3A_188 = arith.mulf %mul3A_187, %add3A_183 : vector<16xf32>
        %select_n3A_189 = arith.select %gt3A_185, %add3A_183, %mul3A_188 : vector<16xi1>, vector<16xf32>
        %get3A_190 = arith.constant 0 : index
        %get3A_191 = tpu.vector_load %arg21[%get3A_190] {strides = array<i32>} : memref<64xf32, #tpu.memory_space<vmem>>, vector<16xf32>,
        %mul3A_192 = arith.mulf %select_n3A_189, %get3A_191 : vector<16xf32>
        %add3A_193 = arith.addf %broadcast_in_dim3A_173, %mul3A_192 : vector<16xf32>
        %get3A_194 = arith.index_cast %scan3A_170 : i32 to index
        %get3A_195 = arith.constant 16 : index
        %get3A_196 = tpu.vector_load %arg11[%get3A_194, %get3A_195] {strides = array<i32>} : memref<80x64xf32, #tpu.memory_space<vmem>>, vector<16xf32>,
        %get3A_197 = arith.index_cast %scan3A_170 : i32 to index
        %get3A_198 = arith.constant 16 : index
        %get3A_199 = tpu.vector_load %arg12[%get3A_197, %get3A_198] {strides = array<i32>} : memref<80x64xf32, #tpu.memory_space<vmem>>, vector<16xf32>,
        %add3A_200 = arith.addf %get3A_196, %get3A_199 : vector<16xf32>
        %get3A_201 = arith.index_cast %scan3A_170 : i32 to index
        %get3A_202 = arith.constant 16 : index
        %get3A_203 = tpu.vector_load %arg13[%get3A_201, %get3A_202] {strides = array<i32>} : memref<80x64xf32, #tpu.memory_space<vmem>>, vector<16xf32>,
        %add3A_204 = arith.addf %add3A_200, %get3A_203 : vector<16xf32>
        %gt3A_205 = arith.constant 0.000000e+00 : f32
        %gt3A_206 = vector.broadcast %gt3A_205 : f32 to vector<16xf32>
        %gt3A_207 = arith.cmpf ogt, %add3A_204, %gt3A_206 : vector<16xf32>
        %mul3A_208 = arith.constant 2.000000e-01 : f32
        %mul3A_209 = vector.broadcast %mul3A_208 : f32 to vector<16xf32>
        %mul3A_210 = arith.mulf %mul3A_209, %add3A_204 : vector<16xf32>
        %select_n3A_211 = arith.select %gt3A_207, %add3A_204, %mul3A_210 : vector<16xi1>, vector<16xf32>
        %get3A_212 = arith.constant 16 : index
        %get3A_213 = tpu.vector_load %arg21[%get3A_212] {strides = array<i32>} : memref<64xf32, #tpu.memory_space<vmem>>, vector<16xf32>,
        %mul3A_214 = arith.mulf %select_n3A_211, %get3A_213 : vector<16xf32>
        %add3A_215 = arith.addf %add3A_193, %mul3A_214 : vector<16xf32>
        %get3A_216 = arith.index_cast %scan3A_170 : i32 to index
        %get3A_217 = arith.constant 32 : index
        %get3A_218 = tpu.vector_load %arg11[%get3A_216, %get3A_217] {strides = array<i32>} : memref<80x64xf32, #tpu.memory_space<vmem>>, vector<16xf32>,
        %get3A_219 = arith.index_cast %scan3A_170 : i32 to index
        %get3A_220 = arith.constant 32 : index
        %get3A_221 = tpu.vector_load %arg12[%get3A_219, %get3A_220] {strides = array<i32>} : memref<80x64xf32, #tpu.memory_space<vmem>>, vector<16xf32>,
        %add3A_222 = arith.addf %get3A_218, %get3A_221 : vector<16xf32>
        %get3A_223 = arith.index_cast %scan3A_170 : i32 to index
        %get3A_224 = arith.constant 32 : index
        %get3A_225 = tpu.vector_load %arg13[%get3A_223, %get3A_224] {strides = array<i32>} : memref<80x64xf32, #tpu.memory_space<vmem>>, vector<16xf32>,
        %add3A_226 = arith.addf %add3A_222, %get3A_225 : vector<16xf32>
        %gt3A_227 = arith.constant 0.000000e+00 : f32
        %gt3A_228 = vector.broadcast %gt3A_227 : f32 to vector<16xf32>
        %gt3A_229 = arith.cmpf ogt, %add3A_226, %gt3A_228 : vector<16xf32>
        %mul3A_230 = arith.constant 2.000000e-01 : f32
        %mul3A_231 = vector.broadcast %mul3A_230 : f32 to vector<16xf32>
        %mul3A_232 = arith.mulf %mul3A_231, %add3A_226 : vector<16xf32>
        %select_n3A_233 = arith.select %gt3A_229, %add3A_226, %mul3A_232 : vector<16xi1>, vector<16xf32>
        %get3A_234 = arith.constant 32 : index
        %get3A_235 = tpu.vector_load %arg21[%get3A_234] {strides = array<i32>} : memref<64xf32, #tpu.memory_space<vmem>>, vector<16xf32>,
        %mul3A_236 = arith.mulf %select_n3A_233, %get3A_235 : vector<16xf32>
        %add3A_237 = arith.addf %add3A_215, %mul3A_236 : vector<16xf32>
        %get3A_238 = arith.index_cast %scan3A_170 : i32 to index
        %get3A_239 = arith.constant 48 : index
        %get3A_240 = tpu.vector_load %arg11[%get3A_238, %get3A_239] {strides = array<i32>} : memref<80x64xf32, #tpu.memory_space<vmem>>, vector<16xf32>,
        %get3A_241 = arith.index_cast %scan3A_170 : i32 to index
        %get3A_242 = arith.constant 48 : index
        %get3A_243 = tpu.vector_load %arg12[%get3A_241, %get3A_242] {strides = array<i32>} : memref<80x64xf32, #tpu.memory_space<vmem>>, vector<16xf32>,
        %add3A_244 = arith.addf %get3A_240, %get3A_243 : vector<16xf32>
        %get3A_245 = arith.index_cast %scan3A_170 : i32 to index
        %get3A_246 = arith.constant 48 : index
        %get3A_247 = tpu.vector_load %arg13[%get3A_245, %get3A_246] {strides = array<i32>} : memref<80x64xf32, #tpu.memory_space<vmem>>, vector<16xf32>,
        %add3A_248 = arith.addf %add3A_244, %get3A_247 : vector<16xf32>
        %gt3A_249 = arith.constant 0.000000e+00 : f32
        %gt3A_250 = vector.broadcast %gt3A_249 : f32 to vector<16xf32>
        %gt3A_251 = arith.cmpf ogt, %add3A_248, %gt3A_250 : vector<16xf32>
        %mul3A_252 = arith.constant 2.000000e-01 : f32
        %mul3A_253 = vector.broadcast %mul3A_252 : f32 to vector<16xf32>
        %mul3A_254 = arith.mulf %mul3A_253, %add3A_248 : vector<16xf32>
        %select_n3A_255 = arith.select %gt3A_251, %add3A_248, %mul3A_254 : vector<16xi1>, vector<16xf32>
        %get3A_256 = arith.constant 48 : index
        %get3A_257 = tpu.vector_load %arg21[%get3A_256] {strides = array<i32>} : memref<64xf32, #tpu.memory_space<vmem>>, vector<16xf32>,
        %mul3A_258 = arith.mulf %select_n3A_255, %get3A_257 : vector<16xf32>
        %add3A_259 = arith.addf %add3A_237, %mul3A_258 : vector<16xf32>
        %swap3A = arith.constant 0 : index
        %swap3A_260 = tpu.vector_load %arg22[%swap3A] {strides = array<i32>} : memref<16xf32, #tpu.memory_space<vmem>>, vector<16xf32>,
        tpu.vector_store %arg22[%swap3A], %add3A_259 {strides = array<i32>} : memref<16xf32, #tpu.memory_space<vmem>>, vector<16xf32>,
        %get3A_261 = arith.constant 0 : index
        %get3A_262 = tpu.vector_load %arg22[%get3A_261] {strides = array<i32>} : memref<16xf32, #tpu.memory_space<vmem>>, vector<16xf32>,
        %xor3A = arith.constant 1 : i32
        %xor3A_263 = vector.broadcast %xor3A : i32 to vector<16xi32>
        %xor3A_264 = arith.xori %iota3A_110, %xor3A_263 : vector<16xi32>
        %gather3A = tpu.vector_load_idx %arg22[%xor3A_264] : memref<16xf32, #tpu.memory_space<vmem>>[vector<16xi32>], vector<16xf32>,
        %add3A_265 = arith.addf %get3A_262, %gather3A : vector<16xf32>
        %swap3A_266 = arith.constant 0 : index
        %swap3A_267 = tpu.vector_load %arg22[%swap3A_266] {strides = array<i32>} : memref<16xf32, #tpu.memory_space<vmem>>, vector<16xf32>,
        tpu.vector_store %arg22[%swap3A_266], %add3A_265 {strides = array<i32>} : memref<16xf32, #tpu.memory_space<vmem>>, vector<16xf32>,
        %get3A_268 = arith.constant 0 : index
        %get3A_269 = tpu.vector_load %arg22[%get3A_268] {strides = array<i32>} : memref<16xf32, #tpu.memory_space<vmem>>, vector<16xf32>,
        %xor3A_270 = arith.constant 2 : i32
        %xor3A_271 = vector.broadcast %xor3A_270 : i32 to vector<16xi32>
        %xor3A_272 = arith.xori %iota3A_110, %xor3A_271 : vector<16xi32>
        %gather3A_273 = tpu.vector_load_idx %arg22[%xor3A_272] : memref<16xf32, #tpu.memory_space<vmem>>[vector<16xi32>], vector<16xf32>,
        %add3A_274 = arith.addf %get3A_269, %gather3A_273 : vector<16xf32>
        %swap3A_275 = arith.constant 0 : index
        %swap3A_276 = tpu.vector_load %arg22[%swap3A_275] {strides = array<i32>} : memref<16xf32, #tpu.memory_space<vmem>>, vector<16xf32>,
        tpu.vector_store %arg22[%swap3A_275], %add3A_274 {strides = array<i32>} : memref<16xf32, #tpu.memory_space<vmem>>, vector<16xf32>,
        %get3A_277 = arith.constant 0 : index
        %get3A_278 = tpu.vector_load %arg22[%get3A_277] {strides = array<i32>} : memref<16xf32, #tpu.memory_space<vmem>>, vector<16xf32>,
        %xor3A_279 = arith.constant 4 : i32
        %xor3A_280 = vector.broadcast %xor3A_279 : i32 to vector<16xi32>
        %xor3A_281 = arith.xori %iota3A_110, %xor3A_280 : vector<16xi32>
        %gather3A_282 = tpu.vector_load_idx %arg22[%xor3A_281] : memref<16xf32, #tpu.memory_space<vmem>>[vector<16xi32>], vector<16xf32>,
        %add3A_283 = arith.addf %get3A_278, %gather3A_282 : vector<16xf32>
        %swap3A_284 = arith.constant 0 : index
        %swap3A_285 = tpu.vector_load %arg22[%swap3A_284] {strides = array<i32>} : memref<16xf32, #tpu.memory_space<vmem>>, vector<16xf32>,
        tpu.vector_store %arg22[%swap3A_284], %add3A_283 {strides = array<i32>} : memref<16xf32, #tpu.memory_space<vmem>>, vector<16xf32>,
        %get3A_286 = arith.constant 0 : index
        %get3A_287 = tpu.vector_load %arg22[%get3A_286] {strides = array<i32>} : memref<16xf32, #tpu.memory_space<vmem>>, vector<16xf32>,
        %xor3A_288 = arith.constant 8 : i32
        %xor3A_289 = vector.broadcast %xor3A_288 : i32 to vector<16xi32>
        %xor3A_290 = arith.xori %iota3A_110, %xor3A_289 : vector<16xi32>
        %gather3A_291 = tpu.vector_load_idx %arg22[%xor3A_290] : memref<16xf32, #tpu.memory_space<vmem>>[vector<16xi32>], vector<16xf32>,
        %add3A_292 = arith.addf %get3A_287, %gather3A_291 : vector<16xf32>
        %swap3A_293 = arith.constant 0 : index
        %swap3A_294 = tpu.vector_load %arg22[%swap3A_293] {strides = array<i32>} : memref<16xf32, #tpu.memory_space<vmem>>, vector<16xf32>,
        tpu.vector_store %arg22[%swap3A_293], %add3A_292 {strides = array<i32>} : memref<16xf32, #tpu.memory_space<vmem>>, vector<16xf32>,
        %get3A_295 = arith.constant 0 : index
        %get3A_296 = tpu.vector_load %arg22[%get3A_295] {strides = array<i32>} : memref<16xf32, #tpu.memory_space<vmem>>, vector<16xf32>,
        %exp3A = math.exp %get3A_296 : vector<16xf32>
        %get3A_297 = arith.index_cast %scan3A_170 : i32 to index
        %get3A_298 = arith.constant 0 : index
        %get3A_299 = tpu.vector_load %arg11[%get3A_297, %get3A_298] {strides = array<i32>} : memref<80x64xf32, #tpu.memory_space<vmem>>, vector<16xf32>,
        %mul3A_300 = arith.mulf %exp3A, %get3A_299 : vector<16xf32>
        %swap3A_301 = arith.index_cast %scan3A_170 : i32 to index
        %swap3A_302 = arith.constant 0 : index
        %swap3A_303 = tpu.vector_load %arg19[%swap3A_301, %swap3A_302] {strides = array<i32>} : memref<80x80xf32, #tpu.memory_space<vmem>>, vector<16xf32>,
        tpu.vector_store %arg19[%swap3A_301, %swap3A_302], %mul3A_300 {strides = array<i32>} : memref<80x80xf32, #tpu.memory_space<vmem>>, vector<16xf32>,
        %get3A_304 = arith.index_cast %scan3A_170 : i32 to index
        %get3A_305 = arith.constant 16 : index
        %get3A_306 = tpu.vector_load %arg11[%get3A_304, %get3A_305] {strides = array<i32>} : memref<80x64xf32, #tpu.memory_space<vmem>>, vector<16xf32>,
        %mul3A_307 = arith.mulf %exp3A, %get3A_306 : vector<16xf32>
        %swap3A_308 = arith.index_cast %scan3A_170 : i32 to index
        %swap3A_309 = arith.constant 16 : index
        %swap3A_310 = tpu.vector_load %arg19[%swap3A_308, %swap3A_309] {strides = array<i32>} : memref<80x80xf32, #tpu.memory_space<vmem>>, vector<16xf32>,
        tpu.vector_store %arg19[%swap3A_308, %swap3A_309], %mul3A_307 {strides = array<i32>} : memref<80x80xf32, #tpu.memory_space<vmem>>, vector<16xf32>,
        %get3A_311 = arith.index_cast %scan3A_170 : i32 to index
        %get3A_312 = arith.constant 32 : index
        %get3A_313 = tpu.vector_load %arg11[%get3A_311, %get3A_312] {strides = array<i32>} : memref<80x64xf32, #tpu.memory_space<vmem>>, vector<16xf32>,
        %mul3A_314 = arith.mulf %exp3A, %get3A_313 : vector<16xf32>
        %swap3A_315 = arith.index_cast %scan3A_170 : i32 to index
        %swap3A_316 = arith.constant 32 : index
        %swap3A_317 = tpu.vector_load %arg19[%swap3A_315, %swap3A_316] {strides = array<i32>} : memref<80x80xf32, #tpu.memory_space<vmem>>, vector<16xf32>,
        tpu.vector_store %arg19[%swap3A_315, %swap3A_316], %mul3A_314 {strides = array<i32>} : memref<80x80xf32, #tpu.memory_space<vmem>>, vector<16xf32>,
        %get3A_318 = arith.index_cast %scan3A_170 : i32 to index
        %get3A_319 = arith.constant 48 : index
        %get3A_320 = tpu.vector_load %arg11[%get3A_318, %get3A_319] {strides = array<i32>} : memref<80x64xf32, #tpu.memory_space<vmem>>, vector<16xf32>,
        %mul3A_321 = arith.mulf %exp3A, %get3A_320 : vector<16xf32>
        %swap3A_322 = arith.index_cast %scan3A_170 : i32 to index
        %swap3A_323 = arith.constant 48 : index
        %swap3A_324 = tpu.vector_load %arg19[%swap3A_322, %swap3A_323] {strides = array<i32>} : memref<80x80xf32, #tpu.memory_space<vmem>>, vector<16xf32>,
        tpu.vector_store %arg19[%swap3A_322, %swap3A_323], %mul3A_321 {strides = array<i32>} : memref<80x80xf32, #tpu.memory_space<vmem>>, vector<16xf32>,
        %mul3A_325 = arith.mulf %exp3A, %select_n3A_118 : vector<16xf32>
        %swap3A_326 = arith.index_cast %scan3A_170 : i32 to index
        %swap3A_327 = arith.constant 64 : index
        %swap3A_328 = tpu.vector_load %arg19[%swap3A_326, %swap3A_327] {strides = array<i32>} : memref<80x80xf32, #tpu.memory_space<vmem>>, vector<16xf32>,
        tpu.vector_store %arg19[%swap3A_326, %swap3A_327], %mul3A_325 {strides = array<i32>} : memref<80x80xf32, #tpu.memory_space<vmem>>, vector<16xf32>,
        %scan3A_329 = arith.constant 0 : i32
        scf.yield %scan3A_329 : i32
      }
      %scan3A_125 = arith.constant 80 : i32
      "tpu.region"() ({
        %run_scoped3A = tpu.sem_alloc : memref<!tpu.dma_semaphore, #tpu.memory_space<semaphore_mem>>
        %dma_start3A_170 = arith.constant 0 : i32
        %dma_start3A_171 = arith.constant 0 : i32
        %dma_start3A_172 = tpu.memref_slice %arg23[%dma_start3A_170, %dma_start3A_171] : memref<10000x80xf32, #tpu.memory_space<vmem_shared>> -> memref<10000x80xf32, #tpu.memory_space<vmem_shared>>
        tpu.enqueue_indirect_dma source(%arg19 : memref<80x80xf32, #tpu.memory_space<vmem>>) target(%dma_start3A_172 : memref<10000x80xf32, #tpu.memory_space<vmem_shared>>) offsets(%arg10 : memref<80xi32, #tpu.memory_space<vmem>>) semaphore(%run_scoped3A : memref<!tpu.dma_semaphore, #tpu.memory_space<semaphore_mem>>) {add = true}
        %dma_wait3A_173 = arith.constant 0 : i32
        %dma_wait3A_174 = arith.constant 0 : i32
        %dma_wait3A_175 = tpu.memref_slice %arg23[%dma_wait3A_173, %dma_wait3A_174] : memref<10000x80xf32, #tpu.memory_space<vmem_shared>> -> memref<10000x80xf32, #tpu.memory_space<vmem_shared>>
        tpu.wait_indirect_dma semaphore(%run_scoped3A : memref<!tpu.dma_semaphore, #tpu.memory_space<semaphore_mem>>) src(%arg19 : memref<80x80xf32, #tpu.memory_space<vmem>>) dst(%dma_wait3A_175 : memref<10000x80xf32, #tpu.memory_space<vmem_shared>>)
        tpu.yield
      }) : () -> ()
      %dma_wait3A_126 = arith.constant 0 : i32
      %dma_wait3A_127 = arith.constant 0 : i32
      %dma_wait3A_128 = tpu.memref_slice %arg4[%dma_wait3A_126, %dma_wait3A_127] : memref<10000x64xf32, #tpu.memory_space<hbm>> -> memref<10000x64xf32, #tpu.memory_space<hbm>>
      tpu.wait_indirect_dma semaphore(%arg27 : memref<!tpu.dma_semaphore, #tpu.memory_space<semaphore_mem>>) src(%dma_wait3A_128 : memref<10000x64xf32, #tpu.memory_space<hbm>>) dst(%arg16 : memref<80x64xf32, #tpu.memory_space<vmem>>)
      %dma_wait3A_129 = arith.constant 0 : i32
      %dma_wait3A_130 = arith.constant 0 : i32
      %dma_wait3A_131 = tpu.memref_slice %arg5[%dma_wait3A_129, %dma_wait3A_130] : memref<10000x64xf32, #tpu.memory_space<hbm>> -> memref<10000x64xf32, #tpu.memory_space<hbm>>
      tpu.wait_indirect_dma semaphore(%arg28 : memref<!tpu.dma_semaphore, #tpu.memory_space<semaphore_mem>>) src(%dma_wait3A_131 : memref<10000x64xf32, #tpu.memory_space<hbm>>) dst(%arg17 : memref<80x64xf32, #tpu.memory_space<vmem>>)
      %dma_wait3A_132 = arith.constant 0 : i32
      %dma_wait3A_133 = arith.constant 0 : i32
      %dma_wait3A_134 = tpu.memref_slice %arg6[%dma_wait3A_132, %dma_wait3A_133] : memref<320000x64xf32, #tpu.memory_space<hbm>> -> memref<80x64xf32, #tpu.memory_space<hbm>>
      %dma_wait3A_135 = arith.constant 0 : i32
      %dma_wait3A_136 = arith.constant 0 : i32
      %dma_wait3A_137 = tpu.memref_slice %arg6[%dma_wait3A_135, %dma_wait3A_136] : memref<320000x64xf32, #tpu.memory_space<hbm>> -> memref<80x64xf32, #tpu.memory_space<hbm>>
      tpu.wait_dma2 semaphore(%arg29 : memref<!tpu.dma_semaphore, #tpu.memory_space<semaphore_mem>>) src(%dma_wait3A_137 : memref<80x64xf32, #tpu.memory_space<hbm>>) dst(%arg18 : memref<80x64xf32, #tpu.memory_space<vmem>>)
      %add3A_138 = arith.constant 2 : i32
      %add3A_139 = arith.addi %mul3A_82, %add3A_138 : i32
      %mul3A_140 = arith.constant 80 : i32
      %mul3A_141 = arith.muli %add3A_139, %mul3A_140 : i32
      %add3A_142 = arith.addi %mul3A_28, %mul3A_141 : i32
      "tpu.region"() ({
        %run_scoped3A = tpu.sem_alloc : memref<!tpu.dma_semaphore, #tpu.memory_space<semaphore_mem>>
        %dma_start3A_170 = tpu.memref_slice %arg2[%add3A_142] : memref<320000xi32, #tpu.memory_space<hbm>> -> memref<80xi32, #tpu.memory_space<hbm>>
        %dma_start3A_171 = tpu.memref_slice %arg2[%add3A_142] : memref<320000xi32, #tpu.memory_space<hbm>> -> memref<80xi32, #tpu.memory_space<hbm>>
        tpu.enqueue_dma source(%dma_start3A_171 : memref<80xi32, #tpu.memory_space<hbm>>) target(%arg9 : memref<80xi32, #tpu.memory_space<vmem>>) target_semaphore(%run_scoped3A : memref<!tpu.dma_semaphore, #tpu.memory_space<semaphore_mem>>)
        %dma_wait3A_172 = tpu.memref_slice %arg2[%add3A_142] : memref<320000xi32, #tpu.memory_space<hbm>> -> memref<80xi32, #tpu.memory_space<hbm>>
        %dma_wait3A_173 = tpu.memref_slice %arg2[%add3A_142] : memref<320000xi32, #tpu.memory_space<hbm>> -> memref<80xi32, #tpu.memory_space<hbm>>
        tpu.wait_dma2 semaphore(%run_scoped3A : memref<!tpu.dma_semaphore, #tpu.memory_space<semaphore_mem>>) src(%dma_wait3A_173 : memref<80xi32, #tpu.memory_space<hbm>>) dst(%arg9 : memref<80xi32, #tpu.memory_space<vmem>>)
        tpu.yield
      }) : () -> ()
      "tpu.region"() ({
        %run_scoped3A = tpu.sem_alloc : memref<!tpu.dma_semaphore, #tpu.memory_space<semaphore_mem>>
        %dma_start3A_170 = tpu.memref_slice %arg3[%add3A_142] : memref<320000xi32, #tpu.memory_space<hbm>> -> memref<80xi32, #tpu.memory_space<hbm>>
        %dma_start3A_171 = tpu.memref_slice %arg3[%add3A_142] : memref<320000xi32, #tpu.memory_space<hbm>> -> memref<80xi32, #tpu.memory_space<hbm>>
        tpu.enqueue_dma source(%dma_start3A_171 : memref<80xi32, #tpu.memory_space<hbm>>) target(%arg10 : memref<80xi32, #tpu.memory_space<vmem>>) target_semaphore(%run_scoped3A : memref<!tpu.dma_semaphore, #tpu.memory_space<semaphore_mem>>)
        %dma_wait3A_172 = tpu.memref_slice %arg3[%add3A_142] : memref<320000xi32, #tpu.memory_space<hbm>> -> memref<80xi32, #tpu.memory_space<hbm>>
        %dma_wait3A_173 = tpu.memref_slice %arg3[%add3A_142] : memref<320000xi32, #tpu.memory_space<hbm>> -> memref<80xi32, #tpu.memory_space<hbm>>
        tpu.wait_dma2 semaphore(%run_scoped3A : memref<!tpu.dma_semaphore, #tpu.memory_space<semaphore_mem>>) src(%dma_wait3A_173 : memref<80xi32, #tpu.memory_space<hbm>>) dst(%arg10 : memref<80xi32, #tpu.memory_space<vmem>>)
        tpu.yield
      }) : () -> ()
      %dma_start3A_143 = arith.constant 0 : i32
      %dma_start3A_144 = arith.constant 0 : i32
      %dma_start3A_145 = tpu.memref_slice %arg4[%dma_start3A_143, %dma_start3A_144] : memref<10000x64xf32, #tpu.memory_space<hbm>> -> memref<10000x64xf32, #tpu.memory_space<hbm>>
      tpu.enqueue_indirect_dma source(%dma_start3A_145 : memref<10000x64xf32, #tpu.memory_space<hbm>>) target(%arg11 : memref<80x64xf32, #tpu.memory_space<vmem>>) offsets(%arg9 : memref<80xi32, #tpu.memory_space<vmem>>) semaphore(%arg24 : memref<!tpu.dma_semaphore, #tpu.memory_space<semaphore_mem>>)
      %dma_start3A_146 = arith.constant 0 : i32
      %dma_start3A_147 = arith.constant 0 : i32
      %dma_start3A_148 = tpu.memref_slice %arg5[%dma_start3A_146, %dma_start3A_147] : memref<10000x64xf32, #tpu.memory_space<hbm>> -> memref<10000x64xf32, #tpu.memory_space<hbm>>
      tpu.enqueue_indirect_dma source(%dma_start3A_148 : memref<10000x64xf32, #tpu.memory_space<hbm>>) target(%arg12 : memref<80x64xf32, #tpu.memory_space<vmem>>) offsets(%arg10 : memref<80xi32, #tpu.memory_space<vmem>>) semaphore(%arg25 : memref<!tpu.dma_semaphore, #tpu.memory_space<semaphore_mem>>)
      %dma_start3A_149 = arith.constant 0 : i32
      %dma_start3A_150 = tpu.memref_slice %arg6[%add3A_142, %dma_start3A_149] : memref<320000x64xf32, #tpu.memory_space<hbm>> -> memref<80x64xf32, #tpu.memory_space<hbm>>
      %dma_start3A_151 = arith.constant 0 : i32
      %dma_start3A_152 = tpu.memref_slice %arg6[%add3A_142, %dma_start3A_151] : memref<320000x64xf32, #tpu.memory_space<hbm>> -> memref<80x64xf32, #tpu.memory_space<hbm>>
      tpu.enqueue_dma source(%dma_start3A_152 : memref<80x64xf32, #tpu.memory_space<hbm>>) target(%arg13 : memref<80x64xf32, #tpu.memory_space<vmem>>) target_semaphore(%arg26 : memref<!tpu.dma_semaphore, #tpu.memory_space<semaphore_mem>>)
      %iota3A_153 = tpu.iota {dimensions = array<i32: 0>} : vector<16xi32>
      %eq3A_154 = arith.constant 0 : i32
      %eq3A_155 = vector.broadcast %eq3A_154 : i32 to vector<16xi32>
      %eq3A_156 = arith.cmpi eq, %iota3A_153, %eq3A_155 : vector<16xi32>
      %jit3A_157 = arith.constant 1.000000e+00 : f32
      %jit3A_158 = arith.constant 0.000000e+00 : f32
      %broadcast_in_dim3A_159 = vector.broadcast %jit3A_157 : f32 to vector<16xf32>
      %broadcast_in_dim3A_160 = vector.broadcast %jit3A_158 : f32 to vector<16xf32>
      %select_n3A_161 = arith.select %eq3A_156, %broadcast_in_dim3A_159, %broadcast_in_dim3A_160 : vector<16xi1>, vector<16xf32>
      %scan3A_162 = arith.constant 0 : i32
      %scan3A_163 = arith.constant 0 : i32
      %scan3A_164 = arith.constant 80 : i32
      %scan3A_165 = arith.addi %scan3A_163, %scan3A_164 : i32
      %scan3A_166 = arith.constant 1 : i32
      %scan3A_167 = scf.for %scan3A_170 = %scan3A_163 to %scan3A_165 step %scan3A_166 iter_args(%scan3A_171 = %scan3A_162) -> (i32)  : i32 {
        %broadcast_in_dim3A_172 = arith.constant 0.000000e+00 : f32
        %broadcast_in_dim3A_173 = vector.broadcast %broadcast_in_dim3A_172 : f32 to vector<16xf32>
        %get3A = arith.index_cast %scan3A_170 : i32 to index
        %get3A_174 = arith.constant 0 : index
        %get3A_175 = tpu.vector_load %arg16[%get3A, %get3A_174] {strides = array<i32>} : memref<80x64xf32, #tpu.memory_space<vmem>>, vector<16xf32>,
        %get3A_176 = arith.index_cast %scan3A_170 : i32 to index
        %get3A_177 = arith.constant 0 : index
        %get3A_178 = tpu.vector_load %arg17[%get3A_176, %get3A_177] {strides = array<i32>} : memref<80x64xf32, #tpu.memory_space<vmem>>, vector<16xf32>,
        %add3A_179 = arith.addf %get3A_175, %get3A_178 : vector<16xf32>
        %get3A_180 = arith.index_cast %scan3A_170 : i32 to index
        %get3A_181 = arith.constant 0 : index
        %get3A_182 = tpu.vector_load %arg18[%get3A_180, %get3A_181] {strides = array<i32>} : memref<80x64xf32, #tpu.memory_space<vmem>>, vector<16xf32>,
        %add3A_183 = arith.addf %add3A_179, %get3A_182 : vector<16xf32>
        %gt3A = arith.constant 0.000000e+00 : f32
        %gt3A_184 = vector.broadcast %gt3A : f32 to vector<16xf32>
        %gt3A_185 = arith.cmpf ogt, %add3A_183, %gt3A_184 : vector<16xf32>
        %mul3A_186 = arith.constant 2.000000e-01 : f32
        %mul3A_187 = vector.broadcast %mul3A_186 : f32 to vector<16xf32>
        %mul3A_188 = arith.mulf %mul3A_187, %add3A_183 : vector<16xf32>
        %select_n3A_189 = arith.select %gt3A_185, %add3A_183, %mul3A_188 : vector<16xi1>, vector<16xf32>
        %get3A_190 = arith.constant 0 : index
        %get3A_191 = tpu.vector_load %arg21[%get3A_190] {strides = array<i32>} : memref<64xf32, #tpu.memory_space<vmem>>, vector<16xf32>,
        %mul3A_192 = arith.mulf %select_n3A_189, %get3A_191 : vector<16xf32>
        %add3A_193 = arith.addf %broadcast_in_dim3A_173, %mul3A_192 : vector<16xf32>
        %get3A_194 = arith.index_cast %scan3A_170 : i32 to index
        %get3A_195 = arith.constant 16 : index
        %get3A_196 = tpu.vector_load %arg16[%get3A_194, %get3A_195] {strides = array<i32>} : memref<80x64xf32, #tpu.memory_space<vmem>>, vector<16xf32>,
        %get3A_197 = arith.index_cast %scan3A_170 : i32 to index
        %get3A_198 = arith.constant 16 : index
        %get3A_199 = tpu.vector_load %arg17[%get3A_197, %get3A_198] {strides = array<i32>} : memref<80x64xf32, #tpu.memory_space<vmem>>, vector<16xf32>,
        %add3A_200 = arith.addf %get3A_196, %get3A_199 : vector<16xf32>
        %get3A_201 = arith.index_cast %scan3A_170 : i32 to index
        %get3A_202 = arith.constant 16 : index
        %get3A_203 = tpu.vector_load %arg18[%get3A_201, %get3A_202] {strides = array<i32>} : memref<80x64xf32, #tpu.memory_space<vmem>>, vector<16xf32>,
        %add3A_204 = arith.addf %add3A_200, %get3A_203 : vector<16xf32>
        %gt3A_205 = arith.constant 0.000000e+00 : f32
        %gt3A_206 = vector.broadcast %gt3A_205 : f32 to vector<16xf32>
        %gt3A_207 = arith.cmpf ogt, %add3A_204, %gt3A_206 : vector<16xf32>
        %mul3A_208 = arith.constant 2.000000e-01 : f32
        %mul3A_209 = vector.broadcast %mul3A_208 : f32 to vector<16xf32>
        %mul3A_210 = arith.mulf %mul3A_209, %add3A_204 : vector<16xf32>
        %select_n3A_211 = arith.select %gt3A_207, %add3A_204, %mul3A_210 : vector<16xi1>, vector<16xf32>
        %get3A_212 = arith.constant 16 : index
        %get3A_213 = tpu.vector_load %arg21[%get3A_212] {strides = array<i32>} : memref<64xf32, #tpu.memory_space<vmem>>, vector<16xf32>,
        %mul3A_214 = arith.mulf %select_n3A_211, %get3A_213 : vector<16xf32>
        %add3A_215 = arith.addf %add3A_193, %mul3A_214 : vector<16xf32>
        %get3A_216 = arith.index_cast %scan3A_170 : i32 to index
        %get3A_217 = arith.constant 32 : index
        %get3A_218 = tpu.vector_load %arg16[%get3A_216, %get3A_217] {strides = array<i32>} : memref<80x64xf32, #tpu.memory_space<vmem>>, vector<16xf32>,
        %get3A_219 = arith.index_cast %scan3A_170 : i32 to index
        %get3A_220 = arith.constant 32 : index
        %get3A_221 = tpu.vector_load %arg17[%get3A_219, %get3A_220] {strides = array<i32>} : memref<80x64xf32, #tpu.memory_space<vmem>>, vector<16xf32>,
        %add3A_222 = arith.addf %get3A_218, %get3A_221 : vector<16xf32>
        %get3A_223 = arith.index_cast %scan3A_170 : i32 to index
        %get3A_224 = arith.constant 32 : index
        %get3A_225 = tpu.vector_load %arg18[%get3A_223, %get3A_224] {strides = array<i32>} : memref<80x64xf32, #tpu.memory_space<vmem>>, vector<16xf32>,
        %add3A_226 = arith.addf %add3A_222, %get3A_225 : vector<16xf32>
        %gt3A_227 = arith.constant 0.000000e+00 : f32
        %gt3A_228 = vector.broadcast %gt3A_227 : f32 to vector<16xf32>
        %gt3A_229 = arith.cmpf ogt, %add3A_226, %gt3A_228 : vector<16xf32>
        %mul3A_230 = arith.constant 2.000000e-01 : f32
        %mul3A_231 = vector.broadcast %mul3A_230 : f32 to vector<16xf32>
        %mul3A_232 = arith.mulf %mul3A_231, %add3A_226 : vector<16xf32>
        %select_n3A_233 = arith.select %gt3A_229, %add3A_226, %mul3A_232 : vector<16xi1>, vector<16xf32>
        %get3A_234 = arith.constant 32 : index
        %get3A_235 = tpu.vector_load %arg21[%get3A_234] {strides = array<i32>} : memref<64xf32, #tpu.memory_space<vmem>>, vector<16xf32>,
        %mul3A_236 = arith.mulf %select_n3A_233, %get3A_235 : vector<16xf32>
        %add3A_237 = arith.addf %add3A_215, %mul3A_236 : vector<16xf32>
        %get3A_238 = arith.index_cast %scan3A_170 : i32 to index
        %get3A_239 = arith.constant 48 : index
        %get3A_240 = tpu.vector_load %arg16[%get3A_238, %get3A_239] {strides = array<i32>} : memref<80x64xf32, #tpu.memory_space<vmem>>, vector<16xf32>,
        %get3A_241 = arith.index_cast %scan3A_170 : i32 to index
        %get3A_242 = arith.constant 48 : index
        %get3A_243 = tpu.vector_load %arg17[%get3A_241, %get3A_242] {strides = array<i32>} : memref<80x64xf32, #tpu.memory_space<vmem>>, vector<16xf32>,
        %add3A_244 = arith.addf %get3A_240, %get3A_243 : vector<16xf32>
        %get3A_245 = arith.index_cast %scan3A_170 : i32 to index
        %get3A_246 = arith.constant 48 : index
        %get3A_247 = tpu.vector_load %arg18[%get3A_245, %get3A_246] {strides = array<i32>} : memref<80x64xf32, #tpu.memory_space<vmem>>, vector<16xf32>,
        %add3A_248 = arith.addf %add3A_244, %get3A_247 : vector<16xf32>
        %gt3A_249 = arith.constant 0.000000e+00 : f32
        %gt3A_250 = vector.broadcast %gt3A_249 : f32 to vector<16xf32>
        %gt3A_251 = arith.cmpf ogt, %add3A_248, %gt3A_250 : vector<16xf32>
        %mul3A_252 = arith.constant 2.000000e-01 : f32
        %mul3A_253 = vector.broadcast %mul3A_252 : f32 to vector<16xf32>
        %mul3A_254 = arith.mulf %mul3A_253, %add3A_248 : vector<16xf32>
        %select_n3A_255 = arith.select %gt3A_251, %add3A_248, %mul3A_254 : vector<16xi1>, vector<16xf32>
        %get3A_256 = arith.constant 48 : index
        %get3A_257 = tpu.vector_load %arg21[%get3A_256] {strides = array<i32>} : memref<64xf32, #tpu.memory_space<vmem>>, vector<16xf32>,
        %mul3A_258 = arith.mulf %select_n3A_255, %get3A_257 : vector<16xf32>
        %add3A_259 = arith.addf %add3A_237, %mul3A_258 : vector<16xf32>
        %swap3A = arith.constant 0 : index
        %swap3A_260 = tpu.vector_load %arg22[%swap3A] {strides = array<i32>} : memref<16xf32, #tpu.memory_space<vmem>>, vector<16xf32>,
        tpu.vector_store %arg22[%swap3A], %add3A_259 {strides = array<i32>} : memref<16xf32, #tpu.memory_space<vmem>>, vector<16xf32>,
        %get3A_261 = arith.constant 0 : index
        %get3A_262 = tpu.vector_load %arg22[%get3A_261] {strides = array<i32>} : memref<16xf32, #tpu.memory_space<vmem>>, vector<16xf32>,
        %xor3A = arith.constant 1 : i32
        %xor3A_263 = vector.broadcast %xor3A : i32 to vector<16xi32>
        %xor3A_264 = arith.xori %iota3A_153, %xor3A_263 : vector<16xi32>
        %gather3A = tpu.vector_load_idx %arg22[%xor3A_264] : memref<16xf32, #tpu.memory_space<vmem>>[vector<16xi32>], vector<16xf32>,
        %add3A_265 = arith.addf %get3A_262, %gather3A : vector<16xf32>
        %swap3A_266 = arith.constant 0 : index
        %swap3A_267 = tpu.vector_load %arg22[%swap3A_266] {strides = array<i32>} : memref<16xf32, #tpu.memory_space<vmem>>, vector<16xf32>,
        tpu.vector_store %arg22[%swap3A_266], %add3A_265 {strides = array<i32>} : memref<16xf32, #tpu.memory_space<vmem>>, vector<16xf32>,
        %get3A_268 = arith.constant 0 : index
        %get3A_269 = tpu.vector_load %arg22[%get3A_268] {strides = array<i32>} : memref<16xf32, #tpu.memory_space<vmem>>, vector<16xf32>,
        %xor3A_270 = arith.constant 2 : i32
        %xor3A_271 = vector.broadcast %xor3A_270 : i32 to vector<16xi32>
        %xor3A_272 = arith.xori %iota3A_153, %xor3A_271 : vector<16xi32>
        %gather3A_273 = tpu.vector_load_idx %arg22[%xor3A_272] : memref<16xf32, #tpu.memory_space<vmem>>[vector<16xi32>], vector<16xf32>,
        %add3A_274 = arith.addf %get3A_269, %gather3A_273 : vector<16xf32>
        %swap3A_275 = arith.constant 0 : index
        %swap3A_276 = tpu.vector_load %arg22[%swap3A_275] {strides = array<i32>} : memref<16xf32, #tpu.memory_space<vmem>>, vector<16xf32>,
        tpu.vector_store %arg22[%swap3A_275], %add3A_274 {strides = array<i32>} : memref<16xf32, #tpu.memory_space<vmem>>, vector<16xf32>,
        %get3A_277 = arith.constant 0 : index
        %get3A_278 = tpu.vector_load %arg22[%get3A_277] {strides = array<i32>} : memref<16xf32, #tpu.memory_space<vmem>>, vector<16xf32>,
        %xor3A_279 = arith.constant 4 : i32
        %xor3A_280 = vector.broadcast %xor3A_279 : i32 to vector<16xi32>
        %xor3A_281 = arith.xori %iota3A_153, %xor3A_280 : vector<16xi32>
        %gather3A_282 = tpu.vector_load_idx %arg22[%xor3A_281] : memref<16xf32, #tpu.memory_space<vmem>>[vector<16xi32>], vector<16xf32>,
        %add3A_283 = arith.addf %get3A_278, %gather3A_282 : vector<16xf32>
        %swap3A_284 = arith.constant 0 : index
        %swap3A_285 = tpu.vector_load %arg22[%swap3A_284] {strides = array<i32>} : memref<16xf32, #tpu.memory_space<vmem>>, vector<16xf32>,
        tpu.vector_store %arg22[%swap3A_284], %add3A_283 {strides = array<i32>} : memref<16xf32, #tpu.memory_space<vmem>>, vector<16xf32>,
        %get3A_286 = arith.constant 0 : index
        %get3A_287 = tpu.vector_load %arg22[%get3A_286] {strides = array<i32>} : memref<16xf32, #tpu.memory_space<vmem>>, vector<16xf32>,
        %xor3A_288 = arith.constant 8 : i32
        %xor3A_289 = vector.broadcast %xor3A_288 : i32 to vector<16xi32>
        %xor3A_290 = arith.xori %iota3A_153, %xor3A_289 : vector<16xi32>
        %gather3A_291 = tpu.vector_load_idx %arg22[%xor3A_290] : memref<16xf32, #tpu.memory_space<vmem>>[vector<16xi32>], vector<16xf32>,
        %add3A_292 = arith.addf %get3A_287, %gather3A_291 : vector<16xf32>
        %swap3A_293 = arith.constant 0 : index
        %swap3A_294 = tpu.vector_load %arg22[%swap3A_293] {strides = array<i32>} : memref<16xf32, #tpu.memory_space<vmem>>, vector<16xf32>,
        tpu.vector_store %arg22[%swap3A_293], %add3A_292 {strides = array<i32>} : memref<16xf32, #tpu.memory_space<vmem>>, vector<16xf32>,
        %get3A_295 = arith.constant 0 : index
        %get3A_296 = tpu.vector_load %arg22[%get3A_295] {strides = array<i32>} : memref<16xf32, #tpu.memory_space<vmem>>, vector<16xf32>,
        %exp3A = math.exp %get3A_296 : vector<16xf32>
        %get3A_297 = arith.index_cast %scan3A_170 : i32 to index
        %get3A_298 = arith.constant 0 : index
        %get3A_299 = tpu.vector_load %arg16[%get3A_297, %get3A_298] {strides = array<i32>} : memref<80x64xf32, #tpu.memory_space<vmem>>, vector<16xf32>,
        %mul3A_300 = arith.mulf %exp3A, %get3A_299 : vector<16xf32>
        %swap3A_301 = arith.index_cast %scan3A_170 : i32 to index
        %swap3A_302 = arith.constant 0 : index
        %swap3A_303 = tpu.vector_load %arg19[%swap3A_301, %swap3A_302] {strides = array<i32>} : memref<80x80xf32, #tpu.memory_space<vmem>>, vector<16xf32>,
        tpu.vector_store %arg19[%swap3A_301, %swap3A_302], %mul3A_300 {strides = array<i32>} : memref<80x80xf32, #tpu.memory_space<vmem>>, vector<16xf32>,
        %get3A_304 = arith.index_cast %scan3A_170 : i32 to index
        %get3A_305 = arith.constant 16 : index
        %get3A_306 = tpu.vector_load %arg16[%get3A_304, %get3A_305] {strides = array<i32>} : memref<80x64xf32, #tpu.memory_space<vmem>>, vector<16xf32>,
        %mul3A_307 = arith.mulf %exp3A, %get3A_306 : vector<16xf32>
        %swap3A_308 = arith.index_cast %scan3A_170 : i32 to index
        %swap3A_309 = arith.constant 16 : index
        %swap3A_310 = tpu.vector_load %arg19[%swap3A_308, %swap3A_309] {strides = array<i32>} : memref<80x80xf32, #tpu.memory_space<vmem>>, vector<16xf32>,
        tpu.vector_store %arg19[%swap3A_308, %swap3A_309], %mul3A_307 {strides = array<i32>} : memref<80x80xf32, #tpu.memory_space<vmem>>, vector<16xf32>,
        %get3A_311 = arith.index_cast %scan3A_170 : i32 to index
        %get3A_312 = arith.constant 32 : index
        %get3A_313 = tpu.vector_load %arg16[%get3A_311, %get3A_312] {strides = array<i32>} : memref<80x64xf32, #tpu.memory_space<vmem>>, vector<16xf32>,
        %mul3A_314 = arith.mulf %exp3A, %get3A_313 : vector<16xf32>
        %swap3A_315 = arith.index_cast %scan3A_170 : i32 to index
        %swap3A_316 = arith.constant 32 : index
        %swap3A_317 = tpu.vector_load %arg19[%swap3A_315, %swap3A_316] {strides = array<i32>} : memref<80x80xf32, #tpu.memory_space<vmem>>, vector<16xf32>,
        tpu.vector_store %arg19[%swap3A_315, %swap3A_316], %mul3A_314 {strides = array<i32>} : memref<80x80xf32, #tpu.memory_space<vmem>>, vector<16xf32>,
        %get3A_318 = arith.index_cast %scan3A_170 : i32 to index
        %get3A_319 = arith.constant 48 : index
        %get3A_320 = tpu.vector_load %arg16[%get3A_318, %get3A_319] {strides = array<i32>} : memref<80x64xf32, #tpu.memory_space<vmem>>, vector<16xf32>,
        %mul3A_321 = arith.mulf %exp3A, %get3A_320 : vector<16xf32>
        %swap3A_322 = arith.index_cast %scan3A_170 : i32 to index
        %swap3A_323 = arith.constant 48 : index
        %swap3A_324 = tpu.vector_load %arg19[%swap3A_322, %swap3A_323] {strides = array<i32>} : memref<80x80xf32, #tpu.memory_space<vmem>>, vector<16xf32>,
        tpu.vector_store %arg19[%swap3A_322, %swap3A_323], %mul3A_321 {strides = array<i32>} : memref<80x80xf32, #tpu.memory_space<vmem>>, vector<16xf32>,
        %mul3A_325 = arith.mulf %exp3A, %select_n3A_161 : vector<16xf32>
        %swap3A_326 = arith.index_cast %scan3A_170 : i32 to index
        %swap3A_327 = arith.constant 64 : index
        %swap3A_328 = tpu.vector_load %arg19[%swap3A_326, %swap3A_327] {strides = array<i32>} : memref<80x80xf32, #tpu.memory_space<vmem>>, vector<16xf32>,
        tpu.vector_store %arg19[%swap3A_326, %swap3A_327], %mul3A_325 {strides = array<i32>} : memref<80x80xf32, #tpu.memory_space<vmem>>, vector<16xf32>,
        %scan3A_329 = arith.constant 0 : i32
        scf.yield %scan3A_329 : i32
      }
      %scan3A_168 = arith.constant 80 : i32
      "tpu.region"() ({
        %run_scoped3A = tpu.sem_alloc : memref<!tpu.dma_semaphore, #tpu.memory_space<semaphore_mem>>
        %dma_start3A_170 = arith.constant 0 : i32
        %dma_start3A_171 = arith.constant 0 : i32
        %dma_start3A_172 = tpu.memref_slice %arg23[%dma_start3A_170, %dma_start3A_171] : memref<10000x80xf32, #tpu.memory_space<vmem_shared>> -> memref<10000x80xf32, #tpu.memory_space<vmem_shared>>
        tpu.enqueue_indirect_dma source(%arg19 : memref<80x80xf32, #tpu.memory_space<vmem>>) target(%dma_start3A_172 : memref<10000x80xf32, #tpu.memory_space<vmem_shared>>) offsets(%arg15 : memref<80xi32, #tpu.memory_space<vmem>>) semaphore(%run_scoped3A : memref<!tpu.dma_semaphore, #tpu.memory_space<semaphore_mem>>) {add = true}
        %dma_wait3A_173 = arith.constant 0 : i32
        %dma_wait3A_174 = arith.constant 0 : i32
        %dma_wait3A_175 = tpu.memref_slice %arg23[%dma_wait3A_173, %dma_wait3A_174] : memref<10000x80xf32, #tpu.memory_space<vmem_shared>> -> memref<10000x80xf32, #tpu.memory_space<vmem_shared>>
        tpu.wait_indirect_dma semaphore(%run_scoped3A : memref<!tpu.dma_semaphore, #tpu.memory_space<semaphore_mem>>) src(%arg19 : memref<80x80xf32, #tpu.memory_space<vmem>>) dst(%dma_wait3A_175 : memref<10000x80xf32, #tpu.memory_space<vmem_shared>>)
        tpu.yield
      }) : () -> ()
      %scan3A_169 = arith.constant 0 : i32
      scf.yield %scan3A_169 : i32
    }
    %scan3A_46 = arith.constant 62 : i32
    %dma_wait3A = arith.constant 0 : i32
    %dma_wait3A_47 = arith.constant 0 : i32
    %dma_wait3A_48 = tpu.memref_slice %arg4[%dma_wait3A, %dma_wait3A_47] : memref<10000x64xf32, #tpu.memory_space<hbm>> -> memref<10000x64xf32, #tpu.memory_space<hbm>>
    tpu.wait_indirect_dma semaphore(%arg24 : memref<!tpu.dma_semaphore, #tpu.memory_space<semaphore_mem>>) src(%dma_wait3A_48 : memref<10000x64xf32, #tpu.memory_space<hbm>>) dst(%arg11 : memref<80x64xf32, #tpu.memory_space<vmem>>)
    %dma_wait3A_49 = arith.constant 0 : i32
    %dma_wait3A_50 = arith.constant 0 : i32
    %dma_wait3A_51 = tpu.memref_slice %arg5[%dma_wait3A_49, %dma_wait3A_50] : memref<10000x64xf32, #tpu.memory_space<hbm>> -> memref<10000x64xf32, #tpu.memory_space<hbm>>
    tpu.wait_indirect_dma semaphore(%arg25 : memref<!tpu.dma_semaphore, #tpu.memory_space<semaphore_mem>>) src(%dma_wait3A_51 : memref<10000x64xf32, #tpu.memory_space<hbm>>) dst(%arg12 : memref<80x64xf32, #tpu.memory_space<vmem>>)
    %dma_wait3A_52 = arith.constant 0 : i32
    %dma_wait3A_53 = arith.constant 0 : i32
    %dma_wait3A_54 = tpu.memref_slice %arg6[%dma_wait3A_52, %dma_wait3A_53] : memref<320000x64xf32, #tpu.memory_space<hbm>> -> memref<80x64xf32, #tpu.memory_space<hbm>>
    %dma_wait3A_55 = arith.constant 0 : i32
    %dma_wait3A_56 = arith.constant 0 : i32
    %dma_wait3A_57 = tpu.memref_slice %arg6[%dma_wait3A_55, %dma_wait3A_56] : memref<320000x64xf32, #tpu.memory_space<hbm>> -> memref<80x64xf32, #tpu.memory_space<hbm>>
    tpu.wait_dma2 semaphore(%arg26 : memref<!tpu.dma_semaphore, #tpu.memory_space<semaphore_mem>>) src(%dma_wait3A_57 : memref<80x64xf32, #tpu.memory_space<hbm>>) dst(%arg13 : memref<80x64xf32, #tpu.memory_space<vmem>>)
    %iota3A = tpu.iota {dimensions = array<i32: 0>} : vector<16xi32>
    %eq3A = arith.constant 0 : i32
    %eq3A_58 = vector.broadcast %eq3A : i32 to vector<16xi32>
    %eq3A_59 = arith.cmpi eq, %iota3A, %eq3A_58 : vector<16xi32>
    %jit3A = arith.constant 1.000000e+00 : f32
    %jit3A_60 = arith.constant 0.000000e+00 : f32
    %broadcast_in_dim3A = vector.broadcast %jit3A : f32 to vector<16xf32>
    %broadcast_in_dim3A_61 = vector.broadcast %jit3A_60 : f32 to vector<16xf32>
    %select_n3A = arith.select %eq3A_59, %broadcast_in_dim3A, %broadcast_in_dim3A_61 : vector<16xi1>, vector<16xf32>
    %scan3A_62 = arith.constant 0 : i32
    %scan3A_63 = arith.constant 0 : i32
    %scan3A_64 = arith.constant 80 : i32
    %scan3A_65 = arith.addi %scan3A_63, %scan3A_64 : i32
    %scan3A_66 = arith.constant 1 : i32
    %scan3A_67 = scf.for %scan3A_79 = %scan3A_63 to %scan3A_65 step %scan3A_66 iter_args(%scan3A_80 = %scan3A_62) -> (i32)  : i32 {
      %broadcast_in_dim3A_81 = arith.constant 0.000000e+00 : f32
      %broadcast_in_dim3A_82 = vector.broadcast %broadcast_in_dim3A_81 : f32 to vector<16xf32>
      %get3A = arith.index_cast %scan3A_79 : i32 to index
      %get3A_83 = arith.constant 0 : index
      %get3A_84 = tpu.vector_load %arg11[%get3A, %get3A_83] {strides = array<i32>} : memref<80x64xf32, #tpu.memory_space<vmem>>, vector<16xf32>,
      %get3A_85 = arith.index_cast %scan3A_79 : i32 to index
      %get3A_86 = arith.constant 0 : index
      %get3A_87 = tpu.vector_load %arg12[%get3A_85, %get3A_86] {strides = array<i32>} : memref<80x64xf32, #tpu.memory_space<vmem>>, vector<16xf32>,
      %add3A_88 = arith.addf %get3A_84, %get3A_87 : vector<16xf32>
      %get3A_89 = arith.index_cast %scan3A_79 : i32 to index
      %get3A_90 = arith.constant 0 : index
      %get3A_91 = tpu.vector_load %arg13[%get3A_89, %get3A_90] {strides = array<i32>} : memref<80x64xf32, #tpu.memory_space<vmem>>, vector<16xf32>,
      %add3A_92 = arith.addf %add3A_88, %get3A_91 : vector<16xf32>
      %gt3A = arith.constant 0.000000e+00 : f32
      %gt3A_93 = vector.broadcast %gt3A : f32 to vector<16xf32>
      %gt3A_94 = arith.cmpf ogt, %add3A_92, %gt3A_93 : vector<16xf32>
      %mul3A_95 = arith.constant 2.000000e-01 : f32
      %mul3A_96 = vector.broadcast %mul3A_95 : f32 to vector<16xf32>
      %mul3A_97 = arith.mulf %mul3A_96, %add3A_92 : vector<16xf32>
      %select_n3A_98 = arith.select %gt3A_94, %add3A_92, %mul3A_97 : vector<16xi1>, vector<16xf32>
      %get3A_99 = arith.constant 0 : index
      %get3A_100 = tpu.vector_load %arg21[%get3A_99] {strides = array<i32>} : memref<64xf32, #tpu.memory_space<vmem>>, vector<16xf32>,
      %mul3A_101 = arith.mulf %select_n3A_98, %get3A_100 : vector<16xf32>
      %add3A_102 = arith.addf %broadcast_in_dim3A_82, %mul3A_101 : vector<16xf32>
      %get3A_103 = arith.index_cast %scan3A_79 : i32 to index
      %get3A_104 = arith.constant 16 : index
      %get3A_105 = tpu.vector_load %arg11[%get3A_103, %get3A_104] {strides = array<i32>} : memref<80x64xf32, #tpu.memory_space<vmem>>, vector<16xf32>,
      %get3A_106 = arith.index_cast %scan3A_79 : i32 to index
      %get3A_107 = arith.constant 16 : index
      %get3A_108 = tpu.vector_load %arg12[%get3A_106, %get3A_107] {strides = array<i32>} : memref<80x64xf32, #tpu.memory_space<vmem>>, vector<16xf32>,
      %add3A_109 = arith.addf %get3A_105, %get3A_108 : vector<16xf32>
      %get3A_110 = arith.index_cast %scan3A_79 : i32 to index
      %get3A_111 = arith.constant 16 : index
      %get3A_112 = tpu.vector_load %arg13[%get3A_110, %get3A_111] {strides = array<i32>} : memref<80x64xf32, #tpu.memory_space<vmem>>, vector<16xf32>,
      %add3A_113 = arith.addf %add3A_109, %get3A_112 : vector<16xf32>
      %gt3A_114 = arith.constant 0.000000e+00 : f32
      %gt3A_115 = vector.broadcast %gt3A_114 : f32 to vector<16xf32>
      %gt3A_116 = arith.cmpf ogt, %add3A_113, %gt3A_115 : vector<16xf32>
      %mul3A_117 = arith.constant 2.000000e-01 : f32
      %mul3A_118 = vector.broadcast %mul3A_117 : f32 to vector<16xf32>
      %mul3A_119 = arith.mulf %mul3A_118, %add3A_113 : vector<16xf32>
      %select_n3A_120 = arith.select %gt3A_116, %add3A_113, %mul3A_119 : vector<16xi1>, vector<16xf32>
      %get3A_121 = arith.constant 16 : index
      %get3A_122 = tpu.vector_load %arg21[%get3A_121] {strides = array<i32>} : memref<64xf32, #tpu.memory_space<vmem>>, vector<16xf32>,
      %mul3A_123 = arith.mulf %select_n3A_120, %get3A_122 : vector<16xf32>
      %add3A_124 = arith.addf %add3A_102, %mul3A_123 : vector<16xf32>
      %get3A_125 = arith.index_cast %scan3A_79 : i32 to index
      %get3A_126 = arith.constant 32 : index
      %get3A_127 = tpu.vector_load %arg11[%get3A_125, %get3A_126] {strides = array<i32>} : memref<80x64xf32, #tpu.memory_space<vmem>>, vector<16xf32>,
      %get3A_128 = arith.index_cast %scan3A_79 : i32 to index
      %get3A_129 = arith.constant 32 : index
      %get3A_130 = tpu.vector_load %arg12[%get3A_128, %get3A_129] {strides = array<i32>} : memref<80x64xf32, #tpu.memory_space<vmem>>, vector<16xf32>,
      %add3A_131 = arith.addf %get3A_127, %get3A_130 : vector<16xf32>
      %get3A_132 = arith.index_cast %scan3A_79 : i32 to index
      %get3A_133 = arith.constant 32 : index
      %get3A_134 = tpu.vector_load %arg13[%get3A_132, %get3A_133] {strides = array<i32>} : memref<80x64xf32, #tpu.memory_space<vmem>>, vector<16xf32>,
      %add3A_135 = arith.addf %add3A_131, %get3A_134 : vector<16xf32>
      %gt3A_136 = arith.constant 0.000000e+00 : f32
      %gt3A_137 = vector.broadcast %gt3A_136 : f32 to vector<16xf32>
      %gt3A_138 = arith.cmpf ogt, %add3A_135, %gt3A_137 : vector<16xf32>
      %mul3A_139 = arith.constant 2.000000e-01 : f32
      %mul3A_140 = vector.broadcast %mul3A_139 : f32 to vector<16xf32>
      %mul3A_141 = arith.mulf %mul3A_140, %add3A_135 : vector<16xf32>
      %select_n3A_142 = arith.select %gt3A_138, %add3A_135, %mul3A_141 : vector<16xi1>, vector<16xf32>
      %get3A_143 = arith.constant 32 : index
      %get3A_144 = tpu.vector_load %arg21[%get3A_143] {strides = array<i32>} : memref<64xf32, #tpu.memory_space<vmem>>, vector<16xf32>,
      %mul3A_145 = arith.mulf %select_n3A_142, %get3A_144 : vector<16xf32>
      %add3A_146 = arith.addf %add3A_124, %mul3A_145 : vector<16xf32>
      %get3A_147 = arith.index_cast %scan3A_79 : i32 to index
      %get3A_148 = arith.constant 48 : index
      %get3A_149 = tpu.vector_load %arg11[%get3A_147, %get3A_148] {strides = array<i32>} : memref<80x64xf32, #tpu.memory_space<vmem>>, vector<16xf32>,
      %get3A_150 = arith.index_cast %scan3A_79 : i32 to index
      %get3A_151 = arith.constant 48 : index
      %get3A_152 = tpu.vector_load %arg12[%get3A_150, %get3A_151] {strides = array<i32>} : memref<80x64xf32, #tpu.memory_space<vmem>>, vector<16xf32>,
      %add3A_153 = arith.addf %get3A_149, %get3A_152 : vector<16xf32>
      %get3A_154 = arith.index_cast %scan3A_79 : i32 to index
      %get3A_155 = arith.constant 48 : index
      %get3A_156 = tpu.vector_load %arg13[%get3A_154, %get3A_155] {strides = array<i32>} : memref<80x64xf32, #tpu.memory_space<vmem>>, vector<16xf32>,
      %add3A_157 = arith.addf %add3A_153, %get3A_156 : vector<16xf32>
      %gt3A_158 = arith.constant 0.000000e+00 : f32
      %gt3A_159 = vector.broadcast %gt3A_158 : f32 to vector<16xf32>
      %gt3A_160 = arith.cmpf ogt, %add3A_157, %gt3A_159 : vector<16xf32>
      %mul3A_161 = arith.constant 2.000000e-01 : f32
      %mul3A_162 = vector.broadcast %mul3A_161 : f32 to vector<16xf32>
      %mul3A_163 = arith.mulf %mul3A_162, %add3A_157 : vector<16xf32>
      %select_n3A_164 = arith.select %gt3A_160, %add3A_157, %mul3A_163 : vector<16xi1>, vector<16xf32>
      %get3A_165 = arith.constant 48 : index
      %get3A_166 = tpu.vector_load %arg21[%get3A_165] {strides = array<i32>} : memref<64xf32, #tpu.memory_space<vmem>>, vector<16xf32>,
      %mul3A_167 = arith.mulf %select_n3A_164, %get3A_166 : vector<16xf32>
      %add3A_168 = arith.addf %add3A_146, %mul3A_167 : vector<16xf32>
      %swap3A = arith.constant 0 : index
      %swap3A_169 = tpu.vector_load %arg22[%swap3A] {strides = array<i32>} : memref<16xf32, #tpu.memory_space<vmem>>, vector<16xf32>,
      tpu.vector_store %arg22[%swap3A], %add3A_168 {strides = array<i32>} : memref<16xf32, #tpu.memory_space<vmem>>, vector<16xf32>,
      %get3A_170 = arith.constant 0 : index
      %get3A_171 = tpu.vector_load %arg22[%get3A_170] {strides = array<i32>} : memref<16xf32, #tpu.memory_space<vmem>>, vector<16xf32>,
      %xor3A = arith.constant 1 : i32
      %xor3A_172 = vector.broadcast %xor3A : i32 to vector<16xi32>
      %xor3A_173 = arith.xori %iota3A, %xor3A_172 : vector<16xi32>
      %gather3A = tpu.vector_load_idx %arg22[%xor3A_173] : memref<16xf32, #tpu.memory_space<vmem>>[vector<16xi32>], vector<16xf32>,
      %add3A_174 = arith.addf %get3A_171, %gather3A : vector<16xf32>
      %swap3A_175 = arith.constant 0 : index
      %swap3A_176 = tpu.vector_load %arg22[%swap3A_175] {strides = array<i32>} : memref<16xf32, #tpu.memory_space<vmem>>, vector<16xf32>,
      tpu.vector_store %arg22[%swap3A_175], %add3A_174 {strides = array<i32>} : memref<16xf32, #tpu.memory_space<vmem>>, vector<16xf32>,
      %get3A_177 = arith.constant 0 : index
      %get3A_178 = tpu.vector_load %arg22[%get3A_177] {strides = array<i32>} : memref<16xf32, #tpu.memory_space<vmem>>, vector<16xf32>,
      %xor3A_179 = arith.constant 2 : i32
      %xor3A_180 = vector.broadcast %xor3A_179 : i32 to vector<16xi32>
      %xor3A_181 = arith.xori %iota3A, %xor3A_180 : vector<16xi32>
      %gather3A_182 = tpu.vector_load_idx %arg22[%xor3A_181] : memref<16xf32, #tpu.memory_space<vmem>>[vector<16xi32>], vector<16xf32>,
      %add3A_183 = arith.addf %get3A_178, %gather3A_182 : vector<16xf32>
      %swap3A_184 = arith.constant 0 : index
      %swap3A_185 = tpu.vector_load %arg22[%swap3A_184] {strides = array<i32>} : memref<16xf32, #tpu.memory_space<vmem>>, vector<16xf32>,
      tpu.vector_store %arg22[%swap3A_184], %add3A_183 {strides = array<i32>} : memref<16xf32, #tpu.memory_space<vmem>>, vector<16xf32>,
      %get3A_186 = arith.constant 0 : index
      %get3A_187 = tpu.vector_load %arg22[%get3A_186] {strides = array<i32>} : memref<16xf32, #tpu.memory_space<vmem>>, vector<16xf32>,
      %xor3A_188 = arith.constant 4 : i32
      %xor3A_189 = vector.broadcast %xor3A_188 : i32 to vector<16xi32>
      %xor3A_190 = arith.xori %iota3A, %xor3A_189 : vector<16xi32>
      %gather3A_191 = tpu.vector_load_idx %arg22[%xor3A_190] : memref<16xf32, #tpu.memory_space<vmem>>[vector<16xi32>], vector<16xf32>,
      %add3A_192 = arith.addf %get3A_187, %gather3A_191 : vector<16xf32>
      %swap3A_193 = arith.constant 0 : index
      %swap3A_194 = tpu.vector_load %arg22[%swap3A_193] {strides = array<i32>} : memref<16xf32, #tpu.memory_space<vmem>>, vector<16xf32>,
      tpu.vector_store %arg22[%swap3A_193], %add3A_192 {strides = array<i32>} : memref<16xf32, #tpu.memory_space<vmem>>, vector<16xf32>,
      %get3A_195 = arith.constant 0 : index
      %get3A_196 = tpu.vector_load %arg22[%get3A_195] {strides = array<i32>} : memref<16xf32, #tpu.memory_space<vmem>>, vector<16xf32>,
      %xor3A_197 = arith.constant 8 : i32
      %xor3A_198 = vector.broadcast %xor3A_197 : i32 to vector<16xi32>
      %xor3A_199 = arith.xori %iota3A, %xor3A_198 : vector<16xi32>
      %gather3A_200 = tpu.vector_load_idx %arg22[%xor3A_199] : memref<16xf32, #tpu.memory_space<vmem>>[vector<16xi32>], vector<16xf32>,
      %add3A_201 = arith.addf %get3A_196, %gather3A_200 : vector<16xf32>
      %swap3A_202 = arith.constant 0 : index
      %swap3A_203 = tpu.vector_load %arg22[%swap3A_202] {strides = array<i32>} : memref<16xf32, #tpu.memory_space<vmem>>, vector<16xf32>,
      tpu.vector_store %arg22[%swap3A_202], %add3A_201 {strides = array<i32>} : memref<16xf32, #tpu.memory_space<vmem>>, vector<16xf32>,
      %get3A_204 = arith.constant 0 : index
      %get3A_205 = tpu.vector_load %arg22[%get3A_204] {strides = array<i32>} : memref<16xf32, #tpu.memory_space<vmem>>, vector<16xf32>,
      %exp3A = math.exp %get3A_205 : vector<16xf32>
      %get3A_206 = arith.index_cast %scan3A_79 : i32 to index
      %get3A_207 = arith.constant 0 : index
      %get3A_208 = tpu.vector_load %arg11[%get3A_206, %get3A_207] {strides = array<i32>} : memref<80x64xf32, #tpu.memory_space<vmem>>, vector<16xf32>,
      %mul3A_209 = arith.mulf %exp3A, %get3A_208 : vector<16xf32>
      %swap3A_210 = arith.index_cast %scan3A_79 : i32 to index
      %swap3A_211 = arith.constant 0 : index
      %swap3A_212 = tpu.vector_load %arg19[%swap3A_210, %swap3A_211] {strides = array<i32>} : memref<80x80xf32, #tpu.memory_space<vmem>>, vector<16xf32>,
      tpu.vector_store %arg19[%swap3A_210, %swap3A_211], %mul3A_209 {strides = array<i32>} : memref<80x80xf32, #tpu.memory_space<vmem>>, vector<16xf32>,
      %get3A_213 = arith.index_cast %scan3A_79 : i32 to index
      %get3A_214 = arith.constant 16 : index
      %get3A_215 = tpu.vector_load %arg11[%get3A_213, %get3A_214] {strides = array<i32>} : memref<80x64xf32, #tpu.memory_space<vmem>>, vector<16xf32>,
      %mul3A_216 = arith.mulf %exp3A, %get3A_215 : vector<16xf32>
      %swap3A_217 = arith.index_cast %scan3A_79 : i32 to index
      %swap3A_218 = arith.constant 16 : index
      %swap3A_219 = tpu.vector_load %arg19[%swap3A_217, %swap3A_218] {strides = array<i32>} : memref<80x80xf32, #tpu.memory_space<vmem>>, vector<16xf32>,
      tpu.vector_store %arg19[%swap3A_217, %swap3A_218], %mul3A_216 {strides = array<i32>} : memref<80x80xf32, #tpu.memory_space<vmem>>, vector<16xf32>,
      %get3A_220 = arith.index_cast %scan3A_79 : i32 to index
      %get3A_221 = arith.constant 32 : index
      %get3A_222 = tpu.vector_load %arg11[%get3A_220, %get3A_221] {strides = array<i32>} : memref<80x64xf32, #tpu.memory_space<vmem>>, vector<16xf32>,
      %mul3A_223 = arith.mulf %exp3A, %get3A_222 : vector<16xf32>
      %swap3A_224 = arith.index_cast %scan3A_79 : i32 to index
      %swap3A_225 = arith.constant 32 : index
      %swap3A_226 = tpu.vector_load %arg19[%swap3A_224, %swap3A_225] {strides = array<i32>} : memref<80x80xf32, #tpu.memory_space<vmem>>, vector<16xf32>,
      tpu.vector_store %arg19[%swap3A_224, %swap3A_225], %mul3A_223 {strides = array<i32>} : memref<80x80xf32, #tpu.memory_space<vmem>>, vector<16xf32>,
      %get3A_227 = arith.index_cast %scan3A_79 : i32 to index
      %get3A_228 = arith.constant 48 : index
      %get3A_229 = tpu.vector_load %arg11[%get3A_227, %get3A_228] {strides = array<i32>} : memref<80x64xf32, #tpu.memory_space<vmem>>, vector<16xf32>,
      %mul3A_230 = arith.mulf %exp3A, %get3A_229 : vector<16xf32>
      %swap3A_231 = arith.index_cast %scan3A_79 : i32 to index
      %swap3A_232 = arith.constant 48 : index
      %swap3A_233 = tpu.vector_load %arg19[%swap3A_231, %swap3A_232] {strides = array<i32>} : memref<80x80xf32, #tpu.memory_space<vmem>>, vector<16xf32>,
      tpu.vector_store %arg19[%swap3A_231, %swap3A_232], %mul3A_230 {strides = array<i32>} : memref<80x80xf32, #tpu.memory_space<vmem>>, vector<16xf32>,
      %mul3A_234 = arith.mulf %exp3A, %select_n3A : vector<16xf32>
      %swap3A_235 = arith.index_cast %scan3A_79 : i32 to index
      %swap3A_236 = arith.constant 64 : index
      %swap3A_237 = tpu.vector_load %arg19[%swap3A_235, %swap3A_236] {strides = array<i32>} : memref<80x80xf32, #tpu.memory_space<vmem>>, vector<16xf32>,
      tpu.vector_store %arg19[%swap3A_235, %swap3A_236], %mul3A_234 {strides = array<i32>} : memref<80x80xf32, #tpu.memory_space<vmem>>, vector<16xf32>,
      %scan3A_238 = arith.constant 0 : i32
      scf.yield %scan3A_238 : i32
    }
    %scan3A_68 = arith.constant 80 : i32
    "tpu.region"() ({
      %run_scoped3A = tpu.sem_alloc : memref<!tpu.dma_semaphore, #tpu.memory_space<semaphore_mem>>
      %dma_start3A_79 = arith.constant 0 : i32
      %dma_start3A_80 = arith.constant 0 : i32
      %dma_start3A_81 = tpu.memref_slice %arg23[%dma_start3A_79, %dma_start3A_80] : memref<10000x80xf32, #tpu.memory_space<vmem_shared>> -> memref<10000x80xf32, #tpu.memory_space<vmem_shared>>
      tpu.enqueue_indirect_dma source(%arg19 : memref<80x80xf32, #tpu.memory_space<vmem>>) target(%dma_start3A_81 : memref<10000x80xf32, #tpu.memory_space<vmem_shared>>) offsets(%arg10 : memref<80xi32, #tpu.memory_space<vmem>>) semaphore(%run_scoped3A : memref<!tpu.dma_semaphore, #tpu.memory_space<semaphore_mem>>) {add = true}
      %dma_wait3A_82 = arith.constant 0 : i32
      %dma_wait3A_83 = arith.constant 0 : i32
      %dma_wait3A_84 = tpu.memref_slice %arg23[%dma_wait3A_82, %dma_wait3A_83] : memref<10000x80xf32, #tpu.memory_space<vmem_shared>> -> memref<10000x80xf32, #tpu.memory_space<vmem_shared>>
      tpu.wait_indirect_dma semaphore(%run_scoped3A : memref<!tpu.dma_semaphore, #tpu.memory_space<semaphore_mem>>) src(%arg19 : memref<80x80xf32, #tpu.memory_space<vmem>>) dst(%dma_wait3A_84 : memref<10000x80xf32, #tpu.memory_space<vmem_shared>>)
      tpu.yield
    }) : () -> ()
    %barrier3A_69 = arith.constant 0 : index
    tpu.barrier barrier_id(%barrier3A_69)
    %mul3A_70 = arith.constant 632 : i32
    %mul3A_71 = arith.muli %arg1, %mul3A_70 : i32
    %multiple_of3A = tpu.assume_multiple %mul3A_71, 8 : i32
    %lt3A = arith.constant 15 : i32
    %lt3A_72 = arith.cmpi slt, %arg1, %lt3A : i32
    %convert_element_type3A = arith.extui %lt3A_72 : i1 to i32
    %cond3A = arith.constant 0 : i32
    %cond3A_73 = arith.cmpi ne, %convert_element_type3A, %cond3A : i32
    scf.if %cond3A_73 {
      "tpu.region"() ({
        %run_scoped3A = tpu.sem_alloc : memref<!tpu.dma_semaphore, #tpu.memory_space<semaphore_mem>>
        %dma_start3A_79 = arith.constant 0 : i32
        %dma_start3A_80 = tpu.memref_slice %arg8[%arg0, %multiple_of3A, %dma_start3A_79] : memref<2x10000x80xf32, #tpu.memory_space<hbm>> -> memref<1x632x80xf32, #tpu.memory_space<hbm>>
        %dma_start3A_81 = tpu.memref_squeeze %dma_start3A_80 : memref<1x632x80xf32, #tpu.memory_space<hbm>> -> memref<632x80xf32, #tpu.memory_space<hbm>>
        %dma_start3A_82 = arith.constant 0 : i32
        %dma_start3A_83 = tpu.memref_slice %arg23[%multiple_of3A, %dma_start3A_82] : memref<10000x80xf32, #tpu.memory_space<vmem_shared>> -> memref<632x80xf32, #tpu.memory_space<vmem_shared>>
        tpu.enqueue_dma source(%dma_start3A_83 : memref<632x80xf32, #tpu.memory_space<vmem_shared>>) target(%dma_start3A_81 : memref<632x80xf32, #tpu.memory_space<hbm>>) target_semaphore(%run_scoped3A : memref<!tpu.dma_semaphore, #tpu.memory_space<semaphore_mem>>)
        %dma_wait3A_84 = arith.constant 0 : i32
        %dma_wait3A_85 = tpu.memref_slice %arg8[%arg0, %multiple_of3A, %dma_wait3A_84] : memref<2x10000x80xf32, #tpu.memory_space<hbm>> -> memref<1x632x80xf32, #tpu.memory_space<hbm>>
        %dma_wait3A_86 = tpu.memref_squeeze %dma_wait3A_85 : memref<1x632x80xf32, #tpu.memory_space<hbm>> -> memref<632x80xf32, #tpu.memory_space<hbm>>
        %dma_wait3A_87 = arith.constant 0 : i32
        %dma_wait3A_88 = tpu.memref_slice %arg23[%multiple_of3A, %dma_wait3A_87] : memref<10000x80xf32, #tpu.memory_space<vmem_shared>> -> memref<632x80xf32, #tpu.memory_space<vmem_shared>>
        tpu.wait_dma2 semaphore(%run_scoped3A : memref<!tpu.dma_semaphore, #tpu.memory_space<semaphore_mem>>) src(%dma_wait3A_88 : memref<632x80xf32, #tpu.memory_space<vmem_shared>>) dst(%dma_wait3A_86 : memref<632x80xf32, #tpu.memory_space<hbm>>)
        tpu.yield
      }) : () -> ()
    } else {
    }
    %eq3A_74 = arith.constant 15 : i32
    %eq3A_75 = arith.cmpi eq, %arg1, %eq3A_74 : i32
    %convert_element_type3A_76 = arith.extui %eq3A_75 : i1 to i32
    %cond3A_77 = arith.constant 0 : i32
    %cond3A_78 = arith.cmpi ne, %convert_element_type3A_76, %cond3A_77 : i32
    scf.if %cond3A_78 {
      "tpu.region"() ({
        %run_scoped3A = tpu.sem_alloc : memref<!tpu.dma_semaphore, #tpu.memory_space<semaphore_mem>>
        %dma_start3A_79 = arith.constant 9480 : i32
        %dma_start3A_80 = arith.constant 0 : i32
        %dma_start3A_81 = tpu.memref_slice %arg8[%arg0, %dma_start3A_79, %dma_start3A_80] : memref<2x10000x80xf32, #tpu.memory_space<hbm>> -> memref<1x520x80xf32, #tpu.memory_space<hbm>>
        %dma_start3A_82 = tpu.memref_squeeze %dma_start3A_81 : memref<1x520x80xf32, #tpu.memory_space<hbm>> -> memref<520x80xf32, #tpu.memory_space<hbm>>
        %dma_start3A_83 = arith.constant 9480 : i32
        %dma_start3A_84 = arith.constant 0 : i32
        %dma_start3A_85 = tpu.memref_slice %arg23[%dma_start3A_83, %dma_start3A_84] : memref<10000x80xf32, #tpu.memory_space<vmem_shared>> -> memref<520x80xf32, #tpu.memory_space<vmem_shared>>
        tpu.enqueue_dma source(%dma_start3A_85 : memref<520x80xf32, #tpu.memory_space<vmem_shared>>) target(%dma_start3A_82 : memref<520x80xf32, #tpu.memory_space<hbm>>) target_semaphore(%run_scoped3A : memref<!tpu.dma_semaphore, #tpu.memory_space<semaphore_mem>>)
        %dma_wait3A_86 = arith.constant 9480 : i32
        %dma_wait3A_87 = arith.constant 0 : i32
        %dma_wait3A_88 = tpu.memref_slice %arg8[%arg0, %dma_wait3A_86, %dma_wait3A_87] : memref<2x10000x80xf32, #tpu.memory_space<hbm>> -> memref<1x520x80xf32, #tpu.memory_space<hbm>>
        %dma_wait3A_89 = tpu.memref_squeeze %dma_wait3A_88 : memref<1x520x80xf32, #tpu.memory_space<hbm>> -> memref<520x80xf32, #tpu.memory_space<hbm>>
        %dma_wait3A_90 = arith.constant 9480 : i32
        %dma_wait3A_91 = arith.constant 0 : i32
        %dma_wait3A_92 = tpu.memref_slice %arg23[%dma_wait3A_90, %dma_wait3A_91] : memref<10000x80xf32, #tpu.memory_space<vmem_shared>> -> memref<520x80xf32, #tpu.memory_space<vmem_shared>>
        tpu.wait_dma2 semaphore(%run_scoped3A : memref<!tpu.dma_semaphore, #tpu.memory_space<semaphore_mem>>) src(%dma_wait3A_92 : memref<520x80xf32, #tpu.memory_space<vmem_shared>>) dst(%dma_wait3A_89 : memref<520x80xf32, #tpu.memory_space<hbm>>)
        tpu.yield
      }) : () -> ()
    } else {
    }
    return
  }
}

#map = affine_map<(d0, d1) -> (0)>
#map1 = affine_map<(d0, d1) -> (0, 0)>
#map2 = affine_map<(d0, d1) -> (0, 0, 0)>
module attributes {stable_mosaic.version = 14 : i64} {
  func.func @body(%arg0: i32, %arg1: i32, %arg2: memref<320000xi32, #tpu.memory_space<hbm>>, %arg3: memref<320000xi32, #tpu.memory_space<hbm>>, %arg4: memref<10000x64xf32, #tpu.memory_space<hbm>>, %arg5: memref<10000x64xf32, #tpu.memory_space<hbm>>, %arg6: memref<320000x64xf32, #tpu.memory_space<hbm>>, %arg7: memref<64xf32, #tpu.memory_space<hbm>>, %arg8: memref<2x10000x80xf32, #tpu.memory_space<hbm>>, %arg9: memref<80xi32, #tpu.memory_space<vmem>>, %arg10: memref<80xi32, #tpu.memory_space<vmem>>, %arg11: memref<80x64xf32, #tpu.memory_space<vmem>>, %arg12: memref<80x64xf32, #tpu.memory_space<vmem>>, %arg13: memref<80x64xf32, #tpu.memory_space<vmem>>, %arg14: memref<80xi32, #tpu.memory_space<vmem>>, %arg15: memref<80xi32, #tpu.memory_space<vmem>>, %arg16: memref<80x64xf32, #tpu.memory_space<vmem>>, %arg17: memref<80x64xf32, #tpu.memory_space<vmem>>, %arg18: memref<80x64xf32, #tpu.memory_space<vmem>>, %arg19: memref<80x80xf32, #tpu.memory_space<vmem>>, %arg20: memref<125x80xf32, #tpu.memory_space<vmem>>, %arg21: memref<64xf32, #tpu.memory_space<vmem>>, %arg22: memref<16xf32, #tpu.memory_space<vmem>>, %arg23: memref<10000x80xf32, #tpu.memory_space<vmem_shared>>, %arg24: memref<!tpu.dma_semaphore, #tpu.memory_space<semaphore_mem>>, %arg25: memref<!tpu.dma_semaphore, #tpu.memory_space<semaphore_mem>>, %arg26: memref<!tpu.dma_semaphore, #tpu.memory_space<semaphore_mem>>, %arg27: memref<!tpu.dma_semaphore, #tpu.memory_space<semaphore_mem>>, %arg28: memref<!tpu.dma_semaphore, #tpu.memory_space<semaphore_mem>>, %arg29: memref<!tpu.dma_semaphore, #tpu.memory_space<semaphore_mem>>) attributes {dimension_semantics = [#tpu.dimension_semantics<core_parallel>, #tpu.dimension_semantics<subcore_parallel>], iteration_bounds = array<i64: 2, 16>, scalar_prefetch = 0 : i64, scratch_operands = 21 : i64, tpu.core_type = #tpu.core_type<sc_vector_subcore>, window_params = [{transform_indices = #map}, {transform_indices = #map}, {transform_indices = #map1}, {transform_indices = #map1}, {transform_indices = #map1}, {transform_indices = #map}, {transform_indices = #map2}]} {
    %mul3A = arith.constant 16 : i32
    %mul3A_0 = arith.muli %arg0, %mul3A : i32
    %add3A = arith.addi %mul3A_0, %arg1 : i32
    %scan3A = arith.constant 0 : i32
    %scan3A_1 = arith.constant 0 : i32
    %scan3A_2 = arith.constant 125 : i32
    %scan3A_3 = arith.addi %scan3A_1, %scan3A_2 : i32
    %scan3A_4 = arith.constant 1 : i32
    %scan3A_5 = scf.for %scan3A_79 = %scan3A_1 to %scan3A_3 step %scan3A_4 iter_args(%scan3A_80 = %scan3A) -> (i32)  : i32 {
      %broadcast_in_dim3A_81 = arith.constant 0.000000e+00 : f32
      %broadcast_in_dim3A_82 = vector.broadcast %broadcast_in_dim3A_81 : f32 to vector<16xf32>
      %swap3A = arith.index_cast %scan3A_79 : i32 to index
      %swap3A_83 = arith.constant 0 : index
      %swap3A_84 = tpu.vector_load %arg20[%swap3A, %swap3A_83] {strides = array<i32>} : memref<125x80xf32, #tpu.memory_space<vmem>>, vector<16xf32>,
      tpu.vector_store %arg20[%swap3A, %swap3A_83], %broadcast_in_dim3A_82 {strides = array<i32>} : memref<125x80xf32, #tpu.memory_space<vmem>>, vector<16xf32>,
      %broadcast_in_dim3A_85 = arith.constant 0.000000e+00 : f32
      %broadcast_in_dim3A_86 = vector.broadcast %broadcast_in_dim3A_85 : f32 to vector<16xf32>
      %swap3A_87 = arith.index_cast %scan3A_79 : i32 to index
      %swap3A_88 = arith.constant 16 : index
      %swap3A_89 = tpu.vector_load %arg20[%swap3A_87, %swap3A_88] {strides = array<i32>} : memref<125x80xf32, #tpu.memory_space<vmem>>, vector<16xf32>,
      tpu.vector_store %arg20[%swap3A_87, %swap3A_88], %broadcast_in_dim3A_86 {strides = array<i32>} : memref<125x80xf32, #tpu.memory_space<vmem>>, vector<16xf32>,
      %broadcast_in_dim3A_90 = arith.constant 0.000000e+00 : f32
      %broadcast_in_dim3A_91 = vector.broadcast %broadcast_in_dim3A_90 : f32 to vector<16xf32>
      %swap3A_92 = arith.index_cast %scan3A_79 : i32 to index
      %swap3A_93 = arith.constant 32 : index
      %swap3A_94 = tpu.vector_load %arg20[%swap3A_92, %swap3A_93] {strides = array<i32>} : memref<125x80xf32, #tpu.memory_space<vmem>>, vector<16xf32>,
      tpu.vector_store %arg20[%swap3A_92, %swap3A_93], %broadcast_in_dim3A_91 {strides = array<i32>} : memref<125x80xf32, #tpu.memory_space<vmem>>, vector<16xf32>,
      %broadcast_in_dim3A_95 = arith.constant 0.000000e+00 : f32
      %broadcast_in_dim3A_96 = vector.broadcast %broadcast_in_dim3A_95 : f32 to vector<16xf32>
      %swap3A_97 = arith.index_cast %scan3A_79 : i32 to index
      %swap3A_98 = arith.constant 48 : index
      %swap3A_99 = tpu.vector_load %arg20[%swap3A_97, %swap3A_98] {strides = array<i32>} : memref<125x80xf32, #tpu.memory_space<vmem>>, vector<16xf32>,
      tpu.vector_store %arg20[%swap3A_97, %swap3A_98], %broadcast_in_dim3A_96 {strides = array<i32>} : memref<125x80xf32, #tpu.memory_space<vmem>>, vector<16xf32>,
      %broadcast_in_dim3A_100 = arith.constant 0.000000e+00 : f32
      %broadcast_in_dim3A_101 = vector.broadcast %broadcast_in_dim3A_100 : f32 to vector<16xf32>
      %swap3A_102 = arith.index_cast %scan3A_79 : i32 to index
      %swap3A_103 = arith.constant 64 : index
      %swap3A_104 = tpu.vector_load %arg20[%swap3A_102, %swap3A_103] {strides = array<i32>} : memref<125x80xf32, #tpu.memory_space<vmem>>, vector<16xf32>,
      tpu.vector_store %arg20[%swap3A_102, %swap3A_103], %broadcast_in_dim3A_101 {strides = array<i32>} : memref<125x80xf32, #tpu.memory_space<vmem>>, vector<16xf32>,
      %scan3A_105 = arith.constant 0 : i32
      scf.yield %scan3A_105 : i32
    }
    %scan3A_6 = arith.constant 125 : i32
    %mul3A_7 = arith.constant 625 : i32
    %mul3A_8 = arith.muli %arg1, %mul3A_7 : i32
    %add3A_9 = arith.constant 0 : i32
    %add3A_10 = arith.addi %mul3A_8, %add3A_9 : i32
    "tpu.region"() ({
      %run_scoped3A = tpu.sem_alloc : memref<!tpu.dma_semaphore, #tpu.memory_space<semaphore_mem>>
      %dma_start3A_79 = arith.constant 0 : i32
      %dma_start3A_80 = tpu.memref_slice %arg23[%add3A_10, %dma_start3A_79] : memref<10000x80xf32, #tpu.memory_space<vmem_shared>> -> memref<125x80xf32, #tpu.memory_space<vmem_shared>>
      %dma_start3A_81 = arith.constant 0 : i32
      %dma_start3A_82 = tpu.memref_slice %arg23[%add3A_10, %dma_start3A_81] : memref<10000x80xf32, #tpu.memory_space<vmem_shared>> -> memref<125x80xf32, #tpu.memory_space<vmem_shared>>
      tpu.enqueue_dma source(%arg20 : memref<125x80xf32, #tpu.memory_space<vmem>>) target(%dma_start3A_82 : memref<125x80xf32, #tpu.memory_space<vmem_shared>>) target_semaphore(%run_scoped3A : memref<!tpu.dma_semaphore, #tpu.memory_space<semaphore_mem>>)
      %dma_wait3A_83 = arith.constant 0 : i32
      %dma_wait3A_84 = tpu.memref_slice %arg23[%add3A_10, %dma_wait3A_83] : memref<10000x80xf32, #tpu.memory_space<vmem_shared>> -> memref<125x80xf32, #tpu.memory_space<vmem_shared>>
      %dma_wait3A_85 = arith.constant 0 : i32
      %dma_wait3A_86 = tpu.memref_slice %arg23[%add3A_10, %dma_wait3A_85] : memref<10000x80xf32, #tpu.memory_space<vmem_shared>> -> memref<125x80xf32, #tpu.memory_space<vmem_shared>>
      tpu.wait_dma2 semaphore(%run_scoped3A : memref<!tpu.dma_semaphore, #tpu.memory_space<semaphore_mem>>) src(%arg20 : memref<125x80xf32, #tpu.memory_space<vmem>>) dst(%dma_wait3A_86 : memref<125x80xf32, #tpu.memory_space<vmem_shared>>)
      tpu.yield
    }) : () -> ()
    %mul3A_11 = arith.constant 625 : i32
    %mul3A_12 = arith.muli %arg1, %mul3A_11 : i32
    %add3A_13 = arith.constant 125 : i32
    %add3A_14 = arith.addi %mul3A_12, %add3A_13 : i32
    "tpu.region"() ({
      %run_scoped3A = tpu.sem_alloc : memref<!tpu.dma_semaphore, #tpu.memory_space<semaphore_mem>>
      %dma_start3A_79 = arith.constant 0 : i32
      %dma_start3A_80 = tpu.memref_slice %arg23[%add3A_14, %dma_start3A_79] : memref<10000x80xf32, #tpu.memory_space<vmem_shared>> -> memref<125x80xf32, #tpu.memory_space<vmem_shared>>
      %dma_start3A_81 = arith.constant 0 : i32
      %dma_start3A_82 = tpu.memref_slice %arg23[%add3A_14, %dma_start3A_81] : memref<10000x80xf32, #tpu.memory_space<vmem_shared>> -> memref<125x80xf32, #tpu.memory_space<vmem_shared>>
      tpu.enqueue_dma source(%arg20 : memref<125x80xf32, #tpu.memory_space<vmem>>) target(%dma_start3A_82 : memref<125x80xf32, #tpu.memory_space<vmem_shared>>) target_semaphore(%run_scoped3A : memref<!tpu.dma_semaphore, #tpu.memory_space<semaphore_mem>>)
      %dma_wait3A_83 = arith.constant 0 : i32
      %dma_wait3A_84 = tpu.memref_slice %arg23[%add3A_14, %dma_wait3A_83] : memref<10000x80xf32, #tpu.memory_space<vmem_shared>> -> memref<125x80xf32, #tpu.memory_space<vmem_shared>>
      %dma_wait3A_85 = arith.constant 0 : i32
      %dma_wait3A_86 = tpu.memref_slice %arg23[%add3A_14, %dma_wait3A_85] : memref<10000x80xf32, #tpu.memory_space<vmem_shared>> -> memref<125x80xf32, #tpu.memory_space<vmem_shared>>
      tpu.wait_dma2 semaphore(%run_scoped3A : memref<!tpu.dma_semaphore, #tpu.memory_space<semaphore_mem>>) src(%arg20 : memref<125x80xf32, #tpu.memory_space<vmem>>) dst(%dma_wait3A_86 : memref<125x80xf32, #tpu.memory_space<vmem_shared>>)
      tpu.yield
    }) : () -> ()
    %mul3A_15 = arith.constant 625 : i32
    %mul3A_16 = arith.muli %arg1, %mul3A_15 : i32
    %add3A_17 = arith.constant 250 : i32
    %add3A_18 = arith.addi %mul3A_16, %add3A_17 : i32
    "tpu.region"() ({
      %run_scoped3A = tpu.sem_alloc : memref<!tpu.dma_semaphore, #tpu.memory_space<semaphore_mem>>
      %dma_start3A_79 = arith.constant 0 : i32
      %dma_start3A_80 = tpu.memref_slice %arg23[%add3A_18, %dma_start3A_79] : memref<10000x80xf32, #tpu.memory_space<vmem_shared>> -> memref<125x80xf32, #tpu.memory_space<vmem_shared>>
      %dma_start3A_81 = arith.constant 0 : i32
      %dma_start3A_82 = tpu.memref_slice %arg23[%add3A_18, %dma_start3A_81] : memref<10000x80xf32, #tpu.memory_space<vmem_shared>> -> memref<125x80xf32, #tpu.memory_space<vmem_shared>>
      tpu.enqueue_dma source(%arg20 : memref<125x80xf32, #tpu.memory_space<vmem>>) target(%dma_start3A_82 : memref<125x80xf32, #tpu.memory_space<vmem_shared>>) target_semaphore(%run_scoped3A : memref<!tpu.dma_semaphore, #tpu.memory_space<semaphore_mem>>)
      %dma_wait3A_83 = arith.constant 0 : i32
      %dma_wait3A_84 = tpu.memref_slice %arg23[%add3A_18, %dma_wait3A_83] : memref<10000x80xf32, #tpu.memory_space<vmem_shared>> -> memref<125x80xf32, #tpu.memory_space<vmem_shared>>
      %dma_wait3A_85 = arith.constant 0 : i32
      %dma_wait3A_86 = tpu.memref_slice %arg23[%add3A_18, %dma_wait3A_85] : memref<10000x80xf32, #tpu.memory_space<vmem_shared>> -> memref<125x80xf32, #tpu.memory_space<vmem_shared>>
      tpu.wait_dma2 semaphore(%run_scoped3A : memref<!tpu.dma_semaphore, #tpu.memory_space<semaphore_mem>>) src(%arg20 : memref<125x80xf32, #tpu.memory_space<vmem>>) dst(%dma_wait3A_86 : memref<125x80xf32, #tpu.memory_space<vmem_shared>>)
      tpu.yield
    }) : () -> ()
    %mul3A_19 = arith.constant 625 : i32
    %mul3A_20 = arith.muli %arg1, %mul3A_19 : i32
    %add3A_21 = arith.constant 375 : i32
    %add3A_22 = arith.addi %mul3A_20, %add3A_21 : i32
    "tpu.region"() ({
      %run_scoped3A = tpu.sem_alloc : memref<!tpu.dma_semaphore, #tpu.memory_space<semaphore_mem>>
      %dma_start3A_79 = arith.constant 0 : i32
      %dma_start3A_80 = tpu.memref_slice %arg23[%add3A_22, %dma_start3A_79] : memref<10000x80xf32, #tpu.memory_space<vmem_shared>> -> memref<125x80xf32, #tpu.memory_space<vmem_shared>>
      %dma_start3A_81 = arith.constant 0 : i32
      %dma_start3A_82 = tpu.memref_slice %arg23[%add3A_22, %dma_start3A_81] : memref<10000x80xf32, #tpu.memory_space<vmem_shared>> -> memref<125x80xf32, #tpu.memory_space<vmem_shared>>
      tpu.enqueue_dma source(%arg20 : memref<125x80xf32, #tpu.memory_space<vmem>>) target(%dma_start3A_82 : memref<125x80xf32, #tpu.memory_space<vmem_shared>>) target_semaphore(%run_scoped3A : memref<!tpu.dma_semaphore, #tpu.memory_space<semaphore_mem>>)
      %dma_wait3A_83 = arith.constant 0 : i32
      %dma_wait3A_84 = tpu.memref_slice %arg23[%add3A_22, %dma_wait3A_83] : memref<10000x80xf32, #tpu.memory_space<vmem_shared>> -> memref<125x80xf32, #tpu.memory_space<vmem_shared>>
      %dma_wait3A_85 = arith.constant 0 : i32
      %dma_wait3A_86 = tpu.memref_slice %arg23[%add3A_22, %dma_wait3A_85] : memref<10000x80xf32, #tpu.memory_space<vmem_shared>> -> memref<125x80xf32, #tpu.memory_space<vmem_shared>>
      tpu.wait_dma2 semaphore(%run_scoped3A : memref<!tpu.dma_semaphore, #tpu.memory_space<semaphore_mem>>) src(%arg20 : memref<125x80xf32, #tpu.memory_space<vmem>>) dst(%dma_wait3A_86 : memref<125x80xf32, #tpu.memory_space<vmem_shared>>)
      tpu.yield
    }) : () -> ()
    %mul3A_23 = arith.constant 625 : i32
    %mul3A_24 = arith.muli %arg1, %mul3A_23 : i32
    %add3A_25 = arith.constant 500 : i32
    %add3A_26 = arith.addi %mul3A_24, %add3A_25 : i32
    "tpu.region"() ({
      %run_scoped3A = tpu.sem_alloc : memref<!tpu.dma_semaphore, #tpu.memory_space<semaphore_mem>>
      %dma_start3A_79 = arith.constant 0 : i32
      %dma_start3A_80 = tpu.memref_slice %arg23[%add3A_26, %dma_start3A_79] : memref<10000x80xf32, #tpu.memory_space<vmem_shared>> -> memref<125x80xf32, #tpu.memory_space<vmem_shared>>
      %dma_start3A_81 = arith.constant 0 : i32
      %dma_start3A_82 = tpu.memref_slice %arg23[%add3A_26, %dma_start3A_81] : memref<10000x80xf32, #tpu.memory_space<vmem_shared>> -> memref<125x80xf32, #tpu.memory_space<vmem_shared>>
      tpu.enqueue_dma source(%arg20 : memref<125x80xf32, #tpu.memory_space<vmem>>) target(%dma_start3A_82 : memref<125x80xf32, #tpu.memory_space<vmem_shared>>) target_semaphore(%run_scoped3A : memref<!tpu.dma_semaphore, #tpu.memory_space<semaphore_mem>>)
      %dma_wait3A_83 = arith.constant 0 : i32
      %dma_wait3A_84 = tpu.memref_slice %arg23[%add3A_26, %dma_wait3A_83] : memref<10000x80xf32, #tpu.memory_space<vmem_shared>> -> memref<125x80xf32, #tpu.memory_space<vmem_shared>>
      %dma_wait3A_85 = arith.constant 0 : i32
      %dma_wait3A_86 = tpu.memref_slice %arg23[%add3A_26, %dma_wait3A_85] : memref<10000x80xf32, #tpu.memory_space<vmem_shared>> -> memref<125x80xf32, #tpu.memory_space<vmem_shared>>
      tpu.wait_dma2 semaphore(%run_scoped3A : memref<!tpu.dma_semaphore, #tpu.memory_space<semaphore_mem>>) src(%arg20 : memref<125x80xf32, #tpu.memory_space<vmem>>) dst(%dma_wait3A_86 : memref<125x80xf32, #tpu.memory_space<vmem_shared>>)
      tpu.yield
    }) : () -> ()
    %barrier3A = arith.constant 0 : index
    tpu.barrier barrier_id(%barrier3A)
    "tpu.region"() ({
      %run_scoped3A = tpu.sem_alloc : memref<!tpu.dma_semaphore, #tpu.memory_space<semaphore_mem>>
      tpu.enqueue_dma source(%arg7 : memref<64xf32, #tpu.memory_space<hbm>>) target(%arg21 : memref<64xf32, #tpu.memory_space<vmem>>) target_semaphore(%run_scoped3A : memref<!tpu.dma_semaphore, #tpu.memory_space<semaphore_mem>>)
      tpu.wait_dma2 semaphore(%run_scoped3A : memref<!tpu.dma_semaphore, #tpu.memory_space<semaphore_mem>>) src(%arg7 : memref<64xf32, #tpu.memory_space<hbm>>) dst(%arg21 : memref<64xf32, #tpu.memory_space<vmem>>)
      tpu.yield
    }) : () -> ()
    %mul3A_27 = arith.constant 10000 : i32
    %mul3A_28 = arith.muli %add3A, %mul3A_27 : i32
    %add3A_29 = arith.constant 0 : i32
    %add3A_30 = arith.addi %mul3A_28, %add3A_29 : i32
    "tpu.region"() ({
      %run_scoped3A = tpu.sem_alloc : memref<!tpu.dma_semaphore, #tpu.memory_space<semaphore_mem>>
      %dma_start3A_79 = tpu.memref_slice %arg2[%add3A_30] : memref<320000xi32, #tpu.memory_space<hbm>> -> memref<80xi32, #tpu.memory_space<hbm>>
      %dma_start3A_80 = tpu.memref_slice %arg2[%add3A_30] : memref<320000xi32, #tpu.memory_space<hbm>> -> memref<80xi32, #tpu.memory_space<hbm>>
      tpu.enqueue_dma source(%dma_start3A_80 : memref<80xi32, #tpu.memory_space<hbm>>) target(%arg9 : memref<80xi32, #tpu.memory_space<vmem>>) target_semaphore(%run_scoped3A : memref<!tpu.dma_semaphore, #tpu.memory_space<semaphore_mem>>)
      %dma_wait3A_81 = tpu.memref_slice %arg2[%add3A_30] : memref<320000xi32, #tpu.memory_space<hbm>> -> memref<80xi32, #tpu.memory_space<hbm>>
      %dma_wait3A_82 = tpu.memref_slice %arg2[%add3A_30] : memref<320000xi32, #tpu.memory_space<hbm>> -> memref<80xi32, #tpu.memory_space<hbm>>
      tpu.wait_dma2 semaphore(%run_scoped3A : memref<!tpu.dma_semaphore, #tpu.memory_space<semaphore_mem>>) src(%dma_wait3A_82 : memref<80xi32, #tpu.memory_space<hbm>>) dst(%arg9 : memref<80xi32, #tpu.memory_space<vmem>>)
      tpu.yield
    }) : () -> ()
    "tpu.region"() ({
      %run_scoped3A = tpu.sem_alloc : memref<!tpu.dma_semaphore, #tpu.memory_space<semaphore_mem>>
      %dma_start3A_79 = tpu.memref_slice %arg3[%add3A_30] : memref<320000xi32, #tpu.memory_space<hbm>> -> memref<80xi32, #tpu.memory_space<hbm>>
      %dma_start3A_80 = tpu.memref_slice %arg3[%add3A_30] : memref<320000xi32, #tpu.memory_space<hbm>> -> memref<80xi32, #tpu.memory_space<hbm>>
      tpu.enqueue_dma source(%dma_start3A_80 : memref<80xi32, #tpu.memory_space<hbm>>) target(%arg10 : memref<80xi32, #tpu.memory_space<vmem>>) target_semaphore(%run_scoped3A : memref<!tpu.dma_semaphore, #tpu.memory_space<semaphore_mem>>)
      %dma_wait3A_81 = tpu.memref_slice %arg3[%add3A_30] : memref<320000xi32, #tpu.memory_space<hbm>> -> memref<80xi32, #tpu.memory_space<hbm>>
      %dma_wait3A_82 = tpu.memref_slice %arg3[%add3A_30] : memref<320000xi32, #tpu.memory_space<hbm>> -> memref<80xi32, #tpu.memory_space<hbm>>
      tpu.wait_dma2 semaphore(%run_scoped3A : memref<!tpu.dma_semaphore, #tpu.memory_space<semaphore_mem>>) src(%dma_wait3A_82 : memref<80xi32, #tpu.memory_space<hbm>>) dst(%arg10 : memref<80xi32, #tpu.memory_space<vmem>>)
      tpu.yield
    }) : () -> ()
    %dma_start3A = arith.constant 0 : i32
    %dma_start3A_31 = arith.constant 0 : i32
    %dma_start3A_32 = tpu.memref_slice %arg4[%dma_start3A, %dma_start3A_31] : memref<10000x64xf32, #tpu.memory_space<hbm>> -> memref<10000x64xf32, #tpu.memory_space<hbm>>
    tpu.enqueue_indirect_dma source(%dma_start3A_32 : memref<10000x64xf32, #tpu.memory_space<hbm>>) target(%arg11 : memref<80x64xf32, #tpu.memory_space<vmem>>) offsets(%arg9 : memref<80xi32, #tpu.memory_space<vmem>>) semaphore(%arg24 : memref<!tpu.dma_semaphore, #tpu.memory_space<semaphore_mem>>)
    %dma_start3A_33 = arith.constant 0 : i32
    %dma_start3A_34 = arith.constant 0 : i32
    %dma_start3A_35 = tpu.memref_slice %arg5[%dma_start3A_33, %dma_start3A_34] : memref<10000x64xf32, #tpu.memory_space<hbm>> -> memref<10000x64xf32, #tpu.memory_space<hbm>>
    tpu.enqueue_indirect_dma source(%dma_start3A_35 : memref<10000x64xf32, #tpu.memory_space<hbm>>) target(%arg12 : memref<80x64xf32, #tpu.memory_space<vmem>>) offsets(%arg10 : memref<80xi32, #tpu.memory_space<vmem>>) semaphore(%arg25 : memref<!tpu.dma_semaphore, #tpu.memory_space<semaphore_mem>>)
    %dma_start3A_36 = arith.constant 0 : i32
    %dma_start3A_37 = tpu.memref_slice %arg6[%add3A_30, %dma_start3A_36] : memref<320000x64xf32, #tpu.memory_space<hbm>> -> memref<80x64xf32, #tpu.memory_space<hbm>>
    %dma_start3A_38 = arith.constant 0 : i32
    %dma_start3A_39 = tpu.memref_slice %arg6[%add3A_30, %dma_start3A_38] : memref<320000x64xf32, #tpu.memory_space<hbm>> -> memref<80x64xf32, #tpu.memory_space<hbm>>
    tpu.enqueue_dma source(%dma_start3A_39 : memref<80x64xf32, #tpu.memory_space<hbm>>) target(%arg13 : memref<80x64xf32, #tpu.memory_space<vmem>>) target_semaphore(%arg26 : memref<!tpu.dma_semaphore, #tpu.memory_space<semaphore_mem>>)
    %scan3A_40 = arith.constant 0 : i32
    %scan3A_41 = arith.constant 0 : i32
    %scan3A_42 = arith.constant 62 : i32
    %scan3A_43 = arith.addi %scan3A_41, %scan3A_42 : i32
    %scan3A_44 = arith.constant 1 : i32
    %scan3A_45 = scf.for %scan3A_79 = %scan3A_41 to %scan3A_43 step %scan3A_44 iter_args(%scan3A_80 = %scan3A_40) -> (i32)  : i32 {
      %mul3A_81 = arith.constant 2 : i32
      %mul3A_82 = arith.muli %mul3A_81, %scan3A_79 : i32
      %dma_wait3A_83 = arith.constant 0 : i32
      %dma_wait3A_84 = arith.constant 0 : i32
      %dma_wait3A_85 = tpu.memref_slice %arg4[%dma_wait3A_83, %dma_wait3A_84] : memref<10000x64xf32, #tpu.memory_space<hbm>> -> memref<10000x64xf32, #tpu.memory_space<hbm>>
      tpu.wait_indirect_dma semaphore(%arg24 : memref<!tpu.dma_semaphore, #tpu.memory_space<semaphore_mem>>) src(%dma_wait3A_85 : memref<10000x64xf32, #tpu.memory_space<hbm>>) dst(%arg11 : memref<80x64xf32, #tpu.memory_space<vmem>>)
      %dma_wait3A_86 = arith.constant 0 : i32
      %dma_wait3A_87 = arith.constant 0 : i32
      %dma_wait3A_88 = tpu.memref_slice %arg5[%dma_wait3A_86, %dma_wait3A_87] : memref<10000x64xf32, #tpu.memory_space<hbm>> -> memref<10000x64xf32, #tpu.memory_space<hbm>>
      tpu.wait_indirect_dma semaphore(%arg25 : memref<!tpu.dma_semaphore, #tpu.memory_space<semaphore_mem>>) src(%dma_wait3A_88 : memref<10000x64xf32, #tpu.memory_space<hbm>>) dst(%arg12 : memref<80x64xf32, #tpu.memory_space<vmem>>)
      %dma_wait3A_89 = arith.constant 0 : i32
      %dma_wait3A_90 = arith.constant 0 : i32
      %dma_wait3A_91 = tpu.memref_slice %arg6[%dma_wait3A_89, %dma_wait3A_90] : memref<320000x64xf32, #tpu.memory_space<hbm>> -> memref<80x64xf32, #tpu.memory_space<hbm>>
      %dma_wait3A_92 = arith.constant 0 : i32
      %dma_wait3A_93 = arith.constant 0 : i32
      %dma_wait3A_94 = tpu.memref_slice %arg6[%dma_wait3A_92, %dma_wait3A_93] : memref<320000x64xf32, #tpu.memory_space<hbm>> -> memref<80x64xf32, #tpu.memory_space<hbm>>
      tpu.wait_dma2 semaphore(%arg26 : memref<!tpu.dma_semaphore, #tpu.memory_space<semaphore_mem>>) src(%dma_wait3A_94 : memref<80x64xf32, #tpu.memory_space<hbm>>) dst(%arg13 : memref<80x64xf32, #tpu.memory_space<vmem>>)
      %add3A_95 = arith.constant 1 : i32
      %add3A_96 = arith.addi %mul3A_82, %add3A_95 : i32
      %mul3A_97 = arith.constant 80 : i32
      %mul3A_98 = arith.muli %add3A_96, %mul3A_97 : i32
      %add3A_99 = arith.addi %mul3A_28, %mul3A_98 : i32
      "tpu.region"() ({
        %run_scoped3A = tpu.sem_alloc : memref<!tpu.dma_semaphore, #tpu.memory_space<semaphore_mem>>
        %dma_start3A_170 = tpu.memref_slice %arg2[%add3A_99] : memref<320000xi32, #tpu.memory_space<hbm>> -> memref<80xi32, #tpu.memory_space<hbm>>
        %dma_start3A_171 = tpu.memref_slice %arg2[%add3A_99] : memref<320000xi32, #tpu.memory_space<hbm>> -> memref<80xi32, #tpu.memory_space<hbm>>
        tpu.enqueue_dma source(%dma_start3A_171 : memref<80xi32, #tpu.memory_space<hbm>>) target(%arg14 : memref<80xi32, #tpu.memory_space<vmem>>) target_semaphore(%run_scoped3A : memref<!tpu.dma_semaphore, #tpu.memory_space<semaphore_mem>>)
        %dma_wait3A_172 = tpu.memref_slice %arg2[%add3A_99] : memref<320000xi32, #tpu.memory_space<hbm>> -> memref<80xi32, #tpu.memory_space<hbm>>
        %dma_wait3A_173 = tpu.memref_slice %arg2[%add3A_99] : memref<320000xi32, #tpu.memory_space<hbm>> -> memref<80xi32, #tpu.memory_space<hbm>>
        tpu.wait_dma2 semaphore(%run_scoped3A : memref<!tpu.dma_semaphore, #tpu.memory_space<semaphore_mem>>) src(%dma_wait3A_173 : memref<80xi32, #tpu.memory_space<hbm>>) dst(%arg14 : memref<80xi32, #tpu.memory_space<vmem>>)
        tpu.yield
      }) : () -> ()
      "tpu.region"() ({
        %run_scoped3A = tpu.sem_alloc : memref<!tpu.dma_semaphore, #tpu.memory_space<semaphore_mem>>
        %dma_start3A_170 = tpu.memref_slice %arg3[%add3A_99] : memref<320000xi32, #tpu.memory_space<hbm>> -> memref<80xi32, #tpu.memory_space<hbm>>
        %dma_start3A_171 = tpu.memref_slice %arg3[%add3A_99] : memref<320000xi32, #tpu.memory_space<hbm>> -> memref<80xi32, #tpu.memory_space<hbm>>
        tpu.enqueue_dma source(%dma_start3A_171 : memref<80xi32, #tpu.memory_space<hbm>>) target(%arg15 : memref<80xi32, #tpu.memory_space<vmem>>) target_semaphore(%run_scoped3A : memref<!tpu.dma_semaphore, #tpu.memory_space<semaphore_mem>>)
        %dma_wait3A_172 = tpu.memref_slice %arg3[%add3A_99] : memref<320000xi32, #tpu.memory_space<hbm>> -> memref<80xi32, #tpu.memory_space<hbm>>
        %dma_wait3A_173 = tpu.memref_slice %arg3[%add3A_99] : memref<320000xi32, #tpu.memory_space<hbm>> -> memref<80xi32, #tpu.memory_space<hbm>>
        tpu.wait_dma2 semaphore(%run_scoped3A : memref<!tpu.dma_semaphore, #tpu.memory_space<semaphore_mem>>) src(%dma_wait3A_173 : memref<80xi32, #tpu.memory_space<hbm>>) dst(%arg15 : memref<80xi32, #tpu.memory_space<vmem>>)
        tpu.yield
      }) : () -> ()
      %dma_start3A_100 = arith.constant 0 : i32
      %dma_start3A_101 = arith.constant 0 : i32
      %dma_start3A_102 = tpu.memref_slice %arg4[%dma_start3A_100, %dma_start3A_101] : memref<10000x64xf32, #tpu.memory_space<hbm>> -> memref<10000x64xf32, #tpu.memory_space<hbm>>
      tpu.enqueue_indirect_dma source(%dma_start3A_102 : memref<10000x64xf32, #tpu.memory_space<hbm>>) target(%arg16 : memref<80x64xf32, #tpu.memory_space<vmem>>) offsets(%arg14 : memref<80xi32, #tpu.memory_space<vmem>>) semaphore(%arg27 : memref<!tpu.dma_semaphore, #tpu.memory_space<semaphore_mem>>)
      %dma_start3A_103 = arith.constant 0 : i32
      %dma_start3A_104 = arith.constant 0 : i32
      %dma_start3A_105 = tpu.memref_slice %arg5[%dma_start3A_103, %dma_start3A_104] : memref<10000x64xf32, #tpu.memory_space<hbm>> -> memref<10000x64xf32, #tpu.memory_space<hbm>>
      tpu.enqueue_indirect_dma source(%dma_start3A_105 : memref<10000x64xf32, #tpu.memory_space<hbm>>) target(%arg17 : memref<80x64xf32, #tpu.memory_space<vmem>>) offsets(%arg15 : memref<80xi32, #tpu.memory_space<vmem>>) semaphore(%arg28 : memref<!tpu.dma_semaphore, #tpu.memory_space<semaphore_mem>>)
      %dma_start3A_106 = arith.constant 0 : i32
      %dma_start3A_107 = tpu.memref_slice %arg6[%add3A_99, %dma_start3A_106] : memref<320000x64xf32, #tpu.memory_space<hbm>> -> memref<80x64xf32, #tpu.memory_space<hbm>>
      %dma_start3A_108 = arith.constant 0 : i32
      %dma_start3A_109 = tpu.memref_slice %arg6[%add3A_99, %dma_start3A_108] : memref<320000x64xf32, #tpu.memory_space<hbm>> -> memref<80x64xf32, #tpu.memory_space<hbm>>
      tpu.enqueue_dma source(%dma_start3A_109 : memref<80x64xf32, #tpu.memory_space<hbm>>) target(%arg18 : memref<80x64xf32, #tpu.memory_space<vmem>>) target_semaphore(%arg29 : memref<!tpu.dma_semaphore, #tpu.memory_space<semaphore_mem>>)
      %iota3A_110 = tpu.iota {dimensions = array<i32: 0>} : vector<16xi32>
      %eq3A_111 = arith.constant 0 : i32
      %eq3A_112 = vector.broadcast %eq3A_111 : i32 to vector<16xi32>
      %eq3A_113 = arith.cmpi eq, %iota3A_110, %eq3A_112 : vector<16xi32>
      %jit3A_114 = arith.constant 1.000000e+00 : f32
      %jit3A_115 = arith.constant 0.000000e+00 : f32
      %broadcast_in_dim3A_116 = vector.broadcast %jit3A_114 : f32 to vector<16xf32>
      %broadcast_in_dim3A_117 = vector.broadcast %jit3A_115 : f32 to vector<16xf32>
      %select_n3A_118 = arith.select %eq3A_113, %broadcast_in_dim3A_116, %broadcast_in_dim3A_117 : vector<16xi1>, vector<16xf32>
      %scan3A_119 = arith.constant 0 : i32
      %scan3A_120 = arith.constant 0 : i32
      %scan3A_121 = arith.constant 80 : i32
      %scan3A_122 = arith.addi %scan3A_120, %scan3A_121 : i32
      %scan3A_123 = arith.constant 1 : i32
      %scan3A_124 = scf.for %scan3A_170 = %scan3A_120 to %scan3A_122 step %scan3A_123 iter_args(%scan3A_171 = %scan3A_119) -> (i32)  : i32 {
        %broadcast_in_dim3A_172 = arith.constant 0.000000e+00 : f32
        %broadcast_in_dim3A_173 = vector.broadcast %broadcast_in_dim3A_172 : f32 to vector<16xf32>
        %get3A = arith.index_cast %scan3A_170 : i32 to index
        %get3A_174 = arith.constant 0 : index
        %get3A_175 = tpu.vector_load %arg11[%get3A, %get3A_174] {strides = array<i32>} : memref<80x64xf32, #tpu.memory_space<vmem>>, vector<16xf32>,
        %get3A_176 = arith.index_cast %scan3A_170 : i32 to index
        %get3A_177 = arith.constant 0 : index
        %get3A_178 = tpu.vector_load %arg12[%get3A_176, %get3A_177] {strides = array<i32>} : memref<80x64xf32, #tpu.memory_space<vmem>>, vector<16xf32>,
        %add3A_179 = arith.addf %get3A_175, %get3A_178 : vector<16xf32>
        %get3A_180 = arith.index_cast %scan3A_170 : i32 to index
        %get3A_181 = arith.constant 0 : index
        %get3A_182 = tpu.vector_load %arg13[%get3A_180, %get3A_181] {strides = array<i32>} : memref<80x64xf32, #tpu.memory_space<vmem>>, vector<16xf32>,
        %add3A_183 = arith.addf %add3A_179, %get3A_182 : vector<16xf32>
        %gt3A = arith.constant 0.000000e+00 : f32
        %gt3A_184 = vector.broadcast %gt3A : f32 to vector<16xf32>
        %gt3A_185 = arith.cmpf ogt, %add3A_183, %gt3A_184 : vector<16xf32>
        %mul3A_186 = arith.constant 2.000000e-01 : f32
        %mul3A_187 = vector.broadcast %mul3A_186 : f32 to vector<16xf32>
        %mul3A_188 = arith.mulf %mul3A_187, %add3A_183 : vector<16xf32>
        %select_n3A_189 = arith.select %gt3A_185, %add3A_183, %mul3A_188 : vector<16xi1>, vector<16xf32>
        %get3A_190 = arith.constant 0 : index
        %get3A_191 = tpu.vector_load %arg21[%get3A_190] {strides = array<i32>} : memref<64xf32, #tpu.memory_space<vmem>>, vector<16xf32>,
        %mul3A_192 = arith.mulf %select_n3A_189, %get3A_191 : vector<16xf32>
        %add3A_193 = arith.addf %broadcast_in_dim3A_173, %mul3A_192 : vector<16xf32>
        %get3A_194 = arith.index_cast %scan3A_170 : i32 to index
        %get3A_195 = arith.constant 16 : index
        %get3A_196 = tpu.vector_load %arg11[%get3A_194, %get3A_195] {strides = array<i32>} : memref<80x64xf32, #tpu.memory_space<vmem>>, vector<16xf32>,
        %get3A_197 = arith.index_cast %scan3A_170 : i32 to index
        %get3A_198 = arith.constant 16 : index
        %get3A_199 = tpu.vector_load %arg12[%get3A_197, %get3A_198] {strides = array<i32>} : memref<80x64xf32, #tpu.memory_space<vmem>>, vector<16xf32>,
        %add3A_200 = arith.addf %get3A_196, %get3A_199 : vector<16xf32>
        %get3A_201 = arith.index_cast %scan3A_170 : i32 to index
        %get3A_202 = arith.constant 16 : index
        %get3A_203 = tpu.vector_load %arg13[%get3A_201, %get3A_202] {strides = array<i32>} : memref<80x64xf32, #tpu.memory_space<vmem>>, vector<16xf32>,
        %add3A_204 = arith.addf %add3A_200, %get3A_203 : vector<16xf32>
        %gt3A_205 = arith.constant 0.000000e+00 : f32
        %gt3A_206 = vector.broadcast %gt3A_205 : f32 to vector<16xf32>
        %gt3A_207 = arith.cmpf ogt, %add3A_204, %gt3A_206 : vector<16xf32>
        %mul3A_208 = arith.constant 2.000000e-01 : f32
        %mul3A_209 = vector.broadcast %mul3A_208 : f32 to vector<16xf32>
        %mul3A_210 = arith.mulf %mul3A_209, %add3A_204 : vector<16xf32>
        %select_n3A_211 = arith.select %gt3A_207, %add3A_204, %mul3A_210 : vector<16xi1>, vector<16xf32>
        %get3A_212 = arith.constant 16 : index
        %get3A_213 = tpu.vector_load %arg21[%get3A_212] {strides = array<i32>} : memref<64xf32, #tpu.memory_space<vmem>>, vector<16xf32>,
        %mul3A_214 = arith.mulf %select_n3A_211, %get3A_213 : vector<16xf32>
        %add3A_215 = arith.addf %add3A_193, %mul3A_214 : vector<16xf32>
        %get3A_216 = arith.index_cast %scan3A_170 : i32 to index
        %get3A_217 = arith.constant 32 : index
        %get3A_218 = tpu.vector_load %arg11[%get3A_216, %get3A_217] {strides = array<i32>} : memref<80x64xf32, #tpu.memory_space<vmem>>, vector<16xf32>,
        %get3A_219 = arith.index_cast %scan3A_170 : i32 to index
        %get3A_220 = arith.constant 32 : index
        %get3A_221 = tpu.vector_load %arg12[%get3A_219, %get3A_220] {strides = array<i32>} : memref<80x64xf32, #tpu.memory_space<vmem>>, vector<16xf32>,
        %add3A_222 = arith.addf %get3A_218, %get3A_221 : vector<16xf32>
        %get3A_223 = arith.index_cast %scan3A_170 : i32 to index
        %get3A_224 = arith.constant 32 : index
        %get3A_225 = tpu.vector_load %arg13[%get3A_223, %get3A_224] {strides = array<i32>} : memref<80x64xf32, #tpu.memory_space<vmem>>, vector<16xf32>,
        %add3A_226 = arith.addf %add3A_222, %get3A_225 : vector<16xf32>
        %gt3A_227 = arith.constant 0.000000e+00 : f32
        %gt3A_228 = vector.broadcast %gt3A_227 : f32 to vector<16xf32>
        %gt3A_229 = arith.cmpf ogt, %add3A_226, %gt3A_228 : vector<16xf32>
        %mul3A_230 = arith.constant 2.000000e-01 : f32
        %mul3A_231 = vector.broadcast %mul3A_230 : f32 to vector<16xf32>
        %mul3A_232 = arith.mulf %mul3A_231, %add3A_226 : vector<16xf32>
        %select_n3A_233 = arith.select %gt3A_229, %add3A_226, %mul3A_232 : vector<16xi1>, vector<16xf32>
        %get3A_234 = arith.constant 32 : index
        %get3A_235 = tpu.vector_load %arg21[%get3A_234] {strides = array<i32>} : memref<64xf32, #tpu.memory_space<vmem>>, vector<16xf32>,
        %mul3A_236 = arith.mulf %select_n3A_233, %get3A_235 : vector<16xf32>
        %add3A_237 = arith.addf %add3A_215, %mul3A_236 : vector<16xf32>
        %get3A_238 = arith.index_cast %scan3A_170 : i32 to index
        %get3A_239 = arith.constant 48 : index
        %get3A_240 = tpu.vector_load %arg11[%get3A_238, %get3A_239] {strides = array<i32>} : memref<80x64xf32, #tpu.memory_space<vmem>>, vector<16xf32>,
        %get3A_241 = arith.index_cast %scan3A_170 : i32 to index
        %get3A_242 = arith.constant 48 : index
        %get3A_243 = tpu.vector_load %arg12[%get3A_241, %get3A_242] {strides = array<i32>} : memref<80x64xf32, #tpu.memory_space<vmem>>, vector<16xf32>,
        %add3A_244 = arith.addf %get3A_240, %get3A_243 : vector<16xf32>
        %get3A_245 = arith.index_cast %scan3A_170 : i32 to index
        %get3A_246 = arith.constant 48 : index
        %get3A_247 = tpu.vector_load %arg13[%get3A_245, %get3A_246] {strides = array<i32>} : memref<80x64xf32, #tpu.memory_space<vmem>>, vector<16xf32>,
        %add3A_248 = arith.addf %add3A_244, %get3A_247 : vector<16xf32>
        %gt3A_249 = arith.constant 0.000000e+00 : f32
        %gt3A_250 = vector.broadcast %gt3A_249 : f32 to vector<16xf32>
        %gt3A_251 = arith.cmpf ogt, %add3A_248, %gt3A_250 : vector<16xf32>
        %mul3A_252 = arith.constant 2.000000e-01 : f32
        %mul3A_253 = vector.broadcast %mul3A_252 : f32 to vector<16xf32>
        %mul3A_254 = arith.mulf %mul3A_253, %add3A_248 : vector<16xf32>
        %select_n3A_255 = arith.select %gt3A_251, %add3A_248, %mul3A_254 : vector<16xi1>, vector<16xf32>
        %get3A_256 = arith.constant 48 : index
        %get3A_257 = tpu.vector_load %arg21[%get3A_256] {strides = array<i32>} : memref<64xf32, #tpu.memory_space<vmem>>, vector<16xf32>,
        %mul3A_258 = arith.mulf %select_n3A_255, %get3A_257 : vector<16xf32>
        %add3A_259 = arith.addf %add3A_237, %mul3A_258 : vector<16xf32>
        %swap3A = arith.constant 0 : index
        %swap3A_260 = tpu.vector_load %arg22[%swap3A] {strides = array<i32>} : memref<16xf32, #tpu.memory_space<vmem>>, vector<16xf32>,
        tpu.vector_store %arg22[%swap3A], %add3A_259 {strides = array<i32>} : memref<16xf32, #tpu.memory_space<vmem>>, vector<16xf32>,
        %get3A_261 = arith.constant 0 : index
        %get3A_262 = tpu.vector_load %arg22[%get3A_261] {strides = array<i32>} : memref<16xf32, #tpu.memory_space<vmem>>, vector<16xf32>,
        %xor3A = arith.constant 1 : i32
        %xor3A_263 = vector.broadcast %xor3A : i32 to vector<16xi32>
        %xor3A_264 = arith.xori %iota3A_110, %xor3A_263 : vector<16xi32>
        %gather3A = tpu.vector_load_idx %arg22[%xor3A_264] : memref<16xf32, #tpu.memory_space<vmem>>[vector<16xi32>], vector<16xf32>,
        %add3A_265 = arith.addf %get3A_262, %gather3A : vector<16xf32>
        %swap3A_266 = arith.constant 0 : index
        %swap3A_267 = tpu.vector_load %arg22[%swap3A_266] {strides = array<i32>} : memref<16xf32, #tpu.memory_space<vmem>>, vector<16xf32>,
        tpu.vector_store %arg22[%swap3A_266], %add3A_265 {strides = array<i32>} : memref<16xf32, #tpu.memory_space<vmem>>, vector<16xf32>,
        %get3A_268 = arith.constant 0 : index
        %get3A_269 = tpu.vector_load %arg22[%get3A_268] {strides = array<i32>} : memref<16xf32, #tpu.memory_space<vmem>>, vector<16xf32>,
        %xor3A_270 = arith.constant 2 : i32
        %xor3A_271 = vector.broadcast %xor3A_270 : i32 to vector<16xi32>
        %xor3A_272 = arith.xori %iota3A_110, %xor3A_271 : vector<16xi32>
        %gather3A_273 = tpu.vector_load_idx %arg22[%xor3A_272] : memref<16xf32, #tpu.memory_space<vmem>>[vector<16xi32>], vector<16xf32>,
        %add3A_274 = arith.addf %get3A_269, %gather3A_273 : vector<16xf32>
        %swap3A_275 = arith.constant 0 : index
        %swap3A_276 = tpu.vector_load %arg22[%swap3A_275] {strides = array<i32>} : memref<16xf32, #tpu.memory_space<vmem>>, vector<16xf32>,
        tpu.vector_store %arg22[%swap3A_275], %add3A_274 {strides = array<i32>} : memref<16xf32, #tpu.memory_space<vmem>>, vector<16xf32>,
        %get3A_277 = arith.constant 0 : index
        %get3A_278 = tpu.vector_load %arg22[%get3A_277] {strides = array<i32>} : memref<16xf32, #tpu.memory_space<vmem>>, vector<16xf32>,
        %xor3A_279 = arith.constant 4 : i32
        %xor3A_280 = vector.broadcast %xor3A_279 : i32 to vector<16xi32>
        %xor3A_281 = arith.xori %iota3A_110, %xor3A_280 : vector<16xi32>
        %gather3A_282 = tpu.vector_load_idx %arg22[%xor3A_281] : memref<16xf32, #tpu.memory_space<vmem>>[vector<16xi32>], vector<16xf32>,
        %add3A_283 = arith.addf %get3A_278, %gather3A_282 : vector<16xf32>
        %swap3A_284 = arith.constant 0 : index
        %swap3A_285 = tpu.vector_load %arg22[%swap3A_284] {strides = array<i32>} : memref<16xf32, #tpu.memory_space<vmem>>, vector<16xf32>,
        tpu.vector_store %arg22[%swap3A_284], %add3A_283 {strides = array<i32>} : memref<16xf32, #tpu.memory_space<vmem>>, vector<16xf32>,
        %get3A_286 = arith.constant 0 : index
        %get3A_287 = tpu.vector_load %arg22[%get3A_286] {strides = array<i32>} : memref<16xf32, #tpu.memory_space<vmem>>, vector<16xf32>,
        %xor3A_288 = arith.constant 8 : i32
        %xor3A_289 = vector.broadcast %xor3A_288 : i32 to vector<16xi32>
        %xor3A_290 = arith.xori %iota3A_110, %xor3A_289 : vector<16xi32>
        %gather3A_291 = tpu.vector_load_idx %arg22[%xor3A_290] : memref<16xf32, #tpu.memory_space<vmem>>[vector<16xi32>], vector<16xf32>,
        %add3A_292 = arith.addf %get3A_287, %gather3A_291 : vector<16xf32>
        %swap3A_293 = arith.constant 0 : index
        %swap3A_294 = tpu.vector_load %arg22[%swap3A_293] {strides = array<i32>} : memref<16xf32, #tpu.memory_space<vmem>>, vector<16xf32>,
        tpu.vector_store %arg22[%swap3A_293], %add3A_292 {strides = array<i32>} : memref<16xf32, #tpu.memory_space<vmem>>, vector<16xf32>,
        %get3A_295 = arith.constant 0 : index
        %get3A_296 = tpu.vector_load %arg22[%get3A_295] {strides = array<i32>} : memref<16xf32, #tpu.memory_space<vmem>>, vector<16xf32>,
        %exp3A = math.exp %get3A_296 : vector<16xf32>
        %get3A_297 = arith.index_cast %scan3A_170 : i32 to index
        %get3A_298 = arith.constant 0 : index
        %get3A_299 = tpu.vector_load %arg11[%get3A_297, %get3A_298] {strides = array<i32>} : memref<80x64xf32, #tpu.memory_space<vmem>>, vector<16xf32>,
        %mul3A_300 = arith.mulf %exp3A, %get3A_299 : vector<16xf32>
        %swap3A_301 = arith.index_cast %scan3A_170 : i32 to index
        %swap3A_302 = arith.constant 0 : index
        %swap3A_303 = tpu.vector_load %arg19[%swap3A_301, %swap3A_302] {strides = array<i32>} : memref<80x80xf32, #tpu.memory_space<vmem>>, vector<16xf32>,
        tpu.vector_store %arg19[%swap3A_301, %swap3A_302], %mul3A_300 {strides = array<i32>} : memref<80x80xf32, #tpu.memory_space<vmem>>, vector<16xf32>,
        %get3A_304 = arith.index_cast %scan3A_170 : i32 to index
        %get3A_305 = arith.constant 16 : index
        %get3A_306 = tpu.vector_load %arg11[%get3A_304, %get3A_305] {strides = array<i32>} : memref<80x64xf32, #tpu.memory_space<vmem>>, vector<16xf32>,
        %mul3A_307 = arith.mulf %exp3A, %get3A_306 : vector<16xf32>
        %swap3A_308 = arith.index_cast %scan3A_170 : i32 to index
        %swap3A_309 = arith.constant 16 : index
        %swap3A_310 = tpu.vector_load %arg19[%swap3A_308, %swap3A_309] {strides = array<i32>} : memref<80x80xf32, #tpu.memory_space<vmem>>, vector<16xf32>,
        tpu.vector_store %arg19[%swap3A_308, %swap3A_309], %mul3A_307 {strides = array<i32>} : memref<80x80xf32, #tpu.memory_space<vmem>>, vector<16xf32>,
        %get3A_311 = arith.index_cast %scan3A_170 : i32 to index
        %get3A_312 = arith.constant 32 : index
        %get3A_313 = tpu.vector_load %arg11[%get3A_311, %get3A_312] {strides = array<i32>} : memref<80x64xf32, #tpu.memory_space<vmem>>, vector<16xf32>,
        %mul3A_314 = arith.mulf %exp3A, %get3A_313 : vector<16xf32>
        %swap3A_315 = arith.index_cast %scan3A_170 : i32 to index
        %swap3A_316 = arith.constant 32 : index
        %swap3A_317 = tpu.vector_load %arg19[%swap3A_315, %swap3A_316] {strides = array<i32>} : memref<80x80xf32, #tpu.memory_space<vmem>>, vector<16xf32>,
        tpu.vector_store %arg19[%swap3A_315, %swap3A_316], %mul3A_314 {strides = array<i32>} : memref<80x80xf32, #tpu.memory_space<vmem>>, vector<16xf32>,
        %get3A_318 = arith.index_cast %scan3A_170 : i32 to index
        %get3A_319 = arith.constant 48 : index
        %get3A_320 = tpu.vector_load %arg11[%get3A_318, %get3A_319] {strides = array<i32>} : memref<80x64xf32, #tpu.memory_space<vmem>>, vector<16xf32>,
        %mul3A_321 = arith.mulf %exp3A, %get3A_320 : vector<16xf32>
        %swap3A_322 = arith.index_cast %scan3A_170 : i32 to index
        %swap3A_323 = arith.constant 48 : index
        %swap3A_324 = tpu.vector_load %arg19[%swap3A_322, %swap3A_323] {strides = array<i32>} : memref<80x80xf32, #tpu.memory_space<vmem>>, vector<16xf32>,
        tpu.vector_store %arg19[%swap3A_322, %swap3A_323], %mul3A_321 {strides = array<i32>} : memref<80x80xf32, #tpu.memory_space<vmem>>, vector<16xf32>,
        %mul3A_325 = arith.mulf %exp3A, %select_n3A_118 : vector<16xf32>
        %swap3A_326 = arith.index_cast %scan3A_170 : i32 to index
        %swap3A_327 = arith.constant 64 : index
        %swap3A_328 = tpu.vector_load %arg19[%swap3A_326, %swap3A_327] {strides = array<i32>} : memref<80x80xf32, #tpu.memory_space<vmem>>, vector<16xf32>,
        tpu.vector_store %arg19[%swap3A_326, %swap3A_327], %mul3A_325 {strides = array<i32>} : memref<80x80xf32, #tpu.memory_space<vmem>>, vector<16xf32>,
        %scan3A_329 = arith.constant 0 : i32
        scf.yield %scan3A_329 : i32
      }
      %scan3A_125 = arith.constant 80 : i32
      "tpu.region"() ({
        %run_scoped3A = tpu.sem_alloc : memref<!tpu.dma_semaphore, #tpu.memory_space<semaphore_mem>>
        %dma_start3A_170 = arith.constant 0 : i32
        %dma_start3A_171 = arith.constant 0 : i32
        %dma_start3A_172 = tpu.memref_slice %arg23[%dma_start3A_170, %dma_start3A_171] : memref<10000x80xf32, #tpu.memory_space<vmem_shared>> -> memref<10000x80xf32, #tpu.memory_space<vmem_shared>>
        tpu.enqueue_indirect_dma source(%arg19 : memref<80x80xf32, #tpu.memory_space<vmem>>) target(%dma_start3A_172 : memref<10000x80xf32, #tpu.memory_space<vmem_shared>>) offsets(%arg10 : memref<80xi32, #tpu.memory_space<vmem>>) semaphore(%run_scoped3A : memref<!tpu.dma_semaphore, #tpu.memory_space<semaphore_mem>>) {add = true}
        %dma_wait3A_173 = arith.constant 0 : i32
        %dma_wait3A_174 = arith.constant 0 : i32
        %dma_wait3A_175 = tpu.memref_slice %arg23[%dma_wait3A_173, %dma_wait3A_174] : memref<10000x80xf32, #tpu.memory_space<vmem_shared>> -> memref<10000x80xf32, #tpu.memory_space<vmem_shared>>
        tpu.wait_indirect_dma semaphore(%run_scoped3A : memref<!tpu.dma_semaphore, #tpu.memory_space<semaphore_mem>>) src(%arg19 : memref<80x80xf32, #tpu.memory_space<vmem>>) dst(%dma_wait3A_175 : memref<10000x80xf32, #tpu.memory_space<vmem_shared>>)
        tpu.yield
      }) : () -> ()
      %dma_wait3A_126 = arith.constant 0 : i32
      %dma_wait3A_127 = arith.constant 0 : i32
      %dma_wait3A_128 = tpu.memref_slice %arg4[%dma_wait3A_126, %dma_wait3A_127] : memref<10000x64xf32, #tpu.memory_space<hbm>> -> memref<10000x64xf32, #tpu.memory_space<hbm>>
      tpu.wait_indirect_dma semaphore(%arg27 : memref<!tpu.dma_semaphore, #tpu.memory_space<semaphore_mem>>) src(%dma_wait3A_128 : memref<10000x64xf32, #tpu.memory_space<hbm>>) dst(%arg16 : memref<80x64xf32, #tpu.memory_space<vmem>>)
      %dma_wait3A_129 = arith.constant 0 : i32
      %dma_wait3A_130 = arith.constant 0 : i32
      %dma_wait3A_131 = tpu.memref_slice %arg5[%dma_wait3A_129, %dma_wait3A_130] : memref<10000x64xf32, #tpu.memory_space<hbm>> -> memref<10000x64xf32, #tpu.memory_space<hbm>>
      tpu.wait_indirect_dma semaphore(%arg28 : memref<!tpu.dma_semaphore, #tpu.memory_space<semaphore_mem>>) src(%dma_wait3A_131 : memref<10000x64xf32, #tpu.memory_space<hbm>>) dst(%arg17 : memref<80x64xf32, #tpu.memory_space<vmem>>)
      %dma_wait3A_132 = arith.constant 0 : i32
      %dma_wait3A_133 = arith.constant 0 : i32
      %dma_wait3A_134 = tpu.memref_slice %arg6[%dma_wait3A_132, %dma_wait3A_133] : memref<320000x64xf32, #tpu.memory_space<hbm>> -> memref<80x64xf32, #tpu.memory_space<hbm>>
      %dma_wait3A_135 = arith.constant 0 : i32
      %dma_wait3A_136 = arith.constant 0 : i32
      %dma_wait3A_137 = tpu.memref_slice %arg6[%dma_wait3A_135, %dma_wait3A_136] : memref<320000x64xf32, #tpu.memory_space<hbm>> -> memref<80x64xf32, #tpu.memory_space<hbm>>
      tpu.wait_dma2 semaphore(%arg29 : memref<!tpu.dma_semaphore, #tpu.memory_space<semaphore_mem>>) src(%dma_wait3A_137 : memref<80x64xf32, #tpu.memory_space<hbm>>) dst(%arg18 : memref<80x64xf32, #tpu.memory_space<vmem>>)
      %add3A_138 = arith.constant 2 : i32
      %add3A_139 = arith.addi %mul3A_82, %add3A_138 : i32
      %mul3A_140 = arith.constant 80 : i32
      %mul3A_141 = arith.muli %add3A_139, %mul3A_140 : i32
      %add3A_142 = arith.addi %mul3A_28, %mul3A_141 : i32
      "tpu.region"() ({
        %run_scoped3A = tpu.sem_alloc : memref<!tpu.dma_semaphore, #tpu.memory_space<semaphore_mem>>
        %dma_start3A_170 = tpu.memref_slice %arg2[%add3A_142] : memref<320000xi32, #tpu.memory_space<hbm>> -> memref<80xi32, #tpu.memory_space<hbm>>
        %dma_start3A_171 = tpu.memref_slice %arg2[%add3A_142] : memref<320000xi32, #tpu.memory_space<hbm>> -> memref<80xi32, #tpu.memory_space<hbm>>
        tpu.enqueue_dma source(%dma_start3A_171 : memref<80xi32, #tpu.memory_space<hbm>>) target(%arg9 : memref<80xi32, #tpu.memory_space<vmem>>) target_semaphore(%run_scoped3A : memref<!tpu.dma_semaphore, #tpu.memory_space<semaphore_mem>>)
        %dma_wait3A_172 = tpu.memref_slice %arg2[%add3A_142] : memref<320000xi32, #tpu.memory_space<hbm>> -> memref<80xi32, #tpu.memory_space<hbm>>
        %dma_wait3A_173 = tpu.memref_slice %arg2[%add3A_142] : memref<320000xi32, #tpu.memory_space<hbm>> -> memref<80xi32, #tpu.memory_space<hbm>>
        tpu.wait_dma2 semaphore(%run_scoped3A : memref<!tpu.dma_semaphore, #tpu.memory_space<semaphore_mem>>) src(%dma_wait3A_173 : memref<80xi32, #tpu.memory_space<hbm>>) dst(%arg9 : memref<80xi32, #tpu.memory_space<vmem>>)
        tpu.yield
      }) : () -> ()
      "tpu.region"() ({
        %run_scoped3A = tpu.sem_alloc : memref<!tpu.dma_semaphore, #tpu.memory_space<semaphore_mem>>
        %dma_start3A_170 = tpu.memref_slice %arg3[%add3A_142] : memref<320000xi32, #tpu.memory_space<hbm>> -> memref<80xi32, #tpu.memory_space<hbm>>
        %dma_start3A_171 = tpu.memref_slice %arg3[%add3A_142] : memref<320000xi32, #tpu.memory_space<hbm>> -> memref<80xi32, #tpu.memory_space<hbm>>
        tpu.enqueue_dma source(%dma_start3A_171 : memref<80xi32, #tpu.memory_space<hbm>>) target(%arg10 : memref<80xi32, #tpu.memory_space<vmem>>) target_semaphore(%run_scoped3A : memref<!tpu.dma_semaphore, #tpu.memory_space<semaphore_mem>>)
        %dma_wait3A_172 = tpu.memref_slice %arg3[%add3A_142] : memref<320000xi32, #tpu.memory_space<hbm>> -> memref<80xi32, #tpu.memory_space<hbm>>
        %dma_wait3A_173 = tpu.memref_slice %arg3[%add3A_142] : memref<320000xi32, #tpu.memory_space<hbm>> -> memref<80xi32, #tpu.memory_space<hbm>>
        tpu.wait_dma2 semaphore(%run_scoped3A : memref<!tpu.dma_semaphore, #tpu.memory_space<semaphore_mem>>) src(%dma_wait3A_173 : memref<80xi32, #tpu.memory_space<hbm>>) dst(%arg10 : memref<80xi32, #tpu.memory_space<vmem>>)
        tpu.yield
      }) : () -> ()
      %dma_start3A_143 = arith.constant 0 : i32
      %dma_start3A_144 = arith.constant 0 : i32
      %dma_start3A_145 = tpu.memref_slice %arg4[%dma_start3A_143, %dma_start3A_144] : memref<10000x64xf32, #tpu.memory_space<hbm>> -> memref<10000x64xf32, #tpu.memory_space<hbm>>
      tpu.enqueue_indirect_dma source(%dma_start3A_145 : memref<10000x64xf32, #tpu.memory_space<hbm>>) target(%arg11 : memref<80x64xf32, #tpu.memory_space<vmem>>) offsets(%arg9 : memref<80xi32, #tpu.memory_space<vmem>>) semaphore(%arg24 : memref<!tpu.dma_semaphore, #tpu.memory_space<semaphore_mem>>)
      %dma_start3A_146 = arith.constant 0 : i32
      %dma_start3A_147 = arith.constant 0 : i32
      %dma_start3A_148 = tpu.memref_slice %arg5[%dma_start3A_146, %dma_start3A_147] : memref<10000x64xf32, #tpu.memory_space<hbm>> -> memref<10000x64xf32, #tpu.memory_space<hbm>>
      tpu.enqueue_indirect_dma source(%dma_start3A_148 : memref<10000x64xf32, #tpu.memory_space<hbm>>) target(%arg12 : memref<80x64xf32, #tpu.memory_space<vmem>>) offsets(%arg10 : memref<80xi32, #tpu.memory_space<vmem>>) semaphore(%arg25 : memref<!tpu.dma_semaphore, #tpu.memory_space<semaphore_mem>>)
      %dma_start3A_149 = arith.constant 0 : i32
      %dma_start3A_150 = tpu.memref_slice %arg6[%add3A_142, %dma_start3A_149] : memref<320000x64xf32, #tpu.memory_space<hbm>> -> memref<80x64xf32, #tpu.memory_space<hbm>>
      %dma_start3A_151 = arith.constant 0 : i32
      %dma_start3A_152 = tpu.memref_slice %arg6[%add3A_142, %dma_start3A_151] : memref<320000x64xf32, #tpu.memory_space<hbm>> -> memref<80x64xf32, #tpu.memory_space<hbm>>
      tpu.enqueue_dma source(%dma_start3A_152 : memref<80x64xf32, #tpu.memory_space<hbm>>) target(%arg13 : memref<80x64xf32, #tpu.memory_space<vmem>>) target_semaphore(%arg26 : memref<!tpu.dma_semaphore, #tpu.memory_space<semaphore_mem>>)
      %iota3A_153 = tpu.iota {dimensions = array<i32: 0>} : vector<16xi32>
      %eq3A_154 = arith.constant 0 : i32
      %eq3A_155 = vector.broadcast %eq3A_154 : i32 to vector<16xi32>
      %eq3A_156 = arith.cmpi eq, %iota3A_153, %eq3A_155 : vector<16xi32>
      %jit3A_157 = arith.constant 1.000000e+00 : f32
      %jit3A_158 = arith.constant 0.000000e+00 : f32
      %broadcast_in_dim3A_159 = vector.broadcast %jit3A_157 : f32 to vector<16xf32>
      %broadcast_in_dim3A_160 = vector.broadcast %jit3A_158 : f32 to vector<16xf32>
      %select_n3A_161 = arith.select %eq3A_156, %broadcast_in_dim3A_159, %broadcast_in_dim3A_160 : vector<16xi1>, vector<16xf32>
      %scan3A_162 = arith.constant 0 : i32
      %scan3A_163 = arith.constant 0 : i32
      %scan3A_164 = arith.constant 80 : i32
      %scan3A_165 = arith.addi %scan3A_163, %scan3A_164 : i32
      %scan3A_166 = arith.constant 1 : i32
      %scan3A_167 = scf.for %scan3A_170 = %scan3A_163 to %scan3A_165 step %scan3A_166 iter_args(%scan3A_171 = %scan3A_162) -> (i32)  : i32 {
        %broadcast_in_dim3A_172 = arith.constant 0.000000e+00 : f32
        %broadcast_in_dim3A_173 = vector.broadcast %broadcast_in_dim3A_172 : f32 to vector<16xf32>
        %get3A = arith.index_cast %scan3A_170 : i32 to index
        %get3A_174 = arith.constant 0 : index
        %get3A_175 = tpu.vector_load %arg16[%get3A, %get3A_174] {strides = array<i32>} : memref<80x64xf32, #tpu.memory_space<vmem>>, vector<16xf32>,
        %get3A_176 = arith.index_cast %scan3A_170 : i32 to index
        %get3A_177 = arith.constant 0 : index
        %get3A_178 = tpu.vector_load %arg17[%get3A_176, %get3A_177] {strides = array<i32>} : memref<80x64xf32, #tpu.memory_space<vmem>>, vector<16xf32>,
        %add3A_179 = arith.addf %get3A_175, %get3A_178 : vector<16xf32>
        %get3A_180 = arith.index_cast %scan3A_170 : i32 to index
        %get3A_181 = arith.constant 0 : index
        %get3A_182 = tpu.vector_load %arg18[%get3A_180, %get3A_181] {strides = array<i32>} : memref<80x64xf32, #tpu.memory_space<vmem>>, vector<16xf32>,
        %add3A_183 = arith.addf %add3A_179, %get3A_182 : vector<16xf32>
        %gt3A = arith.constant 0.000000e+00 : f32
        %gt3A_184 = vector.broadcast %gt3A : f32 to vector<16xf32>
        %gt3A_185 = arith.cmpf ogt, %add3A_183, %gt3A_184 : vector<16xf32>
        %mul3A_186 = arith.constant 2.000000e-01 : f32
        %mul3A_187 = vector.broadcast %mul3A_186 : f32 to vector<16xf32>
        %mul3A_188 = arith.mulf %mul3A_187, %add3A_183 : vector<16xf32>
        %select_n3A_189 = arith.select %gt3A_185, %add3A_183, %mul3A_188 : vector<16xi1>, vector<16xf32>
        %get3A_190 = arith.constant 0 : index
        %get3A_191 = tpu.vector_load %arg21[%get3A_190] {strides = array<i32>} : memref<64xf32, #tpu.memory_space<vmem>>, vector<16xf32>,
        %mul3A_192 = arith.mulf %select_n3A_189, %get3A_191 : vector<16xf32>
        %add3A_193 = arith.addf %broadcast_in_dim3A_173, %mul3A_192 : vector<16xf32>
        %get3A_194 = arith.index_cast %scan3A_170 : i32 to index
        %get3A_195 = arith.constant 16 : index
        %get3A_196 = tpu.vector_load %arg16[%get3A_194, %get3A_195] {strides = array<i32>} : memref<80x64xf32, #tpu.memory_space<vmem>>, vector<16xf32>,
        %get3A_197 = arith.index_cast %scan3A_170 : i32 to index
        %get3A_198 = arith.constant 16 : index
        %get3A_199 = tpu.vector_load %arg17[%get3A_197, %get3A_198] {strides = array<i32>} : memref<80x64xf32, #tpu.memory_space<vmem>>, vector<16xf32>,
        %add3A_200 = arith.addf %get3A_196, %get3A_199 : vector<16xf32>
        %get3A_201 = arith.index_cast %scan3A_170 : i32 to index
        %get3A_202 = arith.constant 16 : index
        %get3A_203 = tpu.vector_load %arg18[%get3A_201, %get3A_202] {strides = array<i32>} : memref<80x64xf32, #tpu.memory_space<vmem>>, vector<16xf32>,
        %add3A_204 = arith.addf %add3A_200, %get3A_203 : vector<16xf32>
        %gt3A_205 = arith.constant 0.000000e+00 : f32
        %gt3A_206 = vector.broadcast %gt3A_205 : f32 to vector<16xf32>
        %gt3A_207 = arith.cmpf ogt, %add3A_204, %gt3A_206 : vector<16xf32>
        %mul3A_208 = arith.constant 2.000000e-01 : f32
        %mul3A_209 = vector.broadcast %mul3A_208 : f32 to vector<16xf32>
        %mul3A_210 = arith.mulf %mul3A_209, %add3A_204 : vector<16xf32>
        %select_n3A_211 = arith.select %gt3A_207, %add3A_204, %mul3A_210 : vector<16xi1>, vector<16xf32>
        %get3A_212 = arith.constant 16 : index
        %get3A_213 = tpu.vector_load %arg21[%get3A_212] {strides = array<i32>} : memref<64xf32, #tpu.memory_space<vmem>>, vector<16xf32>,
        %mul3A_214 = arith.mulf %select_n3A_211, %get3A_213 : vector<16xf32>
        %add3A_215 = arith.addf %add3A_193, %mul3A_214 : vector<16xf32>
        %get3A_216 = arith.index_cast %scan3A_170 : i32 to index
        %get3A_217 = arith.constant 32 : index
        %get3A_218 = tpu.vector_load %arg16[%get3A_216, %get3A_217] {strides = array<i32>} : memref<80x64xf32, #tpu.memory_space<vmem>>, vector<16xf32>,
        %get3A_219 = arith.index_cast %scan3A_170 : i32 to index
        %get3A_220 = arith.constant 32 : index
        %get3A_221 = tpu.vector_load %arg17[%get3A_219, %get3A_220] {strides = array<i32>} : memref<80x64xf32, #tpu.memory_space<vmem>>, vector<16xf32>,
        %add3A_222 = arith.addf %get3A_218, %get3A_221 : vector<16xf32>
        %get3A_223 = arith.index_cast %scan3A_170 : i32 to index
        %get3A_224 = arith.constant 32 : index
        %get3A_225 = tpu.vector_load %arg18[%get3A_223, %get3A_224] {strides = array<i32>} : memref<80x64xf32, #tpu.memory_space<vmem>>, vector<16xf32>,
        %add3A_226 = arith.addf %add3A_222, %get3A_225 : vector<16xf32>
        %gt3A_227 = arith.constant 0.000000e+00 : f32
        %gt3A_228 = vector.broadcast %gt3A_227 : f32 to vector<16xf32>
        %gt3A_229 = arith.cmpf ogt, %add3A_226, %gt3A_228 : vector<16xf32>
        %mul3A_230 = arith.constant 2.000000e-01 : f32
        %mul3A_231 = vector.broadcast %mul3A_230 : f32 to vector<16xf32>
        %mul3A_232 = arith.mulf %mul3A_231, %add3A_226 : vector<16xf32>
        %select_n3A_233 = arith.select %gt3A_229, %add3A_226, %mul3A_232 : vector<16xi1>, vector<16xf32>
        %get3A_234 = arith.constant 32 : index
        %get3A_235 = tpu.vector_load %arg21[%get3A_234] {strides = array<i32>} : memref<64xf32, #tpu.memory_space<vmem>>, vector<16xf32>,
        %mul3A_236 = arith.mulf %select_n3A_233, %get3A_235 : vector<16xf32>
        %add3A_237 = arith.addf %add3A_215, %mul3A_236 : vector<16xf32>
        %get3A_238 = arith.index_cast %scan3A_170 : i32 to index
        %get3A_239 = arith.constant 48 : index
        %get3A_240 = tpu.vector_load %arg16[%get3A_238, %get3A_239] {strides = array<i32>} : memref<80x64xf32, #tpu.memory_space<vmem>>, vector<16xf32>,
        %get3A_241 = arith.index_cast %scan3A_170 : i32 to index
        %get3A_242 = arith.constant 48 : index
        %get3A_243 = tpu.vector_load %arg17[%get3A_241, %get3A_242] {strides = array<i32>} : memref<80x64xf32, #tpu.memory_space<vmem>>, vector<16xf32>,
        %add3A_244 = arith.addf %get3A_240, %get3A_243 : vector<16xf32>
        %get3A_245 = arith.index_cast %scan3A_170 : i32 to index
        %get3A_246 = arith.constant 48 : index
        %get3A_247 = tpu.vector_load %arg18[%get3A_245, %get3A_246] {strides = array<i32>} : memref<80x64xf32, #tpu.memory_space<vmem>>, vector<16xf32>,
        %add3A_248 = arith.addf %add3A_244, %get3A_247 : vector<16xf32>
        %gt3A_249 = arith.constant 0.000000e+00 : f32
        %gt3A_250 = vector.broadcast %gt3A_249 : f32 to vector<16xf32>
        %gt3A_251 = arith.cmpf ogt, %add3A_248, %gt3A_250 : vector<16xf32>
        %mul3A_252 = arith.constant 2.000000e-01 : f32
        %mul3A_253 = vector.broadcast %mul3A_252 : f32 to vector<16xf32>
        %mul3A_254 = arith.mulf %mul3A_253, %add3A_248 : vector<16xf32>
        %select_n3A_255 = arith.select %gt3A_251, %add3A_248, %mul3A_254 : vector<16xi1>, vector<16xf32>
        %get3A_256 = arith.constant 48 : index
        %get3A_257 = tpu.vector_load %arg21[%get3A_256] {strides = array<i32>} : memref<64xf32, #tpu.memory_space<vmem>>, vector<16xf32>,
        %mul3A_258 = arith.mulf %select_n3A_255, %get3A_257 : vector<16xf32>
        %add3A_259 = arith.addf %add3A_237, %mul3A_258 : vector<16xf32>
        %swap3A = arith.constant 0 : index
        %swap3A_260 = tpu.vector_load %arg22[%swap3A] {strides = array<i32>} : memref<16xf32, #tpu.memory_space<vmem>>, vector<16xf32>,
        tpu.vector_store %arg22[%swap3A], %add3A_259 {strides = array<i32>} : memref<16xf32, #tpu.memory_space<vmem>>, vector<16xf32>,
        %get3A_261 = arith.constant 0 : index
        %get3A_262 = tpu.vector_load %arg22[%get3A_261] {strides = array<i32>} : memref<16xf32, #tpu.memory_space<vmem>>, vector<16xf32>,
        %xor3A = arith.constant 1 : i32
        %xor3A_263 = vector.broadcast %xor3A : i32 to vector<16xi32>
        %xor3A_264 = arith.xori %iota3A_153, %xor3A_263 : vector<16xi32>
        %gather3A = tpu.vector_load_idx %arg22[%xor3A_264] : memref<16xf32, #tpu.memory_space<vmem>>[vector<16xi32>], vector<16xf32>,
        %add3A_265 = arith.addf %get3A_262, %gather3A : vector<16xf32>
        %swap3A_266 = arith.constant 0 : index
        %swap3A_267 = tpu.vector_load %arg22[%swap3A_266] {strides = array<i32>} : memref<16xf32, #tpu.memory_space<vmem>>, vector<16xf32>,
        tpu.vector_store %arg22[%swap3A_266], %add3A_265 {strides = array<i32>} : memref<16xf32, #tpu.memory_space<vmem>>, vector<16xf32>,
        %get3A_268 = arith.constant 0 : index
        %get3A_269 = tpu.vector_load %arg22[%get3A_268] {strides = array<i32>} : memref<16xf32, #tpu.memory_space<vmem>>, vector<16xf32>,
        %xor3A_270 = arith.constant 2 : i32
        %xor3A_271 = vector.broadcast %xor3A_270 : i32 to vector<16xi32>
        %xor3A_272 = arith.xori %iota3A_153, %xor3A_271 : vector<16xi32>
        %gather3A_273 = tpu.vector_load_idx %arg22[%xor3A_272] : memref<16xf32, #tpu.memory_space<vmem>>[vector<16xi32>], vector<16xf32>,
        %add3A_274 = arith.addf %get3A_269, %gather3A_273 : vector<16xf32>
        %swap3A_275 = arith.constant 0 : index
        %swap3A_276 = tpu.vector_load %arg22[%swap3A_275] {strides = array<i32>} : memref<16xf32, #tpu.memory_space<vmem>>, vector<16xf32>,
        tpu.vector_store %arg22[%swap3A_275], %add3A_274 {strides = array<i32>} : memref<16xf32, #tpu.memory_space<vmem>>, vector<16xf32>,
        %get3A_277 = arith.constant 0 : index
        %get3A_278 = tpu.vector_load %arg22[%get3A_277] {strides = array<i32>} : memref<16xf32, #tpu.memory_space<vmem>>, vector<16xf32>,
        %xor3A_279 = arith.constant 4 : i32
        %xor3A_280 = vector.broadcast %xor3A_279 : i32 to vector<16xi32>
        %xor3A_281 = arith.xori %iota3A_153, %xor3A_280 : vector<16xi32>
        %gather3A_282 = tpu.vector_load_idx %arg22[%xor3A_281] : memref<16xf32, #tpu.memory_space<vmem>>[vector<16xi32>], vector<16xf32>,
        %add3A_283 = arith.addf %get3A_278, %gather3A_282 : vector<16xf32>
        %swap3A_284 = arith.constant 0 : index
        %swap3A_285 = tpu.vector_load %arg22[%swap3A_284] {strides = array<i32>} : memref<16xf32, #tpu.memory_space<vmem>>, vector<16xf32>,
        tpu.vector_store %arg22[%swap3A_284], %add3A_283 {strides = array<i32>} : memref<16xf32, #tpu.memory_space<vmem>>, vector<16xf32>,
        %get3A_286 = arith.constant 0 : index
        %get3A_287 = tpu.vector_load %arg22[%get3A_286] {strides = array<i32>} : memref<16xf32, #tpu.memory_space<vmem>>, vector<16xf32>,
        %xor3A_288 = arith.constant 8 : i32
        %xor3A_289 = vector.broadcast %xor3A_288 : i32 to vector<16xi32>
        %xor3A_290 = arith.xori %iota3A_153, %xor3A_289 : vector<16xi32>
        %gather3A_291 = tpu.vector_load_idx %arg22[%xor3A_290] : memref<16xf32, #tpu.memory_space<vmem>>[vector<16xi32>], vector<16xf32>,
        %add3A_292 = arith.addf %get3A_287, %gather3A_291 : vector<16xf32>
        %swap3A_293 = arith.constant 0 : index
        %swap3A_294 = tpu.vector_load %arg22[%swap3A_293] {strides = array<i32>} : memref<16xf32, #tpu.memory_space<vmem>>, vector<16xf32>,
        tpu.vector_store %arg22[%swap3A_293], %add3A_292 {strides = array<i32>} : memref<16xf32, #tpu.memory_space<vmem>>, vector<16xf32>,
        %get3A_295 = arith.constant 0 : index
        %get3A_296 = tpu.vector_load %arg22[%get3A_295] {strides = array<i32>} : memref<16xf32, #tpu.memory_space<vmem>>, vector<16xf32>,
        %exp3A = math.exp %get3A_296 : vector<16xf32>
        %get3A_297 = arith.index_cast %scan3A_170 : i32 to index
        %get3A_298 = arith.constant 0 : index
        %get3A_299 = tpu.vector_load %arg16[%get3A_297, %get3A_298] {strides = array<i32>} : memref<80x64xf32, #tpu.memory_space<vmem>>, vector<16xf32>,
        %mul3A_300 = arith.mulf %exp3A, %get3A_299 : vector<16xf32>
        %swap3A_301 = arith.index_cast %scan3A_170 : i32 to index
        %swap3A_302 = arith.constant 0 : index
        %swap3A_303 = tpu.vector_load %arg19[%swap3A_301, %swap3A_302] {strides = array<i32>} : memref<80x80xf32, #tpu.memory_space<vmem>>, vector<16xf32>,
        tpu.vector_store %arg19[%swap3A_301, %swap3A_302], %mul3A_300 {strides = array<i32>} : memref<80x80xf32, #tpu.memory_space<vmem>>, vector<16xf32>,
        %get3A_304 = arith.index_cast %scan3A_170 : i32 to index
        %get3A_305 = arith.constant 16 : index
        %get3A_306 = tpu.vector_load %arg16[%get3A_304, %get3A_305] {strides = array<i32>} : memref<80x64xf32, #tpu.memory_space<vmem>>, vector<16xf32>,
        %mul3A_307 = arith.mulf %exp3A, %get3A_306 : vector<16xf32>
        %swap3A_308 = arith.index_cast %scan3A_170 : i32 to index
        %swap3A_309 = arith.constant 16 : index
        %swap3A_310 = tpu.vector_load %arg19[%swap3A_308, %swap3A_309] {strides = array<i32>} : memref<80x80xf32, #tpu.memory_space<vmem>>, vector<16xf32>,
        tpu.vector_store %arg19[%swap3A_308, %swap3A_309], %mul3A_307 {strides = array<i32>} : memref<80x80xf32, #tpu.memory_space<vmem>>, vector<16xf32>,
        %get3A_311 = arith.index_cast %scan3A_170 : i32 to index
        %get3A_312 = arith.constant 32 : index
        %get3A_313 = tpu.vector_load %arg16[%get3A_311, %get3A_312] {strides = array<i32>} : memref<80x64xf32, #tpu.memory_space<vmem>>, vector<16xf32>,
        %mul3A_314 = arith.mulf %exp3A, %get3A_313 : vector<16xf32>
        %swap3A_315 = arith.index_cast %scan3A_170 : i32 to index
        %swap3A_316 = arith.constant 32 : index
        %swap3A_317 = tpu.vector_load %arg19[%swap3A_315, %swap3A_316] {strides = array<i32>} : memref<80x80xf32, #tpu.memory_space<vmem>>, vector<16xf32>,
        tpu.vector_store %arg19[%swap3A_315, %swap3A_316], %mul3A_314 {strides = array<i32>} : memref<80x80xf32, #tpu.memory_space<vmem>>, vector<16xf32>,
        %get3A_318 = arith.index_cast %scan3A_170 : i32 to index
        %get3A_319 = arith.constant 48 : index
        %get3A_320 = tpu.vector_load %arg16[%get3A_318, %get3A_319] {strides = array<i32>} : memref<80x64xf32, #tpu.memory_space<vmem>>, vector<16xf32>,
        %mul3A_321 = arith.mulf %exp3A, %get3A_320 : vector<16xf32>
        %swap3A_322 = arith.index_cast %scan3A_170 : i32 to index
        %swap3A_323 = arith.constant 48 : index
        %swap3A_324 = tpu.vector_load %arg19[%swap3A_322, %swap3A_323] {strides = array<i32>} : memref<80x80xf32, #tpu.memory_space<vmem>>, vector<16xf32>,
        tpu.vector_store %arg19[%swap3A_322, %swap3A_323], %mul3A_321 {strides = array<i32>} : memref<80x80xf32, #tpu.memory_space<vmem>>, vector<16xf32>,
        %mul3A_325 = arith.mulf %exp3A, %select_n3A_161 : vector<16xf32>
        %swap3A_326 = arith.index_cast %scan3A_170 : i32 to index
        %swap3A_327 = arith.constant 64 : index
        %swap3A_328 = tpu.vector_load %arg19[%swap3A_326, %swap3A_327] {strides = array<i32>} : memref<80x80xf32, #tpu.memory_space<vmem>>, vector<16xf32>,
        tpu.vector_store %arg19[%swap3A_326, %swap3A_327], %mul3A_325 {strides = array<i32>} : memref<80x80xf32, #tpu.memory_space<vmem>>, vector<16xf32>,
        %scan3A_329 = arith.constant 0 : i32
        scf.yield %scan3A_329 : i32
      }
      %scan3A_168 = arith.constant 80 : i32
      "tpu.region"() ({
        %run_scoped3A = tpu.sem_alloc : memref<!tpu.dma_semaphore, #tpu.memory_space<semaphore_mem>>
        %dma_start3A_170 = arith.constant 0 : i32
        %dma_start3A_171 = arith.constant 0 : i32
        %dma_start3A_172 = tpu.memref_slice %arg23[%dma_start3A_170, %dma_start3A_171] : memref<10000x80xf32, #tpu.memory_space<vmem_shared>> -> memref<10000x80xf32, #tpu.memory_space<vmem_shared>>
        tpu.enqueue_indirect_dma source(%arg19 : memref<80x80xf32, #tpu.memory_space<vmem>>) target(%dma_start3A_172 : memref<10000x80xf32, #tpu.memory_space<vmem_shared>>) offsets(%arg15 : memref<80xi32, #tpu.memory_space<vmem>>) semaphore(%run_scoped3A : memref<!tpu.dma_semaphore, #tpu.memory_space<semaphore_mem>>) {add = true}
        %dma_wait3A_173 = arith.constant 0 : i32
        %dma_wait3A_174 = arith.constant 0 : i32
        %dma_wait3A_175 = tpu.memref_slice %arg23[%dma_wait3A_173, %dma_wait3A_174] : memref<10000x80xf32, #tpu.memory_space<vmem_shared>> -> memref<10000x80xf32, #tpu.memory_space<vmem_shared>>
        tpu.wait_indirect_dma semaphore(%run_scoped3A : memref<!tpu.dma_semaphore, #tpu.memory_space<semaphore_mem>>) src(%arg19 : memref<80x80xf32, #tpu.memory_space<vmem>>) dst(%dma_wait3A_175 : memref<10000x80xf32, #tpu.memory_space<vmem_shared>>)
        tpu.yield
      }) : () -> ()
      %scan3A_169 = arith.constant 0 : i32
      scf.yield %scan3A_169 : i32
    }
    %scan3A_46 = arith.constant 62 : i32
    %dma_wait3A = arith.constant 0 : i32
    %dma_wait3A_47 = arith.constant 0 : i32
    %dma_wait3A_48 = tpu.memref_slice %arg4[%dma_wait3A, %dma_wait3A_47] : memref<10000x64xf32, #tpu.memory_space<hbm>> -> memref<10000x64xf32, #tpu.memory_space<hbm>>
    tpu.wait_indirect_dma semaphore(%arg24 : memref<!tpu.dma_semaphore, #tpu.memory_space<semaphore_mem>>) src(%dma_wait3A_48 : memref<10000x64xf32, #tpu.memory_space<hbm>>) dst(%arg11 : memref<80x64xf32, #tpu.memory_space<vmem>>)
    %dma_wait3A_49 = arith.constant 0 : i32
    %dma_wait3A_50 = arith.constant 0 : i32
    %dma_wait3A_51 = tpu.memref_slice %arg5[%dma_wait3A_49, %dma_wait3A_50] : memref<10000x64xf32, #tpu.memory_space<hbm>> -> memref<10000x64xf32, #tpu.memory_space<hbm>>
    tpu.wait_indirect_dma semaphore(%arg25 : memref<!tpu.dma_semaphore, #tpu.memory_space<semaphore_mem>>) src(%dma_wait3A_51 : memref<10000x64xf32, #tpu.memory_space<hbm>>) dst(%arg12 : memref<80x64xf32, #tpu.memory_space<vmem>>)
    %dma_wait3A_52 = arith.constant 0 : i32
    %dma_wait3A_53 = arith.constant 0 : i32
    %dma_wait3A_54 = tpu.memref_slice %arg6[%dma_wait3A_52, %dma_wait3A_53] : memref<320000x64xf32, #tpu.memory_space<hbm>> -> memref<80x64xf32, #tpu.memory_space<hbm>>
    %dma_wait3A_55 = arith.constant 0 : i32
    %dma_wait3A_56 = arith.constant 0 : i32
    %dma_wait3A_57 = tpu.memref_slice %arg6[%dma_wait3A_55, %dma_wait3A_56] : memref<320000x64xf32, #tpu.memory_space<hbm>> -> memref<80x64xf32, #tpu.memory_space<hbm>>
    tpu.wait_dma2 semaphore(%arg26 : memref<!tpu.dma_semaphore, #tpu.memory_space<semaphore_mem>>) src(%dma_wait3A_57 : memref<80x64xf32, #tpu.memory_space<hbm>>) dst(%arg13 : memref<80x64xf32, #tpu.memory_space<vmem>>)
    %iota3A = tpu.iota {dimensions = array<i32: 0>} : vector<16xi32>
    %eq3A = arith.constant 0 : i32
    %eq3A_58 = vector.broadcast %eq3A : i32 to vector<16xi32>
    %eq3A_59 = arith.cmpi eq, %iota3A, %eq3A_58 : vector<16xi32>
    %jit3A = arith.constant 1.000000e+00 : f32
    %jit3A_60 = arith.constant 0.000000e+00 : f32
    %broadcast_in_dim3A = vector.broadcast %jit3A : f32 to vector<16xf32>
    %broadcast_in_dim3A_61 = vector.broadcast %jit3A_60 : f32 to vector<16xf32>
    %select_n3A = arith.select %eq3A_59, %broadcast_in_dim3A, %broadcast_in_dim3A_61 : vector<16xi1>, vector<16xf32>
    %scan3A_62 = arith.constant 0 : i32
    %scan3A_63 = arith.constant 0 : i32
    %scan3A_64 = arith.constant 80 : i32
    %scan3A_65 = arith.addi %scan3A_63, %scan3A_64 : i32
    %scan3A_66 = arith.constant 1 : i32
    %scan3A_67 = scf.for %scan3A_79 = %scan3A_63 to %scan3A_65 step %scan3A_66 iter_args(%scan3A_80 = %scan3A_62) -> (i32)  : i32 {
      %broadcast_in_dim3A_81 = arith.constant 0.000000e+00 : f32
      %broadcast_in_dim3A_82 = vector.broadcast %broadcast_in_dim3A_81 : f32 to vector<16xf32>
      %get3A = arith.index_cast %scan3A_79 : i32 to index
      %get3A_83 = arith.constant 0 : index
      %get3A_84 = tpu.vector_load %arg11[%get3A, %get3A_83] {strides = array<i32>} : memref<80x64xf32, #tpu.memory_space<vmem>>, vector<16xf32>,
      %get3A_85 = arith.index_cast %scan3A_79 : i32 to index
      %get3A_86 = arith.constant 0 : index
      %get3A_87 = tpu.vector_load %arg12[%get3A_85, %get3A_86] {strides = array<i32>} : memref<80x64xf32, #tpu.memory_space<vmem>>, vector<16xf32>,
      %add3A_88 = arith.addf %get3A_84, %get3A_87 : vector<16xf32>
      %get3A_89 = arith.index_cast %scan3A_79 : i32 to index
      %get3A_90 = arith.constant 0 : index
      %get3A_91 = tpu.vector_load %arg13[%get3A_89, %get3A_90] {strides = array<i32>} : memref<80x64xf32, #tpu.memory_space<vmem>>, vector<16xf32>,
      %add3A_92 = arith.addf %add3A_88, %get3A_91 : vector<16xf32>
      %gt3A = arith.constant 0.000000e+00 : f32
      %gt3A_93 = vector.broadcast %gt3A : f32 to vector<16xf32>
      %gt3A_94 = arith.cmpf ogt, %add3A_92, %gt3A_93 : vector<16xf32>
      %mul3A_95 = arith.constant 2.000000e-01 : f32
      %mul3A_96 = vector.broadcast %mul3A_95 : f32 to vector<16xf32>
      %mul3A_97 = arith.mulf %mul3A_96, %add3A_92 : vector<16xf32>
      %select_n3A_98 = arith.select %gt3A_94, %add3A_92, %mul3A_97 : vector<16xi1>, vector<16xf32>
      %get3A_99 = arith.constant 0 : index
      %get3A_100 = tpu.vector_load %arg21[%get3A_99] {strides = array<i32>} : memref<64xf32, #tpu.memory_space<vmem>>, vector<16xf32>,
      %mul3A_101 = arith.mulf %select_n3A_98, %get3A_100 : vector<16xf32>
      %add3A_102 = arith.addf %broadcast_in_dim3A_82, %mul3A_101 : vector<16xf32>
      %get3A_103 = arith.index_cast %scan3A_79 : i32 to index
      %get3A_104 = arith.constant 16 : index
      %get3A_105 = tpu.vector_load %arg11[%get3A_103, %get3A_104] {strides = array<i32>} : memref<80x64xf32, #tpu.memory_space<vmem>>, vector<16xf32>,
      %get3A_106 = arith.index_cast %scan3A_79 : i32 to index
      %get3A_107 = arith.constant 16 : index
      %get3A_108 = tpu.vector_load %arg12[%get3A_106, %get3A_107] {strides = array<i32>} : memref<80x64xf32, #tpu.memory_space<vmem>>, vector<16xf32>,
      %add3A_109 = arith.addf %get3A_105, %get3A_108 : vector<16xf32>
      %get3A_110 = arith.index_cast %scan3A_79 : i32 to index
      %get3A_111 = arith.constant 16 : index
      %get3A_112 = tpu.vector_load %arg13[%get3A_110, %get3A_111] {strides = array<i32>} : memref<80x64xf32, #tpu.memory_space<vmem>>, vector<16xf32>,
      %add3A_113 = arith.addf %add3A_109, %get3A_112 : vector<16xf32>
      %gt3A_114 = arith.constant 0.000000e+00 : f32
      %gt3A_115 = vector.broadcast %gt3A_114 : f32 to vector<16xf32>
      %gt3A_116 = arith.cmpf ogt, %add3A_113, %gt3A_115 : vector<16xf32>
      %mul3A_117 = arith.constant 2.000000e-01 : f32
      %mul3A_118 = vector.broadcast %mul3A_117 : f32 to vector<16xf32>
      %mul3A_119 = arith.mulf %mul3A_118, %add3A_113 : vector<16xf32>
      %select_n3A_120 = arith.select %gt3A_116, %add3A_113, %mul3A_119 : vector<16xi1>, vector<16xf32>
      %get3A_121 = arith.constant 16 : index
      %get3A_122 = tpu.vector_load %arg21[%get3A_121] {strides = array<i32>} : memref<64xf32, #tpu.memory_space<vmem>>, vector<16xf32>,
      %mul3A_123 = arith.mulf %select_n3A_120, %get3A_122 : vector<16xf32>
      %add3A_124 = arith.addf %add3A_102, %mul3A_123 : vector<16xf32>
      %get3A_125 = arith.index_cast %scan3A_79 : i32 to index
      %get3A_126 = arith.constant 32 : index
      %get3A_127 = tpu.vector_load %arg11[%get3A_125, %get3A_126] {strides = array<i32>} : memref<80x64xf32, #tpu.memory_space<vmem>>, vector<16xf32>,
      %get3A_128 = arith.index_cast %scan3A_79 : i32 to index
      %get3A_129 = arith.constant 32 : index
      %get3A_130 = tpu.vector_load %arg12[%get3A_128, %get3A_129] {strides = array<i32>} : memref<80x64xf32, #tpu.memory_space<vmem>>, vector<16xf32>,
      %add3A_131 = arith.addf %get3A_127, %get3A_130 : vector<16xf32>
      %get3A_132 = arith.index_cast %scan3A_79 : i32 to index
      %get3A_133 = arith.constant 32 : index
      %get3A_134 = tpu.vector_load %arg13[%get3A_132, %get3A_133] {strides = array<i32>} : memref<80x64xf32, #tpu.memory_space<vmem>>, vector<16xf32>,
      %add3A_135 = arith.addf %add3A_131, %get3A_134 : vector<16xf32>
      %gt3A_136 = arith.constant 0.000000e+00 : f32
      %gt3A_137 = vector.broadcast %gt3A_136 : f32 to vector<16xf32>
      %gt3A_138 = arith.cmpf ogt, %add3A_135, %gt3A_137 : vector<16xf32>
      %mul3A_139 = arith.constant 2.000000e-01 : f32
      %mul3A_140 = vector.broadcast %mul3A_139 : f32 to vector<16xf32>
      %mul3A_141 = arith.mulf %mul3A_140, %add3A_135 : vector<16xf32>
      %select_n3A_142 = arith.select %gt3A_138, %add3A_135, %mul3A_141 : vector<16xi1>, vector<16xf32>
      %get3A_143 = arith.constant 32 : index
      %get3A_144 = tpu.vector_load %arg21[%get3A_143] {strides = array<i32>} : memref<64xf32, #tpu.memory_space<vmem>>, vector<16xf32>,
      %mul3A_145 = arith.mulf %select_n3A_142, %get3A_144 : vector<16xf32>
      %add3A_146 = arith.addf %add3A_124, %mul3A_145 : vector<16xf32>
      %get3A_147 = arith.index_cast %scan3A_79 : i32 to index
      %get3A_148 = arith.constant 48 : index
      %get3A_149 = tpu.vector_load %arg11[%get3A_147, %get3A_148] {strides = array<i32>} : memref<80x64xf32, #tpu.memory_space<vmem>>, vector<16xf32>,
      %get3A_150 = arith.index_cast %scan3A_79 : i32 to index
      %get3A_151 = arith.constant 48 : index
      %get3A_152 = tpu.vector_load %arg12[%get3A_150, %get3A_151] {strides = array<i32>} : memref<80x64xf32, #tpu.memory_space<vmem>>, vector<16xf32>,
      %add3A_153 = arith.addf %get3A_149, %get3A_152 : vector<16xf32>
      %get3A_154 = arith.index_cast %scan3A_79 : i32 to index
      %get3A_155 = arith.constant 48 : index
      %get3A_156 = tpu.vector_load %arg13[%get3A_154, %get3A_155] {strides = array<i32>} : memref<80x64xf32, #tpu.memory_space<vmem>>, vector<16xf32>,
      %add3A_157 = arith.addf %add3A_153, %get3A_156 : vector<16xf32>
      %gt3A_158 = arith.constant 0.000000e+00 : f32
      %gt3A_159 = vector.broadcast %gt3A_158 : f32 to vector<16xf32>
      %gt3A_160 = arith.cmpf ogt, %add3A_157, %gt3A_159 : vector<16xf32>
      %mul3A_161 = arith.constant 2.000000e-01 : f32
      %mul3A_162 = vector.broadcast %mul3A_161 : f32 to vector<16xf32>
      %mul3A_163 = arith.mulf %mul3A_162, %add3A_157 : vector<16xf32>
      %select_n3A_164 = arith.select %gt3A_160, %add3A_157, %mul3A_163 : vector<16xi1>, vector<16xf32>
      %get3A_165 = arith.constant 48 : index
      %get3A_166 = tpu.vector_load %arg21[%get3A_165] {strides = array<i32>} : memref<64xf32, #tpu.memory_space<vmem>>, vector<16xf32>,
      %mul3A_167 = arith.mulf %select_n3A_164, %get3A_166 : vector<16xf32>
      %add3A_168 = arith.addf %add3A_146, %mul3A_167 : vector<16xf32>
      %swap3A = arith.constant 0 : index
      %swap3A_169 = tpu.vector_load %arg22[%swap3A] {strides = array<i32>} : memref<16xf32, #tpu.memory_space<vmem>>, vector<16xf32>,
      tpu.vector_store %arg22[%swap3A], %add3A_168 {strides = array<i32>} : memref<16xf32, #tpu.memory_space<vmem>>, vector<16xf32>,
      %get3A_170 = arith.constant 0 : index
      %get3A_171 = tpu.vector_load %arg22[%get3A_170] {strides = array<i32>} : memref<16xf32, #tpu.memory_space<vmem>>, vector<16xf32>,
      %xor3A = arith.constant 1 : i32
      %xor3A_172 = vector.broadcast %xor3A : i32 to vector<16xi32>
      %xor3A_173 = arith.xori %iota3A, %xor3A_172 : vector<16xi32>
      %gather3A = tpu.vector_load_idx %arg22[%xor3A_173] : memref<16xf32, #tpu.memory_space<vmem>>[vector<16xi32>], vector<16xf32>,
      %add3A_174 = arith.addf %get3A_171, %gather3A : vector<16xf32>
      %swap3A_175 = arith.constant 0 : index
      %swap3A_176 = tpu.vector_load %arg22[%swap3A_175] {strides = array<i32>} : memref<16xf32, #tpu.memory_space<vmem>>, vector<16xf32>,
      tpu.vector_store %arg22[%swap3A_175], %add3A_174 {strides = array<i32>} : memref<16xf32, #tpu.memory_space<vmem>>, vector<16xf32>,
      %get3A_177 = arith.constant 0 : index
      %get3A_178 = tpu.vector_load %arg22[%get3A_177] {strides = array<i32>} : memref<16xf32, #tpu.memory_space<vmem>>, vector<16xf32>,
      %xor3A_179 = arith.constant 2 : i32
      %xor3A_180 = vector.broadcast %xor3A_179 : i32 to vector<16xi32>
      %xor3A_181 = arith.xori %iota3A, %xor3A_180 : vector<16xi32>
      %gather3A_182 = tpu.vector_load_idx %arg22[%xor3A_181] : memref<16xf32, #tpu.memory_space<vmem>>[vector<16xi32>], vector<16xf32>,
      %add3A_183 = arith.addf %get3A_178, %gather3A_182 : vector<16xf32>
      %swap3A_184 = arith.constant 0 : index
      %swap3A_185 = tpu.vector_load %arg22[%swap3A_184] {strides = array<i32>} : memref<16xf32, #tpu.memory_space<vmem>>, vector<16xf32>,
      tpu.vector_store %arg22[%swap3A_184], %add3A_183 {strides = array<i32>} : memref<16xf32, #tpu.memory_space<vmem>>, vector<16xf32>,
      %get3A_186 = arith.constant 0 : index
      %get3A_187 = tpu.vector_load %arg22[%get3A_186] {strides = array<i32>} : memref<16xf32, #tpu.memory_space<vmem>>, vector<16xf32>,
      %xor3A_188 = arith.constant 4 : i32
      %xor3A_189 = vector.broadcast %xor3A_188 : i32 to vector<16xi32>
      %xor3A_190 = arith.xori %iota3A, %xor3A_189 : vector<16xi32>
      %gather3A_191 = tpu.vector_load_idx %arg22[%xor3A_190] : memref<16xf32, #tpu.memory_space<vmem>>[vector<16xi32>], vector<16xf32>,
      %add3A_192 = arith.addf %get3A_187, %gather3A_191 : vector<16xf32>
      %swap3A_193 = arith.constant 0 : index
      %swap3A_194 = tpu.vector_load %arg22[%swap3A_193] {strides = array<i32>} : memref<16xf32, #tpu.memory_space<vmem>>, vector<16xf32>,
      tpu.vector_store %arg22[%swap3A_193], %add3A_192 {strides = array<i32>} : memref<16xf32, #tpu.memory_space<vmem>>, vector<16xf32>,
      %get3A_195 = arith.constant 0 : index
      %get3A_196 = tpu.vector_load %arg22[%get3A_195] {strides = array<i32>} : memref<16xf32, #tpu.memory_space<vmem>>, vector<16xf32>,
      %xor3A_197 = arith.constant 8 : i32
      %xor3A_198 = vector.broadcast %xor3A_197 : i32 to vector<16xi32>
      %xor3A_199 = arith.xori %iota3A, %xor3A_198 : vector<16xi32>
      %gather3A_200 = tpu.vector_load_idx %arg22[%xor3A_199] : memref<16xf32, #tpu.memory_space<vmem>>[vector<16xi32>], vector<16xf32>,
      %add3A_201 = arith.addf %get3A_196, %gather3A_200 : vector<16xf32>
      %swap3A_202 = arith.constant 0 : index
      %swap3A_203 = tpu.vector_load %arg22[%swap3A_202] {strides = array<i32>} : memref<16xf32, #tpu.memory_space<vmem>>, vector<16xf32>,
      tpu.vector_store %arg22[%swap3A_202], %add3A_201 {strides = array<i32>} : memref<16xf32, #tpu.memory_space<vmem>>, vector<16xf32>,
      %get3A_204 = arith.constant 0 : index
      %get3A_205 = tpu.vector_load %arg22[%get3A_204] {strides = array<i32>} : memref<16xf32, #tpu.memory_space<vmem>>, vector<16xf32>,
      %exp3A = math.exp %get3A_205 : vector<16xf32>
      %get3A_206 = arith.index_cast %scan3A_79 : i32 to index
      %get3A_207 = arith.constant 0 : index
      %get3A_208 = tpu.vector_load %arg11[%get3A_206, %get3A_207] {strides = array<i32>} : memref<80x64xf32, #tpu.memory_space<vmem>>, vector<16xf32>,
      %mul3A_209 = arith.mulf %exp3A, %get3A_208 : vector<16xf32>
      %swap3A_210 = arith.index_cast %scan3A_79 : i32 to index
      %swap3A_211 = arith.constant 0 : index
      %swap3A_212 = tpu.vector_load %arg19[%swap3A_210, %swap3A_211] {strides = array<i32>} : memref<80x80xf32, #tpu.memory_space<vmem>>, vector<16xf32>,
      tpu.vector_store %arg19[%swap3A_210, %swap3A_211], %mul3A_209 {strides = array<i32>} : memref<80x80xf32, #tpu.memory_space<vmem>>, vector<16xf32>,
      %get3A_213 = arith.index_cast %scan3A_79 : i32 to index
      %get3A_214 = arith.constant 16 : index
      %get3A_215 = tpu.vector_load %arg11[%get3A_213, %get3A_214] {strides = array<i32>} : memref<80x64xf32, #tpu.memory_space<vmem>>, vector<16xf32>,
      %mul3A_216 = arith.mulf %exp3A, %get3A_215 : vector<16xf32>
      %swap3A_217 = arith.index_cast %scan3A_79 : i32 to index
      %swap3A_218 = arith.constant 16 : index
      %swap3A_219 = tpu.vector_load %arg19[%swap3A_217, %swap3A_218] {strides = array<i32>} : memref<80x80xf32, #tpu.memory_space<vmem>>, vector<16xf32>,
      tpu.vector_store %arg19[%swap3A_217, %swap3A_218], %mul3A_216 {strides = array<i32>} : memref<80x80xf32, #tpu.memory_space<vmem>>, vector<16xf32>,
      %get3A_220 = arith.index_cast %scan3A_79 : i32 to index
      %get3A_221 = arith.constant 32 : index
      %get3A_222 = tpu.vector_load %arg11[%get3A_220, %get3A_221] {strides = array<i32>} : memref<80x64xf32, #tpu.memory_space<vmem>>, vector<16xf32>,
      %mul3A_223 = arith.mulf %exp3A, %get3A_222 : vector<16xf32>
      %swap3A_224 = arith.index_cast %scan3A_79 : i32 to index
      %swap3A_225 = arith.constant 32 : index
      %swap3A_226 = tpu.vector_load %arg19[%swap3A_224, %swap3A_225] {strides = array<i32>} : memref<80x80xf32, #tpu.memory_space<vmem>>, vector<16xf32>,
      tpu.vector_store %arg19[%swap3A_224, %swap3A_225], %mul3A_223 {strides = array<i32>} : memref<80x80xf32, #tpu.memory_space<vmem>>, vector<16xf32>,
      %get3A_227 = arith.index_cast %scan3A_79 : i32 to index
      %get3A_228 = arith.constant 48 : index
      %get3A_229 = tpu.vector_load %arg11[%get3A_227, %get3A_228] {strides = array<i32>} : memref<80x64xf32, #tpu.memory_space<vmem>>, vector<16xf32>,
      %mul3A_230 = arith.mulf %exp3A, %get3A_229 : vector<16xf32>
      %swap3A_231 = arith.index_cast %scan3A_79 : i32 to index
      %swap3A_232 = arith.constant 48 : index
      %swap3A_233 = tpu.vector_load %arg19[%swap3A_231, %swap3A_232] {strides = array<i32>} : memref<80x80xf32, #tpu.memory_space<vmem>>, vector<16xf32>,
      tpu.vector_store %arg19[%swap3A_231, %swap3A_232], %mul3A_230 {strides = array<i32>} : memref<80x80xf32, #tpu.memory_space<vmem>>, vector<16xf32>,
      %mul3A_234 = arith.mulf %exp3A, %select_n3A : vector<16xf32>
      %swap3A_235 = arith.index_cast %scan3A_79 : i32 to index
      %swap3A_236 = arith.constant 64 : index
      %swap3A_237 = tpu.vector_load %arg19[%swap3A_235, %swap3A_236] {strides = array<i32>} : memref<80x80xf32, #tpu.memory_space<vmem>>, vector<16xf32>,
      tpu.vector_store %arg19[%swap3A_235, %swap3A_236], %mul3A_234 {strides = array<i32>} : memref<80x80xf32, #tpu.memory_space<vmem>>, vector<16xf32>,
      %scan3A_238 = arith.constant 0 : i32
      scf.yield %scan3A_238 : i32
    }
    %scan3A_68 = arith.constant 80 : i32
    "tpu.region"() ({
      %run_scoped3A = tpu.sem_alloc : memref<!tpu.dma_semaphore, #tpu.memory_space<semaphore_mem>>
      %dma_start3A_79 = arith.constant 0 : i32
      %dma_start3A_80 = arith.constant 0 : i32
      %dma_start3A_81 = tpu.memref_slice %arg23[%dma_start3A_79, %dma_start3A_80] : memref<10000x80xf32, #tpu.memory_space<vmem_shared>> -> memref<10000x80xf32, #tpu.memory_space<vmem_shared>>
      tpu.enqueue_indirect_dma source(%arg19 : memref<80x80xf32, #tpu.memory_space<vmem>>) target(%dma_start3A_81 : memref<10000x80xf32, #tpu.memory_space<vmem_shared>>) offsets(%arg10 : memref<80xi32, #tpu.memory_space<vmem>>) semaphore(%run_scoped3A : memref<!tpu.dma_semaphore, #tpu.memory_space<semaphore_mem>>) {add = true}
      %dma_wait3A_82 = arith.constant 0 : i32
      %dma_wait3A_83 = arith.constant 0 : i32
      %dma_wait3A_84 = tpu.memref_slice %arg23[%dma_wait3A_82, %dma_wait3A_83] : memref<10000x80xf32, #tpu.memory_space<vmem_shared>> -> memref<10000x80xf32, #tpu.memory_space<vmem_shared>>
      tpu.wait_indirect_dma semaphore(%run_scoped3A : memref<!tpu.dma_semaphore, #tpu.memory_space<semaphore_mem>>) src(%arg19 : memref<80x80xf32, #tpu.memory_space<vmem>>) dst(%dma_wait3A_84 : memref<10000x80xf32, #tpu.memory_space<vmem_shared>>)
      tpu.yield
    }) : () -> ()
    %barrier3A_69 = arith.constant 0 : index
    tpu.barrier barrier_id(%barrier3A_69)
    %mul3A_70 = arith.constant 632 : i32
    %mul3A_71 = arith.muli %arg1, %mul3A_70 : i32
    %multiple_of3A = tpu.assume_multiple %mul3A_71, 8 : i32
    %lt3A = arith.constant 15 : i32
    %lt3A_72 = arith.cmpi slt, %arg1, %lt3A : i32
    %convert_element_type3A = arith.extui %lt3A_72 : i1 to i32
    %cond3A = arith.constant 0 : i32
    %cond3A_73 = arith.cmpi ne, %convert_element_type3A, %cond3A : i32
    scf.if %cond3A_73 {
      "tpu.region"() ({
        %run_scoped3A = tpu.sem_alloc : memref<!tpu.dma_semaphore, #tpu.memory_space<semaphore_mem>>
        %dma_start3A_79 = arith.constant 0 : i32
        %dma_start3A_80 = tpu.memref_slice %arg8[%arg0, %multiple_of3A, %dma_start3A_79] : memref<2x10000x80xf32, #tpu.memory_space<hbm>> -> memref<1x632x80xf32, #tpu.memory_space<hbm>>
        %dma_start3A_81 = tpu.memref_squeeze %dma_start3A_80 : memref<1x632x80xf32, #tpu.memory_space<hbm>> -> memref<632x80xf32, #tpu.memory_space<hbm>>
        %dma_start3A_82 = arith.constant 0 : i32
        %dma_start3A_83 = tpu.memref_slice %arg23[%multiple_of3A, %dma_start3A_82] : memref<10000x80xf32, #tpu.memory_space<vmem_shared>> -> memref<632x80xf32, #tpu.memory_space<vmem_shared>>
        tpu.enqueue_dma source(%dma_start3A_83 : memref<632x80xf32, #tpu.memory_space<vmem_shared>>) target(%dma_start3A_81 : memref<632x80xf32, #tpu.memory_space<hbm>>) target_semaphore(%run_scoped3A : memref<!tpu.dma_semaphore, #tpu.memory_space<semaphore_mem>>)
        %dma_wait3A_84 = arith.constant 0 : i32
        %dma_wait3A_85 = tpu.memref_slice %arg8[%arg0, %multiple_of3A, %dma_wait3A_84] : memref<2x10000x80xf32, #tpu.memory_space<hbm>> -> memref<1x632x80xf32, #tpu.memory_space<hbm>>
        %dma_wait3A_86 = tpu.memref_squeeze %dma_wait3A_85 : memref<1x632x80xf32, #tpu.memory_space<hbm>> -> memref<632x80xf32, #tpu.memory_space<hbm>>
        %dma_wait3A_87 = arith.constant 0 : i32
        %dma_wait3A_88 = tpu.memref_slice %arg23[%multiple_of3A, %dma_wait3A_87] : memref<10000x80xf32, #tpu.memory_space<vmem_shared>> -> memref<632x80xf32, #tpu.memory_space<vmem_shared>>
        tpu.wait_dma2 semaphore(%run_scoped3A : memref<!tpu.dma_semaphore, #tpu.memory_space<semaphore_mem>>) src(%dma_wait3A_88 : memref<632x80xf32, #tpu.memory_space<vmem_shared>>) dst(%dma_wait3A_86 : memref<632x80xf32, #tpu.memory_space<hbm>>)
        tpu.yield
      }) : () -> ()
    } else {
    }
    %eq3A_74 = arith.constant 15 : i32
    %eq3A_75 = arith.cmpi eq, %arg1, %eq3A_74 : i32
    %convert_element_type3A_76 = arith.extui %eq3A_75 : i1 to i32
    %cond3A_77 = arith.constant 0 : i32
    %cond3A_78 = arith.cmpi ne, %convert_element_type3A_76, %cond3A_77 : i32
    scf.if %cond3A_78 {
      "tpu.region"() ({
        %run_scoped3A = tpu.sem_alloc : memref<!tpu.dma_semaphore, #tpu.memory_space<semaphore_mem>>
        %dma_start3A_79 = arith.constant 9480 : i32
        %dma_start3A_80 = arith.constant 0 : i32
        %dma_start3A_81 = tpu.memref_slice %arg8[%arg0, %dma_start3A_79, %dma_start3A_80] : memref<2x10000x80xf32, #tpu.memory_space<hbm>> -> memref<1x520x80xf32, #tpu.memory_space<hbm>>
        %dma_start3A_82 = tpu.memref_squeeze %dma_start3A_81 : memref<1x520x80xf32, #tpu.memory_space<hbm>> -> memref<520x80xf32, #tpu.memory_space<hbm>>
        %dma_start3A_83 = arith.constant 9480 : i32
        %dma_start3A_84 = arith.constant 0 : i32
        %dma_start3A_85 = tpu.memref_slice %arg23[%dma_start3A_83, %dma_start3A_84] : memref<10000x80xf32, #tpu.memory_space<vmem_shared>> -> memref<520x80xf32, #tpu.memory_space<vmem_shared>>
        tpu.enqueue_dma source(%dma_start3A_85 : memref<520x80xf32, #tpu.memory_space<vmem_shared>>) target(%dma_start3A_82 : memref<520x80xf32, #tpu.memory_space<hbm>>) target_semaphore(%run_scoped3A : memref<!tpu.dma_semaphore, #tpu.memory_space<semaphore_mem>>)
        %dma_wait3A_86 = arith.constant 9480 : i32
        %dma_wait3A_87 = arith.constant 0 : i32
        %dma_wait3A_88 = tpu.memref_slice %arg8[%arg0, %dma_wait3A_86, %dma_wait3A_87] : memref<2x10000x80xf32, #tpu.memory_space<hbm>> -> memref<1x520x80xf32, #tpu.memory_space<hbm>>
        %dma_wait3A_89 = tpu.memref_squeeze %dma_wait3A_88 : memref<1x520x80xf32, #tpu.memory_space<hbm>> -> memref<520x80xf32, #tpu.memory_space<hbm>>
        %dma_wait3A_90 = arith.constant 9480 : i32
        %dma_wait3A_91 = arith.constant 0 : i32
        %dma_wait3A_92 = tpu.memref_slice %arg23[%dma_wait3A_90, %dma_wait3A_91] : memref<10000x80xf32, #tpu.memory_space<vmem_shared>> -> memref<520x80xf32, #tpu.memory_space<vmem_shared>>
        tpu.wait_dma2 semaphore(%run_scoped3A : memref<!tpu.dma_semaphore, #tpu.memory_space<semaphore_mem>>) src(%dma_wait3A_92 : memref<520x80xf32, #tpu.memory_space<vmem_shared>>) dst(%dma_wait3A_89 : memref<520x80xf32, #tpu.memory_space<hbm>>)
        tpu.yield
      }) : () -> ()
    } else {
    }
    return
  }
}

#map = affine_map<(d0, d1) -> (0)>
#map1 = affine_map<(d0, d1) -> (0, 0)>
#map2 = affine_map<(d0, d1) -> (0, 0, 0)>
module attributes {stable_mosaic.version = 14 : i64} {
  func.func @body(%arg0: i32, %arg1: i32, %arg2: memref<320000xi32, #tpu.memory_space<hbm>>, %arg3: memref<320000xi32, #tpu.memory_space<hbm>>, %arg4: memref<10000x64xf32, #tpu.memory_space<hbm>>, %arg5: memref<10000x64xf32, #tpu.memory_space<hbm>>, %arg6: memref<320000x64xf32, #tpu.memory_space<hbm>>, %arg7: memref<64xf32, #tpu.memory_space<hbm>>, %arg8: memref<2x10000x80xf32, #tpu.memory_space<hbm>>, %arg9: memref<80xi32, #tpu.memory_space<vmem>>, %arg10: memref<80xi32, #tpu.memory_space<vmem>>, %arg11: memref<80x64xf32, #tpu.memory_space<vmem>>, %arg12: memref<80x64xf32, #tpu.memory_space<vmem>>, %arg13: memref<80x64xf32, #tpu.memory_space<vmem>>, %arg14: memref<80xi32, #tpu.memory_space<vmem>>, %arg15: memref<80xi32, #tpu.memory_space<vmem>>, %arg16: memref<80x64xf32, #tpu.memory_space<vmem>>, %arg17: memref<80x64xf32, #tpu.memory_space<vmem>>, %arg18: memref<80x64xf32, #tpu.memory_space<vmem>>, %arg19: memref<80x80xf32, #tpu.memory_space<vmem>>, %arg20: memref<125x80xf32, #tpu.memory_space<vmem>>, %arg21: memref<64xf32, #tpu.memory_space<vmem>>, %arg22: memref<16xf32, #tpu.memory_space<vmem>>, %arg23: memref<10000x80xf32, #tpu.memory_space<vmem_shared>>, %arg24: memref<!tpu.dma_semaphore, #tpu.memory_space<semaphore_mem>>, %arg25: memref<!tpu.dma_semaphore, #tpu.memory_space<semaphore_mem>>, %arg26: memref<!tpu.dma_semaphore, #tpu.memory_space<semaphore_mem>>, %arg27: memref<!tpu.dma_semaphore, #tpu.memory_space<semaphore_mem>>, %arg28: memref<!tpu.dma_semaphore, #tpu.memory_space<semaphore_mem>>, %arg29: memref<!tpu.dma_semaphore, #tpu.memory_space<semaphore_mem>>) attributes {dimension_semantics = [#tpu.dimension_semantics<core_parallel>, #tpu.dimension_semantics<subcore_parallel>], iteration_bounds = array<i64: 2, 16>, scalar_prefetch = 0 : i64, scratch_operands = 21 : i64, tpu.core_type = #tpu.core_type<sc_vector_subcore>, window_params = [{transform_indices = #map}, {transform_indices = #map}, {transform_indices = #map1}, {transform_indices = #map1}, {transform_indices = #map1}, {transform_indices = #map}, {transform_indices = #map2}]} {
    %mul3A = arith.constant 16 : i32
    %mul3A_0 = arith.muli %arg0, %mul3A : i32
    %add3A = arith.addi %mul3A_0, %arg1 : i32
    %scan3A = arith.constant 0 : i32
    %scan3A_1 = arith.constant 0 : i32
    %scan3A_2 = arith.constant 125 : i32
    %scan3A_3 = arith.addi %scan3A_1, %scan3A_2 : i32
    %scan3A_4 = arith.constant 1 : i32
    %scan3A_5 = scf.for %scan3A_79 = %scan3A_1 to %scan3A_3 step %scan3A_4 iter_args(%scan3A_80 = %scan3A) -> (i32)  : i32 {
      %broadcast_in_dim3A_81 = arith.constant 0.000000e+00 : f32
      %broadcast_in_dim3A_82 = vector.broadcast %broadcast_in_dim3A_81 : f32 to vector<16xf32>
      %swap3A = arith.index_cast %scan3A_79 : i32 to index
      %swap3A_83 = arith.constant 0 : index
      %swap3A_84 = tpu.vector_load %arg20[%swap3A, %swap3A_83] {strides = array<i32>} : memref<125x80xf32, #tpu.memory_space<vmem>>, vector<16xf32>,
      tpu.vector_store %arg20[%swap3A, %swap3A_83], %broadcast_in_dim3A_82 {strides = array<i32>} : memref<125x80xf32, #tpu.memory_space<vmem>>, vector<16xf32>,
      %broadcast_in_dim3A_85 = arith.constant 0.000000e+00 : f32
      %broadcast_in_dim3A_86 = vector.broadcast %broadcast_in_dim3A_85 : f32 to vector<16xf32>
      %swap3A_87 = arith.index_cast %scan3A_79 : i32 to index
      %swap3A_88 = arith.constant 16 : index
      %swap3A_89 = tpu.vector_load %arg20[%swap3A_87, %swap3A_88] {strides = array<i32>} : memref<125x80xf32, #tpu.memory_space<vmem>>, vector<16xf32>,
      tpu.vector_store %arg20[%swap3A_87, %swap3A_88], %broadcast_in_dim3A_86 {strides = array<i32>} : memref<125x80xf32, #tpu.memory_space<vmem>>, vector<16xf32>,
      %broadcast_in_dim3A_90 = arith.constant 0.000000e+00 : f32
      %broadcast_in_dim3A_91 = vector.broadcast %broadcast_in_dim3A_90 : f32 to vector<16xf32>
      %swap3A_92 = arith.index_cast %scan3A_79 : i32 to index
      %swap3A_93 = arith.constant 32 : index
      %swap3A_94 = tpu.vector_load %arg20[%swap3A_92, %swap3A_93] {strides = array<i32>} : memref<125x80xf32, #tpu.memory_space<vmem>>, vector<16xf32>,
      tpu.vector_store %arg20[%swap3A_92, %swap3A_93], %broadcast_in_dim3A_91 {strides = array<i32>} : memref<125x80xf32, #tpu.memory_space<vmem>>, vector<16xf32>,
      %broadcast_in_dim3A_95 = arith.constant 0.000000e+00 : f32
      %broadcast_in_dim3A_96 = vector.broadcast %broadcast_in_dim3A_95 : f32 to vector<16xf32>
      %swap3A_97 = arith.index_cast %scan3A_79 : i32 to index
      %swap3A_98 = arith.constant 48 : index
      %swap3A_99 = tpu.vector_load %arg20[%swap3A_97, %swap3A_98] {strides = array<i32>} : memref<125x80xf32, #tpu.memory_space<vmem>>, vector<16xf32>,
      tpu.vector_store %arg20[%swap3A_97, %swap3A_98], %broadcast_in_dim3A_96 {strides = array<i32>} : memref<125x80xf32, #tpu.memory_space<vmem>>, vector<16xf32>,
      %broadcast_in_dim3A_100 = arith.constant 0.000000e+00 : f32
      %broadcast_in_dim3A_101 = vector.broadcast %broadcast_in_dim3A_100 : f32 to vector<16xf32>
      %swap3A_102 = arith.index_cast %scan3A_79 : i32 to index
      %swap3A_103 = arith.constant 64 : index
      %swap3A_104 = tpu.vector_load %arg20[%swap3A_102, %swap3A_103] {strides = array<i32>} : memref<125x80xf32, #tpu.memory_space<vmem>>, vector<16xf32>,
      tpu.vector_store %arg20[%swap3A_102, %swap3A_103], %broadcast_in_dim3A_101 {strides = array<i32>} : memref<125x80xf32, #tpu.memory_space<vmem>>, vector<16xf32>,
      %scan3A_105 = arith.constant 0 : i32
      scf.yield %scan3A_105 : i32
    }
    %scan3A_6 = arith.constant 125 : i32
    %mul3A_7 = arith.constant 625 : i32
    %mul3A_8 = arith.muli %arg1, %mul3A_7 : i32
    %add3A_9 = arith.constant 0 : i32
    %add3A_10 = arith.addi %mul3A_8, %add3A_9 : i32
    "tpu.region"() ({
      %run_scoped3A = tpu.sem_alloc : memref<!tpu.dma_semaphore, #tpu.memory_space<semaphore_mem>>
      %dma_start3A_79 = arith.constant 0 : i32
      %dma_start3A_80 = tpu.memref_slice %arg23[%add3A_10, %dma_start3A_79] : memref<10000x80xf32, #tpu.memory_space<vmem_shared>> -> memref<125x80xf32, #tpu.memory_space<vmem_shared>>
      %dma_start3A_81 = arith.constant 0 : i32
      %dma_start3A_82 = tpu.memref_slice %arg23[%add3A_10, %dma_start3A_81] : memref<10000x80xf32, #tpu.memory_space<vmem_shared>> -> memref<125x80xf32, #tpu.memory_space<vmem_shared>>
      tpu.enqueue_dma source(%arg20 : memref<125x80xf32, #tpu.memory_space<vmem>>) target(%dma_start3A_82 : memref<125x80xf32, #tpu.memory_space<vmem_shared>>) target_semaphore(%run_scoped3A : memref<!tpu.dma_semaphore, #tpu.memory_space<semaphore_mem>>)
      %dma_wait3A_83 = arith.constant 0 : i32
      %dma_wait3A_84 = tpu.memref_slice %arg23[%add3A_10, %dma_wait3A_83] : memref<10000x80xf32, #tpu.memory_space<vmem_shared>> -> memref<125x80xf32, #tpu.memory_space<vmem_shared>>
      %dma_wait3A_85 = arith.constant 0 : i32
      %dma_wait3A_86 = tpu.memref_slice %arg23[%add3A_10, %dma_wait3A_85] : memref<10000x80xf32, #tpu.memory_space<vmem_shared>> -> memref<125x80xf32, #tpu.memory_space<vmem_shared>>
      tpu.wait_dma2 semaphore(%run_scoped3A : memref<!tpu.dma_semaphore, #tpu.memory_space<semaphore_mem>>) src(%arg20 : memref<125x80xf32, #tpu.memory_space<vmem>>) dst(%dma_wait3A_86 : memref<125x80xf32, #tpu.memory_space<vmem_shared>>)
      tpu.yield
    }) : () -> ()
    %mul3A_11 = arith.constant 625 : i32
    %mul3A_12 = arith.muli %arg1, %mul3A_11 : i32
    %add3A_13 = arith.constant 125 : i32
    %add3A_14 = arith.addi %mul3A_12, %add3A_13 : i32
    "tpu.region"() ({
      %run_scoped3A = tpu.sem_alloc : memref<!tpu.dma_semaphore, #tpu.memory_space<semaphore_mem>>
      %dma_start3A_79 = arith.constant 0 : i32
      %dma_start3A_80 = tpu.memref_slice %arg23[%add3A_14, %dma_start3A_79] : memref<10000x80xf32, #tpu.memory_space<vmem_shared>> -> memref<125x80xf32, #tpu.memory_space<vmem_shared>>
      %dma_start3A_81 = arith.constant 0 : i32
      %dma_start3A_82 = tpu.memref_slice %arg23[%add3A_14, %dma_start3A_81] : memref<10000x80xf32, #tpu.memory_space<vmem_shared>> -> memref<125x80xf32, #tpu.memory_space<vmem_shared>>
      tpu.enqueue_dma source(%arg20 : memref<125x80xf32, #tpu.memory_space<vmem>>) target(%dma_start3A_82 : memref<125x80xf32, #tpu.memory_space<vmem_shared>>) target_semaphore(%run_scoped3A : memref<!tpu.dma_semaphore, #tpu.memory_space<semaphore_mem>>)
      %dma_wait3A_83 = arith.constant 0 : i32
      %dma_wait3A_84 = tpu.memref_slice %arg23[%add3A_14, %dma_wait3A_83] : memref<10000x80xf32, #tpu.memory_space<vmem_shared>> -> memref<125x80xf32, #tpu.memory_space<vmem_shared>>
      %dma_wait3A_85 = arith.constant 0 : i32
      %dma_wait3A_86 = tpu.memref_slice %arg23[%add3A_14, %dma_wait3A_85] : memref<10000x80xf32, #tpu.memory_space<vmem_shared>> -> memref<125x80xf32, #tpu.memory_space<vmem_shared>>
      tpu.wait_dma2 semaphore(%run_scoped3A : memref<!tpu.dma_semaphore, #tpu.memory_space<semaphore_mem>>) src(%arg20 : memref<125x80xf32, #tpu.memory_space<vmem>>) dst(%dma_wait3A_86 : memref<125x80xf32, #tpu.memory_space<vmem_shared>>)
      tpu.yield
    }) : () -> ()
    %mul3A_15 = arith.constant 625 : i32
    %mul3A_16 = arith.muli %arg1, %mul3A_15 : i32
    %add3A_17 = arith.constant 250 : i32
    %add3A_18 = arith.addi %mul3A_16, %add3A_17 : i32
    "tpu.region"() ({
      %run_scoped3A = tpu.sem_alloc : memref<!tpu.dma_semaphore, #tpu.memory_space<semaphore_mem>>
      %dma_start3A_79 = arith.constant 0 : i32
      %dma_start3A_80 = tpu.memref_slice %arg23[%add3A_18, %dma_start3A_79] : memref<10000x80xf32, #tpu.memory_space<vmem_shared>> -> memref<125x80xf32, #tpu.memory_space<vmem_shared>>
      %dma_start3A_81 = arith.constant 0 : i32
      %dma_start3A_82 = tpu.memref_slice %arg23[%add3A_18, %dma_start3A_81] : memref<10000x80xf32, #tpu.memory_space<vmem_shared>> -> memref<125x80xf32, #tpu.memory_space<vmem_shared>>
      tpu.enqueue_dma source(%arg20 : memref<125x80xf32, #tpu.memory_space<vmem>>) target(%dma_start3A_82 : memref<125x80xf32, #tpu.memory_space<vmem_shared>>) target_semaphore(%run_scoped3A : memref<!tpu.dma_semaphore, #tpu.memory_space<semaphore_mem>>)
      %dma_wait3A_83 = arith.constant 0 : i32
      %dma_wait3A_84 = tpu.memref_slice %arg23[%add3A_18, %dma_wait3A_83] : memref<10000x80xf32, #tpu.memory_space<vmem_shared>> -> memref<125x80xf32, #tpu.memory_space<vmem_shared>>
      %dma_wait3A_85 = arith.constant 0 : i32
      %dma_wait3A_86 = tpu.memref_slice %arg23[%add3A_18, %dma_wait3A_85] : memref<10000x80xf32, #tpu.memory_space<vmem_shared>> -> memref<125x80xf32, #tpu.memory_space<vmem_shared>>
      tpu.wait_dma2 semaphore(%run_scoped3A : memref<!tpu.dma_semaphore, #tpu.memory_space<semaphore_mem>>) src(%arg20 : memref<125x80xf32, #tpu.memory_space<vmem>>) dst(%dma_wait3A_86 : memref<125x80xf32, #tpu.memory_space<vmem_shared>>)
      tpu.yield
    }) : () -> ()
    %mul3A_19 = arith.constant 625 : i32
    %mul3A_20 = arith.muli %arg1, %mul3A_19 : i32
    %add3A_21 = arith.constant 375 : i32
    %add3A_22 = arith.addi %mul3A_20, %add3A_21 : i32
    "tpu.region"() ({
      %run_scoped3A = tpu.sem_alloc : memref<!tpu.dma_semaphore, #tpu.memory_space<semaphore_mem>>
      %dma_start3A_79 = arith.constant 0 : i32
      %dma_start3A_80 = tpu.memref_slice %arg23[%add3A_22, %dma_start3A_79] : memref<10000x80xf32, #tpu.memory_space<vmem_shared>> -> memref<125x80xf32, #tpu.memory_space<vmem_shared>>
      %dma_start3A_81 = arith.constant 0 : i32
      %dma_start3A_82 = tpu.memref_slice %arg23[%add3A_22, %dma_start3A_81] : memref<10000x80xf32, #tpu.memory_space<vmem_shared>> -> memref<125x80xf32, #tpu.memory_space<vmem_shared>>
      tpu.enqueue_dma source(%arg20 : memref<125x80xf32, #tpu.memory_space<vmem>>) target(%dma_start3A_82 : memref<125x80xf32, #tpu.memory_space<vmem_shared>>) target_semaphore(%run_scoped3A : memref<!tpu.dma_semaphore, #tpu.memory_space<semaphore_mem>>)
      %dma_wait3A_83 = arith.constant 0 : i32
      %dma_wait3A_84 = tpu.memref_slice %arg23[%add3A_22, %dma_wait3A_83] : memref<10000x80xf32, #tpu.memory_space<vmem_shared>> -> memref<125x80xf32, #tpu.memory_space<vmem_shared>>
      %dma_wait3A_85 = arith.constant 0 : i32
      %dma_wait3A_86 = tpu.memref_slice %arg23[%add3A_22, %dma_wait3A_85] : memref<10000x80xf32, #tpu.memory_space<vmem_shared>> -> memref<125x80xf32, #tpu.memory_space<vmem_shared>>
      tpu.wait_dma2 semaphore(%run_scoped3A : memref<!tpu.dma_semaphore, #tpu.memory_space<semaphore_mem>>) src(%arg20 : memref<125x80xf32, #tpu.memory_space<vmem>>) dst(%dma_wait3A_86 : memref<125x80xf32, #tpu.memory_space<vmem_shared>>)
      tpu.yield
    }) : () -> ()
    %mul3A_23 = arith.constant 625 : i32
    %mul3A_24 = arith.muli %arg1, %mul3A_23 : i32
    %add3A_25 = arith.constant 500 : i32
    %add3A_26 = arith.addi %mul3A_24, %add3A_25 : i32
    "tpu.region"() ({
      %run_scoped3A = tpu.sem_alloc : memref<!tpu.dma_semaphore, #tpu.memory_space<semaphore_mem>>
      %dma_start3A_79 = arith.constant 0 : i32
      %dma_start3A_80 = tpu.memref_slice %arg23[%add3A_26, %dma_start3A_79] : memref<10000x80xf32, #tpu.memory_space<vmem_shared>> -> memref<125x80xf32, #tpu.memory_space<vmem_shared>>
      %dma_start3A_81 = arith.constant 0 : i32
      %dma_start3A_82 = tpu.memref_slice %arg23[%add3A_26, %dma_start3A_81] : memref<10000x80xf32, #tpu.memory_space<vmem_shared>> -> memref<125x80xf32, #tpu.memory_space<vmem_shared>>
      tpu.enqueue_dma source(%arg20 : memref<125x80xf32, #tpu.memory_space<vmem>>) target(%dma_start3A_82 : memref<125x80xf32, #tpu.memory_space<vmem_shared>>) target_semaphore(%run_scoped3A : memref<!tpu.dma_semaphore, #tpu.memory_space<semaphore_mem>>)
      %dma_wait3A_83 = arith.constant 0 : i32
      %dma_wait3A_84 = tpu.memref_slice %arg23[%add3A_26, %dma_wait3A_83] : memref<10000x80xf32, #tpu.memory_space<vmem_shared>> -> memref<125x80xf32, #tpu.memory_space<vmem_shared>>
      %dma_wait3A_85 = arith.constant 0 : i32
      %dma_wait3A_86 = tpu.memref_slice %arg23[%add3A_26, %dma_wait3A_85] : memref<10000x80xf32, #tpu.memory_space<vmem_shared>> -> memref<125x80xf32, #tpu.memory_space<vmem_shared>>
      tpu.wait_dma2 semaphore(%run_scoped3A : memref<!tpu.dma_semaphore, #tpu.memory_space<semaphore_mem>>) src(%arg20 : memref<125x80xf32, #tpu.memory_space<vmem>>) dst(%dma_wait3A_86 : memref<125x80xf32, #tpu.memory_space<vmem_shared>>)
      tpu.yield
    }) : () -> ()
    %barrier3A = arith.constant 0 : index
    tpu.barrier barrier_id(%barrier3A)
    "tpu.region"() ({
      %run_scoped3A = tpu.sem_alloc : memref<!tpu.dma_semaphore, #tpu.memory_space<semaphore_mem>>
      tpu.enqueue_dma source(%arg7 : memref<64xf32, #tpu.memory_space<hbm>>) target(%arg21 : memref<64xf32, #tpu.memory_space<vmem>>) target_semaphore(%run_scoped3A : memref<!tpu.dma_semaphore, #tpu.memory_space<semaphore_mem>>)
      tpu.wait_dma2 semaphore(%run_scoped3A : memref<!tpu.dma_semaphore, #tpu.memory_space<semaphore_mem>>) src(%arg7 : memref<64xf32, #tpu.memory_space<hbm>>) dst(%arg21 : memref<64xf32, #tpu.memory_space<vmem>>)
      tpu.yield
    }) : () -> ()
    %mul3A_27 = arith.constant 10000 : i32
    %mul3A_28 = arith.muli %add3A, %mul3A_27 : i32
    %add3A_29 = arith.constant 0 : i32
    %add3A_30 = arith.addi %mul3A_28, %add3A_29 : i32
    "tpu.region"() ({
      %run_scoped3A = tpu.sem_alloc : memref<!tpu.dma_semaphore, #tpu.memory_space<semaphore_mem>>
      %dma_start3A_79 = tpu.memref_slice %arg2[%add3A_30] : memref<320000xi32, #tpu.memory_space<hbm>> -> memref<80xi32, #tpu.memory_space<hbm>>
      %dma_start3A_80 = tpu.memref_slice %arg2[%add3A_30] : memref<320000xi32, #tpu.memory_space<hbm>> -> memref<80xi32, #tpu.memory_space<hbm>>
      tpu.enqueue_dma source(%dma_start3A_80 : memref<80xi32, #tpu.memory_space<hbm>>) target(%arg9 : memref<80xi32, #tpu.memory_space<vmem>>) target_semaphore(%run_scoped3A : memref<!tpu.dma_semaphore, #tpu.memory_space<semaphore_mem>>)
      %dma_wait3A_81 = tpu.memref_slice %arg2[%add3A_30] : memref<320000xi32, #tpu.memory_space<hbm>> -> memref<80xi32, #tpu.memory_space<hbm>>
      %dma_wait3A_82 = tpu.memref_slice %arg2[%add3A_30] : memref<320000xi32, #tpu.memory_space<hbm>> -> memref<80xi32, #tpu.memory_space<hbm>>
      tpu.wait_dma2 semaphore(%run_scoped3A : memref<!tpu.dma_semaphore, #tpu.memory_space<semaphore_mem>>) src(%dma_wait3A_82 : memref<80xi32, #tpu.memory_space<hbm>>) dst(%arg9 : memref<80xi32, #tpu.memory_space<vmem>>)
      tpu.yield
    }) : () -> ()
    "tpu.region"() ({
      %run_scoped3A = tpu.sem_alloc : memref<!tpu.dma_semaphore, #tpu.memory_space<semaphore_mem>>
      %dma_start3A_79 = tpu.memref_slice %arg3[%add3A_30] : memref<320000xi32, #tpu.memory_space<hbm>> -> memref<80xi32, #tpu.memory_space<hbm>>
      %dma_start3A_80 = tpu.memref_slice %arg3[%add3A_30] : memref<320000xi32, #tpu.memory_space<hbm>> -> memref<80xi32, #tpu.memory_space<hbm>>
      tpu.enqueue_dma source(%dma_start3A_80 : memref<80xi32, #tpu.memory_space<hbm>>) target(%arg10 : memref<80xi32, #tpu.memory_space<vmem>>) target_semaphore(%run_scoped3A : memref<!tpu.dma_semaphore, #tpu.memory_space<semaphore_mem>>)
      %dma_wait3A_81 = tpu.memref_slice %arg3[%add3A_30] : memref<320000xi32, #tpu.memory_space<hbm>> -> memref<80xi32, #tpu.memory_space<hbm>>
      %dma_wait3A_82 = tpu.memref_slice %arg3[%add3A_30] : memref<320000xi32, #tpu.memory_space<hbm>> -> memref<80xi32, #tpu.memory_space<hbm>>
      tpu.wait_dma2 semaphore(%run_scoped3A : memref<!tpu.dma_semaphore, #tpu.memory_space<semaphore_mem>>) src(%dma_wait3A_82 : memref<80xi32, #tpu.memory_space<hbm>>) dst(%arg10 : memref<80xi32, #tpu.memory_space<vmem>>)
      tpu.yield
    }) : () -> ()
    %dma_start3A = arith.constant 0 : i32
    %dma_start3A_31 = arith.constant 0 : i32
    %dma_start3A_32 = tpu.memref_slice %arg4[%dma_start3A, %dma_start3A_31] : memref<10000x64xf32, #tpu.memory_space<hbm>> -> memref<10000x64xf32, #tpu.memory_space<hbm>>
    tpu.enqueue_indirect_dma source(%dma_start3A_32 : memref<10000x64xf32, #tpu.memory_space<hbm>>) target(%arg11 : memref<80x64xf32, #tpu.memory_space<vmem>>) offsets(%arg9 : memref<80xi32, #tpu.memory_space<vmem>>) semaphore(%arg24 : memref<!tpu.dma_semaphore, #tpu.memory_space<semaphore_mem>>)
    %dma_start3A_33 = arith.constant 0 : i32
    %dma_start3A_34 = arith.constant 0 : i32
    %dma_start3A_35 = tpu.memref_slice %arg5[%dma_start3A_33, %dma_start3A_34] : memref<10000x64xf32, #tpu.memory_space<hbm>> -> memref<10000x64xf32, #tpu.memory_space<hbm>>
    tpu.enqueue_indirect_dma source(%dma_start3A_35 : memref<10000x64xf32, #tpu.memory_space<hbm>>) target(%arg12 : memref<80x64xf32, #tpu.memory_space<vmem>>) offsets(%arg10 : memref<80xi32, #tpu.memory_space<vmem>>) semaphore(%arg25 : memref<!tpu.dma_semaphore, #tpu.memory_space<semaphore_mem>>)
    %dma_start3A_36 = arith.constant 0 : i32
    %dma_start3A_37 = tpu.memref_slice %arg6[%add3A_30, %dma_start3A_36] : memref<320000x64xf32, #tpu.memory_space<hbm>> -> memref<80x64xf32, #tpu.memory_space<hbm>>
    %dma_start3A_38 = arith.constant 0 : i32
    %dma_start3A_39 = tpu.memref_slice %arg6[%add3A_30, %dma_start3A_38] : memref<320000x64xf32, #tpu.memory_space<hbm>> -> memref<80x64xf32, #tpu.memory_space<hbm>>
    tpu.enqueue_dma source(%dma_start3A_39 : memref<80x64xf32, #tpu.memory_space<hbm>>) target(%arg13 : memref<80x64xf32, #tpu.memory_space<vmem>>) target_semaphore(%arg26 : memref<!tpu.dma_semaphore, #tpu.memory_space<semaphore_mem>>)
    %scan3A_40 = arith.constant 0 : i32
    %scan3A_41 = arith.constant 0 : i32
    %scan3A_42 = arith.constant 62 : i32
    %scan3A_43 = arith.addi %scan3A_41, %scan3A_42 : i32
    %scan3A_44 = arith.constant 1 : i32
    %scan3A_45 = scf.for %scan3A_79 = %scan3A_41 to %scan3A_43 step %scan3A_44 iter_args(%scan3A_80 = %scan3A_40) -> (i32)  : i32 {
      %mul3A_81 = arith.constant 2 : i32
      %mul3A_82 = arith.muli %mul3A_81, %scan3A_79 : i32
      %dma_wait3A_83 = arith.constant 0 : i32
      %dma_wait3A_84 = arith.constant 0 : i32
      %dma_wait3A_85 = tpu.memref_slice %arg4[%dma_wait3A_83, %dma_wait3A_84] : memref<10000x64xf32, #tpu.memory_space<hbm>> -> memref<10000x64xf32, #tpu.memory_space<hbm>>
      tpu.wait_indirect_dma semaphore(%arg24 : memref<!tpu.dma_semaphore, #tpu.memory_space<semaphore_mem>>) src(%dma_wait3A_85 : memref<10000x64xf32, #tpu.memory_space<hbm>>) dst(%arg11 : memref<80x64xf32, #tpu.memory_space<vmem>>)
      %dma_wait3A_86 = arith.constant 0 : i32
      %dma_wait3A_87 = arith.constant 0 : i32
      %dma_wait3A_88 = tpu.memref_slice %arg5[%dma_wait3A_86, %dma_wait3A_87] : memref<10000x64xf32, #tpu.memory_space<hbm>> -> memref<10000x64xf32, #tpu.memory_space<hbm>>
      tpu.wait_indirect_dma semaphore(%arg25 : memref<!tpu.dma_semaphore, #tpu.memory_space<semaphore_mem>>) src(%dma_wait3A_88 : memref<10000x64xf32, #tpu.memory_space<hbm>>) dst(%arg12 : memref<80x64xf32, #tpu.memory_space<vmem>>)
      %dma_wait3A_89 = arith.constant 0 : i32
      %dma_wait3A_90 = arith.constant 0 : i32
      %dma_wait3A_91 = tpu.memref_slice %arg6[%dma_wait3A_89, %dma_wait3A_90] : memref<320000x64xf32, #tpu.memory_space<hbm>> -> memref<80x64xf32, #tpu.memory_space<hbm>>
      %dma_wait3A_92 = arith.constant 0 : i32
      %dma_wait3A_93 = arith.constant 0 : i32
      %dma_wait3A_94 = tpu.memref_slice %arg6[%dma_wait3A_92, %dma_wait3A_93] : memref<320000x64xf32, #tpu.memory_space<hbm>> -> memref<80x64xf32, #tpu.memory_space<hbm>>
      tpu.wait_dma2 semaphore(%arg26 : memref<!tpu.dma_semaphore, #tpu.memory_space<semaphore_mem>>) src(%dma_wait3A_94 : memref<80x64xf32, #tpu.memory_space<hbm>>) dst(%arg13 : memref<80x64xf32, #tpu.memory_space<vmem>>)
      %add3A_95 = arith.constant 1 : i32
      %add3A_96 = arith.addi %mul3A_82, %add3A_95 : i32
      %mul3A_97 = arith.constant 80 : i32
      %mul3A_98 = arith.muli %add3A_96, %mul3A_97 : i32
      %add3A_99 = arith.addi %mul3A_28, %mul3A_98 : i32
      "tpu.region"() ({
        %run_scoped3A = tpu.sem_alloc : memref<!tpu.dma_semaphore, #tpu.memory_space<semaphore_mem>>
        %dma_start3A_170 = tpu.memref_slice %arg2[%add3A_99] : memref<320000xi32, #tpu.memory_space<hbm>> -> memref<80xi32, #tpu.memory_space<hbm>>
        %dma_start3A_171 = tpu.memref_slice %arg2[%add3A_99] : memref<320000xi32, #tpu.memory_space<hbm>> -> memref<80xi32, #tpu.memory_space<hbm>>
        tpu.enqueue_dma source(%dma_start3A_171 : memref<80xi32, #tpu.memory_space<hbm>>) target(%arg14 : memref<80xi32, #tpu.memory_space<vmem>>) target_semaphore(%run_scoped3A : memref<!tpu.dma_semaphore, #tpu.memory_space<semaphore_mem>>)
        %dma_wait3A_172 = tpu.memref_slice %arg2[%add3A_99] : memref<320000xi32, #tpu.memory_space<hbm>> -> memref<80xi32, #tpu.memory_space<hbm>>
        %dma_wait3A_173 = tpu.memref_slice %arg2[%add3A_99] : memref<320000xi32, #tpu.memory_space<hbm>> -> memref<80xi32, #tpu.memory_space<hbm>>
        tpu.wait_dma2 semaphore(%run_scoped3A : memref<!tpu.dma_semaphore, #tpu.memory_space<semaphore_mem>>) src(%dma_wait3A_173 : memref<80xi32, #tpu.memory_space<hbm>>) dst(%arg14 : memref<80xi32, #tpu.memory_space<vmem>>)
        tpu.yield
      }) : () -> ()
      "tpu.region"() ({
        %run_scoped3A = tpu.sem_alloc : memref<!tpu.dma_semaphore, #tpu.memory_space<semaphore_mem>>
        %dma_start3A_170 = tpu.memref_slice %arg3[%add3A_99] : memref<320000xi32, #tpu.memory_space<hbm>> -> memref<80xi32, #tpu.memory_space<hbm>>
        %dma_start3A_171 = tpu.memref_slice %arg3[%add3A_99] : memref<320000xi32, #tpu.memory_space<hbm>> -> memref<80xi32, #tpu.memory_space<hbm>>
        tpu.enqueue_dma source(%dma_start3A_171 : memref<80xi32, #tpu.memory_space<hbm>>) target(%arg15 : memref<80xi32, #tpu.memory_space<vmem>>) target_semaphore(%run_scoped3A : memref<!tpu.dma_semaphore, #tpu.memory_space<semaphore_mem>>)
        %dma_wait3A_172 = tpu.memref_slice %arg3[%add3A_99] : memref<320000xi32, #tpu.memory_space<hbm>> -> memref<80xi32, #tpu.memory_space<hbm>>
        %dma_wait3A_173 = tpu.memref_slice %arg3[%add3A_99] : memref<320000xi32, #tpu.memory_space<hbm>> -> memref<80xi32, #tpu.memory_space<hbm>>
        tpu.wait_dma2 semaphore(%run_scoped3A : memref<!tpu.dma_semaphore, #tpu.memory_space<semaphore_mem>>) src(%dma_wait3A_173 : memref<80xi32, #tpu.memory_space<hbm>>) dst(%arg15 : memref<80xi32, #tpu.memory_space<vmem>>)
        tpu.yield
      }) : () -> ()
      %dma_start3A_100 = arith.constant 0 : i32
      %dma_start3A_101 = arith.constant 0 : i32
      %dma_start3A_102 = tpu.memref_slice %arg4[%dma_start3A_100, %dma_start3A_101] : memref<10000x64xf32, #tpu.memory_space<hbm>> -> memref<10000x64xf32, #tpu.memory_space<hbm>>
      tpu.enqueue_indirect_dma source(%dma_start3A_102 : memref<10000x64xf32, #tpu.memory_space<hbm>>) target(%arg16 : memref<80x64xf32, #tpu.memory_space<vmem>>) offsets(%arg14 : memref<80xi32, #tpu.memory_space<vmem>>) semaphore(%arg27 : memref<!tpu.dma_semaphore, #tpu.memory_space<semaphore_mem>>)
      %dma_start3A_103 = arith.constant 0 : i32
      %dma_start3A_104 = arith.constant 0 : i32
      %dma_start3A_105 = tpu.memref_slice %arg5[%dma_start3A_103, %dma_start3A_104] : memref<10000x64xf32, #tpu.memory_space<hbm>> -> memref<10000x64xf32, #tpu.memory_space<hbm>>
      tpu.enqueue_indirect_dma source(%dma_start3A_105 : memref<10000x64xf32, #tpu.memory_space<hbm>>) target(%arg17 : memref<80x64xf32, #tpu.memory_space<vmem>>) offsets(%arg15 : memref<80xi32, #tpu.memory_space<vmem>>) semaphore(%arg28 : memref<!tpu.dma_semaphore, #tpu.memory_space<semaphore_mem>>)
      %dma_start3A_106 = arith.constant 0 : i32
      %dma_start3A_107 = tpu.memref_slice %arg6[%add3A_99, %dma_start3A_106] : memref<320000x64xf32, #tpu.memory_space<hbm>> -> memref<80x64xf32, #tpu.memory_space<hbm>>
      %dma_start3A_108 = arith.constant 0 : i32
      %dma_start3A_109 = tpu.memref_slice %arg6[%add3A_99, %dma_start3A_108] : memref<320000x64xf32, #tpu.memory_space<hbm>> -> memref<80x64xf32, #tpu.memory_space<hbm>>
      tpu.enqueue_dma source(%dma_start3A_109 : memref<80x64xf32, #tpu.memory_space<hbm>>) target(%arg18 : memref<80x64xf32, #tpu.memory_space<vmem>>) target_semaphore(%arg29 : memref<!tpu.dma_semaphore, #tpu.memory_space<semaphore_mem>>)
      %iota3A_110 = tpu.iota {dimensions = array<i32: 0>} : vector<16xi32>
      %eq3A_111 = arith.constant 0 : i32
      %eq3A_112 = vector.broadcast %eq3A_111 : i32 to vector<16xi32>
      %eq3A_113 = arith.cmpi eq, %iota3A_110, %eq3A_112 : vector<16xi32>
      %jit3A_114 = arith.constant 1.000000e+00 : f32
      %jit3A_115 = arith.constant 0.000000e+00 : f32
      %broadcast_in_dim3A_116 = vector.broadcast %jit3A_114 : f32 to vector<16xf32>
      %broadcast_in_dim3A_117 = vector.broadcast %jit3A_115 : f32 to vector<16xf32>
      %select_n3A_118 = arith.select %eq3A_113, %broadcast_in_dim3A_116, %broadcast_in_dim3A_117 : vector<16xi1>, vector<16xf32>
      %scan3A_119 = arith.constant 0 : i32
      %scan3A_120 = arith.constant 0 : i32
      %scan3A_121 = arith.constant 80 : i32
      %scan3A_122 = arith.addi %scan3A_120, %scan3A_121 : i32
      %scan3A_123 = arith.constant 1 : i32
      %scan3A_124 = scf.for %scan3A_170 = %scan3A_120 to %scan3A_122 step %scan3A_123 iter_args(%scan3A_171 = %scan3A_119) -> (i32)  : i32 {
        %broadcast_in_dim3A_172 = arith.constant 0.000000e+00 : f32
        %broadcast_in_dim3A_173 = vector.broadcast %broadcast_in_dim3A_172 : f32 to vector<16xf32>
        %get3A = arith.index_cast %scan3A_170 : i32 to index
        %get3A_174 = arith.constant 0 : index
        %get3A_175 = tpu.vector_load %arg11[%get3A, %get3A_174] {strides = array<i32>} : memref<80x64xf32, #tpu.memory_space<vmem>>, vector<16xf32>,
        %get3A_176 = arith.index_cast %scan3A_170 : i32 to index
        %get3A_177 = arith.constant 0 : index
        %get3A_178 = tpu.vector_load %arg12[%get3A_176, %get3A_177] {strides = array<i32>} : memref<80x64xf32, #tpu.memory_space<vmem>>, vector<16xf32>,
        %add3A_179 = arith.addf %get3A_175, %get3A_178 : vector<16xf32>
        %get3A_180 = arith.index_cast %scan3A_170 : i32 to index
        %get3A_181 = arith.constant 0 : index
        %get3A_182 = tpu.vector_load %arg13[%get3A_180, %get3A_181] {strides = array<i32>} : memref<80x64xf32, #tpu.memory_space<vmem>>, vector<16xf32>,
        %add3A_183 = arith.addf %add3A_179, %get3A_182 : vector<16xf32>
        %gt3A = arith.constant 0.000000e+00 : f32
        %gt3A_184 = vector.broadcast %gt3A : f32 to vector<16xf32>
        %gt3A_185 = arith.cmpf ogt, %add3A_183, %gt3A_184 : vector<16xf32>
        %mul3A_186 = arith.constant 2.000000e-01 : f32
        %mul3A_187 = vector.broadcast %mul3A_186 : f32 to vector<16xf32>
        %mul3A_188 = arith.mulf %mul3A_187, %add3A_183 : vector<16xf32>
        %select_n3A_189 = arith.select %gt3A_185, %add3A_183, %mul3A_188 : vector<16xi1>, vector<16xf32>
        %get3A_190 = arith.constant 0 : index
        %get3A_191 = tpu.vector_load %arg21[%get3A_190] {strides = array<i32>} : memref<64xf32, #tpu.memory_space<vmem>>, vector<16xf32>,
        %mul3A_192 = arith.mulf %select_n3A_189, %get3A_191 : vector<16xf32>
        %add3A_193 = arith.addf %broadcast_in_dim3A_173, %mul3A_192 : vector<16xf32>
        %get3A_194 = arith.index_cast %scan3A_170 : i32 to index
        %get3A_195 = arith.constant 16 : index
        %get3A_196 = tpu.vector_load %arg11[%get3A_194, %get3A_195] {strides = array<i32>} : memref<80x64xf32, #tpu.memory_space<vmem>>, vector<16xf32>,
        %get3A_197 = arith.index_cast %scan3A_170 : i32 to index
        %get3A_198 = arith.constant 16 : index
        %get3A_199 = tpu.vector_load %arg12[%get3A_197, %get3A_198] {strides = array<i32>} : memref<80x64xf32, #tpu.memory_space<vmem>>, vector<16xf32>,
        %add3A_200 = arith.addf %get3A_196, %get3A_199 : vector<16xf32>
        %get3A_201 = arith.index_cast %scan3A_170 : i32 to index
        %get3A_202 = arith.constant 16 : index
        %get3A_203 = tpu.vector_load %arg13[%get3A_201, %get3A_202] {strides = array<i32>} : memref<80x64xf32, #tpu.memory_space<vmem>>, vector<16xf32>,
        %add3A_204 = arith.addf %add3A_200, %get3A_203 : vector<16xf32>
        %gt3A_205 = arith.constant 0.000000e+00 : f32
        %gt3A_206 = vector.broadcast %gt3A_205 : f32 to vector<16xf32>
        %gt3A_207 = arith.cmpf ogt, %add3A_204, %gt3A_206 : vector<16xf32>
        %mul3A_208 = arith.constant 2.000000e-01 : f32
        %mul3A_209 = vector.broadcast %mul3A_208 : f32 to vector<16xf32>
        %mul3A_210 = arith.mulf %mul3A_209, %add3A_204 : vector<16xf32>
        %select_n3A_211 = arith.select %gt3A_207, %add3A_204, %mul3A_210 : vector<16xi1>, vector<16xf32>
        %get3A_212 = arith.constant 16 : index
        %get3A_213 = tpu.vector_load %arg21[%get3A_212] {strides = array<i32>} : memref<64xf32, #tpu.memory_space<vmem>>, vector<16xf32>,
        %mul3A_214 = arith.mulf %select_n3A_211, %get3A_213 : vector<16xf32>
        %add3A_215 = arith.addf %add3A_193, %mul3A_214 : vector<16xf32>
        %get3A_216 = arith.index_cast %scan3A_170 : i32 to index
        %get3A_217 = arith.constant 32 : index
        %get3A_218 = tpu.vector_load %arg11[%get3A_216, %get3A_217] {strides = array<i32>} : memref<80x64xf32, #tpu.memory_space<vmem>>, vector<16xf32>,
        %get3A_219 = arith.index_cast %scan3A_170 : i32 to index
        %get3A_220 = arith.constant 32 : index
        %get3A_221 = tpu.vector_load %arg12[%get3A_219, %get3A_220] {strides = array<i32>} : memref<80x64xf32, #tpu.memory_space<vmem>>, vector<16xf32>,
        %add3A_222 = arith.addf %get3A_218, %get3A_221 : vector<16xf32>
        %get3A_223 = arith.index_cast %scan3A_170 : i32 to index
        %get3A_224 = arith.constant 32 : index
        %get3A_225 = tpu.vector_load %arg13[%get3A_223, %get3A_224] {strides = array<i32>} : memref<80x64xf32, #tpu.memory_space<vmem>>, vector<16xf32>,
        %add3A_226 = arith.addf %add3A_222, %get3A_225 : vector<16xf32>
        %gt3A_227 = arith.constant 0.000000e+00 : f32
        %gt3A_228 = vector.broadcast %gt3A_227 : f32 to vector<16xf32>
        %gt3A_229 = arith.cmpf ogt, %add3A_226, %gt3A_228 : vector<16xf32>
        %mul3A_230 = arith.constant 2.000000e-01 : f32
        %mul3A_231 = vector.broadcast %mul3A_230 : f32 to vector<16xf32>
        %mul3A_232 = arith.mulf %mul3A_231, %add3A_226 : vector<16xf32>
        %select_n3A_233 = arith.select %gt3A_229, %add3A_226, %mul3A_232 : vector<16xi1>, vector<16xf32>
        %get3A_234 = arith.constant 32 : index
        %get3A_235 = tpu.vector_load %arg21[%get3A_234] {strides = array<i32>} : memref<64xf32, #tpu.memory_space<vmem>>, vector<16xf32>,
        %mul3A_236 = arith.mulf %select_n3A_233, %get3A_235 : vector<16xf32>
        %add3A_237 = arith.addf %add3A_215, %mul3A_236 : vector<16xf32>
        %get3A_238 = arith.index_cast %scan3A_170 : i32 to index
        %get3A_239 = arith.constant 48 : index
        %get3A_240 = tpu.vector_load %arg11[%get3A_238, %get3A_239] {strides = array<i32>} : memref<80x64xf32, #tpu.memory_space<vmem>>, vector<16xf32>,
        %get3A_241 = arith.index_cast %scan3A_170 : i32 to index
        %get3A_242 = arith.constant 48 : index
        %get3A_243 = tpu.vector_load %arg12[%get3A_241, %get3A_242] {strides = array<i32>} : memref<80x64xf32, #tpu.memory_space<vmem>>, vector<16xf32>,
        %add3A_244 = arith.addf %get3A_240, %get3A_243 : vector<16xf32>
        %get3A_245 = arith.index_cast %scan3A_170 : i32 to index
        %get3A_246 = arith.constant 48 : index
        %get3A_247 = tpu.vector_load %arg13[%get3A_245, %get3A_246] {strides = array<i32>} : memref<80x64xf32, #tpu.memory_space<vmem>>, vector<16xf32>,
        %add3A_248 = arith.addf %add3A_244, %get3A_247 : vector<16xf32>
        %gt3A_249 = arith.constant 0.000000e+00 : f32
        %gt3A_250 = vector.broadcast %gt3A_249 : f32 to vector<16xf32>
        %gt3A_251 = arith.cmpf ogt, %add3A_248, %gt3A_250 : vector<16xf32>
        %mul3A_252 = arith.constant 2.000000e-01 : f32
        %mul3A_253 = vector.broadcast %mul3A_252 : f32 to vector<16xf32>
        %mul3A_254 = arith.mulf %mul3A_253, %add3A_248 : vector<16xf32>
        %select_n3A_255 = arith.select %gt3A_251, %add3A_248, %mul3A_254 : vector<16xi1>, vector<16xf32>
        %get3A_256 = arith.constant 48 : index
        %get3A_257 = tpu.vector_load %arg21[%get3A_256] {strides = array<i32>} : memref<64xf32, #tpu.memory_space<vmem>>, vector<16xf32>,
        %mul3A_258 = arith.mulf %select_n3A_255, %get3A_257 : vector<16xf32>
        %add3A_259 = arith.addf %add3A_237, %mul3A_258 : vector<16xf32>
        %swap3A = arith.constant 0 : index
        %swap3A_260 = tpu.vector_load %arg22[%swap3A] {strides = array<i32>} : memref<16xf32, #tpu.memory_space<vmem>>, vector<16xf32>,
        tpu.vector_store %arg22[%swap3A], %add3A_259 {strides = array<i32>} : memref<16xf32, #tpu.memory_space<vmem>>, vector<16xf32>,
        %get3A_261 = arith.constant 0 : index
        %get3A_262 = tpu.vector_load %arg22[%get3A_261] {strides = array<i32>} : memref<16xf32, #tpu.memory_space<vmem>>, vector<16xf32>,
        %xor3A = arith.constant 1 : i32
        %xor3A_263 = vector.broadcast %xor3A : i32 to vector<16xi32>
        %xor3A_264 = arith.xori %iota3A_110, %xor3A_263 : vector<16xi32>
        %gather3A = tpu.vector_load_idx %arg22[%xor3A_264] : memref<16xf32, #tpu.memory_space<vmem>>[vector<16xi32>], vector<16xf32>,
        %add3A_265 = arith.addf %get3A_262, %gather3A : vector<16xf32>
        %swap3A_266 = arith.constant 0 : index
        %swap3A_267 = tpu.vector_load %arg22[%swap3A_266] {strides = array<i32>} : memref<16xf32, #tpu.memory_space<vmem>>, vector<16xf32>,
        tpu.vector_store %arg22[%swap3A_266], %add3A_265 {strides = array<i32>} : memref<16xf32, #tpu.memory_space<vmem>>, vector<16xf32>,
        %get3A_268 = arith.constant 0 : index
        %get3A_269 = tpu.vector_load %arg22[%get3A_268] {strides = array<i32>} : memref<16xf32, #tpu.memory_space<vmem>>, vector<16xf32>,
        %xor3A_270 = arith.constant 2 : i32
        %xor3A_271 = vector.broadcast %xor3A_270 : i32 to vector<16xi32>
        %xor3A_272 = arith.xori %iota3A_110, %xor3A_271 : vector<16xi32>
        %gather3A_273 = tpu.vector_load_idx %arg22[%xor3A_272] : memref<16xf32, #tpu.memory_space<vmem>>[vector<16xi32>], vector<16xf32>,
        %add3A_274 = arith.addf %get3A_269, %gather3A_273 : vector<16xf32>
        %swap3A_275 = arith.constant 0 : index
        %swap3A_276 = tpu.vector_load %arg22[%swap3A_275] {strides = array<i32>} : memref<16xf32, #tpu.memory_space<vmem>>, vector<16xf32>,
        tpu.vector_store %arg22[%swap3A_275], %add3A_274 {strides = array<i32>} : memref<16xf32, #tpu.memory_space<vmem>>, vector<16xf32>,
        %get3A_277 = arith.constant 0 : index
        %get3A_278 = tpu.vector_load %arg22[%get3A_277] {strides = array<i32>} : memref<16xf32, #tpu.memory_space<vmem>>, vector<16xf32>,
        %xor3A_279 = arith.constant 4 : i32
        %xor3A_280 = vector.broadcast %xor3A_279 : i32 to vector<16xi32>
        %xor3A_281 = arith.xori %iota3A_110, %xor3A_280 : vector<16xi32>
        %gather3A_282 = tpu.vector_load_idx %arg22[%xor3A_281] : memref<16xf32, #tpu.memory_space<vmem>>[vector<16xi32>], vector<16xf32>,
        %add3A_283 = arith.addf %get3A_278, %gather3A_282 : vector<16xf32>
        %swap3A_284 = arith.constant 0 : index
        %swap3A_285 = tpu.vector_load %arg22[%swap3A_284] {strides = array<i32>} : memref<16xf32, #tpu.memory_space<vmem>>, vector<16xf32>,
        tpu.vector_store %arg22[%swap3A_284], %add3A_283 {strides = array<i32>} : memref<16xf32, #tpu.memory_space<vmem>>, vector<16xf32>,
        %get3A_286 = arith.constant 0 : index
        %get3A_287 = tpu.vector_load %arg22[%get3A_286] {strides = array<i32>} : memref<16xf32, #tpu.memory_space<vmem>>, vector<16xf32>,
        %xor3A_288 = arith.constant 8 : i32
        %xor3A_289 = vector.broadcast %xor3A_288 : i32 to vector<16xi32>
        %xor3A_290 = arith.xori %iota3A_110, %xor3A_289 : vector<16xi32>
        %gather3A_291 = tpu.vector_load_idx %arg22[%xor3A_290] : memref<16xf32, #tpu.memory_space<vmem>>[vector<16xi32>], vector<16xf32>,
        %add3A_292 = arith.addf %get3A_287, %gather3A_291 : vector<16xf32>
        %swap3A_293 = arith.constant 0 : index
        %swap3A_294 = tpu.vector_load %arg22[%swap3A_293] {strides = array<i32>} : memref<16xf32, #tpu.memory_space<vmem>>, vector<16xf32>,
        tpu.vector_store %arg22[%swap3A_293], %add3A_292 {strides = array<i32>} : memref<16xf32, #tpu.memory_space<vmem>>, vector<16xf32>,
        %get3A_295 = arith.constant 0 : index
        %get3A_296 = tpu.vector_load %arg22[%get3A_295] {strides = array<i32>} : memref<16xf32, #tpu.memory_space<vmem>>, vector<16xf32>,
        %exp3A = math.exp %get3A_296 : vector<16xf32>
        %get3A_297 = arith.index_cast %scan3A_170 : i32 to index
        %get3A_298 = arith.constant 0 : index
        %get3A_299 = tpu.vector_load %arg11[%get3A_297, %get3A_298] {strides = array<i32>} : memref<80x64xf32, #tpu.memory_space<vmem>>, vector<16xf32>,
        %mul3A_300 = arith.mulf %exp3A, %get3A_299 : vector<16xf32>
        %swap3A_301 = arith.index_cast %scan3A_170 : i32 to index
        %swap3A_302 = arith.constant 0 : index
        %swap3A_303 = tpu.vector_load %arg19[%swap3A_301, %swap3A_302] {strides = array<i32>} : memref<80x80xf32, #tpu.memory_space<vmem>>, vector<16xf32>,
        tpu.vector_store %arg19[%swap3A_301, %swap3A_302], %mul3A_300 {strides = array<i32>} : memref<80x80xf32, #tpu.memory_space<vmem>>, vector<16xf32>,
        %get3A_304 = arith.index_cast %scan3A_170 : i32 to index
        %get3A_305 = arith.constant 16 : index
        %get3A_306 = tpu.vector_load %arg11[%get3A_304, %get3A_305] {strides = array<i32>} : memref<80x64xf32, #tpu.memory_space<vmem>>, vector<16xf32>,
        %mul3A_307 = arith.mulf %exp3A, %get3A_306 : vector<16xf32>
        %swap3A_308 = arith.index_cast %scan3A_170 : i32 to index
        %swap3A_309 = arith.constant 16 : index
        %swap3A_310 = tpu.vector_load %arg19[%swap3A_308, %swap3A_309] {strides = array<i32>} : memref<80x80xf32, #tpu.memory_space<vmem>>, vector<16xf32>,
        tpu.vector_store %arg19[%swap3A_308, %swap3A_309], %mul3A_307 {strides = array<i32>} : memref<80x80xf32, #tpu.memory_space<vmem>>, vector<16xf32>,
        %get3A_311 = arith.index_cast %scan3A_170 : i32 to index
        %get3A_312 = arith.constant 32 : index
        %get3A_313 = tpu.vector_load %arg11[%get3A_311, %get3A_312] {strides = array<i32>} : memref<80x64xf32, #tpu.memory_space<vmem>>, vector<16xf32>,
        %mul3A_314 = arith.mulf %exp3A, %get3A_313 : vector<16xf32>
        %swap3A_315 = arith.index_cast %scan3A_170 : i32 to index
        %swap3A_316 = arith.constant 32 : index
        %swap3A_317 = tpu.vector_load %arg19[%swap3A_315, %swap3A_316] {strides = array<i32>} : memref<80x80xf32, #tpu.memory_space<vmem>>, vector<16xf32>,
        tpu.vector_store %arg19[%swap3A_315, %swap3A_316], %mul3A_314 {strides = array<i32>} : memref<80x80xf32, #tpu.memory_space<vmem>>, vector<16xf32>,
        %get3A_318 = arith.index_cast %scan3A_170 : i32 to index
        %get3A_319 = arith.constant 48 : index
        %get3A_320 = tpu.vector_load %arg11[%get3A_318, %get3A_319] {strides = array<i32>} : memref<80x64xf32, #tpu.memory_space<vmem>>, vector<16xf32>,
        %mul3A_321 = arith.mulf %exp3A, %get3A_320 : vector<16xf32>
        %swap3A_322 = arith.index_cast %scan3A_170 : i32 to index
        %swap3A_323 = arith.constant 48 : index
        %swap3A_324 = tpu.vector_load %arg19[%swap3A_322, %swap3A_323] {strides = array<i32>} : memref<80x80xf32, #tpu.memory_space<vmem>>, vector<16xf32>,
        tpu.vector_store %arg19[%swap3A_322, %swap3A_323], %mul3A_321 {strides = array<i32>} : memref<80x80xf32, #tpu.memory_space<vmem>>, vector<16xf32>,
        %mul3A_325 = arith.mulf %exp3A, %select_n3A_118 : vector<16xf32>
        %swap3A_326 = arith.index_cast %scan3A_170 : i32 to index
        %swap3A_327 = arith.constant 64 : index
        %swap3A_328 = tpu.vector_load %arg19[%swap3A_326, %swap3A_327] {strides = array<i32>} : memref<80x80xf32, #tpu.memory_space<vmem>>, vector<16xf32>,
        tpu.vector_store %arg19[%swap3A_326, %swap3A_327], %mul3A_325 {strides = array<i32>} : memref<80x80xf32, #tpu.memory_space<vmem>>, vector<16xf32>,
        %scan3A_329 = arith.constant 0 : i32
        scf.yield %scan3A_329 : i32
      }
      %scan3A_125 = arith.constant 80 : i32
      "tpu.region"() ({
        %run_scoped3A = tpu.sem_alloc : memref<!tpu.dma_semaphore, #tpu.memory_space<semaphore_mem>>
        %dma_start3A_170 = arith.constant 0 : i32
        %dma_start3A_171 = arith.constant 0 : i32
        %dma_start3A_172 = tpu.memref_slice %arg23[%dma_start3A_170, %dma_start3A_171] : memref<10000x80xf32, #tpu.memory_space<vmem_shared>> -> memref<10000x80xf32, #tpu.memory_space<vmem_shared>>
        tpu.enqueue_indirect_dma source(%arg19 : memref<80x80xf32, #tpu.memory_space<vmem>>) target(%dma_start3A_172 : memref<10000x80xf32, #tpu.memory_space<vmem_shared>>) offsets(%arg10 : memref<80xi32, #tpu.memory_space<vmem>>) semaphore(%run_scoped3A : memref<!tpu.dma_semaphore, #tpu.memory_space<semaphore_mem>>) {add = true}
        %dma_wait3A_173 = arith.constant 0 : i32
        %dma_wait3A_174 = arith.constant 0 : i32
        %dma_wait3A_175 = tpu.memref_slice %arg23[%dma_wait3A_173, %dma_wait3A_174] : memref<10000x80xf32, #tpu.memory_space<vmem_shared>> -> memref<10000x80xf32, #tpu.memory_space<vmem_shared>>
        tpu.wait_indirect_dma semaphore(%run_scoped3A : memref<!tpu.dma_semaphore, #tpu.memory_space<semaphore_mem>>) src(%arg19 : memref<80x80xf32, #tpu.memory_space<vmem>>) dst(%dma_wait3A_175 : memref<10000x80xf32, #tpu.memory_space<vmem_shared>>)
        tpu.yield
      }) : () -> ()
      %dma_wait3A_126 = arith.constant 0 : i32
      %dma_wait3A_127 = arith.constant 0 : i32
      %dma_wait3A_128 = tpu.memref_slice %arg4[%dma_wait3A_126, %dma_wait3A_127] : memref<10000x64xf32, #tpu.memory_space<hbm>> -> memref<10000x64xf32, #tpu.memory_space<hbm>>
      tpu.wait_indirect_dma semaphore(%arg27 : memref<!tpu.dma_semaphore, #tpu.memory_space<semaphore_mem>>) src(%dma_wait3A_128 : memref<10000x64xf32, #tpu.memory_space<hbm>>) dst(%arg16 : memref<80x64xf32, #tpu.memory_space<vmem>>)
      %dma_wait3A_129 = arith.constant 0 : i32
      %dma_wait3A_130 = arith.constant 0 : i32
      %dma_wait3A_131 = tpu.memref_slice %arg5[%dma_wait3A_129, %dma_wait3A_130] : memref<10000x64xf32, #tpu.memory_space<hbm>> -> memref<10000x64xf32, #tpu.memory_space<hbm>>
      tpu.wait_indirect_dma semaphore(%arg28 : memref<!tpu.dma_semaphore, #tpu.memory_space<semaphore_mem>>) src(%dma_wait3A_131 : memref<10000x64xf32, #tpu.memory_space<hbm>>) dst(%arg17 : memref<80x64xf32, #tpu.memory_space<vmem>>)
      %dma_wait3A_132 = arith.constant 0 : i32
      %dma_wait3A_133 = arith.constant 0 : i32
      %dma_wait3A_134 = tpu.memref_slice %arg6[%dma_wait3A_132, %dma_wait3A_133] : memref<320000x64xf32, #tpu.memory_space<hbm>> -> memref<80x64xf32, #tpu.memory_space<hbm>>
      %dma_wait3A_135 = arith.constant 0 : i32
      %dma_wait3A_136 = arith.constant 0 : i32
      %dma_wait3A_137 = tpu.memref_slice %arg6[%dma_wait3A_135, %dma_wait3A_136] : memref<320000x64xf32, #tpu.memory_space<hbm>> -> memref<80x64xf32, #tpu.memory_space<hbm>>
      tpu.wait_dma2 semaphore(%arg29 : memref<!tpu.dma_semaphore, #tpu.memory_space<semaphore_mem>>) src(%dma_wait3A_137 : memref<80x64xf32, #tpu.memory_space<hbm>>) dst(%arg18 : memref<80x64xf32, #tpu.memory_space<vmem>>)
      %add3A_138 = arith.constant 2 : i32
      %add3A_139 = arith.addi %mul3A_82, %add3A_138 : i32
      %mul3A_140 = arith.constant 80 : i32
      %mul3A_141 = arith.muli %add3A_139, %mul3A_140 : i32
      %add3A_142 = arith.addi %mul3A_28, %mul3A_141 : i32
      "tpu.region"() ({
        %run_scoped3A = tpu.sem_alloc : memref<!tpu.dma_semaphore, #tpu.memory_space<semaphore_mem>>
        %dma_start3A_170 = tpu.memref_slice %arg2[%add3A_142] : memref<320000xi32, #tpu.memory_space<hbm>> -> memref<80xi32, #tpu.memory_space<hbm>>
        %dma_start3A_171 = tpu.memref_slice %arg2[%add3A_142] : memref<320000xi32, #tpu.memory_space<hbm>> -> memref<80xi32, #tpu.memory_space<hbm>>
        tpu.enqueue_dma source(%dma_start3A_171 : memref<80xi32, #tpu.memory_space<hbm>>) target(%arg9 : memref<80xi32, #tpu.memory_space<vmem>>) target_semaphore(%run_scoped3A : memref<!tpu.dma_semaphore, #tpu.memory_space<semaphore_mem>>)
        %dma_wait3A_172 = tpu.memref_slice %arg2[%add3A_142] : memref<320000xi32, #tpu.memory_space<hbm>> -> memref<80xi32, #tpu.memory_space<hbm>>
        %dma_wait3A_173 = tpu.memref_slice %arg2[%add3A_142] : memref<320000xi32, #tpu.memory_space<hbm>> -> memref<80xi32, #tpu.memory_space<hbm>>
        tpu.wait_dma2 semaphore(%run_scoped3A : memref<!tpu.dma_semaphore, #tpu.memory_space<semaphore_mem>>) src(%dma_wait3A_173 : memref<80xi32, #tpu.memory_space<hbm>>) dst(%arg9 : memref<80xi32, #tpu.memory_space<vmem>>)
        tpu.yield
      }) : () -> ()
      "tpu.region"() ({
        %run_scoped3A = tpu.sem_alloc : memref<!tpu.dma_semaphore, #tpu.memory_space<semaphore_mem>>
        %dma_start3A_170 = tpu.memref_slice %arg3[%add3A_142] : memref<320000xi32, #tpu.memory_space<hbm>> -> memref<80xi32, #tpu.memory_space<hbm>>
        %dma_start3A_171 = tpu.memref_slice %arg3[%add3A_142] : memref<320000xi32, #tpu.memory_space<hbm>> -> memref<80xi32, #tpu.memory_space<hbm>>
        tpu.enqueue_dma source(%dma_start3A_171 : memref<80xi32, #tpu.memory_space<hbm>>) target(%arg10 : memref<80xi32, #tpu.memory_space<vmem>>) target_semaphore(%run_scoped3A : memref<!tpu.dma_semaphore, #tpu.memory_space<semaphore_mem>>)
        %dma_wait3A_172 = tpu.memref_slice %arg3[%add3A_142] : memref<320000xi32, #tpu.memory_space<hbm>> -> memref<80xi32, #tpu.memory_space<hbm>>
        %dma_wait3A_173 = tpu.memref_slice %arg3[%add3A_142] : memref<320000xi32, #tpu.memory_space<hbm>> -> memref<80xi32, #tpu.memory_space<hbm>>
        tpu.wait_dma2 semaphore(%run_scoped3A : memref<!tpu.dma_semaphore, #tpu.memory_space<semaphore_mem>>) src(%dma_wait3A_173 : memref<80xi32, #tpu.memory_space<hbm>>) dst(%arg10 : memref<80xi32, #tpu.memory_space<vmem>>)
        tpu.yield
      }) : () -> ()
      %dma_start3A_143 = arith.constant 0 : i32
      %dma_start3A_144 = arith.constant 0 : i32
      %dma_start3A_145 = tpu.memref_slice %arg4[%dma_start3A_143, %dma_start3A_144] : memref<10000x64xf32, #tpu.memory_space<hbm>> -> memref<10000x64xf32, #tpu.memory_space<hbm>>
      tpu.enqueue_indirect_dma source(%dma_start3A_145 : memref<10000x64xf32, #tpu.memory_space<hbm>>) target(%arg11 : memref<80x64xf32, #tpu.memory_space<vmem>>) offsets(%arg9 : memref<80xi32, #tpu.memory_space<vmem>>) semaphore(%arg24 : memref<!tpu.dma_semaphore, #tpu.memory_space<semaphore_mem>>)
      %dma_start3A_146 = arith.constant 0 : i32
      %dma_start3A_147 = arith.constant 0 : i32
      %dma_start3A_148 = tpu.memref_slice %arg5[%dma_start3A_146, %dma_start3A_147] : memref<10000x64xf32, #tpu.memory_space<hbm>> -> memref<10000x64xf32, #tpu.memory_space<hbm>>
      tpu.enqueue_indirect_dma source(%dma_start3A_148 : memref<10000x64xf32, #tpu.memory_space<hbm>>) target(%arg12 : memref<80x64xf32, #tpu.memory_space<vmem>>) offsets(%arg10 : memref<80xi32, #tpu.memory_space<vmem>>) semaphore(%arg25 : memref<!tpu.dma_semaphore, #tpu.memory_space<semaphore_mem>>)
      %dma_start3A_149 = arith.constant 0 : i32
      %dma_start3A_150 = tpu.memref_slice %arg6[%add3A_142, %dma_start3A_149] : memref<320000x64xf32, #tpu.memory_space<hbm>> -> memref<80x64xf32, #tpu.memory_space<hbm>>
      %dma_start3A_151 = arith.constant 0 : i32
      %dma_start3A_152 = tpu.memref_slice %arg6[%add3A_142, %dma_start3A_151] : memref<320000x64xf32, #tpu.memory_space<hbm>> -> memref<80x64xf32, #tpu.memory_space<hbm>>
      tpu.enqueue_dma source(%dma_start3A_152 : memref<80x64xf32, #tpu.memory_space<hbm>>) target(%arg13 : memref<80x64xf32, #tpu.memory_space<vmem>>) target_semaphore(%arg26 : memref<!tpu.dma_semaphore, #tpu.memory_space<semaphore_mem>>)
      %iota3A_153 = tpu.iota {dimensions = array<i32: 0>} : vector<16xi32>
      %eq3A_154 = arith.constant 0 : i32
      %eq3A_155 = vector.broadcast %eq3A_154 : i32 to vector<16xi32>
      %eq3A_156 = arith.cmpi eq, %iota3A_153, %eq3A_155 : vector<16xi32>
      %jit3A_157 = arith.constant 1.000000e+00 : f32
      %jit3A_158 = arith.constant 0.000000e+00 : f32
      %broadcast_in_dim3A_159 = vector.broadcast %jit3A_157 : f32 to vector<16xf32>
      %broadcast_in_dim3A_160 = vector.broadcast %jit3A_158 : f32 to vector<16xf32>
      %select_n3A_161 = arith.select %eq3A_156, %broadcast_in_dim3A_159, %broadcast_in_dim3A_160 : vector<16xi1>, vector<16xf32>
      %scan3A_162 = arith.constant 0 : i32
      %scan3A_163 = arith.constant 0 : i32
      %scan3A_164 = arith.constant 80 : i32
      %scan3A_165 = arith.addi %scan3A_163, %scan3A_164 : i32
      %scan3A_166 = arith.constant 1 : i32
      %scan3A_167 = scf.for %scan3A_170 = %scan3A_163 to %scan3A_165 step %scan3A_166 iter_args(%scan3A_171 = %scan3A_162) -> (i32)  : i32 {
        %broadcast_in_dim3A_172 = arith.constant 0.000000e+00 : f32
        %broadcast_in_dim3A_173 = vector.broadcast %broadcast_in_dim3A_172 : f32 to vector<16xf32>
        %get3A = arith.index_cast %scan3A_170 : i32 to index
        %get3A_174 = arith.constant 0 : index
        %get3A_175 = tpu.vector_load %arg16[%get3A, %get3A_174] {strides = array<i32>} : memref<80x64xf32, #tpu.memory_space<vmem>>, vector<16xf32>,
        %get3A_176 = arith.index_cast %scan3A_170 : i32 to index
        %get3A_177 = arith.constant 0 : index
        %get3A_178 = tpu.vector_load %arg17[%get3A_176, %get3A_177] {strides = array<i32>} : memref<80x64xf32, #tpu.memory_space<vmem>>, vector<16xf32>,
        %add3A_179 = arith.addf %get3A_175, %get3A_178 : vector<16xf32>
        %get3A_180 = arith.index_cast %scan3A_170 : i32 to index
        %get3A_181 = arith.constant 0 : index
        %get3A_182 = tpu.vector_load %arg18[%get3A_180, %get3A_181] {strides = array<i32>} : memref<80x64xf32, #tpu.memory_space<vmem>>, vector<16xf32>,
        %add3A_183 = arith.addf %add3A_179, %get3A_182 : vector<16xf32>
        %gt3A = arith.constant 0.000000e+00 : f32
        %gt3A_184 = vector.broadcast %gt3A : f32 to vector<16xf32>
        %gt3A_185 = arith.cmpf ogt, %add3A_183, %gt3A_184 : vector<16xf32>
        %mul3A_186 = arith.constant 2.000000e-01 : f32
        %mul3A_187 = vector.broadcast %mul3A_186 : f32 to vector<16xf32>
        %mul3A_188 = arith.mulf %mul3A_187, %add3A_183 : vector<16xf32>
        %select_n3A_189 = arith.select %gt3A_185, %add3A_183, %mul3A_188 : vector<16xi1>, vector<16xf32>
        %get3A_190 = arith.constant 0 : index
        %get3A_191 = tpu.vector_load %arg21[%get3A_190] {strides = array<i32>} : memref<64xf32, #tpu.memory_space<vmem>>, vector<16xf32>,
        %mul3A_192 = arith.mulf %select_n3A_189, %get3A_191 : vector<16xf32>
        %add3A_193 = arith.addf %broadcast_in_dim3A_173, %mul3A_192 : vector<16xf32>
        %get3A_194 = arith.index_cast %scan3A_170 : i32 to index
        %get3A_195 = arith.constant 16 : index
        %get3A_196 = tpu.vector_load %arg16[%get3A_194, %get3A_195] {strides = array<i32>} : memref<80x64xf32, #tpu.memory_space<vmem>>, vector<16xf32>,
        %get3A_197 = arith.index_cast %scan3A_170 : i32 to index
        %get3A_198 = arith.constant 16 : index
        %get3A_199 = tpu.vector_load %arg17[%get3A_197, %get3A_198] {strides = array<i32>} : memref<80x64xf32, #tpu.memory_space<vmem>>, vector<16xf32>,
        %add3A_200 = arith.addf %get3A_196, %get3A_199 : vector<16xf32>
        %get3A_201 = arith.index_cast %scan3A_170 : i32 to index
        %get3A_202 = arith.constant 16 : index
        %get3A_203 = tpu.vector_load %arg18[%get3A_201, %get3A_202] {strides = array<i32>} : memref<80x64xf32, #tpu.memory_space<vmem>>, vector<16xf32>,
        %add3A_204 = arith.addf %add3A_200, %get3A_203 : vector<16xf32>
        %gt3A_205 = arith.constant 0.000000e+00 : f32
        %gt3A_206 = vector.broadcast %gt3A_205 : f32 to vector<16xf32>
        %gt3A_207 = arith.cmpf ogt, %add3A_204, %gt3A_206 : vector<16xf32>
        %mul3A_208 = arith.constant 2.000000e-01 : f32
        %mul3A_209 = vector.broadcast %mul3A_208 : f32 to vector<16xf32>
        %mul3A_210 = arith.mulf %mul3A_209, %add3A_204 : vector<16xf32>
        %select_n3A_211 = arith.select %gt3A_207, %add3A_204, %mul3A_210 : vector<16xi1>, vector<16xf32>
        %get3A_212 = arith.constant 16 : index
        %get3A_213 = tpu.vector_load %arg21[%get3A_212] {strides = array<i32>} : memref<64xf32, #tpu.memory_space<vmem>>, vector<16xf32>,
        %mul3A_214 = arith.mulf %select_n3A_211, %get3A_213 : vector<16xf32>
        %add3A_215 = arith.addf %add3A_193, %mul3A_214 : vector<16xf32>
        %get3A_216 = arith.index_cast %scan3A_170 : i32 to index
        %get3A_217 = arith.constant 32 : index
        %get3A_218 = tpu.vector_load %arg16[%get3A_216, %get3A_217] {strides = array<i32>} : memref<80x64xf32, #tpu.memory_space<vmem>>, vector<16xf32>,
        %get3A_219 = arith.index_cast %scan3A_170 : i32 to index
        %get3A_220 = arith.constant 32 : index
        %get3A_221 = tpu.vector_load %arg17[%get3A_219, %get3A_220] {strides = array<i32>} : memref<80x64xf32, #tpu.memory_space<vmem>>, vector<16xf32>,
        %add3A_222 = arith.addf %get3A_218, %get3A_221 : vector<16xf32>
        %get3A_223 = arith.index_cast %scan3A_170 : i32 to index
        %get3A_224 = arith.constant 32 : index
        %get3A_225 = tpu.vector_load %arg18[%get3A_223, %get3A_224] {strides = array<i32>} : memref<80x64xf32, #tpu.memory_space<vmem>>, vector<16xf32>,
        %add3A_226 = arith.addf %add3A_222, %get3A_225 : vector<16xf32>
        %gt3A_227 = arith.constant 0.000000e+00 : f32
        %gt3A_228 = vector.broadcast %gt3A_227 : f32 to vector<16xf32>
        %gt3A_229 = arith.cmpf ogt, %add3A_226, %gt3A_228 : vector<16xf32>
        %mul3A_230 = arith.constant 2.000000e-01 : f32
        %mul3A_231 = vector.broadcast %mul3A_230 : f32 to vector<16xf32>
        %mul3A_232 = arith.mulf %mul3A_231, %add3A_226 : vector<16xf32>
        %select_n3A_233 = arith.select %gt3A_229, %add3A_226, %mul3A_232 : vector<16xi1>, vector<16xf32>
        %get3A_234 = arith.constant 32 : index
        %get3A_235 = tpu.vector_load %arg21[%get3A_234] {strides = array<i32>} : memref<64xf32, #tpu.memory_space<vmem>>, vector<16xf32>,
        %mul3A_236 = arith.mulf %select_n3A_233, %get3A_235 : vector<16xf32>
        %add3A_237 = arith.addf %add3A_215, %mul3A_236 : vector<16xf32>
        %get3A_238 = arith.index_cast %scan3A_170 : i32 to index
        %get3A_239 = arith.constant 48 : index
        %get3A_240 = tpu.vector_load %arg16[%get3A_238, %get3A_239] {strides = array<i32>} : memref<80x64xf32, #tpu.memory_space<vmem>>, vector<16xf32>,
        %get3A_241 = arith.index_cast %scan3A_170 : i32 to index
        %get3A_242 = arith.constant 48 : index
        %get3A_243 = tpu.vector_load %arg17[%get3A_241, %get3A_242] {strides = array<i32>} : memref<80x64xf32, #tpu.memory_space<vmem>>, vector<16xf32>,
        %add3A_244 = arith.addf %get3A_240, %get3A_243 : vector<16xf32>
        %get3A_245 = arith.index_cast %scan3A_170 : i32 to index
        %get3A_246 = arith.constant 48 : index
        %get3A_247 = tpu.vector_load %arg18[%get3A_245, %get3A_246] {strides = array<i32>} : memref<80x64xf32, #tpu.memory_space<vmem>>, vector<16xf32>,
        %add3A_248 = arith.addf %add3A_244, %get3A_247 : vector<16xf32>
        %gt3A_249 = arith.constant 0.000000e+00 : f32
        %gt3A_250 = vector.broadcast %gt3A_249 : f32 to vector<16xf32>
        %gt3A_251 = arith.cmpf ogt, %add3A_248, %gt3A_250 : vector<16xf32>
        %mul3A_252 = arith.constant 2.000000e-01 : f32
        %mul3A_253 = vector.broadcast %mul3A_252 : f32 to vector<16xf32>
        %mul3A_254 = arith.mulf %mul3A_253, %add3A_248 : vector<16xf32>
        %select_n3A_255 = arith.select %gt3A_251, %add3A_248, %mul3A_254 : vector<16xi1>, vector<16xf32>
        %get3A_256 = arith.constant 48 : index
        %get3A_257 = tpu.vector_load %arg21[%get3A_256] {strides = array<i32>} : memref<64xf32, #tpu.memory_space<vmem>>, vector<16xf32>,
        %mul3A_258 = arith.mulf %select_n3A_255, %get3A_257 : vector<16xf32>
        %add3A_259 = arith.addf %add3A_237, %mul3A_258 : vector<16xf32>
        %swap3A = arith.constant 0 : index
        %swap3A_260 = tpu.vector_load %arg22[%swap3A] {strides = array<i32>} : memref<16xf32, #tpu.memory_space<vmem>>, vector<16xf32>,
        tpu.vector_store %arg22[%swap3A], %add3A_259 {strides = array<i32>} : memref<16xf32, #tpu.memory_space<vmem>>, vector<16xf32>,
        %get3A_261 = arith.constant 0 : index
        %get3A_262 = tpu.vector_load %arg22[%get3A_261] {strides = array<i32>} : memref<16xf32, #tpu.memory_space<vmem>>, vector<16xf32>,
        %xor3A = arith.constant 1 : i32
        %xor3A_263 = vector.broadcast %xor3A : i32 to vector<16xi32>
        %xor3A_264 = arith.xori %iota3A_153, %xor3A_263 : vector<16xi32>
        %gather3A = tpu.vector_load_idx %arg22[%xor3A_264] : memref<16xf32, #tpu.memory_space<vmem>>[vector<16xi32>], vector<16xf32>,
        %add3A_265 = arith.addf %get3A_262, %gather3A : vector<16xf32>
        %swap3A_266 = arith.constant 0 : index
        %swap3A_267 = tpu.vector_load %arg22[%swap3A_266] {strides = array<i32>} : memref<16xf32, #tpu.memory_space<vmem>>, vector<16xf32>,
        tpu.vector_store %arg22[%swap3A_266], %add3A_265 {strides = array<i32>} : memref<16xf32, #tpu.memory_space<vmem>>, vector<16xf32>,
        %get3A_268 = arith.constant 0 : index
        %get3A_269 = tpu.vector_load %arg22[%get3A_268] {strides = array<i32>} : memref<16xf32, #tpu.memory_space<vmem>>, vector<16xf32>,
        %xor3A_270 = arith.constant 2 : i32
        %xor3A_271 = vector.broadcast %xor3A_270 : i32 to vector<16xi32>
        %xor3A_272 = arith.xori %iota3A_153, %xor3A_271 : vector<16xi32>
        %gather3A_273 = tpu.vector_load_idx %arg22[%xor3A_272] : memref<16xf32, #tpu.memory_space<vmem>>[vector<16xi32>], vector<16xf32>,
        %add3A_274 = arith.addf %get3A_269, %gather3A_273 : vector<16xf32>
        %swap3A_275 = arith.constant 0 : index
        %swap3A_276 = tpu.vector_load %arg22[%swap3A_275] {strides = array<i32>} : memref<16xf32, #tpu.memory_space<vmem>>, vector<16xf32>,
        tpu.vector_store %arg22[%swap3A_275], %add3A_274 {strides = array<i32>} : memref<16xf32, #tpu.memory_space<vmem>>, vector<16xf32>,
        %get3A_277 = arith.constant 0 : index
        %get3A_278 = tpu.vector_load %arg22[%get3A_277] {strides = array<i32>} : memref<16xf32, #tpu.memory_space<vmem>>, vector<16xf32>,
        %xor3A_279 = arith.constant 4 : i32
        %xor3A_280 = vector.broadcast %xor3A_279 : i32 to vector<16xi32>
        %xor3A_281 = arith.xori %iota3A_153, %xor3A_280 : vector<16xi32>
        %gather3A_282 = tpu.vector_load_idx %arg22[%xor3A_281] : memref<16xf32, #tpu.memory_space<vmem>>[vector<16xi32>], vector<16xf32>,
        %add3A_283 = arith.addf %get3A_278, %gather3A_282 : vector<16xf32>
        %swap3A_284 = arith.constant 0 : index
        %swap3A_285 = tpu.vector_load %arg22[%swap3A_284] {strides = array<i32>} : memref<16xf32, #tpu.memory_space<vmem>>, vector<16xf32>,
        tpu.vector_store %arg22[%swap3A_284], %add3A_283 {strides = array<i32>} : memref<16xf32, #tpu.memory_space<vmem>>, vector<16xf32>,
        %get3A_286 = arith.constant 0 : index
        %get3A_287 = tpu.vector_load %arg22[%get3A_286] {strides = array<i32>} : memref<16xf32, #tpu.memory_space<vmem>>, vector<16xf32>,
        %xor3A_288 = arith.constant 8 : i32
        %xor3A_289 = vector.broadcast %xor3A_288 : i32 to vector<16xi32>
        %xor3A_290 = arith.xori %iota3A_153, %xor3A_289 : vector<16xi32>
        %gather3A_291 = tpu.vector_load_idx %arg22[%xor3A_290] : memref<16xf32, #tpu.memory_space<vmem>>[vector<16xi32>], vector<16xf32>,
        %add3A_292 = arith.addf %get3A_287, %gather3A_291 : vector<16xf32>
        %swap3A_293 = arith.constant 0 : index
        %swap3A_294 = tpu.vector_load %arg22[%swap3A_293] {strides = array<i32>} : memref<16xf32, #tpu.memory_space<vmem>>, vector<16xf32>,
        tpu.vector_store %arg22[%swap3A_293], %add3A_292 {strides = array<i32>} : memref<16xf32, #tpu.memory_space<vmem>>, vector<16xf32>,
        %get3A_295 = arith.constant 0 : index
        %get3A_296 = tpu.vector_load %arg22[%get3A_295] {strides = array<i32>} : memref<16xf32, #tpu.memory_space<vmem>>, vector<16xf32>,
        %exp3A = math.exp %get3A_296 : vector<16xf32>
        %get3A_297 = arith.index_cast %scan3A_170 : i32 to index
        %get3A_298 = arith.constant 0 : index
        %get3A_299 = tpu.vector_load %arg16[%get3A_297, %get3A_298] {strides = array<i32>} : memref<80x64xf32, #tpu.memory_space<vmem>>, vector<16xf32>,
        %mul3A_300 = arith.mulf %exp3A, %get3A_299 : vector<16xf32>
        %swap3A_301 = arith.index_cast %scan3A_170 : i32 to index
        %swap3A_302 = arith.constant 0 : index
        %swap3A_303 = tpu.vector_load %arg19[%swap3A_301, %swap3A_302] {strides = array<i32>} : memref<80x80xf32, #tpu.memory_space<vmem>>, vector<16xf32>,
        tpu.vector_store %arg19[%swap3A_301, %swap3A_302], %mul3A_300 {strides = array<i32>} : memref<80x80xf32, #tpu.memory_space<vmem>>, vector<16xf32>,
        %get3A_304 = arith.index_cast %scan3A_170 : i32 to index
        %get3A_305 = arith.constant 16 : index
        %get3A_306 = tpu.vector_load %arg16[%get3A_304, %get3A_305] {strides = array<i32>} : memref<80x64xf32, #tpu.memory_space<vmem>>, vector<16xf32>,
        %mul3A_307 = arith.mulf %exp3A, %get3A_306 : vector<16xf32>
        %swap3A_308 = arith.index_cast %scan3A_170 : i32 to index
        %swap3A_309 = arith.constant 16 : index
        %swap3A_310 = tpu.vector_load %arg19[%swap3A_308, %swap3A_309] {strides = array<i32>} : memref<80x80xf32, #tpu.memory_space<vmem>>, vector<16xf32>,
        tpu.vector_store %arg19[%swap3A_308, %swap3A_309], %mul3A_307 {strides = array<i32>} : memref<80x80xf32, #tpu.memory_space<vmem>>, vector<16xf32>,
        %get3A_311 = arith.index_cast %scan3A_170 : i32 to index
        %get3A_312 = arith.constant 32 : index
        %get3A_313 = tpu.vector_load %arg16[%get3A_311, %get3A_312] {strides = array<i32>} : memref<80x64xf32, #tpu.memory_space<vmem>>, vector<16xf32>,
        %mul3A_314 = arith.mulf %exp3A, %get3A_313 : vector<16xf32>
        %swap3A_315 = arith.index_cast %scan3A_170 : i32 to index
        %swap3A_316 = arith.constant 32 : index
        %swap3A_317 = tpu.vector_load %arg19[%swap3A_315, %swap3A_316] {strides = array<i32>} : memref<80x80xf32, #tpu.memory_space<vmem>>, vector<16xf32>,
        tpu.vector_store %arg19[%swap3A_315, %swap3A_316], %mul3A_314 {strides = array<i32>} : memref<80x80xf32, #tpu.memory_space<vmem>>, vector<16xf32>,
        %get3A_318 = arith.index_cast %scan3A_170 : i32 to index
        %get3A_319 = arith.constant 48 : index
        %get3A_320 = tpu.vector_load %arg16[%get3A_318, %get3A_319] {strides = array<i32>} : memref<80x64xf32, #tpu.memory_space<vmem>>, vector<16xf32>,
        %mul3A_321 = arith.mulf %exp3A, %get3A_320 : vector<16xf32>
        %swap3A_322 = arith.index_cast %scan3A_170 : i32 to index
        %swap3A_323 = arith.constant 48 : index
        %swap3A_324 = tpu.vector_load %arg19[%swap3A_322, %swap3A_323] {strides = array<i32>} : memref<80x80xf32, #tpu.memory_space<vmem>>, vector<16xf32>,
        tpu.vector_store %arg19[%swap3A_322, %swap3A_323], %mul3A_321 {strides = array<i32>} : memref<80x80xf32, #tpu.memory_space<vmem>>, vector<16xf32>,
        %mul3A_325 = arith.mulf %exp3A, %select_n3A_161 : vector<16xf32>
        %swap3A_326 = arith.index_cast %scan3A_170 : i32 to index
        %swap3A_327 = arith.constant 64 : index
        %swap3A_328 = tpu.vector_load %arg19[%swap3A_326, %swap3A_327] {strides = array<i32>} : memref<80x80xf32, #tpu.memory_space<vmem>>, vector<16xf32>,
        tpu.vector_store %arg19[%swap3A_326, %swap3A_327], %mul3A_325 {strides = array<i32>} : memref<80x80xf32, #tpu.memory_space<vmem>>, vector<16xf32>,
        %scan3A_329 = arith.constant 0 : i32
        scf.yield %scan3A_329 : i32
      }
      %scan3A_168 = arith.constant 80 : i32
      "tpu.region"() ({
        %run_scoped3A = tpu.sem_alloc : memref<!tpu.dma_semaphore, #tpu.memory_space<semaphore_mem>>
        %dma_start3A_170 = arith.constant 0 : i32
        %dma_start3A_171 = arith.constant 0 : i32
        %dma_start3A_172 = tpu.memref_slice %arg23[%dma_start3A_170, %dma_start3A_171] : memref<10000x80xf32, #tpu.memory_space<vmem_shared>> -> memref<10000x80xf32, #tpu.memory_space<vmem_shared>>
        tpu.enqueue_indirect_dma source(%arg19 : memref<80x80xf32, #tpu.memory_space<vmem>>) target(%dma_start3A_172 : memref<10000x80xf32, #tpu.memory_space<vmem_shared>>) offsets(%arg15 : memref<80xi32, #tpu.memory_space<vmem>>) semaphore(%run_scoped3A : memref<!tpu.dma_semaphore, #tpu.memory_space<semaphore_mem>>) {add = true}
        %dma_wait3A_173 = arith.constant 0 : i32
        %dma_wait3A_174 = arith.constant 0 : i32
        %dma_wait3A_175 = tpu.memref_slice %arg23[%dma_wait3A_173, %dma_wait3A_174] : memref<10000x80xf32, #tpu.memory_space<vmem_shared>> -> memref<10000x80xf32, #tpu.memory_space<vmem_shared>>
        tpu.wait_indirect_dma semaphore(%run_scoped3A : memref<!tpu.dma_semaphore, #tpu.memory_space<semaphore_mem>>) src(%arg19 : memref<80x80xf32, #tpu.memory_space<vmem>>) dst(%dma_wait3A_175 : memref<10000x80xf32, #tpu.memory_space<vmem_shared>>)
        tpu.yield
      }) : () -> ()
      %scan3A_169 = arith.constant 0 : i32
      scf.yield %scan3A_169 : i32
    }
    %scan3A_46 = arith.constant 62 : i32
    %dma_wait3A = arith.constant 0 : i32
    %dma_wait3A_47 = arith.constant 0 : i32
    %dma_wait3A_48 = tpu.memref_slice %arg4[%dma_wait3A, %dma_wait3A_47] : memref<10000x64xf32, #tpu.memory_space<hbm>> -> memref<10000x64xf32, #tpu.memory_space<hbm>>
    tpu.wait_indirect_dma semaphore(%arg24 : memref<!tpu.dma_semaphore, #tpu.memory_space<semaphore_mem>>) src(%dma_wait3A_48 : memref<10000x64xf32, #tpu.memory_space<hbm>>) dst(%arg11 : memref<80x64xf32, #tpu.memory_space<vmem>>)
    %dma_wait3A_49 = arith.constant 0 : i32
    %dma_wait3A_50 = arith.constant 0 : i32
    %dma_wait3A_51 = tpu.memref_slice %arg5[%dma_wait3A_49, %dma_wait3A_50] : memref<10000x64xf32, #tpu.memory_space<hbm>> -> memref<10000x64xf32, #tpu.memory_space<hbm>>
    tpu.wait_indirect_dma semaphore(%arg25 : memref<!tpu.dma_semaphore, #tpu.memory_space<semaphore_mem>>) src(%dma_wait3A_51 : memref<10000x64xf32, #tpu.memory_space<hbm>>) dst(%arg12 : memref<80x64xf32, #tpu.memory_space<vmem>>)
    %dma_wait3A_52 = arith.constant 0 : i32
    %dma_wait3A_53 = arith.constant 0 : i32
    %dma_wait3A_54 = tpu.memref_slice %arg6[%dma_wait3A_52, %dma_wait3A_53] : memref<320000x64xf32, #tpu.memory_space<hbm>> -> memref<80x64xf32, #tpu.memory_space<hbm>>
    %dma_wait3A_55 = arith.constant 0 : i32
    %dma_wait3A_56 = arith.constant 0 : i32
    %dma_wait3A_57 = tpu.memref_slice %arg6[%dma_wait3A_55, %dma_wait3A_56] : memref<320000x64xf32, #tpu.memory_space<hbm>> -> memref<80x64xf32, #tpu.memory_space<hbm>>
    tpu.wait_dma2 semaphore(%arg26 : memref<!tpu.dma_semaphore, #tpu.memory_space<semaphore_mem>>) src(%dma_wait3A_57 : memref<80x64xf32, #tpu.memory_space<hbm>>) dst(%arg13 : memref<80x64xf32, #tpu.memory_space<vmem>>)
    %iota3A = tpu.iota {dimensions = array<i32: 0>} : vector<16xi32>
    %eq3A = arith.constant 0 : i32
    %eq3A_58 = vector.broadcast %eq3A : i32 to vector<16xi32>
    %eq3A_59 = arith.cmpi eq, %iota3A, %eq3A_58 : vector<16xi32>
    %jit3A = arith.constant 1.000000e+00 : f32
    %jit3A_60 = arith.constant 0.000000e+00 : f32
    %broadcast_in_dim3A = vector.broadcast %jit3A : f32 to vector<16xf32>
    %broadcast_in_dim3A_61 = vector.broadcast %jit3A_60 : f32 to vector<16xf32>
    %select_n3A = arith.select %eq3A_59, %broadcast_in_dim3A, %broadcast_in_dim3A_61 : vector<16xi1>, vector<16xf32>
    %scan3A_62 = arith.constant 0 : i32
    %scan3A_63 = arith.constant 0 : i32
    %scan3A_64 = arith.constant 80 : i32
    %scan3A_65 = arith.addi %scan3A_63, %scan3A_64 : i32
    %scan3A_66 = arith.constant 1 : i32
    %scan3A_67 = scf.for %scan3A_79 = %scan3A_63 to %scan3A_65 step %scan3A_66 iter_args(%scan3A_80 = %scan3A_62) -> (i32)  : i32 {
      %broadcast_in_dim3A_81 = arith.constant 0.000000e+00 : f32
      %broadcast_in_dim3A_82 = vector.broadcast %broadcast_in_dim3A_81 : f32 to vector<16xf32>
      %get3A = arith.index_cast %scan3A_79 : i32 to index
      %get3A_83 = arith.constant 0 : index
      %get3A_84 = tpu.vector_load %arg11[%get3A, %get3A_83] {strides = array<i32>} : memref<80x64xf32, #tpu.memory_space<vmem>>, vector<16xf32>,
      %get3A_85 = arith.index_cast %scan3A_79 : i32 to index
      %get3A_86 = arith.constant 0 : index
      %get3A_87 = tpu.vector_load %arg12[%get3A_85, %get3A_86] {strides = array<i32>} : memref<80x64xf32, #tpu.memory_space<vmem>>, vector<16xf32>,
      %add3A_88 = arith.addf %get3A_84, %get3A_87 : vector<16xf32>
      %get3A_89 = arith.index_cast %scan3A_79 : i32 to index
      %get3A_90 = arith.constant 0 : index
      %get3A_91 = tpu.vector_load %arg13[%get3A_89, %get3A_90] {strides = array<i32>} : memref<80x64xf32, #tpu.memory_space<vmem>>, vector<16xf32>,
      %add3A_92 = arith.addf %add3A_88, %get3A_91 : vector<16xf32>
      %gt3A = arith.constant 0.000000e+00 : f32
      %gt3A_93 = vector.broadcast %gt3A : f32 to vector<16xf32>
      %gt3A_94 = arith.cmpf ogt, %add3A_92, %gt3A_93 : vector<16xf32>
      %mul3A_95 = arith.constant 2.000000e-01 : f32
      %mul3A_96 = vector.broadcast %mul3A_95 : f32 to vector<16xf32>
      %mul3A_97 = arith.mulf %mul3A_96, %add3A_92 : vector<16xf32>
      %select_n3A_98 = arith.select %gt3A_94, %add3A_92, %mul3A_97 : vector<16xi1>, vector<16xf32>
      %get3A_99 = arith.constant 0 : index
      %get3A_100 = tpu.vector_load %arg21[%get3A_99] {strides = array<i32>} : memref<64xf32, #tpu.memory_space<vmem>>, vector<16xf32>,
      %mul3A_101 = arith.mulf %select_n3A_98, %get3A_100 : vector<16xf32>
      %add3A_102 = arith.addf %broadcast_in_dim3A_82, %mul3A_101 : vector<16xf32>
      %get3A_103 = arith.index_cast %scan3A_79 : i32 to index
      %get3A_104 = arith.constant 16 : index
      %get3A_105 = tpu.vector_load %arg11[%get3A_103, %get3A_104] {strides = array<i32>} : memref<80x64xf32, #tpu.memory_space<vmem>>, vector<16xf32>,
      %get3A_106 = arith.index_cast %scan3A_79 : i32 to index
      %get3A_107 = arith.constant 16 : index
      %get3A_108 = tpu.vector_load %arg12[%get3A_106, %get3A_107] {strides = array<i32>} : memref<80x64xf32, #tpu.memory_space<vmem>>, vector<16xf32>,
      %add3A_109 = arith.addf %get3A_105, %get3A_108 : vector<16xf32>
      %get3A_110 = arith.index_cast %scan3A_79 : i32 to index
      %get3A_111 = arith.constant 16 : index
      %get3A_112 = tpu.vector_load %arg13[%get3A_110, %get3A_111] {strides = array<i32>} : memref<80x64xf32, #tpu.memory_space<vmem>>, vector<16xf32>,
      %add3A_113 = arith.addf %add3A_109, %get3A_112 : vector<16xf32>
      %gt3A_114 = arith.constant 0.000000e+00 : f32
      %gt3A_115 = vector.broadcast %gt3A_114 : f32 to vector<16xf32>
      %gt3A_116 = arith.cmpf ogt, %add3A_113, %gt3A_115 : vector<16xf32>
      %mul3A_117 = arith.constant 2.000000e-01 : f32
      %mul3A_118 = vector.broadcast %mul3A_117 : f32 to vector<16xf32>
      %mul3A_119 = arith.mulf %mul3A_118, %add3A_113 : vector<16xf32>
      %select_n3A_120 = arith.select %gt3A_116, %add3A_113, %mul3A_119 : vector<16xi1>, vector<16xf32>
      %get3A_121 = arith.constant 16 : index
      %get3A_122 = tpu.vector_load %arg21[%get3A_121] {strides = array<i32>} : memref<64xf32, #tpu.memory_space<vmem>>, vector<16xf32>,
      %mul3A_123 = arith.mulf %select_n3A_120, %get3A_122 : vector<16xf32>
      %add3A_124 = arith.addf %add3A_102, %mul3A_123 : vector<16xf32>
      %get3A_125 = arith.index_cast %scan3A_79 : i32 to index
      %get3A_126 = arith.constant 32 : index
      %get3A_127 = tpu.vector_load %arg11[%get3A_125, %get3A_126] {strides = array<i32>} : memref<80x64xf32, #tpu.memory_space<vmem>>, vector<16xf32>,
      %get3A_128 = arith.index_cast %scan3A_79 : i32 to index
      %get3A_129 = arith.constant 32 : index
      %get3A_130 = tpu.vector_load %arg12[%get3A_128, %get3A_129] {strides = array<i32>} : memref<80x64xf32, #tpu.memory_space<vmem>>, vector<16xf32>,
      %add3A_131 = arith.addf %get3A_127, %get3A_130 : vector<16xf32>
      %get3A_132 = arith.index_cast %scan3A_79 : i32 to index
      %get3A_133 = arith.constant 32 : index
      %get3A_134 = tpu.vector_load %arg13[%get3A_132, %get3A_133] {strides = array<i32>} : memref<80x64xf32, #tpu.memory_space<vmem>>, vector<16xf32>,
      %add3A_135 = arith.addf %add3A_131, %get3A_134 : vector<16xf32>
      %gt3A_136 = arith.constant 0.000000e+00 : f32
      %gt3A_137 = vector.broadcast %gt3A_136 : f32 to vector<16xf32>
      %gt3A_138 = arith.cmpf ogt, %add3A_135, %gt3A_137 : vector<16xf32>
      %mul3A_139 = arith.constant 2.000000e-01 : f32
      %mul3A_140 = vector.broadcast %mul3A_139 : f32 to vector<16xf32>
      %mul3A_141 = arith.mulf %mul3A_140, %add3A_135 : vector<16xf32>
      %select_n3A_142 = arith.select %gt3A_138, %add3A_135, %mul3A_141 : vector<16xi1>, vector<16xf32>
      %get3A_143 = arith.constant 32 : index
      %get3A_144 = tpu.vector_load %arg21[%get3A_143] {strides = array<i32>} : memref<64xf32, #tpu.memory_space<vmem>>, vector<16xf32>,
      %mul3A_145 = arith.mulf %select_n3A_142, %get3A_144 : vector<16xf32>
      %add3A_146 = arith.addf %add3A_124, %mul3A_145 : vector<16xf32>
      %get3A_147 = arith.index_cast %scan3A_79 : i32 to index
      %get3A_148 = arith.constant 48 : index
      %get3A_149 = tpu.vector_load %arg11[%get3A_147, %get3A_148] {strides = array<i32>} : memref<80x64xf32, #tpu.memory_space<vmem>>, vector<16xf32>,
      %get3A_150 = arith.index_cast %scan3A_79 : i32 to index
      %get3A_151 = arith.constant 48 : index
      %get3A_152 = tpu.vector_load %arg12[%get3A_150, %get3A_151] {strides = array<i32>} : memref<80x64xf32, #tpu.memory_space<vmem>>, vector<16xf32>,
      %add3A_153 = arith.addf %get3A_149, %get3A_152 : vector<16xf32>
      %get3A_154 = arith.index_cast %scan3A_79 : i32 to index
      %get3A_155 = arith.constant 48 : index
      %get3A_156 = tpu.vector_load %arg13[%get3A_154, %get3A_155] {strides = array<i32>} : memref<80x64xf32, #tpu.memory_space<vmem>>, vector<16xf32>,
      %add3A_157 = arith.addf %add3A_153, %get3A_156 : vector<16xf32>
      %gt3A_158 = arith.constant 0.000000e+00 : f32
      %gt3A_159 = vector.broadcast %gt3A_158 : f32 to vector<16xf32>
      %gt3A_160 = arith.cmpf ogt, %add3A_157, %gt3A_159 : vector<16xf32>
      %mul3A_161 = arith.constant 2.000000e-01 : f32
      %mul3A_162 = vector.broadcast %mul3A_161 : f32 to vector<16xf32>
      %mul3A_163 = arith.mulf %mul3A_162, %add3A_157 : vector<16xf32>
      %select_n3A_164 = arith.select %gt3A_160, %add3A_157, %mul3A_163 : vector<16xi1>, vector<16xf32>
      %get3A_165 = arith.constant 48 : index
      %get3A_166 = tpu.vector_load %arg21[%get3A_165] {strides = array<i32>} : memref<64xf32, #tpu.memory_space<vmem>>, vector<16xf32>,
      %mul3A_167 = arith.mulf %select_n3A_164, %get3A_166 : vector<16xf32>
      %add3A_168 = arith.addf %add3A_146, %mul3A_167 : vector<16xf32>
      %swap3A = arith.constant 0 : index
      %swap3A_169 = tpu.vector_load %arg22[%swap3A] {strides = array<i32>} : memref<16xf32, #tpu.memory_space<vmem>>, vector<16xf32>,
      tpu.vector_store %arg22[%swap3A], %add3A_168 {strides = array<i32>} : memref<16xf32, #tpu.memory_space<vmem>>, vector<16xf32>,
      %get3A_170 = arith.constant 0 : index
      %get3A_171 = tpu.vector_load %arg22[%get3A_170] {strides = array<i32>} : memref<16xf32, #tpu.memory_space<vmem>>, vector<16xf32>,
      %xor3A = arith.constant 1 : i32
      %xor3A_172 = vector.broadcast %xor3A : i32 to vector<16xi32>
      %xor3A_173 = arith.xori %iota3A, %xor3A_172 : vector<16xi32>
      %gather3A = tpu.vector_load_idx %arg22[%xor3A_173] : memref<16xf32, #tpu.memory_space<vmem>>[vector<16xi32>], vector<16xf32>,
      %add3A_174 = arith.addf %get3A_171, %gather3A : vector<16xf32>
      %swap3A_175 = arith.constant 0 : index
      %swap3A_176 = tpu.vector_load %arg22[%swap3A_175] {strides = array<i32>} : memref<16xf32, #tpu.memory_space<vmem>>, vector<16xf32>,
      tpu.vector_store %arg22[%swap3A_175], %add3A_174 {strides = array<i32>} : memref<16xf32, #tpu.memory_space<vmem>>, vector<16xf32>,
      %get3A_177 = arith.constant 0 : index
      %get3A_178 = tpu.vector_load %arg22[%get3A_177] {strides = array<i32>} : memref<16xf32, #tpu.memory_space<vmem>>, vector<16xf32>,
      %xor3A_179 = arith.constant 2 : i32
      %xor3A_180 = vector.broadcast %xor3A_179 : i32 to vector<16xi32>
      %xor3A_181 = arith.xori %iota3A, %xor3A_180 : vector<16xi32>
      %gather3A_182 = tpu.vector_load_idx %arg22[%xor3A_181] : memref<16xf32, #tpu.memory_space<vmem>>[vector<16xi32>], vector<16xf32>,
      %add3A_183 = arith.addf %get3A_178, %gather3A_182 : vector<16xf32>
      %swap3A_184 = arith.constant 0 : index
      %swap3A_185 = tpu.vector_load %arg22[%swap3A_184] {strides = array<i32>} : memref<16xf32, #tpu.memory_space<vmem>>, vector<16xf32>,
      tpu.vector_store %arg22[%swap3A_184], %add3A_183 {strides = array<i32>} : memref<16xf32, #tpu.memory_space<vmem>>, vector<16xf32>,
      %get3A_186 = arith.constant 0 : index
      %get3A_187 = tpu.vector_load %arg22[%get3A_186] {strides = array<i32>} : memref<16xf32, #tpu.memory_space<vmem>>, vector<16xf32>,
      %xor3A_188 = arith.constant 4 : i32
      %xor3A_189 = vector.broadcast %xor3A_188 : i32 to vector<16xi32>
      %xor3A_190 = arith.xori %iota3A, %xor3A_189 : vector<16xi32>
      %gather3A_191 = tpu.vector_load_idx %arg22[%xor3A_190] : memref<16xf32, #tpu.memory_space<vmem>>[vector<16xi32>], vector<16xf32>,
      %add3A_192 = arith.addf %get3A_187, %gather3A_191 : vector<16xf32>
      %swap3A_193 = arith.constant 0 : index
      %swap3A_194 = tpu.vector_load %arg22[%swap3A_193] {strides = array<i32>} : memref<16xf32, #tpu.memory_space<vmem>>, vector<16xf32>,
      tpu.vector_store %arg22[%swap3A_193], %add3A_192 {strides = array<i32>} : memref<16xf32, #tpu.memory_space<vmem>>, vector<16xf32>,
      %get3A_195 = arith.constant 0 : index
      %get3A_196 = tpu.vector_load %arg22[%get3A_195] {strides = array<i32>} : memref<16xf32, #tpu.memory_space<vmem>>, vector<16xf32>,
      %xor3A_197 = arith.constant 8 : i32
      %xor3A_198 = vector.broadcast %xor3A_197 : i32 to vector<16xi32>
      %xor3A_199 = arith.xori %iota3A, %xor3A_198 : vector<16xi32>
      %gather3A_200 = tpu.vector_load_idx %arg22[%xor3A_199] : memref<16xf32, #tpu.memory_space<vmem>>[vector<16xi32>], vector<16xf32>,
      %add3A_201 = arith.addf %get3A_196, %gather3A_200 : vector<16xf32>
      %swap3A_202 = arith.constant 0 : index
      %swap3A_203 = tpu.vector_load %arg22[%swap3A_202] {strides = array<i32>} : memref<16xf32, #tpu.memory_space<vmem>>, vector<16xf32>,
      tpu.vector_store %arg22[%swap3A_202], %add3A_201 {strides = array<i32>} : memref<16xf32, #tpu.memory_space<vmem>>, vector<16xf32>,
      %get3A_204 = arith.constant 0 : index
      %get3A_205 = tpu.vector_load %arg22[%get3A_204] {strides = array<i32>} : memref<16xf32, #tpu.memory_space<vmem>>, vector<16xf32>,
      %exp3A = math.exp %get3A_205 : vector<16xf32>
      %get3A_206 = arith.index_cast %scan3A_79 : i32 to index
      %get3A_207 = arith.constant 0 : index
      %get3A_208 = tpu.vector_load %arg11[%get3A_206, %get3A_207] {strides = array<i32>} : memref<80x64xf32, #tpu.memory_space<vmem>>, vector<16xf32>,
      %mul3A_209 = arith.mulf %exp3A, %get3A_208 : vector<16xf32>
      %swap3A_210 = arith.index_cast %scan3A_79 : i32 to index
      %swap3A_211 = arith.constant 0 : index
      %swap3A_212 = tpu.vector_load %arg19[%swap3A_210, %swap3A_211] {strides = array<i32>} : memref<80x80xf32, #tpu.memory_space<vmem>>, vector<16xf32>,
      tpu.vector_store %arg19[%swap3A_210, %swap3A_211], %mul3A_209 {strides = array<i32>} : memref<80x80xf32, #tpu.memory_space<vmem>>, vector<16xf32>,
      %get3A_213 = arith.index_cast %scan3A_79 : i32 to index
      %get3A_214 = arith.constant 16 : index
      %get3A_215 = tpu.vector_load %arg11[%get3A_213, %get3A_214] {strides = array<i32>} : memref<80x64xf32, #tpu.memory_space<vmem>>, vector<16xf32>,
      %mul3A_216 = arith.mulf %exp3A, %get3A_215 : vector<16xf32>
      %swap3A_217 = arith.index_cast %scan3A_79 : i32 to index
      %swap3A_218 = arith.constant 16 : index
      %swap3A_219 = tpu.vector_load %arg19[%swap3A_217, %swap3A_218] {strides = array<i32>} : memref<80x80xf32, #tpu.memory_space<vmem>>, vector<16xf32>,
      tpu.vector_store %arg19[%swap3A_217, %swap3A_218], %mul3A_216 {strides = array<i32>} : memref<80x80xf32, #tpu.memory_space<vmem>>, vector<16xf32>,
      %get3A_220 = arith.index_cast %scan3A_79 : i32 to index
      %get3A_221 = arith.constant 32 : index
      %get3A_222 = tpu.vector_load %arg11[%get3A_220, %get3A_221] {strides = array<i32>} : memref<80x64xf32, #tpu.memory_space<vmem>>, vector<16xf32>,
      %mul3A_223 = arith.mulf %exp3A, %get3A_222 : vector<16xf32>
      %swap3A_224 = arith.index_cast %scan3A_79 : i32 to index
      %swap3A_225 = arith.constant 32 : index
      %swap3A_226 = tpu.vector_load %arg19[%swap3A_224, %swap3A_225] {strides = array<i32>} : memref<80x80xf32, #tpu.memory_space<vmem>>, vector<16xf32>,
      tpu.vector_store %arg19[%swap3A_224, %swap3A_225], %mul3A_223 {strides = array<i32>} : memref<80x80xf32, #tpu.memory_space<vmem>>, vector<16xf32>,
      %get3A_227 = arith.index_cast %scan3A_79 : i32 to index
      %get3A_228 = arith.constant 48 : index
      %get3A_229 = tpu.vector_load %arg11[%get3A_227, %get3A_228] {strides = array<i32>} : memref<80x64xf32, #tpu.memory_space<vmem>>, vector<16xf32>,
      %mul3A_230 = arith.mulf %exp3A, %get3A_229 : vector<16xf32>
      %swap3A_231 = arith.index_cast %scan3A_79 : i32 to index
      %swap3A_232 = arith.constant 48 : index
      %swap3A_233 = tpu.vector_load %arg19[%swap3A_231, %swap3A_232] {strides = array<i32>} : memref<80x80xf32, #tpu.memory_space<vmem>>, vector<16xf32>,
      tpu.vector_store %arg19[%swap3A_231, %swap3A_232], %mul3A_230 {strides = array<i32>} : memref<80x80xf32, #tpu.memory_space<vmem>>, vector<16xf32>,
      %mul3A_234 = arith.mulf %exp3A, %select_n3A : vector<16xf32>
      %swap3A_235 = arith.index_cast %scan3A_79 : i32 to index
      %swap3A_236 = arith.constant 64 : index
      %swap3A_237 = tpu.vector_load %arg19[%swap3A_235, %swap3A_236] {strides = array<i32>} : memref<80x80xf32, #tpu.memory_space<vmem>>, vector<16xf32>,
      tpu.vector_store %arg19[%swap3A_235, %swap3A_236], %mul3A_234 {strides = array<i32>} : memref<80x80xf32, #tpu.memory_space<vmem>>, vector<16xf32>,
      %scan3A_238 = arith.constant 0 : i32
      scf.yield %scan3A_238 : i32
    }
    %scan3A_68 = arith.constant 80 : i32
    "tpu.region"() ({
      %run_scoped3A = tpu.sem_alloc : memref<!tpu.dma_semaphore, #tpu.memory_space<semaphore_mem>>
      %dma_start3A_79 = arith.constant 0 : i32
      %dma_start3A_80 = arith.constant 0 : i32
      %dma_start3A_81 = tpu.memref_slice %arg23[%dma_start3A_79, %dma_start3A_80] : memref<10000x80xf32, #tpu.memory_space<vmem_shared>> -> memref<10000x80xf32, #tpu.memory_space<vmem_shared>>
      tpu.enqueue_indirect_dma source(%arg19 : memref<80x80xf32, #tpu.memory_space<vmem>>) target(%dma_start3A_81 : memref<10000x80xf32, #tpu.memory_space<vmem_shared>>) offsets(%arg10 : memref<80xi32, #tpu.memory_space<vmem>>) semaphore(%run_scoped3A : memref<!tpu.dma_semaphore, #tpu.memory_space<semaphore_mem>>) {add = true}
      %dma_wait3A_82 = arith.constant 0 : i32
      %dma_wait3A_83 = arith.constant 0 : i32
      %dma_wait3A_84 = tpu.memref_slice %arg23[%dma_wait3A_82, %dma_wait3A_83] : memref<10000x80xf32, #tpu.memory_space<vmem_shared>> -> memref<10000x80xf32, #tpu.memory_space<vmem_shared>>
      tpu.wait_indirect_dma semaphore(%run_scoped3A : memref<!tpu.dma_semaphore, #tpu.memory_space<semaphore_mem>>) src(%arg19 : memref<80x80xf32, #tpu.memory_space<vmem>>) dst(%dma_wait3A_84 : memref<10000x80xf32, #tpu.memory_space<vmem_shared>>)
      tpu.yield
    }) : () -> ()
    %barrier3A_69 = arith.constant 0 : index
    tpu.barrier barrier_id(%barrier3A_69)
    %mul3A_70 = arith.constant 632 : i32
    %mul3A_71 = arith.muli %arg1, %mul3A_70 : i32
    %multiple_of3A = tpu.assume_multiple %mul3A_71, 8 : i32
    %lt3A = arith.constant 15 : i32
    %lt3A_72 = arith.cmpi slt, %arg1, %lt3A : i32
    %convert_element_type3A = arith.extui %lt3A_72 : i1 to i32
    %cond3A = arith.constant 0 : i32
    %cond3A_73 = arith.cmpi ne, %convert_element_type3A, %cond3A : i32
    scf.if %cond3A_73 {
      "tpu.region"() ({
        %run_scoped3A = tpu.sem_alloc : memref<!tpu.dma_semaphore, #tpu.memory_space<semaphore_mem>>
        %dma_start3A_79 = arith.constant 0 : i32
        %dma_start3A_80 = tpu.memref_slice %arg8[%arg0, %multiple_of3A, %dma_start3A_79] : memref<2x10000x80xf32, #tpu.memory_space<hbm>> -> memref<1x632x80xf32, #tpu.memory_space<hbm>>
        %dma_start3A_81 = tpu.memref_squeeze %dma_start3A_80 : memref<1x632x80xf32, #tpu.memory_space<hbm>> -> memref<632x80xf32, #tpu.memory_space<hbm>>
        %dma_start3A_82 = arith.constant 0 : i32
        %dma_start3A_83 = tpu.memref_slice %arg23[%multiple_of3A, %dma_start3A_82] : memref<10000x80xf32, #tpu.memory_space<vmem_shared>> -> memref<632x80xf32, #tpu.memory_space<vmem_shared>>
        tpu.enqueue_dma source(%dma_start3A_83 : memref<632x80xf32, #tpu.memory_space<vmem_shared>>) target(%dma_start3A_81 : memref<632x80xf32, #tpu.memory_space<hbm>>) target_semaphore(%run_scoped3A : memref<!tpu.dma_semaphore, #tpu.memory_space<semaphore_mem>>)
        %dma_wait3A_84 = arith.constant 0 : i32
        %dma_wait3A_85 = tpu.memref_slice %arg8[%arg0, %multiple_of3A, %dma_wait3A_84] : memref<2x10000x80xf32, #tpu.memory_space<hbm>> -> memref<1x632x80xf32, #tpu.memory_space<hbm>>
        %dma_wait3A_86 = tpu.memref_squeeze %dma_wait3A_85 : memref<1x632x80xf32, #tpu.memory_space<hbm>> -> memref<632x80xf32, #tpu.memory_space<hbm>>
        %dma_wait3A_87 = arith.constant 0 : i32
        %dma_wait3A_88 = tpu.memref_slice %arg23[%multiple_of3A, %dma_wait3A_87] : memref<10000x80xf32, #tpu.memory_space<vmem_shared>> -> memref<632x80xf32, #tpu.memory_space<vmem_shared>>
        tpu.wait_dma2 semaphore(%run_scoped3A : memref<!tpu.dma_semaphore, #tpu.memory_space<semaphore_mem>>) src(%dma_wait3A_88 : memref<632x80xf32, #tpu.memory_space<vmem_shared>>) dst(%dma_wait3A_86 : memref<632x80xf32, #tpu.memory_space<hbm>>)
        tpu.yield
      }) : () -> ()
    } else {
    }
    %eq3A_74 = arith.constant 15 : i32
    %eq3A_75 = arith.cmpi eq, %arg1, %eq3A_74 : i32
    %convert_element_type3A_76 = arith.extui %eq3A_75 : i1 to i32
    %cond3A_77 = arith.constant 0 : i32
    %cond3A_78 = arith.cmpi ne, %convert_element_type3A_76, %cond3A_77 : i32
    scf.if %cond3A_78 {
      "tpu.region"() ({
        %run_scoped3A = tpu.sem_alloc : memref<!tpu.dma_semaphore, #tpu.memory_space<semaphore_mem>>
        %dma_start3A_79 = arith.constant 9480 : i32
        %dma_start3A_80 = arith.constant 0 : i32
        %dma_start3A_81 = tpu.memref_slice %arg8[%arg0, %dma_start3A_79, %dma_start3A_80] : memref<2x10000x80xf32, #tpu.memory_space<hbm>> -> memref<1x520x80xf32, #tpu.memory_space<hbm>>
        %dma_start3A_82 = tpu.memref_squeeze %dma_start3A_81 : memref<1x520x80xf32, #tpu.memory_space<hbm>> -> memref<520x80xf32, #tpu.memory_space<hbm>>
        %dma_start3A_83 = arith.constant 9480 : i32
        %dma_start3A_84 = arith.constant 0 : i32
        %dma_start3A_85 = tpu.memref_slice %arg23[%dma_start3A_83, %dma_start3A_84] : memref<10000x80xf32, #tpu.memory_space<vmem_shared>> -> memref<520x80xf32, #tpu.memory_space<vmem_shared>>
        tpu.enqueue_dma source(%dma_start3A_85 : memref<520x80xf32, #tpu.memory_space<vmem_shared>>) target(%dma_start3A_82 : memref<520x80xf32, #tpu.memory_space<hbm>>) target_semaphore(%run_scoped3A : memref<!tpu.dma_semaphore, #tpu.memory_space<semaphore_mem>>)
        %dma_wait3A_86 = arith.constant 9480 : i32
        %dma_wait3A_87 = arith.constant 0 : i32
        %dma_wait3A_88 = tpu.memref_slice %arg8[%arg0, %dma_wait3A_86, %dma_wait3A_87] : memref<2x10000x80xf32, #tpu.memory_space<hbm>> -> memref<1x520x80xf32, #tpu.memory_space<hbm>>
        %dma_wait3A_89 = tpu.memref_squeeze %dma_wait3A_88 : memref<1x520x80xf32, #tpu.memory_space<hbm>> -> memref<520x80xf32, #tpu.memory_space<hbm>>
        %dma_wait3A_90 = arith.constant 9480 : i32
        %dma_wait3A_91 = arith.constant 0 : i32
        %dma_wait3A_92 = tpu.memref_slice %arg23[%dma_wait3A_90, %dma_wait3A_91] : memref<10000x80xf32, #tpu.memory_space<vmem_shared>> -> memref<520x80xf32, #tpu.memory_space<vmem_shared>>
        tpu.wait_dma2 semaphore(%run_scoped3A : memref<!tpu.dma_semaphore, #tpu.memory_space<semaphore_mem>>) src(%dma_wait3A_92 : memref<520x80xf32, #tpu.memory_space<vmem_shared>>) dst(%dma_wait3A_89 : memref<520x80xf32, #tpu.memory_space<hbm>>)
        tpu.yield
      }) : () -> ()
    } else {
    }
    return
  }
}

module attributes {stable_mosaic.version = 14 : i64} {
  func.func @_proj1_body(%arg0: i32, %arg1: memref<1000x128xf32, #tpu.memory_space<vmem>>, %arg2: memref<128x384xf32, #tpu.memory_space<vmem>>, %arg3: memref<1x384xf32, #tpu.memory_space<vmem>>, %arg4: memref<1000x64xf32, #tpu.memory_space<vmem>>, %arg5: memref<1000x64xf32, #tpu.memory_space<vmem>>, %arg6: memref<1000x64xf32, #tpu.memory_space<vmem>>, %arg7: memref<1000x64xf32, #tpu.memory_space<vmem>>, %arg8: memref<1000x128xf32, #tpu.memory_space<vmem>>) attributes {dimension_semantics = [#tpu.dimension_semantics<arbitrary>], iteration_bounds = array<i64: 10>, scalar_prefetch = 0 : i64, scratch_operands = 0 : i64, tpu.core_type = #tpu.core_type<tc>, window_params = [{transform_indices = @transform_0, window_bounds = array<i64: 1000, 128>}, {pipeline_mode = #tpu.pipeline_mode<synchronous>, transform_indices = @transform_1, window_bounds = array<i64: 128, 384>}, {pipeline_mode = #tpu.pipeline_mode<synchronous>, transform_indices = @transform_2, window_bounds = array<i64: 1, 384>}, {transform_indices = @transform_3, window_bounds = array<i64: 1000, 64>}, {transform_indices = @transform_4, window_bounds = array<i64: 1000, 64>}, {transform_indices = @transform_5, window_bounds = array<i64: 1000, 64>}, {transform_indices = @transform_6, window_bounds = array<i64: 1000, 64>}, {transform_indices = @transform_7, window_bounds = array<i64: 1000, 128>}]} {
    %get3A = arith.constant 0 : index
    %get3A_0 = arith.constant 0 : index
    %get3A_1 = vector.load %arg1[%get3A, %get3A_0] : memref<1000x128xf32, #tpu.memory_space<vmem>>, vector<1000x128xf32>
    %get3A_2 = arith.constant 0 : index
    %get3A_3 = arith.constant 0 : index
    %get3A_4 = vector.load %arg2[%get3A_2, %get3A_3] : memref<128x384xf32, #tpu.memory_space<vmem>>, vector<128x384xf32>
    %dot_general3A = arith.constant dense<0.000000e+00> : vector<1000x384xf32>
    %dot_general3A_5 = tpu.matmul %get3A_1, %get3A_4, %dot_general3A {dimension_numbers = #tpu.dot_dimension_numbers<[1], [0], [0], [1], [0, 0, 1, 1], [], []>, transpose_lhs_hint = false} : vector<1000x128xf32>, vector<128x384xf32>, vector<1000x384xf32> -> vector<1000x384xf32>
    %get3A_6 = arith.constant 0 : index
    %get3A_7 = arith.constant 0 : index
    %get3A_8 = vector.load %arg3[%get3A_6, %get3A_7] : memref<1x384xf32, #tpu.memory_space<vmem>>, vector<1x384xf32>
    %add3A = vector.broadcast %get3A_8 : vector<1x384xf32> to vector<1000x384xf32>
    %add3A_9 = arith.addf %dot_general3A_5, %add3A : vector<1000x384xf32>
    %slice3A = vector.extract_strided_slice %add3A_9 {offsets = [0, 0], sizes = [1000, 64], strides = [1, 1]} : vector<1000x384xf32> to vector<1000x64xf32>
    %swap3A = arith.constant 0 : index
    %swap3A_10 = arith.constant 0 : index
    %swap3A_11 = vector.load %arg4[%swap3A, %swap3A_10] : memref<1000x64xf32, #tpu.memory_space<vmem>>, vector<1000x64xf32>
    tpu.vector_store %arg4[%swap3A, %swap3A_10], %slice3A {strides = array<i32>} : memref<1000x64xf32, #tpu.memory_space<vmem>>, vector<1000x64xf32>,
    %slice3A_12 = vector.extract_strided_slice %add3A_9 {offsets = [0, 64], sizes = [1000, 64], strides = [1, 1]} : vector<1000x384xf32> to vector<1000x64xf32>
    %swap3A_13 = arith.constant 0 : index
    %swap3A_14 = arith.constant 0 : index
    %swap3A_15 = vector.load %arg5[%swap3A_13, %swap3A_14] : memref<1000x64xf32, #tpu.memory_space<vmem>>, vector<1000x64xf32>
    tpu.vector_store %arg5[%swap3A_13, %swap3A_14], %slice3A_12 {strides = array<i32>} : memref<1000x64xf32, #tpu.memory_space<vmem>>, vector<1000x64xf32>,
    %slice3A_16 = vector.extract_strided_slice %add3A_9 {offsets = [0, 128], sizes = [1000, 64], strides = [1, 1]} : vector<1000x384xf32> to vector<1000x64xf32>
    %swap3A_17 = arith.constant 0 : index
    %swap3A_18 = arith.constant 0 : index
    %swap3A_19 = vector.load %arg6[%swap3A_17, %swap3A_18] : memref<1000x64xf32, #tpu.memory_space<vmem>>, vector<1000x64xf32>
    tpu.vector_store %arg6[%swap3A_17, %swap3A_18], %slice3A_16 {strides = array<i32>} : memref<1000x64xf32, #tpu.memory_space<vmem>>, vector<1000x64xf32>,
    %slice3A_20 = vector.extract_strided_slice %add3A_9 {offsets = [0, 192], sizes = [1000, 64], strides = [1, 1]} : vector<1000x384xf32> to vector<1000x64xf32>
    %swap3A_21 = arith.constant 0 : index
    %swap3A_22 = arith.constant 0 : index
    %swap3A_23 = vector.load %arg7[%swap3A_21, %swap3A_22] : memref<1000x64xf32, #tpu.memory_space<vmem>>, vector<1000x64xf32>
    tpu.vector_store %arg7[%swap3A_21, %swap3A_22], %slice3A_20 {strides = array<i32>} : memref<1000x64xf32, #tpu.memory_space<vmem>>, vector<1000x64xf32>,
    %slice3A_24 = vector.extract_strided_slice %add3A_9 {offsets = [0, 256], sizes = [1000, 128], strides = [1, 1]} : vector<1000x384xf32> to vector<1000x128xf32>
    %swap3A_25 = arith.constant 0 : index
    %swap3A_26 = arith.constant 0 : index
    %swap3A_27 = vector.load %arg8[%swap3A_25, %swap3A_26] : memref<1000x128xf32, #tpu.memory_space<vmem>>, vector<1000x128xf32>
    tpu.vector_store %arg8[%swap3A_25, %swap3A_26], %slice3A_24 {strides = array<i32>} : memref<1000x128xf32, #tpu.memory_space<vmem>>, vector<1000x128xf32>,
    return
  }
  func.func @transform_0(%arg0: i32) -> (i32, i32) {
    %c0_i32 = arith.constant 0 : i32
    %c0_i32_0 = arith.constant 0 : i32
    return %arg0, %c0_i32 : i32, i32
  }
  func.func @transform_1(%arg0: i32) -> (i32, i32) {
    %c0_i32 = arith.constant 0 : i32
    %c0_i32_0 = arith.constant 0 : i32
    %c0_i32_1 = arith.constant 0 : i32
    return %c0_i32, %c0_i32_0 : i32, i32
  }
  func.func @transform_2(%arg0: i32) -> (i32, i32) {
    %c0_i32 = arith.constant 0 : i32
    %c0_i32_0 = arith.constant 0 : i32
    %c0_i32_1 = arith.constant 0 : i32
    return %c0_i32, %c0_i32_0 : i32, i32
  }
  func.func @transform_3(%arg0: i32) -> (i32, i32) {
    %c0_i32 = arith.constant 0 : i32
    %c0_i32_0 = arith.constant 0 : i32
    return %arg0, %c0_i32 : i32, i32
  }
  func.func @transform_4(%arg0: i32) -> (i32, i32) {
    %c0_i32 = arith.constant 0 : i32
    %c0_i32_0 = arith.constant 0 : i32
    return %arg0, %c0_i32 : i32, i32
  }
  func.func @transform_5(%arg0: i32) -> (i32, i32) {
    %c0_i32 = arith.constant 0 : i32
    %c0_i32_0 = arith.constant 0 : i32
    return %arg0, %c0_i32 : i32, i32
  }
  func.func @transform_6(%arg0: i32) -> (i32, i32) {
    %c0_i32 = arith.constant 0 : i32
    %c0_i32_0 = arith.constant 0 : i32
    return %arg0, %c0_i32 : i32, i32
  }
  func.func @transform_7(%arg0: i32) -> (i32, i32) {
    %c0_i32 = arith.constant 0 : i32
    %c0_i32_0 = arith.constant 0 : i32
    return %arg0, %c0_i32 : i32, i32
  }
}

module attributes {stable_mosaic.version = 14 : i64} {
  func.func @_ea_body(%arg0: i32, %arg1: memref<4000x16xf32, #tpu.memory_space<vmem>>, %arg2: memref<16x192xf32, #tpu.memory_space<vmem>>, %arg3: memref<4000x64xf32, #tpu.memory_space<vmem>>, %arg4: memref<4000x64xf32, #tpu.memory_space<vmem>>, %arg5: memref<4000x64xf32, #tpu.memory_space<vmem>>) attributes {dimension_semantics = [#tpu.dimension_semantics<arbitrary>], iteration_bounds = array<i64: 80>, scalar_prefetch = 0 : i64, scratch_operands = 0 : i64, tpu.core_type = #tpu.core_type<tc>, window_params = [{transform_indices = @transform_0, window_bounds = array<i64: 4000, 16>}, {pipeline_mode = #tpu.pipeline_mode<synchronous>, transform_indices = @transform_1, window_bounds = array<i64: 16, 192>}, {transform_indices = @transform_2, window_bounds = array<i64: 4000, 64>}, {transform_indices = @transform_3, window_bounds = array<i64: 4000, 64>}, {transform_indices = @transform_4, window_bounds = array<i64: 4000, 64>}]} {
    %get3A = arith.constant 0 : index
    %get3A_0 = arith.constant 0 : index
    %get3A_1 = vector.load %arg1[%get3A, %get3A_0] : memref<4000x16xf32, #tpu.memory_space<vmem>>, vector<4000x16xf32>
    %get3A_2 = arith.constant 0 : index
    %get3A_3 = arith.constant 0 : index
    %get3A_4 = vector.load %arg2[%get3A_2, %get3A_3] : memref<16x192xf32, #tpu.memory_space<vmem>>, vector<16x192xf32>
    %dot_general3A = arith.constant dense<0.000000e+00> : vector<4000x192xf32>
    %dot_general3A_5 = tpu.matmul %get3A_1, %get3A_4, %dot_general3A {dimension_numbers = #tpu.dot_dimension_numbers<[1], [0], [0], [1], [0, 0, 1, 1], [], []>, transpose_lhs_hint = false} : vector<4000x16xf32>, vector<16x192xf32>, vector<4000x192xf32> -> vector<4000x192xf32>
    %slice3A = vector.extract_strided_slice %dot_general3A_5 {offsets = [0, 0], sizes = [4000, 64], strides = [1, 1]} : vector<4000x192xf32> to vector<4000x64xf32>
    %swap3A = arith.constant 0 : index
    %swap3A_6 = arith.constant 0 : index
    %swap3A_7 = vector.load %arg3[%swap3A, %swap3A_6] : memref<4000x64xf32, #tpu.memory_space<vmem>>, vector<4000x64xf32>
    tpu.vector_store %arg3[%swap3A, %swap3A_6], %slice3A {strides = array<i32>} : memref<4000x64xf32, #tpu.memory_space<vmem>>, vector<4000x64xf32>,
    %slice3A_8 = vector.extract_strided_slice %dot_general3A_5 {offsets = [0, 64], sizes = [4000, 64], strides = [1, 1]} : vector<4000x192xf32> to vector<4000x64xf32>
    %swap3A_9 = arith.constant 0 : index
    %swap3A_10 = arith.constant 0 : index
    %swap3A_11 = vector.load %arg4[%swap3A_9, %swap3A_10] : memref<4000x64xf32, #tpu.memory_space<vmem>>, vector<4000x64xf32>
    tpu.vector_store %arg4[%swap3A_9, %swap3A_10], %slice3A_8 {strides = array<i32>} : memref<4000x64xf32, #tpu.memory_space<vmem>>, vector<4000x64xf32>,
    %slice3A_12 = vector.extract_strided_slice %dot_general3A_5 {offsets = [0, 128], sizes = [4000, 64], strides = [1, 1]} : vector<4000x192xf32> to vector<4000x64xf32>
    %swap3A_13 = arith.constant 0 : index
    %swap3A_14 = arith.constant 0 : index
    %swap3A_15 = vector.load %arg5[%swap3A_13, %swap3A_14] : memref<4000x64xf32, #tpu.memory_space<vmem>>, vector<4000x64xf32>
    tpu.vector_store %arg5[%swap3A_13, %swap3A_14], %slice3A_12 {strides = array<i32>} : memref<4000x64xf32, #tpu.memory_space<vmem>>, vector<4000x64xf32>,
    return
  }
  func.func @transform_0(%arg0: i32) -> (i32, i32) {
    %c0_i32 = arith.constant 0 : i32
    %c0_i32_0 = arith.constant 0 : i32
    return %arg0, %c0_i32 : i32, i32
  }
  func.func @transform_1(%arg0: i32) -> (i32, i32) {
    %c0_i32 = arith.constant 0 : i32
    %c0_i32_0 = arith.constant 0 : i32
    %c0_i32_1 = arith.constant 0 : i32
    return %c0_i32, %c0_i32_0 : i32, i32
  }
  func.func @transform_2(%arg0: i32) -> (i32, i32) {
    %c0_i32 = arith.constant 0 : i32
    %c0_i32_0 = arith.constant 0 : i32
    return %arg0, %c0_i32 : i32, i32
  }
  func.func @transform_3(%arg0: i32) -> (i32, i32) {
    %c0_i32 = arith.constant 0 : i32
    %c0_i32_0 = arith.constant 0 : i32
    return %arg0, %c0_i32 : i32, i32
  }
  func.func @transform_4(%arg0: i32) -> (i32, i32) {
    %c0_i32 = arith.constant 0 : i32
    %c0_i32_0 = arith.constant 0 : i32
    return %arg0, %c0_i32 : i32, i32
  }
}

module attributes {stable_mosaic.version = 14 : i64} {
  func.func @body(%arg0: i32, %arg1: memref<2x1000x80xf32, #tpu.memory_space<vmem>>, %arg2: memref<2x1000x80xf32, #tpu.memory_space<vmem>>, %arg3: memref<1x128xf32, #tpu.memory_space<vmem>>, %arg4: memref<1000x128xf32, #tpu.memory_space<vmem>>, %arg5: memref<1x128xf32, #tpu.memory_space<vmem>>, %arg6: memref<1x128xf32, #tpu.memory_space<vmem>>) attributes {dimension_semantics = [#tpu.dimension_semantics<arbitrary>], iteration_bounds = array<i64: 10>, scalar_prefetch = 0 : i64, scratch_operands = 0 : i64, tpu.core_type = #tpu.core_type<tc>, window_params = [{transform_indices = @transform_0, window_bounds = array<i64: 2, 1000, 80>}, {transform_indices = @transform_1, window_bounds = array<i64: 2, 1000, 80>}, {pipeline_mode = #tpu.pipeline_mode<synchronous>, transform_indices = @transform_2, window_bounds = array<i64: 1, 128>}, {transform_indices = @transform_3, window_bounds = array<i64: 1000, 128>}, {pipeline_mode = #tpu.pipeline_mode<synchronous>, transform_indices = @transform_4, window_bounds = array<i64: 1, 128>}, {pipeline_mode = #tpu.pipeline_mode<synchronous>, transform_indices = @transform_5, window_bounds = array<i64: 1, 128>}]} {
    %get3A = arith.constant 0 : index
    %get3A_0 = arith.constant 0 : index
    %get3A_1 = arith.constant 0 : index
    %get3A_2 = vector.load %arg1[%get3A, %get3A_0, %get3A_1] : memref<2x1000x80xf32, #tpu.memory_space<vmem>>, vector<1x1000x64xf32>
    %get3A_3 = vector.shape_cast %get3A_2 : vector<1x1000x64xf32> to vector<1000x64xf32>
    %get3A_4 = arith.constant 1 : index
    %get3A_5 = arith.constant 0 : index
    %get3A_6 = arith.constant 0 : index
    %get3A_7 = vector.load %arg1[%get3A_4, %get3A_5, %get3A_6] : memref<2x1000x80xf32, #tpu.memory_space<vmem>>, vector<1x1000x64xf32>
    %get3A_8 = vector.shape_cast %get3A_7 : vector<1x1000x64xf32> to vector<1000x64xf32>
    %add3A = arith.addf %get3A_3, %get3A_8 : vector<1000x64xf32>
    %get3A_9 = arith.constant 0 : index
    %get3A_10 = arith.constant 0 : index
    %get3A_11 = arith.constant 64 : index
    %get3A_12 = vector.load %arg1[%get3A_9, %get3A_10, %get3A_11] : memref<2x1000x80xf32, #tpu.memory_space<vmem>>, vector<1x1000x1xf32>
    %get3A_13 = vector.shape_cast %get3A_12 : vector<1x1000x1xf32> to vector<1000x1xf32>
    %get3A_14 = arith.constant 1 : index
    %get3A_15 = arith.constant 0 : index
    %get3A_16 = arith.constant 64 : index
    %get3A_17 = vector.load %arg1[%get3A_14, %get3A_15, %get3A_16] : memref<2x1000x80xf32, #tpu.memory_space<vmem>>, vector<1x1000x1xf32>
    %get3A_18 = vector.shape_cast %get3A_17 : vector<1x1000x1xf32> to vector<1000x1xf32>
    %add3A_19 = arith.addf %get3A_13, %get3A_18 : vector<1000x1xf32>
    %add3A_20 = arith.constant 1.000000e-16 : f32
    %add3A_21 = vector.broadcast %add3A_20 : f32 to vector<1000x1xf32>
    %add3A_22 = arith.addf %add3A_19, %add3A_21 : vector<1000x1xf32>
    %div3A = vector.broadcast %add3A_22 : vector<1000x1xf32> to vector<1000x64xf32>
    %div3A_23 = arith.divf %add3A, %div3A : vector<1000x64xf32>
    %get3A_24 = arith.constant 0 : index
    %get3A_25 = arith.constant 0 : index
    %get3A_26 = arith.constant 0 : index
    %get3A_27 = vector.load %arg2[%get3A_24, %get3A_25, %get3A_26] : memref<2x1000x80xf32, #tpu.memory_space<vmem>>, vector<1x1000x64xf32>
    %get3A_28 = vector.shape_cast %get3A_27 : vector<1x1000x64xf32> to vector<1000x64xf32>
    %get3A_29 = arith.constant 1 : index
    %get3A_30 = arith.constant 0 : index
    %get3A_31 = arith.constant 0 : index
    %get3A_32 = vector.load %arg2[%get3A_29, %get3A_30, %get3A_31] : memref<2x1000x80xf32, #tpu.memory_space<vmem>>, vector<1x1000x64xf32>
    %get3A_33 = vector.shape_cast %get3A_32 : vector<1x1000x64xf32> to vector<1000x64xf32>
    %add3A_34 = arith.addf %get3A_28, %get3A_33 : vector<1000x64xf32>
    %get3A_35 = arith.constant 0 : index
    %get3A_36 = arith.constant 0 : index
    %get3A_37 = arith.constant 64 : index
    %get3A_38 = vector.load %arg2[%get3A_35, %get3A_36, %get3A_37] : memref<2x1000x80xf32, #tpu.memory_space<vmem>>, vector<1x1000x1xf32>
    %get3A_39 = vector.shape_cast %get3A_38 : vector<1x1000x1xf32> to vector<1000x1xf32>
    %get3A_40 = arith.constant 1 : index
    %get3A_41 = arith.constant 0 : index
    %get3A_42 = arith.constant 64 : index
    %get3A_43 = vector.load %arg2[%get3A_40, %get3A_41, %get3A_42] : memref<2x1000x80xf32, #tpu.memory_space<vmem>>, vector<1x1000x1xf32>
    %get3A_44 = vector.shape_cast %get3A_43 : vector<1x1000x1xf32> to vector<1000x1xf32>
    %add3A_45 = arith.addf %get3A_39, %get3A_44 : vector<1000x1xf32>
    %add3A_46 = arith.constant 1.000000e-16 : f32
    %add3A_47 = vector.broadcast %add3A_46 : f32 to vector<1000x1xf32>
    %add3A_48 = arith.addf %add3A_45, %add3A_47 : vector<1000x1xf32>
    %div3A_49 = vector.broadcast %add3A_48 : vector<1000x1xf32> to vector<1000x64xf32>
    %div3A_50 = arith.divf %add3A_34, %div3A_49 : vector<1000x64xf32>
    %concatenate3A = tpu.concatenate %div3A_23, %div3A_50 in 1 : vector<1000x64xf32>, vector<1000x64xf32> -> vector<1000x128xf32>
    %get3A_51 = arith.constant 0 : index
    %get3A_52 = arith.constant 0 : index
    %get3A_53 = vector.load %arg3[%get3A_51, %get3A_52] : memref<1x128xf32, #tpu.memory_space<vmem>>, vector<1x128xf32>
    %add3A_54 = vector.broadcast %get3A_53 : vector<1x128xf32> to vector<1000x128xf32>
    %add3A_55 = arith.addf %concatenate3A, %add3A_54 : vector<1000x128xf32>
    %swap3A = arith.constant 0 : index
    %swap3A_56 = arith.constant 0 : index
    %swap3A_57 = vector.load %arg4[%swap3A, %swap3A_56] : memref<1000x128xf32, #tpu.memory_space<vmem>>, vector<1000x128xf32>
    tpu.vector_store %arg4[%swap3A, %swap3A_56], %add3A_55 {strides = array<i32>} : memref<1000x128xf32, #tpu.memory_space<vmem>>, vector<1000x128xf32>,
    %eq3A = arith.constant 0 : i32
    %eq3A_58 = arith.cmpi eq, %arg0, %eq3A : i32
    %convert_element_type3A = arith.extui %eq3A_58 : i1 to i32
    %cond3A = arith.constant 0 : i32
    %cond3A_59 = arith.cmpi ne, %convert_element_type3A, %cond3A : i32
    scf.if %cond3A_59 {
      %broadcast_in_dim3A_78 = arith.constant 0.000000e+00 : f32
      %broadcast_in_dim3A_79 = vector.broadcast %broadcast_in_dim3A_78 : f32 to vector<1x128xf32>
      %swap3A_80 = arith.constant 0 : index
      %swap3A_81 = arith.constant 0 : index
      %swap3A_82 = vector.load %arg5[%swap3A_80, %swap3A_81] : memref<1x128xf32, #tpu.memory_space<vmem>>, vector<1x128xf32>
      tpu.vector_store %arg5[%swap3A_80, %swap3A_81], %broadcast_in_dim3A_79 {strides = array<i32>} : memref<1x128xf32, #tpu.memory_space<vmem>>, vector<1x128xf32>,
      %broadcast_in_dim3A_83 = arith.constant 0.000000e+00 : f32
      %broadcast_in_dim3A_84 = vector.broadcast %broadcast_in_dim3A_83 : f32 to vector<1x128xf32>
      %swap3A_85 = arith.constant 0 : index
      %swap3A_86 = arith.constant 0 : index
      %swap3A_87 = vector.load %arg6[%swap3A_85, %swap3A_86] : memref<1x128xf32, #tpu.memory_space<vmem>>, vector<1x128xf32>
      tpu.vector_store %arg6[%swap3A_85, %swap3A_86], %broadcast_in_dim3A_84 {strides = array<i32>} : memref<1x128xf32, #tpu.memory_space<vmem>>, vector<1x128xf32>,
    } else {
    }
    %get3A_60 = arith.constant 0 : index
    %get3A_61 = arith.constant 0 : index
    %get3A_62 = vector.load %arg5[%get3A_60, %get3A_61] : memref<1x128xf32, #tpu.memory_space<vmem>>, vector<1x128xf32>
    %reduce_sum3A = arith.constant dense<0.000000e+00> : vector<128xf32>
    %reduce_sum3A_63 = vector.multi_reduction <add>, %add3A_55, %reduce_sum3A [0] : vector<1000x128xf32> to vector<128xf32>
    %broadcast_in_dim3A = vector.shape_cast %reduce_sum3A_63 : vector<128xf32> to vector<1x128xf32>
    %add3A_64 = arith.addf %get3A_62, %broadcast_in_dim3A : vector<1x128xf32>
    %swap3A_65 = arith.constant 0 : index
    %swap3A_66 = arith.constant 0 : index
    %swap3A_67 = vector.load %arg5[%swap3A_65, %swap3A_66] : memref<1x128xf32, #tpu.memory_space<vmem>>, vector<1x128xf32>
    tpu.vector_store %arg5[%swap3A_65, %swap3A_66], %add3A_64 {strides = array<i32>} : memref<1x128xf32, #tpu.memory_space<vmem>>, vector<1x128xf32>,
    %get3A_68 = arith.constant 0 : index
    %get3A_69 = arith.constant 0 : index
    %get3A_70 = vector.load %arg6[%get3A_68, %get3A_69] : memref<1x128xf32, #tpu.memory_space<vmem>>, vector<1x128xf32>
    %mul3A = arith.mulf %add3A_55, %add3A_55 : vector<1000x128xf32>
    %reduce_sum3A_71 = arith.constant dense<0.000000e+00> : vector<128xf32>
    %reduce_sum3A_72 = vector.multi_reduction <add>, %mul3A, %reduce_sum3A_71 [0] : vector<1000x128xf32> to vector<128xf32>
    %broadcast_in_dim3A_73 = vector.shape_cast %reduce_sum3A_72 : vector<128xf32> to vector<1x128xf32>
    %add3A_74 = arith.addf %get3A_70, %broadcast_in_dim3A_73 : vector<1x128xf32>
    %swap3A_75 = arith.constant 0 : index
    %swap3A_76 = arith.constant 0 : index
    %swap3A_77 = vector.load %arg6[%swap3A_75, %swap3A_76] : memref<1x128xf32, #tpu.memory_space<vmem>>, vector<1x128xf32>
    tpu.vector_store %arg6[%swap3A_75, %swap3A_76], %add3A_74 {strides = array<i32>} : memref<1x128xf32, #tpu.memory_space<vmem>>, vector<1x128xf32>,
    return
  }
  func.func @transform_0(%arg0: i32) -> (i32, i32, i32) {
    %c0_i32 = arith.constant 0 : i32
    %c0_i32_0 = arith.constant 0 : i32
    %c0_i32_1 = arith.constant 0 : i32
    return %c0_i32, %arg0, %c0_i32_0 : i32, i32, i32
  }
  func.func @transform_1(%arg0: i32) -> (i32, i32, i32) {
    %c0_i32 = arith.constant 0 : i32
    %c0_i32_0 = arith.constant 0 : i32
    %c0_i32_1 = arith.constant 0 : i32
    return %c0_i32, %arg0, %c0_i32_0 : i32, i32, i32
  }
  func.func @transform_2(%arg0: i32) -> (i32, i32) {
    %c0_i32 = arith.constant 0 : i32
    %c0_i32_0 = arith.constant 0 : i32
    %c0_i32_1 = arith.constant 0 : i32
    return %c0_i32, %c0_i32_0 : i32, i32
  }
  func.func @transform_3(%arg0: i32) -> (i32, i32) {
    %c0_i32 = arith.constant 0 : i32
    %c0_i32_0 = arith.constant 0 : i32
    return %arg0, %c0_i32 : i32, i32
  }
  func.func @transform_4(%arg0: i32) -> (i32, i32) {
    %c0_i32 = arith.constant 0 : i32
    %c0_i32_0 = arith.constant 0 : i32
    %c0_i32_1 = arith.constant 0 : i32
    return %c0_i32, %c0_i32_0 : i32, i32
  }
  func.func @transform_5(%arg0: i32) -> (i32, i32) {
    %c0_i32 = arith.constant 0 : i32
    %c0_i32_0 = arith.constant 0 : i32
    %c0_i32_1 = arith.constant 0 : i32
    return %c0_i32, %c0_i32_0 : i32, i32
  }
}

module attributes {stable_mosaic.version = 14 : i64} {
  func.func @_proj2_body(%arg0: i32, %arg1: memref<1000x128xf32, #tpu.memory_space<vmem>>, %arg2: memref<1000x128xf32, #tpu.memory_space<vmem>>, %arg3: memref<1x128xf32, #tpu.memory_space<vmem>>, %arg4: memref<1x128xf32, #tpu.memory_space<vmem>>, %arg5: memref<128x192xf32, #tpu.memory_space<vmem>>, %arg6: memref<1x192xf32, #tpu.memory_space<vmem>>, %arg7: memref<1000x64xf32, #tpu.memory_space<vmem>>, %arg8: memref<1000x64xf32, #tpu.memory_space<vmem>>, %arg9: memref<1000x64xf32, #tpu.memory_space<vmem>>) attributes {dimension_semantics = [#tpu.dimension_semantics<arbitrary>], iteration_bounds = array<i64: 10>, scalar_prefetch = 0 : i64, scratch_operands = 0 : i64, tpu.core_type = #tpu.core_type<tc>, window_params = [{transform_indices = @transform_0, window_bounds = array<i64: 1000, 128>}, {transform_indices = @transform_1, window_bounds = array<i64: 1000, 128>}, {pipeline_mode = #tpu.pipeline_mode<synchronous>, transform_indices = @transform_2, window_bounds = array<i64: 1, 128>}, {pipeline_mode = #tpu.pipeline_mode<synchronous>, transform_indices = @transform_3, window_bounds = array<i64: 1, 128>}, {pipeline_mode = #tpu.pipeline_mode<synchronous>, transform_indices = @transform_4, window_bounds = array<i64: 128, 192>}, {pipeline_mode = #tpu.pipeline_mode<synchronous>, transform_indices = @transform_5, window_bounds = array<i64: 1, 192>}, {transform_indices = @transform_6, window_bounds = array<i64: 1000, 64>}, {transform_indices = @transform_7, window_bounds = array<i64: 1000, 64>}, {transform_indices = @transform_8, window_bounds = array<i64: 1000, 64>}]} {
    %get3A = arith.constant 0 : index
    %get3A_0 = arith.constant 0 : index
    %get3A_1 = vector.load %arg1[%get3A, %get3A_0] : memref<1000x128xf32, #tpu.memory_space<vmem>>, vector<1000x128xf32>
    %get3A_2 = arith.constant 0 : index
    %get3A_3 = arith.constant 0 : index
    %get3A_4 = vector.load %arg3[%get3A_2, %get3A_3] : memref<1x128xf32, #tpu.memory_space<vmem>>, vector<1x128xf32>
    %mul3A = vector.broadcast %get3A_4 : vector<1x128xf32> to vector<1000x128xf32>
    %mul3A_5 = arith.mulf %get3A_1, %mul3A : vector<1000x128xf32>
    %get3A_6 = arith.constant 0 : index
    %get3A_7 = arith.constant 0 : index
    %get3A_8 = vector.load %arg4[%get3A_6, %get3A_7] : memref<1x128xf32, #tpu.memory_space<vmem>>, vector<1x128xf32>
    %add3A = vector.broadcast %get3A_8 : vector<1x128xf32> to vector<1000x128xf32>
    %add3A_9 = arith.addf %mul3A_5, %add3A : vector<1000x128xf32>
    %get3A_10 = arith.constant 0 : index
    %get3A_11 = arith.constant 0 : index
    %get3A_12 = vector.load %arg2[%get3A_10, %get3A_11] : memref<1000x128xf32, #tpu.memory_space<vmem>>, vector<1000x128xf32>
    %add3A_13 = arith.addf %add3A_9, %get3A_12 : vector<1000x128xf32>
    %gt3A = arith.constant 0.000000e+00 : f32
    %gt3A_14 = vector.broadcast %gt3A : f32 to vector<1000x128xf32>
    %gt3A_15 = arith.cmpf ogt, %add3A_13, %gt3A_14 : vector<1000x128xf32>
    %exp3A = math.exp %add3A_13 : vector<1000x128xf32>
    %sub3A = arith.constant 1.000000e+00 : f32
    %sub3A_16 = vector.broadcast %sub3A : f32 to vector<1000x128xf32>
    %sub3A_17 = arith.subf %exp3A, %sub3A_16 : vector<1000x128xf32>
    %select_n3A = arith.select %gt3A_15, %add3A_13, %sub3A_17 : vector<1000x128xi1>, vector<1000x128xf32>
    %get3A_18 = arith.constant 0 : index
    %get3A_19 = arith.constant 0 : index
    %get3A_20 = vector.load %arg5[%get3A_18, %get3A_19] : memref<128x192xf32, #tpu.memory_space<vmem>>, vector<128x192xf32>
    %dot_general3A = arith.constant dense<0.000000e+00> : vector<1000x192xf32>
    %dot_general3A_21 = tpu.matmul %select_n3A, %get3A_20, %dot_general3A {dimension_numbers = #tpu.dot_dimension_numbers<[1], [0], [0], [1], [0, 0, 1, 1], [], []>, transpose_lhs_hint = false} : vector<1000x128xf32>, vector<128x192xf32>, vector<1000x192xf32> -> vector<1000x192xf32>
    %get3A_22 = arith.constant 0 : index
    %get3A_23 = arith.constant 0 : index
    %get3A_24 = vector.load %arg6[%get3A_22, %get3A_23] : memref<1x192xf32, #tpu.memory_space<vmem>>, vector<1x192xf32>
    %add3A_25 = vector.broadcast %get3A_24 : vector<1x192xf32> to vector<1000x192xf32>
    %add3A_26 = arith.addf %dot_general3A_21, %add3A_25 : vector<1000x192xf32>
    %slice3A = vector.extract_strided_slice %add3A_26 {offsets = [0, 0], sizes = [1000, 64], strides = [1, 1]} : vector<1000x192xf32> to vector<1000x64xf32>
    %swap3A = arith.constant 0 : index
    %swap3A_27 = arith.constant 0 : index
    %swap3A_28 = vector.load %arg7[%swap3A, %swap3A_27] : memref<1000x64xf32, #tpu.memory_space<vmem>>, vector<1000x64xf32>
    tpu.vector_store %arg7[%swap3A, %swap3A_27], %slice3A {strides = array<i32>} : memref<1000x64xf32, #tpu.memory_space<vmem>>, vector<1000x64xf32>,
    %slice3A_29 = vector.extract_strided_slice %add3A_26 {offsets = [0, 64], sizes = [1000, 64], strides = [1, 1]} : vector<1000x192xf32> to vector<1000x64xf32>
    %swap3A_30 = arith.constant 0 : index
    %swap3A_31 = arith.constant 0 : index
    %swap3A_32 = vector.load %arg8[%swap3A_30, %swap3A_31] : memref<1000x64xf32, #tpu.memory_space<vmem>>, vector<1000x64xf32>
    tpu.vector_store %arg8[%swap3A_30, %swap3A_31], %slice3A_29 {strides = array<i32>} : memref<1000x64xf32, #tpu.memory_space<vmem>>, vector<1000x64xf32>,
    %slice3A_33 = vector.extract_strided_slice %add3A_26 {offsets = [0, 128], sizes = [1000, 64], strides = [1, 1]} : vector<1000x192xf32> to vector<1000x64xf32>
    %swap3A_34 = arith.constant 0 : index
    %swap3A_35 = arith.constant 0 : index
    %swap3A_36 = vector.load %arg9[%swap3A_34, %swap3A_35] : memref<1000x64xf32, #tpu.memory_space<vmem>>, vector<1000x64xf32>
    tpu.vector_store %arg9[%swap3A_34, %swap3A_35], %slice3A_33 {strides = array<i32>} : memref<1000x64xf32, #tpu.memory_space<vmem>>, vector<1000x64xf32>,
    return
  }
  func.func @transform_0(%arg0: i32) -> (i32, i32) {
    %c0_i32 = arith.constant 0 : i32
    %c0_i32_0 = arith.constant 0 : i32
    return %arg0, %c0_i32 : i32, i32
  }
  func.func @transform_1(%arg0: i32) -> (i32, i32) {
    %c0_i32 = arith.constant 0 : i32
    %c0_i32_0 = arith.constant 0 : i32
    return %arg0, %c0_i32 : i32, i32
  }
  func.func @transform_2(%arg0: i32) -> (i32, i32) {
    %c0_i32 = arith.constant 0 : i32
    %c0_i32_0 = arith.constant 0 : i32
    %c0_i32_1 = arith.constant 0 : i32
    return %c0_i32, %c0_i32_0 : i32, i32
  }
  func.func @transform_3(%arg0: i32) -> (i32, i32) {
    %c0_i32 = arith.constant 0 : i32
    %c0_i32_0 = arith.constant 0 : i32
    %c0_i32_1 = arith.constant 0 : i32
    return %c0_i32, %c0_i32_0 : i32, i32
  }
  func.func @transform_4(%arg0: i32) -> (i32, i32) {
    %c0_i32 = arith.constant 0 : i32
    %c0_i32_0 = arith.constant 0 : i32
    %c0_i32_1 = arith.constant 0 : i32
    return %c0_i32, %c0_i32_0 : i32, i32
  }
  func.func @transform_5(%arg0: i32) -> (i32, i32) {
    %c0_i32 = arith.constant 0 : i32
    %c0_i32_0 = arith.constant 0 : i32
    %c0_i32_1 = arith.constant 0 : i32
    return %c0_i32, %c0_i32_0 : i32, i32
  }
  func.func @transform_6(%arg0: i32) -> (i32, i32) {
    %c0_i32 = arith.constant 0 : i32
    %c0_i32_0 = arith.constant 0 : i32
    return %arg0, %c0_i32 : i32, i32
  }
  func.func @transform_7(%arg0: i32) -> (i32, i32) {
    %c0_i32 = arith.constant 0 : i32
    %c0_i32_0 = arith.constant 0 : i32
    return %arg0, %c0_i32 : i32, i32
  }
  func.func @transform_8(%arg0: i32) -> (i32, i32) {
    %c0_i32 = arith.constant 0 : i32
    %c0_i32_0 = arith.constant 0 : i32
    return %arg0, %c0_i32 : i32, i32
  }
}

module attributes {stable_mosaic.version = 14 : i64} {
  func.func @body(%arg0: i32, %arg1: memref<2x1000x80xf32, #tpu.memory_space<vmem>>, %arg2: memref<1x64xf32, #tpu.memory_space<vmem>>, %arg3: memref<1000x64xf32, #tpu.memory_space<vmem>>, %arg4: memref<1x64xf32, #tpu.memory_space<vmem>>, %arg5: memref<1x64xf32, #tpu.memory_space<vmem>>) attributes {dimension_semantics = [#tpu.dimension_semantics<arbitrary>], iteration_bounds = array<i64: 10>, scalar_prefetch = 0 : i64, scratch_operands = 0 : i64, tpu.core_type = #tpu.core_type<tc>, window_params = [{transform_indices = @transform_0, window_bounds = array<i64: 2, 1000, 80>}, {pipeline_mode = #tpu.pipeline_mode<synchronous>, transform_indices = @transform_1, window_bounds = array<i64: 1, 64>}, {transform_indices = @transform_2, window_bounds = array<i64: 1000, 64>}, {pipeline_mode = #tpu.pipeline_mode<synchronous>, transform_indices = @transform_3, window_bounds = array<i64: 1, 64>}, {pipeline_mode = #tpu.pipeline_mode<synchronous>, transform_indices = @transform_4, window_bounds = array<i64: 1, 64>}]} {
    %get3A = arith.constant 0 : index
    %get3A_0 = arith.constant 0 : index
    %get3A_1 = arith.constant 0 : index
    %get3A_2 = vector.load %arg1[%get3A, %get3A_0, %get3A_1] : memref<2x1000x80xf32, #tpu.memory_space<vmem>>, vector<1x1000x64xf32>
    %get3A_3 = vector.shape_cast %get3A_2 : vector<1x1000x64xf32> to vector<1000x64xf32>
    %get3A_4 = arith.constant 1 : index
    %get3A_5 = arith.constant 0 : index
    %get3A_6 = arith.constant 0 : index
    %get3A_7 = vector.load %arg1[%get3A_4, %get3A_5, %get3A_6] : memref<2x1000x80xf32, #tpu.memory_space<vmem>>, vector<1x1000x64xf32>
    %get3A_8 = vector.shape_cast %get3A_7 : vector<1x1000x64xf32> to vector<1000x64xf32>
    %add3A = arith.addf %get3A_3, %get3A_8 : vector<1000x64xf32>
    %get3A_9 = arith.constant 0 : index
    %get3A_10 = arith.constant 0 : index
    %get3A_11 = arith.constant 64 : index
    %get3A_12 = vector.load %arg1[%get3A_9, %get3A_10, %get3A_11] : memref<2x1000x80xf32, #tpu.memory_space<vmem>>, vector<1x1000x1xf32>
    %get3A_13 = vector.shape_cast %get3A_12 : vector<1x1000x1xf32> to vector<1000x1xf32>
    %get3A_14 = arith.constant 1 : index
    %get3A_15 = arith.constant 0 : index
    %get3A_16 = arith.constant 64 : index
    %get3A_17 = vector.load %arg1[%get3A_14, %get3A_15, %get3A_16] : memref<2x1000x80xf32, #tpu.memory_space<vmem>>, vector<1x1000x1xf32>
    %get3A_18 = vector.shape_cast %get3A_17 : vector<1x1000x1xf32> to vector<1000x1xf32>
    %add3A_19 = arith.addf %get3A_13, %get3A_18 : vector<1000x1xf32>
    %add3A_20 = arith.constant 1.000000e-16 : f32
    %add3A_21 = vector.broadcast %add3A_20 : f32 to vector<1000x1xf32>
    %add3A_22 = arith.addf %add3A_19, %add3A_21 : vector<1000x1xf32>
    %div3A = vector.broadcast %add3A_22 : vector<1000x1xf32> to vector<1000x64xf32>
    %div3A_23 = arith.divf %add3A, %div3A : vector<1000x64xf32>
    %get3A_24 = arith.constant 0 : index
    %get3A_25 = arith.constant 0 : index
    %get3A_26 = vector.load %arg2[%get3A_24, %get3A_25] : memref<1x64xf32, #tpu.memory_space<vmem>>, vector<1x64xf32>
    %add3A_27 = vector.broadcast %get3A_26 : vector<1x64xf32> to vector<1000x64xf32>
    %add3A_28 = arith.addf %div3A_23, %add3A_27 : vector<1000x64xf32>
    %swap3A = arith.constant 0 : index
    %swap3A_29 = arith.constant 0 : index
    %swap3A_30 = vector.load %arg3[%swap3A, %swap3A_29] : memref<1000x64xf32, #tpu.memory_space<vmem>>, vector<1000x64xf32>
    tpu.vector_store %arg3[%swap3A, %swap3A_29], %add3A_28 {strides = array<i32>} : memref<1000x64xf32, #tpu.memory_space<vmem>>, vector<1000x64xf32>,
    %eq3A = arith.constant 0 : i32
    %eq3A_31 = arith.cmpi eq, %arg0, %eq3A : i32
    %convert_element_type3A = arith.extui %eq3A_31 : i1 to i32
    %cond3A = arith.constant 0 : i32
    %cond3A_32 = arith.cmpi ne, %convert_element_type3A, %cond3A : i32
    scf.if %cond3A_32 {
      %broadcast_in_dim3A_51 = arith.constant 0.000000e+00 : f32
      %broadcast_in_dim3A_52 = vector.broadcast %broadcast_in_dim3A_51 : f32 to vector<1x64xf32>
      %swap3A_53 = arith.constant 0 : index
      %swap3A_54 = arith.constant 0 : index
      %swap3A_55 = vector.load %arg4[%swap3A_53, %swap3A_54] : memref<1x64xf32, #tpu.memory_space<vmem>>, vector<1x64xf32>
      tpu.vector_store %arg4[%swap3A_53, %swap3A_54], %broadcast_in_dim3A_52 {strides = array<i32>} : memref<1x64xf32, #tpu.memory_space<vmem>>, vector<1x64xf32>,
      %broadcast_in_dim3A_56 = arith.constant 0.000000e+00 : f32
      %broadcast_in_dim3A_57 = vector.broadcast %broadcast_in_dim3A_56 : f32 to vector<1x64xf32>
      %swap3A_58 = arith.constant 0 : index
      %swap3A_59 = arith.constant 0 : index
      %swap3A_60 = vector.load %arg5[%swap3A_58, %swap3A_59] : memref<1x64xf32, #tpu.memory_space<vmem>>, vector<1x64xf32>
      tpu.vector_store %arg5[%swap3A_58, %swap3A_59], %broadcast_in_dim3A_57 {strides = array<i32>} : memref<1x64xf32, #tpu.memory_space<vmem>>, vector<1x64xf32>,
    } else {
    }
    %get3A_33 = arith.constant 0 : index
    %get3A_34 = arith.constant 0 : index
    %get3A_35 = vector.load %arg4[%get3A_33, %get3A_34] : memref<1x64xf32, #tpu.memory_space<vmem>>, vector<1x64xf32>
    %reduce_sum3A = arith.constant dense<0.000000e+00> : vector<64xf32>
    %reduce_sum3A_36 = vector.multi_reduction <add>, %add3A_28, %reduce_sum3A [0] : vector<1000x64xf32> to vector<64xf32>
    %broadcast_in_dim3A = vector.shape_cast %reduce_sum3A_36 : vector<64xf32> to vector<1x64xf32>
    %add3A_37 = arith.addf %get3A_35, %broadcast_in_dim3A : vector<1x64xf32>
    %swap3A_38 = arith.constant 0 : index
    %swap3A_39 = arith.constant 0 : index
    %swap3A_40 = vector.load %arg4[%swap3A_38, %swap3A_39] : memref<1x64xf32, #tpu.memory_space<vmem>>, vector<1x64xf32>
    tpu.vector_store %arg4[%swap3A_38, %swap3A_39], %add3A_37 {strides = array<i32>} : memref<1x64xf32, #tpu.memory_space<vmem>>, vector<1x64xf32>,
    %get3A_41 = arith.constant 0 : index
    %get3A_42 = arith.constant 0 : index
    %get3A_43 = vector.load %arg5[%get3A_41, %get3A_42] : memref<1x64xf32, #tpu.memory_space<vmem>>, vector<1x64xf32>
    %mul3A = arith.mulf %add3A_28, %add3A_28 : vector<1000x64xf32>
    %reduce_sum3A_44 = arith.constant dense<0.000000e+00> : vector<64xf32>
    %reduce_sum3A_45 = vector.multi_reduction <add>, %mul3A, %reduce_sum3A_44 [0] : vector<1000x64xf32> to vector<64xf32>
    %broadcast_in_dim3A_46 = vector.shape_cast %reduce_sum3A_45 : vector<64xf32> to vector<1x64xf32>
    %add3A_47 = arith.addf %get3A_43, %broadcast_in_dim3A_46 : vector<1x64xf32>
    %swap3A_48 = arith.constant 0 : index
    %swap3A_49 = arith.constant 0 : index
    %swap3A_50 = vector.load %arg5[%swap3A_48, %swap3A_49] : memref<1x64xf32, #tpu.memory_space<vmem>>, vector<1x64xf32>
    tpu.vector_store %arg5[%swap3A_48, %swap3A_49], %add3A_47 {strides = array<i32>} : memref<1x64xf32, #tpu.memory_space<vmem>>, vector<1x64xf32>,
    return
  }
  func.func @transform_0(%arg0: i32) -> (i32, i32, i32) {
    %c0_i32 = arith.constant 0 : i32
    %c0_i32_0 = arith.constant 0 : i32
    %c0_i32_1 = arith.constant 0 : i32
    return %c0_i32, %arg0, %c0_i32_0 : i32, i32, i32
  }
  func.func @transform_1(%arg0: i32) -> (i32, i32) {
    %c0_i32 = arith.constant 0 : i32
    %c0_i32_0 = arith.constant 0 : i32
    %c0_i32_1 = arith.constant 0 : i32
    return %c0_i32, %c0_i32_0 : i32, i32
  }
  func.func @transform_2(%arg0: i32) -> (i32, i32) {
    %c0_i32 = arith.constant 0 : i32
    %c0_i32_0 = arith.constant 0 : i32
    return %arg0, %c0_i32 : i32, i32
  }
  func.func @transform_3(%arg0: i32) -> (i32, i32) {
    %c0_i32 = arith.constant 0 : i32
    %c0_i32_0 = arith.constant 0 : i32
    %c0_i32_1 = arith.constant 0 : i32
    return %c0_i32, %c0_i32_0 : i32, i32
  }
  func.func @transform_4(%arg0: i32) -> (i32, i32) {
    %c0_i32 = arith.constant 0 : i32
    %c0_i32_0 = arith.constant 0 : i32
    %c0_i32_1 = arith.constant 0 : i32
    return %c0_i32, %c0_i32_0 : i32, i32
  }
}

module attributes {stable_mosaic.version = 14 : i64} {
  func.func @_pool_body(%arg0: i32, %arg1: memref<200x64xf32, #tpu.memory_space<vmem>>, %arg2: memref<200x64xf32, #tpu.memory_space<vmem>>, %arg3: memref<1x64xf32, #tpu.memory_space<vmem>>, %arg4: memref<1x64xf32, #tpu.memory_space<vmem>>, %arg5: memref<200x1xi32, #tpu.memory_space<vmem>>, %arg6: memref<128x10xf32, #tpu.memory_space<vmem>>, %arg7: memref<1x10xf32, #tpu.memory_space<vmem>>, %arg8: memref<64x10xf32, #tpu.memory_space<vmem>>, %arg9: memref<64x65xf32, #tpu.memory_space<vmem>>, %arg10: memref<64x64xf32, #tpu.memory_space<vmem>>) attributes {dimension_semantics = [#tpu.dimension_semantics<arbitrary>], iteration_bounds = array<i64: 50>, scalar_prefetch = 0 : i64, scratch_operands = 2 : i64, tpu.core_type = #tpu.core_type<tc>, window_params = [{transform_indices = @transform_0, window_bounds = array<i64: 200, 64>}, {transform_indices = @transform_1, window_bounds = array<i64: 200, 64>}, {pipeline_mode = #tpu.pipeline_mode<synchronous>, transform_indices = @transform_2, window_bounds = array<i64: 1, 64>}, {pipeline_mode = #tpu.pipeline_mode<synchronous>, transform_indices = @transform_3, window_bounds = array<i64: 1, 64>}, {transform_indices = @transform_4, window_bounds = array<i64: 200, 1>}, {pipeline_mode = #tpu.pipeline_mode<synchronous>, transform_indices = @transform_5, window_bounds = array<i64: 128, 10>}, {pipeline_mode = #tpu.pipeline_mode<synchronous>, transform_indices = @transform_6, window_bounds = array<i64: 1, 10>}, {pipeline_mode = #tpu.pipeline_mode<synchronous>, transform_indices = @transform_7, window_bounds = array<i64: 64, 10>}]} {
    %get3A = arith.constant 0 : index
    %get3A_0 = arith.constant 0 : index
    %get3A_1 = vector.load %arg1[%get3A, %get3A_0] : memref<200x64xf32, #tpu.memory_space<vmem>>, vector<200x64xf32>
    %get3A_2 = arith.constant 0 : index
    %get3A_3 = arith.constant 0 : index
    %get3A_4 = vector.load %arg3[%get3A_2, %get3A_3] : memref<1x64xf32, #tpu.memory_space<vmem>>, vector<1x64xf32>
    %mul3A = vector.broadcast %get3A_4 : vector<1x64xf32> to vector<200x64xf32>
    %mul3A_5 = arith.mulf %get3A_1, %mul3A : vector<200x64xf32>
    %get3A_6 = arith.constant 0 : index
    %get3A_7 = arith.constant 0 : index
    %get3A_8 = vector.load %arg4[%get3A_6, %get3A_7] : memref<1x64xf32, #tpu.memory_space<vmem>>, vector<1x64xf32>
    %add3A = vector.broadcast %get3A_8 : vector<1x64xf32> to vector<200x64xf32>
    %add3A_9 = arith.addf %mul3A_5, %add3A : vector<200x64xf32>
    %get3A_10 = arith.constant 0 : index
    %get3A_11 = arith.constant 0 : index
    %get3A_12 = vector.load %arg2[%get3A_10, %get3A_11] : memref<200x64xf32, #tpu.memory_space<vmem>>, vector<200x64xf32>
    %add3A_13 = arith.addf %add3A_9, %get3A_12 : vector<200x64xf32>
    %gt3A = arith.constant 0.000000e+00 : f32
    %gt3A_14 = vector.broadcast %gt3A : f32 to vector<200x64xf32>
    %gt3A_15 = arith.cmpf ogt, %add3A_13, %gt3A_14 : vector<200x64xf32>
    %exp3A = math.exp %add3A_13 : vector<200x64xf32>
    %sub3A = arith.constant 1.000000e+00 : f32
    %sub3A_16 = vector.broadcast %sub3A : f32 to vector<200x64xf32>
    %sub3A_17 = arith.subf %exp3A, %sub3A_16 : vector<200x64xf32>
    %select_n3A = arith.select %gt3A_15, %add3A_13, %sub3A_17 : vector<200x64xi1>, vector<200x64xf32>
    %get3A_18 = arith.constant 0 : index
    %get3A_19 = arith.constant 0 : index
    %get3A_20 = vector.load %arg5[%get3A_18, %get3A_19] : memref<200x1xi32, #tpu.memory_space<vmem>>, vector<200x1xi32>
    %squeeze3A = vector.shape_cast %get3A_20 : vector<200x1xi32> to vector<200xi32>
    %iota3A = tpu.iota {dimensions = array<i32: 1>} : vector<1x64xi32>
    %broadcast_in_dim3A = vector.shape_cast %squeeze3A : vector<200xi32> to vector<200x1xi32>
    %eq3A = vector.broadcast %broadcast_in_dim3A : vector<200x1xi32> to vector<200x64xi32>
    %eq3A_21 = vector.broadcast %iota3A : vector<1x64xi32> to vector<200x64xi32>
    %eq3A_22 = arith.cmpi eq, %eq3A, %eq3A_21 : vector<200x64xi32>
    %convert_element_type3A = arith.extui %eq3A_22 : vector<200x64xi1> to vector<200x64xi32>
    %convert_element_type3A_23 = arith.sitofp %convert_element_type3A : vector<200x64xi32> to vector<200x64xf32>
    %broadcast_in_dim3A_24 = arith.constant 1.000000e+00 : f32
    %broadcast_in_dim3A_25 = vector.broadcast %broadcast_in_dim3A_24 : f32 to vector<200x1xf32>
    %concatenate3A = tpu.concatenate %select_n3A, %broadcast_in_dim3A_25 in 1 : vector<200x64xf32>, vector<200x1xf32> -> vector<200x65xf32>
    %dot_general3A = arith.constant dense<0.000000e+00> : vector<64x65xf32>
    %dot_general3A_26 = tpu.matmul %convert_element_type3A_23, %concatenate3A, %dot_general3A {dimension_numbers = #tpu.dot_dimension_numbers<[0], [0], [1], [1], [0, 1, 1, 1], [], []>, transpose_lhs_hint = false} : vector<200x64xf32>, vector<200x65xf32>, vector<64x65xf32> -> vector<64x65xf32>
    %broadcast_in_dim3A_27 = vector.shape_cast %convert_element_type3A_23 : vector<200x64xf32> to vector<200x64x1xf32>
    %gt3A_28 = arith.constant 0.000000e+00 : f32
    %gt3A_29 = vector.broadcast %gt3A_28 : f32 to vector<200x64x1xf32>
    %gt3A_30 = arith.cmpf ogt, %broadcast_in_dim3A_27, %gt3A_29 : vector<200x64x1xf32>
    %broadcast_in_dim3A_31 = vector.shape_cast %select_n3A : vector<200x64xf32> to vector<200x1x64xf32>
    %jit3A = arith.constant -3.000000e+38 : f32
    %broadcast_in_dim3A_32 = vector.shape_cast %gt3A_30 : vector<200x64x1xi1> to vector<200x64x1xi1>
    %broadcast_in_dim3A_33 = vector.broadcast %broadcast_in_dim3A_32 : vector<200x64x1xi1> to vector<200x64x64xi1>
    %broadcast_in_dim3A_34 = vector.shape_cast %broadcast_in_dim3A_31 : vector<200x1x64xf32> to vector<200x1x64xf32>
    %broadcast_in_dim3A_35 = vector.broadcast %broadcast_in_dim3A_34 : vector<200x1x64xf32> to vector<200x64x64xf32>
    %broadcast_in_dim3A_36 = vector.broadcast %jit3A : f32 to vector<200x64x64xf32>
    %select_n3A_37 = arith.select %broadcast_in_dim3A_33, %broadcast_in_dim3A_35, %broadcast_in_dim3A_36 : vector<200x64x64xi1>, vector<200x64x64xf32>
    %reduce_max3A = arith.constant dense<0xFF800000> : vector<64x64xf32>
    %reduce_max3A_38 = vector.multi_reduction <maximumf>, %select_n3A_37, %reduce_max3A [0] : vector<200x64x64xf32> to vector<64x64xf32>
    %eq3A_39 = arith.constant 0 : i32
    %eq3A_40 = arith.cmpi eq, %arg0, %eq3A_39 : i32
    %convert_element_type3A_41 = arith.extui %eq3A_40 : i1 to i32
    %cond3A = arith.constant -3.000000e+38 : f32
    %cond3A_42 = arith.constant 0 : i32
    %cond3A_43 = arith.cmpi ne, %convert_element_type3A_41, %cond3A_42 : i32
    scf.if %cond3A_43 {
      %broadcast_in_dim3A_61 = arith.constant 0.000000e+00 : f32
      %broadcast_in_dim3A_62 = vector.broadcast %broadcast_in_dim3A_61 : f32 to vector<64x65xf32>
      %swap3A_63 = arith.constant 0 : index
      %swap3A_64 = arith.constant 0 : index
      %swap3A_65 = vector.load %arg9[%swap3A_63, %swap3A_64] : memref<64x65xf32, #tpu.memory_space<vmem>>, vector<64x65xf32>
      tpu.vector_store %arg9[%swap3A_63, %swap3A_64], %broadcast_in_dim3A_62 {strides = array<i32>} : memref<64x65xf32, #tpu.memory_space<vmem>>, vector<64x65xf32>,
      %broadcast_in_dim3A_66 = vector.broadcast %cond3A : f32 to vector<64x64xf32>
      %swap3A_67 = arith.constant 0 : index
      %swap3A_68 = arith.constant 0 : index
      %swap3A_69 = vector.load %arg10[%swap3A_67, %swap3A_68] : memref<64x64xf32, #tpu.memory_space<vmem>>, vector<64x64xf32>
      tpu.vector_store %arg10[%swap3A_67, %swap3A_68], %broadcast_in_dim3A_66 {strides = array<i32>} : memref<64x64xf32, #tpu.memory_space<vmem>>, vector<64x64xf32>,
    } else {
    }
    %get3A_44 = arith.constant 0 : index
    %get3A_45 = arith.constant 0 : index
    %get3A_46 = vector.load %arg9[%get3A_44, %get3A_45] : memref<64x65xf32, #tpu.memory_space<vmem>>, vector<64x65xf32>
    %add3A_47 = arith.addf %get3A_46, %dot_general3A_26 : vector<64x65xf32>
    %swap3A = arith.constant 0 : index
    %swap3A_48 = arith.constant 0 : index
    %swap3A_49 = vector.load %arg9[%swap3A, %swap3A_48] : memref<64x65xf32, #tpu.memory_space<vmem>>, vector<64x65xf32>
    tpu.vector_store %arg9[%swap3A, %swap3A_48], %add3A_47 {strides = array<i32>} : memref<64x65xf32, #tpu.memory_space<vmem>>, vector<64x65xf32>,
    %get3A_50 = arith.constant 0 : index
    %get3A_51 = arith.constant 0 : index
    %get3A_52 = vector.load %arg10[%get3A_50, %get3A_51] : memref<64x64xf32, #tpu.memory_space<vmem>>, vector<64x64xf32>
    %max3A = arith.maximumf %get3A_52, %reduce_max3A_38 : vector<64x64xf32>
    %swap3A_53 = arith.constant 0 : index
    %swap3A_54 = arith.constant 0 : index
    %swap3A_55 = vector.load %arg10[%swap3A_53, %swap3A_54] : memref<64x64xf32, #tpu.memory_space<vmem>>, vector<64x64xf32>
    tpu.vector_store %arg10[%swap3A_53, %swap3A_54], %max3A {strides = array<i32>} : memref<64x64xf32, #tpu.memory_space<vmem>>, vector<64x64xf32>,
    %eq3A_56 = arith.constant 49 : i32
    %eq3A_57 = arith.cmpi eq, %arg0, %eq3A_56 : i32
    %convert_element_type3A_58 = arith.extui %eq3A_57 : i1 to i32
    %cond3A_59 = arith.constant 0 : i32
    %cond3A_60 = arith.cmpi ne, %convert_element_type3A_58, %cond3A_59 : i32
    scf.if %cond3A_60 {
      %get3A_61 = arith.constant 0 : index
      %get3A_62 = arith.constant 64 : index
      %get3A_63 = vector.load %arg9[%get3A_61, %get3A_62] : memref<64x65xf32, #tpu.memory_space<vmem>>, vector<64x1xf32>
      %get3A_64 = arith.constant 0 : index
      %get3A_65 = arith.constant 0 : index
      %get3A_66 = vector.load %arg9[%get3A_64, %get3A_65] : memref<64x65xf32, #tpu.memory_space<vmem>>, vector<64x64xf32>
      %max3A_67 = arith.constant 1.000000e+00 : f32
      %max3A_68 = vector.broadcast %max3A_67 : f32 to vector<64x1xf32>
      %max3A_69 = arith.maximumf %get3A_63, %max3A_68 : vector<64x1xf32>
      %div3A = vector.broadcast %max3A_69 : vector<64x1xf32> to vector<64x64xf32>
      %div3A_70 = arith.divf %get3A_66, %div3A : vector<64x64xf32>
      %gt3A_71 = arith.constant 0.000000e+00 : f32
      %gt3A_72 = vector.broadcast %gt3A_71 : f32 to vector<64x1xf32>
      %gt3A_73 = arith.cmpf ogt, %get3A_63, %gt3A_72 : vector<64x1xf32>
      %get3A_74 = arith.constant 0 : index
      %get3A_75 = arith.constant 0 : index
      %get3A_76 = vector.load %arg10[%get3A_74, %get3A_75] : memref<64x64xf32, #tpu.memory_space<vmem>>, vector<64x64xf32>
      %jit3A_77 = arith.constant 0.000000e+00 : f32
      %broadcast_in_dim3A_78 = vector.shape_cast %gt3A_73 : vector<64x1xi1> to vector<64x1xi1>
      %broadcast_in_dim3A_79 = vector.broadcast %broadcast_in_dim3A_78 : vector<64x1xi1> to vector<64x64xi1>
      %broadcast_in_dim3A_80 = vector.broadcast %jit3A_77 : f32 to vector<64x64xf32>
      %select_n3A_81 = arith.select %broadcast_in_dim3A_79, %get3A_76, %broadcast_in_dim3A_80 : vector<64x64xi1>, vector<64x64xf32>
      %concatenate3A_82 = tpu.concatenate %div3A_70, %select_n3A_81 in 1 : vector<64x64xf32>, vector<64x64xf32> -> vector<64x128xf32>
      %get3A_83 = arith.constant 0 : index
      %get3A_84 = arith.constant 0 : index
      %get3A_85 = vector.load %arg6[%get3A_83, %get3A_84] : memref<128x10xf32, #tpu.memory_space<vmem>>, vector<128x10xf32>
      %dot_general3A_86 = arith.constant dense<0.000000e+00> : vector<64x10xf32>
      %dot_general3A_87 = tpu.matmul %concatenate3A_82, %get3A_85, %dot_general3A_86 {dimension_numbers = #tpu.dot_dimension_numbers<[1], [0], [0], [1], [0, 0, 1, 1], [], []>, transpose_lhs_hint = false} : vector<64x128xf32>, vector<128x10xf32>, vector<64x10xf32> -> vector<64x10xf32>
      %get3A_88 = arith.constant 0 : index
      %get3A_89 = arith.constant 0 : index
      %get3A_90 = vector.load %arg7[%get3A_88, %get3A_89] : memref<1x10xf32, #tpu.memory_space<vmem>>, vector<1x10xf32>
      %add3A_91 = vector.broadcast %get3A_90 : vector<1x10xf32> to vector<64x10xf32>
      %add3A_92 = arith.addf %dot_general3A_87, %add3A_91 : vector<64x10xf32>
      %swap3A_93 = arith.constant 0 : index
      %swap3A_94 = arith.constant 0 : index
      %swap3A_95 = vector.load %arg8[%swap3A_93, %swap3A_94] : memref<64x10xf32, #tpu.memory_space<vmem>>, vector<64x10xf32>
      tpu.vector_store %arg8[%swap3A_93, %swap3A_94], %add3A_92 {strides = array<i32>} : memref<64x10xf32, #tpu.memory_space<vmem>>, vector<64x10xf32>,
    } else {
    }
    return
  }
  func.func @transform_0(%arg0: i32) -> (i32, i32) {
    %c0_i32 = arith.constant 0 : i32
    %c0_i32_0 = arith.constant 0 : i32
    return %arg0, %c0_i32 : i32, i32
  }
  func.func @transform_1(%arg0: i32) -> (i32, i32) {
    %c0_i32 = arith.constant 0 : i32
    %c0_i32_0 = arith.constant 0 : i32
    return %arg0, %c0_i32 : i32, i32
  }
  func.func @transform_2(%arg0: i32) -> (i32, i32) {
    %c0_i32 = arith.constant 0 : i32
    %c0_i32_0 = arith.constant 0 : i32
    %c0_i32_1 = arith.constant 0 : i32
    return %c0_i32, %c0_i32_0 : i32, i32
  }
  func.func @transform_3(%arg0: i32) -> (i32, i32) {
    %c0_i32 = arith.constant 0 : i32
    %c0_i32_0 = arith.constant 0 : i32
    %c0_i32_1 = arith.constant 0 : i32
    return %c0_i32, %c0_i32_0 : i32, i32
  }
  func.func @transform_4(%arg0: i32) -> (i32, i32) {
    %c0_i32 = arith.constant 0 : i32
    %c0_i32_0 = arith.constant 0 : i32
    return %arg0, %c0_i32 : i32, i32
  }
  func.func @transform_5(%arg0: i32) -> (i32, i32) {
    %c0_i32 = arith.constant 0 : i32
    %c0_i32_0 = arith.constant 0 : i32
    %c0_i32_1 = arith.constant 0 : i32
    return %c0_i32, %c0_i32_0 : i32, i32
  }
  func.func @transform_6(%arg0: i32) -> (i32, i32) {
    %c0_i32 = arith.constant 0 : i32
    %c0_i32_0 = arith.constant 0 : i32
    %c0_i32_1 = arith.constant 0 : i32
    return %c0_i32, %c0_i32_0 : i32, i32
  }
  func.func @transform_7(%arg0: i32) -> (i32, i32) {
    %c0_i32 = arith.constant 0 : i32
    %c0_i32_0 = arith.constant 0 : i32
    %c0_i32_1 = arith.constant 0 : i32
    return %c0_i32, %c0_i32_0 : i32, i32
  }
}

</mosaic_0001>

<sc_bundles>
// kernel: kernel.11.cloned.1.call-start
scs
__scs_entry_jumppad:
0x0: {  	(pc) =	sbr.rel $0x88, $3  }
0x1: {  	(tag) =	ssettag $0x0;
	lr =	simm.s32 $0x1  }
0x2: {  	[smem:$0x3F89] =	sst lr;
	_ =	strace $0xD0000000  }
0x3: {  	_ = 	snop  }
0x4: {  	_ = 	snop  }
0x5: {  	_ = 	snop  }
0x6: {  	_ = 	snop  }
0x7: {  	_ = 	snop  }
__scs_overlays_trampoline_lowered:
0x8: {  	[smem:$0x3F98] =	sst s0  }
0x9: {  	[smem:$0x3F99] =	sst s1  }
0xa: {  	[smem:$0x3F9A] =	sst s2  }
0xb: {  	[smem:$0x3F9B] =	sst s3  }
0xc: {  	[smem:$0x3F9C] =	sst s4  }
0xd: {  	[smem:$0x3F9D] =	sst s5  }
0xe: {  	[smem:$0x3F9E] =	sst s6  }
0xf: {  	[smem:$0x3F9F] =	sst s7  }
0x10: {  	[smem:$0x3FA0] =	sst s8  }
0x11: {  	[smem:$0x3FA1] =	sst s9;
	s0 =	simm.s32 @!p0 $0x0  }
0x12: {  	s1 =	sld [smem:$0x3F87];
	s0 =	simm.s32 @p0 $0x1  }
0x13: {  	[smem:$0x3FA2] =	sst s0;
	s0 =	simm.s32 @!p1 $0x0  }
0x14: {  	s2 =	sld [smem:$0x3F86];
	s0 =	simm.s32 @p1 $0x1  }
0x15: {  	[smem:$0x3FA3] =	sst s0;
	s0 =	simm.s32 @!p2 $0x0  }
0x16: {  	s3 =	sld [smem:$0x3FDB];
	s0 =	simm.s32 @p2 $0x1  }
0x17: {  	s4 =	simm.s32 $0x1BF5;
	[smem:$0x3FA5] =	sst s0  }
0x18: {  	s0 =	sld [smem:$0x3F88];
	_ =	swait.ge [sflag:s4], $0x0  }
0x19: {  	s7 =	sld [smem:$0x3F89]  }
0x1a: {  	s8 =	sadd.s32 $0xFFFFE003, lr  }
0x1b: {  	s9 =	sadd.s32 $0xFFFFFEF7, lr;
	s5 =	simm.s32 $0xFFFFFFFF;
	p2 =	slt.u32 s8, $0xFFFFF086  }
0x1c: {  	p1 =	slt.u32 s9, $0xF7A;
	s5 =	simm.s32 @!p2 $0x0  }
0x1d: {  	s5 =	simm.s32 @p1 $0x1;
	p0 =	seq.s32 s7, s2  }
0x1e: {  	s7 =	smul.u32 @!p0 $0xF7A, s2;
	p2 =	seq.s32 @!p0 s5, $0x0  }
0x1f: {  	s9 =	smul.u32 $0xF7A, s1;
	s8 =	simm.s32 @!p0 $0x1BF5;
	p2 =	por !p2, p0  }
0x20: {  	[sflag:s8] =	ssyncset.s32 @!p0 $0xFFFFF086;
	s6 =	sadd.s32 @!p0 s3, s7;
	s7 =	simm.s32 @!p0 $0x108  }
0x21: {  	s3 =	sadd.s32 s3, s9;
	s6 =	sadd.s32 @!p0 $0x88, s6;
	s7 =	simm.s32 @p2 $0x1082  }
0x22: {  	[simem:s7], [sflag:s8] =	dma.local @!p0 [hbm:s6], $0xF7A  }
0x23: {  	s9 =	sor.u32 $0xD0000000, s2;
	s6 =	simm.s32 $0x108;
	_ =	swait.ge @!p0 [sflag:s8], $0x0  }
0x24: {  	s3 =	sadd.s32 $0x88, s3;
	s6 =	simm.s32 @!p1 $0x1082;
	[sflag:s4] =	ssyncset.s32 $0xFFFFF086  }
0x25: {  	[simem:s6], [sflag:s4] =	dma.local [hbm:s3], $0xF7A  }
0x26: {  	[smem:$0x3F89] =	sst s1;
	(tag) =	ssettag s2;
	_ =	strace s9  }
0x27: {  	s1 =	sld [smem:$0x3F99]  }
0x28: {  	s2 =	sld [smem:$0x3F9A]  }
0x29: {  	s4 =	sld [smem:$0x3F9C]  }
0x2a: {  	p0 =	seq.s32 s5, $0x0;
	s5 =	sld [smem:$0x3F9D]  }
0x2b: {  	s6 =	sld [smem:$0x3F9E]  }
0x2c: {  	s7 =	sld [smem:$0x3F9F]  }
0x2d: {  	s3 =	simm.s32 $0x108;
	s8 =	sld [smem:$0x3FA0]  }
0x2e: {  	s3 =	simm.s32 @!p0 $0x1082;
	s9 =	sld [smem:$0x3FA1]  }
0x2f: {  	lr =	sadd.s32 s0, s3;
	s0 =	sld [smem:$0x3F98]  }
0x30: {  	s3 =	sld [smem:$0x3F9B]  }
0x31: {  	[smem:$0x3FA4] =	sst s10  }
0x32: {  	s10 =	sld [smem:$0x3FA2];
	_ =	sdelay $0x3  }
0x33: {  	p0 =	seq.s32 s10, $0x1;
	s10 =	sld [smem:$0x3FA4];
	_ =	sdelay $0x3  }
0x34: {  	[smem:$0x3FA4] =	sst s10  }
0x35: {  	s10 =	sld [smem:$0x3FA3];
	_ =	sdelay $0x3  }
0x36: {  	p1 =	seq.s32 s10, $0x1;
	s10 =	sld [smem:$0x3FA4];
	_ =	sdelay $0x3  }
0x37: {  	[smem:$0x3FA4] =	sst s10  }
0x38: {  	s10 =	sld [smem:$0x3FA5]  }
0x39: {  	_ = 	snop;
	(pc) =	sbr.ind lr, $3  }
0x3a: {  	_ = 	snop  }
0x3b: {  	_ = 	snop  }
0x3c: {  	p2 =	seq.s32 s10, $0x1;
	s10 =	sld [smem:$0x3FA4]  }
0x3d: {  	_ =	shalt  }
0x3e: {  	_ =	shalt  }
0x3f: {  	_ =	shalt  }
0x40: {  	_ =	shalt  }
0x41: {  	_ =	shalt  }
0x42: {  	_ =	shalt  }
0x43: {  	_ =	shalt  }
0x44: {  	_ =	shalt  }
0x45: {  	_ =	shalt  }
0x46: {  	_ =	shalt  }
0x47: {  	_ =	shalt  }
0x48: {  	_ =	shalt  }
0x49: {  	_ =	shalt  }
0x4a: {  	_ =	shalt  }
0x4b: {  	_ =	shalt  }
0x4c: {  	_ =	shalt  }
0x4d: {  	_ =	shalt  }
0x4e: {  	_ =	shalt  }
0x4f: {  	_ =	shalt  }
0x50: {  	_ =	shalt  }
0x51: {  	_ =	shalt  }
0x52: {  	_ =	shalt  }
0x53: {  	_ =	shalt  }
0x54: {  	_ =	shalt  }
0x55: {  	_ =	shalt  }
0x56: {  	_ =	shalt  }
0x57: {  	_ =	shalt  }
0x58: {  	_ =	shalt  }
0x59: {  	_ =	shalt  }
0x5a: {  	_ =	shalt  }
0x5b: {  	_ =	shalt  }
0x5c: {  	_ =	shalt  }
0x5d: {  	_ =	shalt  }
0x5e: {  	_ =	shalt  }
0x5f: {  	_ =	shalt  }
0x60: {  	_ =	shalt  }
0x61: {  	_ =	shalt  }
0x62: {  	_ =	shalt  }
0x63: {  	_ =	shalt  }
0x64: {  	_ =	shalt  }
0x65: {  	_ =	shalt  }
0x66: {  	_ =	shalt  }
0x67: {  	_ =	shalt  }
0x68: {  	_ =	shalt  }
0x69: {  	_ =	shalt  }
0x6a: {  	_ =	shalt  }
0x6b: {  	_ =	shalt  }
0x6c: {  	_ =	shalt  }
0x6d: {  	_ =	shalt  }
0x6e: {  	_ =	shalt  }
0x6f: {  	_ =	shalt  }
0x70: {  	_ =	shalt  }
0x71: {  	_ =	shalt  }
0x72: {  	_ =	shalt  }
0x73: {  	_ =	shalt  }
0x74: {  	_ =	shalt  }
0x75: {  	_ =	shalt  }
0x76: {  	_ =	shalt  }
0x77: {  	_ =	shalt  }
0x78: {  	_ =	shalt  }
0x79: {  	_ =	shalt  }
0x7a: {  	_ =	shalt  }
0x7b: {  	_ =	shalt  }
0x7c: {  	_ =	shalt  }
0x7d: {  	_ =	shalt  }
0x7e: {  	_ =	shalt  }
0x7f: {  	_ =	shalt  }
0x80: {  	_ =	shalt  }
0x81: {  	_ =	shalt  }
0x82: {  	_ =	shalt  }
0x83: {  	_ =	shalt  }
0x84: {  	_ =	shalt  }
0x85: {  	_ =	shalt  }
0x86: {  	_ =	shalt  }
0x87: {  	_ =	shalt  }
.Lfunc_end0:
.L_simem_size_0:
called_computation_lowered:
.L_overlay_start_0:
0x88: {  	s2 =	sld [smem:$0x3FD9]  }
0x89: {  	s3 =	sld [smem:$0x3FFE];
	_ =	sdelay $0x1  }
0x8a: {  	s1 =	srdreg.scid  }
0x8b: {  	s0 =	sand.u32 $0x1, s1  }
0x8c: {  	s17 =	sshll.u32 s0, $0xA;
	s2 =	sadd.s32 s3, s2  }
0x8d: {  	s2 =	sadd.s32 s2, s17  }
0x8e: {  	[smem:$0x3FB0] =	sst s2  }
0x8f: {  	_ = 	snop  }
0x90: {  	(tm) =	ssettm $0x1  }
0x91: {  	s18 =	sld [smem:$0x3FFB];
	_ =	sdelay $0x3  }
0x92: {  	_ =	strace s18  }
0x93: {  	s2 =	sld [smem:$0x3FFC];
	_ =	sdelay $0x3  }
0x94: {  	_ =	strace s2  }
0x95: {  	s2 =	sld [smem:$0x3FFD];
	_ =	sdelay $0x3  }
0x96: {  	_ =	strace s2  }
0x97: {  	_ =	strace $0x8FFFFFFF  }
0x98: {  	s19 =	sld [smem:$0x3FDB];
	_ =	sdelay $0x1  }
0x99: {  	s20 =	simm.s32 $_scs_section_size  }
0x9a: {  	s4 =	simm.s32 $_size__tile_overlayer_lowered;
	s5 =	simm.s32 $_tile_overlayer_lowered  }
0x9b: {  	s6 =	simm.s32 $0x1BFF;
	s21 =	sshll.u32 s5, $0x1;
	s3 =	sadd.s32 s20, s19  }
0x9c: {  	s22 =	simm.s32 $0x0;
	s4 =	sshll.u32 s4, $0x1;
	s5 =	sadd.s32 s21, s3  }
0x9d: {  	[timem:s22], [sflag:s6] =	dma.local [hbm:s5], s4  }
0x9e: {  	_ =	swait.ge [sflag:s6], s4  }
0x9f: {  	s4 =	ssub.s32 $0x0, s4;
	[sflag:s6] =	ssyncset.done $0x0  }
0xa0: {  	[sflag:s6] =	ssyncadd.s32 s4;
	_ =	sdelay $0x1  }
0xa1: {  	s23 =	simm.s32 $0x1B8B  }
0xa2: {  	_ =	swait.ge [sflag:s23], $0x1  }
0xa3: {  	[sflag:s23] =	ssyncset.done $0x0  }
0xa4: {  	[sflag:s23] =	ssyncadd.s32 $0xFFFFFFFF  }
0xa5: {  	s4 =	sld [smem:$0x0]  }
0xa6: {  	s5 =	sand.u32 $0xFFFFFFFE, s1  }
0xa7: {  	p0 =	sne.s32 s1, s5  }
0xa8: {  	s5 =	sshll.u32 @p0 s5, $0xE  }
0xa9: {  	s5 =	sadd.s32 @p0 $0x11B8D, s5;
	s6 =	sshll.u32 @p0 s4, $0x11  }
0xaa: {  	s5 =	sor.u32 @p0 s6, s5  }
0xab: {  	[sflag:s5] =	ssyncadd.remote.s32 @p0 $0x1;
	_ =	sdelay $0x1  }
0xac: {  	s5 =	simm.s32 @p0 $0x1B8D  }
0xad: {  	_ =	swait.eq @p0 [sflag:s5], $0x1  }
0xae: {  	[sflag:s5] =	ssyncadd.s32 @p0 $0xFFFFFFFF  }
0xaf: {  	s6 =	sshll.u32 @!p0 s1, $0xE  }
0xb0: {  	s6 =	sor.u32 @!p0 $0x4000, s6;
	s5 =	simm.s32 @!p0 $0x1B8D  }
0xb1: {  	s4 =	sshll.u32 @!p0 s4, $0x11;
	s6 =	sadd.s32 @!p0 $0x11B8D, s6;
	_ =	swait.eq @!p0 [sflag:s5], $0x1  }
0xb2: {  	s4 =	sor.u32 @!p0 s4, s6;
	[sflag:s5] =	ssyncadd.s32 @!p0 $0xFFFFFFFF  }
0xb3: {  	s25 =	simm.s32 $0x1B8E;
	s24 =	sld [smem:$0x3FFE];
	[sflag:s4] =	ssyncadd.remote.s32 @!p0 $0x1  }
0xb4: {  	s26 =	simm.s32 $execute0_lowered;
	[smem:$0x3FD2] =	sst s25  }
0xb5: {  	s5 =	sshll.u32 s26, $0x1;
	_ =	strace $0x80000049;
	[dreg:$0x1] =	wrdreg $0xFFFFFFFF  }
0xb6: {  	s28 =	simm.s32 $_size_execute0_lowered;
	s3 =	sadd.s32 s3, s5;
	[dreg:$0x0] =	wrdreg $0x0  }
0xb7: {  	s5 =	sshll.u32 s28, $0x1;
	[dreg:$0x2] =	wrdreg s3  }
0xb8: {  	[dreg:$0x3] =	wrdreg s5  }
0xb9: {  	[dreg:$0x4] =	wrdreg $0xC0  }
0xba: {  	_ =	task [dreg:s22], $0x5FFFF  }
0xbb: {  	[dreg:$0x1] =	wrdreg $0xFFFFFFFF  }
0xbc: {  	[dreg:$0x0] =	wrdreg $0x60  }
0xbd: {  	[dreg:$0x2] =	wrdreg s24  }
0xbe: {  	[dreg:$0x3] =	wrdreg $0xB9A00  }
0xbf: {  	[dreg:$0x4] =	wrdreg $0x9  }
0xc0: {  	_ =	task.clear_ibuf [dreg:s22], $0x5FFFF;
	_ =	strace $0x90000049  }
0xc1: {  	s29 =	simm.s32 $0x9;
	_ =	strace $0x8000004B  }
0xc2: {  	_ =	swait.ge [sflag:s29], $0x1  }
0xc3: {  	[sflag:s29] =	ssyncadd.s32 $0xFFFFFFFF  }
0xc4: {  	_ =	strace $0x9000004B  }
0xc5: {  	_ =	sfence  }
0xc6: {  	s30 =	sld [smem:$0x0];
	_ =	sdelay $0x2  }
0xc7: {  	s31 =	sshll.u32 s1, $0xD;
	s1 =	sshrl.u32 s1, $0x2  }
0xc8: {  	s4 =	sand.u32 $0x4000, s31;
	s1 =	sadd.s32 s1, s30  }
0xc9: {  	s0 =	sor.u32 s4, s0;
	s1 =	sshll.u32 s1, $0x11  }
0xca: {  	s0 =	sor.u32 s1, s0  }
0xcb: {  	s0 =	sadd.s32 $0x8F2B, s0  }
0xcc: {  	[sflag:s0] =	ssyncadd.remote.s32 $0x1  }
0xcd: {  	_ =	sfence.sel $0xFFFF  }
0xce: {  	[dreg:$0x0] =	wrdreg $0xFFFFFFFF;
	(pc) =	sbr.abs _section_cstart, $3  }
0xcf: {  	[dreg:$0x1] =	wrdreg $0xFFFFFFFF  }
0xd0: {  	_ =	task.clear_ibuf [dreg:s22], $0x2FFFF;
	_ =	strace $0x9FFFFFFF  }
0xd1: {  	(tm) =	ssettm $0x7FFFFFFF  }
tec
execute0_lowered:
.L_overlay_start_1:
0x0: {  	(tag) =	ssettag $0x1  }
0x1: {  	s0 =	rddreg [dreg:$0x0]  }
0x2: {  	s1 =	rddreg [dreg:$0x1];
	s13 =	simm.s32 $0x0;
	s2 =	srdreg.scid  }
0x3: {  	s14 =	stileid.u32;
	s29 =	simm.s32 $0x50;
	s30 =	simm.s32 $0xA0  }
0x4: {  	s31 =	simm.s32 $0x14A0;
	s28 =	simm.s32 $0x1;
	[smem:$0x7FF] =	sst s13  }
0x5: {  	s3 =	sadd.s32 $0xAAC00, s0;
	s5 =	sadd.s32 $0xA0E00, s0;
	s6 =	sadd.s32 $0x2B600, s0  }
0x6: {  	s7 =	sadd.s32 $0x52800, s0;
	s8 =	sadd.s32 $0x356A00, s0;
	s9 =	smul.u32 $0x30D40, s14  }
0x7: {  	s2 =	sand.u32 $0x1, s2;
	s10 =	sadd.s32 $0x325A00, s0;
	s0 =	sadd.s32 $0x5C7A00, s0  }
0x8: {  	s23 =	smul.u32 $0xC580, s14;
	p0 =	seq.s32 s14, $0xF;
	_ =	strace $0x8000004A  }
0x9: {  	s4 =	sshll.u32 s2, $0x4;
	[dreg:$0x4] =	wrdreg s10;
	s16 =	ssub.s32 $0x2, s2  }
0xa: {  	s2 =	smul.u32 $0xC3500, s2;
	s4 =	sor.u32 s14, s4;
	s9 =	sshrl.u32 s9, $0x2  }
0xb: {  	s12 =	sshrl.u32 s16, $0x1;
	s11 =	smul.u32 $0x2710, s4;
	s15 =	sadd.s32 s9, s1  }
0xc: {  	s4 =	smul.u32 $0x13880, s4;
	s17 =	ssub.s32 s16, s12;
	s25 =	sadd.s32 s23, s2  }
0xd: {  	s2 =	sshrl.u32 s2, $0x3;
	s20 =	sadd.s32 $0x2710, s15;
	[dreg:$0x5] =	wrdreg s15  }
0xe: {  	s9 =	simm.s32 $0x3;
	s21 =	sadd.s32 $0x4E20, s15;
	[dreg:$0x6] =	wrdreg s20  }
0xf: {  	v0 =	vimm.s32 $0xEFCDAB89;
	v1 =	vimm.s32 $0x67452301;
	s12 =	simm.s32 $0x3CF0;
	s16 =	sadd.s32 $0x7530, s15;
	[dreg:$0x7] =	wrdreg s21  }
0x10: {  	v2 =	vimm.s32 $0xDCFE98BA;
	v3 =	vimm.s32 $0x54761032;
	s15 =	sadd.s32 $0x9C40, s15;
	s26 =	smax.u32 s17, $0x1;
	[dreg:$0x8] =	wrdreg s16  }
0x11: {  	v4 =	vimm.s32 $0xBA98FEDC;
	v5 =	vimm.s32 $0x32107654;
	s17 =	simm.s32 $0x7940;
	s22 =	sshrl.u32 s11, $0x3;
	[dreg:$0x9] =	wrdreg s15  }
0x12: {  	v6 =	vimm.s32 $0xFEDCBA98;
	v7 =	vimm.s32 $0x76543210;
	s4 =	sadd.s32 s8, s4;
	s18 =	sadd.s32 $0x50, s11;
	s19 =	sadd.s32 $0xA0, s11  }
0x13: {  	v0 =	vunpack.c.l.s4.s8 v0;
	v1 =	vunpack.c.l.s4.s8 v1;
	v2 =	vunpack.c.l.s4.s8 v2;
	[dreg:$0xf] =	wrdreg s26;
	s26 =	simm.s32 $0x7;
	s11 =	simm.s32 $0x3CA0  }
0x14: {  	v3 =	vunpack.c.l.s4.s8 v3;
	v4 =	vunpack.c.l.s4.s8 v4;
	v5 =	vunpack.c.l.s4.s8 v5;
	s16 =	simm.s32 $0xB990;
	s20 =	simm.s32 $0x4;
	s24 =	sadd.s32 s3, s22  }
0x15: {  	v6 =	vunpack.c.l.s4.s8 v6;
	v7 =	vunpack.c.l.s4.s8 v7;
	v0 =	vunpack.c.0.s8.s32 v0;
	s10 =	sadd.s32 s5, s22;
	[dreg:$0xc] =	wrdreg s4;
	s4 =	sshrl.u32 s25, $0x3  }
0x16: {  	v1 =	vunpack.c.0.s8.s32 v1;
	v2 =	vunpack.c.0.s8.s32 v2;
	v3 =	vunpack.c.0.s8.s32 v3;
	[dreg:$0xa] =	wrdreg s24;
	s4 =	sadd.s32 s0, s4;
	s0 =	sadd.s32 s0, s2  }
0x17: {  	v4 =	vunpack.c.0.s8.s32 v4;
	v5 =	vunpack.c.0.s8.s32 v5;
	v6 =	vunpack.c.0.s8.s32 v6;
	s21 =	simm.s32 $0x5;
	[dreg:$0xb] =	wrdreg s10;
	s0 =	sadd.s32 $0x17250, s0  }
0x18: {  	v1 =	vcombine.low v1, v0;
	v3 =	vcombine.low v3, v2;
	v2 =	vunpack.c.0.s8.s32 v7;
	s22 =	simm.s32 $0x6;
	[dreg:$0xe] =	wrdreg s0;
	s0 =	sadd.s32 $0xB9280, s1  }
0x19: {  	vm0 =	vcmask $0x300;
	v4 =	vcombine.low v5, v4;
	v5 =	vand.u32 $0xF, v6;
	s2 =	sadd.s32 s23, s1;
	[dreg:$0xd] =	wrdreg s4;
	s0 =	sshrl.u32 @p0 s0, $0x3  }
0x1a: {  	v0 =	vimm.f32 $0.0e+00;
	v1 =	vand.u32 $0xF, v1;
	v2 =	vcombine.low v5, v2;
	s24 =	simm.s32 $0x0;
	[dreg:$0x10] =	wrdreg s0;
	s0 =	sshrl.u32 @!p0 s2, $0x3  }
0x1b: {  	v3 =	vand.u32 $0xF, v3;
	v4 =	vand.u32 $0xF, v4;
	v5 =	vsel vm0, $0x3F800000, v0;
	s4 =	simm.s32 $0x2;
	[dreg:$0x11] =	wrdreg s0;
	s0 =	simm.s32 $0x28A0  }
.LBB2_1:
0x1c: {  	[dreg:$0x3] =	wrdreg s13;
	s10 =	simm.s32 $0x140;
	s2 =	simm.s32 $0x0  }
.LBB2_2:
0x1d: {  	p1 =	sne.s32 s10, $0x9B00;
	[tilespmem:s2+$0x9280] =	vst v0;
	s13 =	smov.u32 s10;
	s10 =	sadd.s32 $0x140, s10  }
.Ltmp0:
0x1e: {  	[tilespmem:s2+$0x9270] =	vst v0;
	(pc) =	sbr.rel @p1 .LBB2_2-.Ltmp0, $4  }
0x1f: {  	[tilespmem:s2+$0x9260] =	vst v0  }
0x20: {  	[tilespmem:s2+$0x9240] =	vst v0  }
0x21: {  	[tilespmem:s2+$0x9250] =	vst v0  }
0x22: {  	s2 =	sshra.s32 s13, $0x2  }
0x23: {  	[tilespmem:s2+$0x9280] =	vst v0  }
0x24: {  	[tilespmem:s2+$0x9270] =	vst v0  }
0x25: {  	[tilespmem:s2+$0x9260] =	vst v0  }
0x26: {  	[tilespmem:s2+$0x9240] =	vst v0  }
0x27: {  	[tilespmem:s2+$0x9250] =	vst v0;
	s13 =	rddreg [dreg:$0x5];
	s10 =	simm.s32 $0x9240  }
0x28: {  	[spmem:s13] =	stream.linear.scatter [tilespmem:s10], [sflag:$0x7], $0x2710, $0x38;
	[tilespmem:$0x17CF0] =	vst v63  }
0x29: {  	_ =	swait.ge [sflag:s26], $0x2710  }
0x2a: {  	[sflag:s26] =	ssyncset.done $0x0  }
0x2b: {  	s14 =	rddreg [dreg:$0x6];
	[sflag:s26] =	ssyncadd.s32 $0xFFFFD8F0  }
0x2c: {  	[spmem:s14] =	stream.linear.scatter [tilespmem:s10], [sflag:$0x7], $0x2710, $0x38;
	[tilespmem:$0x17CF0] =	vst v63  }
0x2d: {  	_ =	swait.ge [sflag:s26], $0x2710  }
0x2e: {  	[sflag:s26] =	ssyncset.done $0x0  }
0x2f: {  	s15 =	rddreg [dreg:$0x7];
	[sflag:s26] =	ssyncadd.s32 $0xFFFFD8F0  }
0x30: {  	[spmem:s15] =	stream.linear.scatter [tilespmem:s10], [sflag:$0x7], $0x2710, $0x38;
	[tilespmem:$0x17CF0] =	vst v63  }
0x31: {  	_ =	swait.ge [sflag:s26], $0x2710  }
0x32: {  	[sflag:s26] =	ssyncset.done $0x0  }
0x33: {  	s23 =	rddreg [dreg:$0x8];
	[sflag:s26] =	ssyncadd.s32 $0xFFFFD8F0  }
0x34: {  	[spmem:s23] =	stream.linear.scatter [tilespmem:s10], [sflag:$0x7], $0x2710, $0x38;
	[tilespmem:$0x17CF0] =	vst v63  }
0x35: {  	_ =	swait.ge [sflag:s26], $0x2710  }
0x36: {  	[sflag:s26] =	ssyncset.done $0x0  }
0x37: {  	s25 =	rddreg [dreg:$0x9];
	[sflag:s26] =	ssyncadd.s32 $0xFFFFD8F0  }
0x38: {  	[spmem:s25] =	stream.linear.scatter [tilespmem:s10], [sflag:$0x7], $0x2710, $0x38;
	[tilespmem:$0x17CF0] =	vst v63  }
0x39: {  	_ =	swait.ge [sflag:s26], $0x2710  }
0x3a: {  	[sflag:s26] =	ssyncset.done $0x0  }
0x3b: {  	[sflag:s26] =	ssyncadd.s32 $0xFFFFD8F0  }
0x3c: {  	[bflag:$0x0] =	sbarrier.arrive $0xFFFF  }
0x3d: {  	s14 =	simm.s32 $0xB950;
	s13 =	rddreg [dreg:$0x4]  }
0x3e: {  	[tilespmem:s14], [sflag:$0x7] =	stream.linear.gather [hbm4b:s13+s24], $0x40, $0x38;
	[tilespmem:$0x17CF0] =	vst v63  }
0x3f: {  	_ =	swait.ge [sflag:s26], $0x40  }
0x40: {  	[sflag:s26] =	ssyncset.done $0x0  }
0x41: {  	s15 =	rddreg [dreg:$0xa];
	[sflag:s26] =	ssyncadd.s32 $0xFFFFFFC0  }
0x42: {  	[tilespmem:s24], [sflag:$0x7] =	stream.linear.gather [hbm4b:s15+s24], $0x50, $0x38;
	[tilespmem:$0x17CF0] =	vst v63  }
0x43: {  	_ =	swait.ge [sflag:s26], $0x50  }
0x44: {  	[sflag:s26] =	ssyncset.done $0x0  }
0x45: {  	s23 =	rddreg [dreg:$0xb];
	[sflag:s26] =	ssyncadd.s32 $0xFFFFFFB0  }
0x46: {  	[tilespmem:s29], [sflag:$0x7] =	stream.linear.gather [hbm4b:s23+s24], $0x50, $0x38;
	[tilespmem:$0x17CF0] =	vst v63  }
0x47: {  	_ =	swait.ge [sflag:s26], $0x50  }
0x48: {  	[sflag:s26] =	ssyncset.done $0x0  }
0x49: {  	[sflag:s26] =	ssyncadd.s32 $0xFFFFFFB0  }
0x4a: {  	[tilespmem:s30], [sflag:$0x1] =	stream.indirect.gather [hbm4b:s6+s29], $0x40, s24, s29, $0xb8;
	[tilespmem:$0x17CF0] =	vst v63  }
0x4b: {  	_ = 	snop  }
0x4c: {  	[tilespmem:s31], [sflag:$0x2] =	stream.indirect.gather [hbm4b:s7+s29], $0x40, s29, s29, $0xb8;
	[tilespmem:$0x17CF0] =	vst v63  }
0x4d: {  	s25 =	rddreg [dreg:$0xc]  }
0x4e: {  	[tilespmem:s0], [sflag:$0x3] =	stream.linear.gather [hbm4b:s25+s24], $0x1400, $0x38;
	[tilespmem:$0x17CF0] =	vst v63  }
0x4f: {  	s25 =	simm.s32 $0x0  }
.LBB2_4:
0x50: {  	_ =	swait.ge [sflag:s28], $0x1400  }
0x51: {  	[sflag:s28] =	ssyncset.done $0x0  }
0x52: {  	[sflag:s28] =	ssyncadd.s32 $0xFFFFEC00  }
0x53: {  	_ =	swait.ge [sflag:s4], $0x1400  }
0x54: {  	s10 =	smul.u32 $0xA0, s25;
	[sflag:s4] =	ssyncset.done $0x0  }
0x55: {  	[sflag:s4] =	ssyncadd.s32 $0xFFFFEC00  }
0x56: {  	s2 =	sadd.s32 s10, s18;
	_ =	swait.ge [sflag:s9], $0x1400  }
0x57: {  	s13 =	sshrl.u32 s2, $0x3;
	[sflag:s9] =	ssyncset.done $0x0  }
0x58: {  	s14 =	sadd.s32 s3, s13;
	[sflag:s9] =	ssyncadd.s32 $0xFFFFEC00  }
0x59: {  	[tilespmem:s11], [sflag:$0x7] =	stream.linear.gather [hbm4b:s14+s24], $0x50, $0x38;
	[tilespmem:$0x17CF0] =	vst v63  }
0x5a: {  	_ =	swait.ge [sflag:s26], $0x50  }
0x5b: {  	[sflag:s26] =	ssyncset.done $0x0  }
0x5c: {  	s13 =	sadd.s32 s5, s13;
	[sflag:s26] =	ssyncadd.s32 $0xFFFFFFB0  }
0x5d: {  	[tilespmem:s12], [sflag:$0x7] =	stream.linear.gather [hbm4b:s13+s24], $0x50, $0x38;
	[tilespmem:$0x17CF0] =	vst v63  }
0x5e: {  	_ =	swait.ge [sflag:s26], $0x50  }
0x5f: {  	[sflag:s26] =	ssyncset.done $0x0  }
0x60: {  	s2 =	sshll.u32 s2, $0x3;
	s14 =	simm.s32 $0x3D40;
	[sflag:s26] =	ssyncadd.s32 $0xFFFFFFB0  }
0x61: {  	[tilespmem:s14], [sflag:$0x4] =	stream.indirect.gather [hbm4b:s6+s29], $0x40, s11, s29, $0xb8;
	[tilespmem:$0x17CF0] =	vst v63  }
0x62: {  	s15 =	simm.s32 $0x5140;
	s2 =	sand.u32 $0x1FFFFF80, s2  }
0x63: {  	[tilespmem:s15], [sflag:$0x5] =	stream.indirect.gather [hbm4b:s7+s29], $0x40, s12, s29, $0xb8;
	[tilespmem:$0x17CF0] =	vst v63  }
0x64: {  	s23 =	simm.s32 $0x6540;
	s2 =	sadd.s32 s8, s2  }
0x65: {  	[tilespmem:s23], [sflag:$0x6] =	stream.linear.gather [hbm4b:s2+s24], $0x1400, $0x38;
	[tilespmem:$0x17CF0] =	vst v63  }
0x66: {  	s23 =	simm.s32 $0x0  }
0x67: {  	v6 =	vld [tilespmem:s23+$0x14D0]  }
0x68: {  	v7 =	vld [tilespmem:s23+$0x28B0]  }
0x69: {  	v8 =	vld [tilespmem:s23+$0x14B0]  }
0x6a: {  	v9 =	vld [tilespmem:s23+$0xA0]  }
0x6b: {  	v10 =	vld [tilespmem:s23+$0x14A0]  }
0x6c: {  	v11 =	vld [tilespmem:s23+$0xB0]  }
0x6d: {  	v12 =	vld [tilespmem:s23+$0x28A0]  }
0x6e: {  	v13 =	vld [tilespmem:s23+$0xC0]  }
0x6f: {  	v14 =	vld [tilespmem:s23+$0x14C0]  }
0x70: {  	v15 =	vld [tilespmem:s23+$0xD0];
	v9 =	vadd.f32 v10, v9  }
0x71: {  	v56 =	vld [tilespmem:s23+$0x28C0]  }
0x72: {  	v57 =	vld [tilespmem:$0xB950];
	v8 =	vadd.f32 v8, v11;
	v9 =	vadd.f32 v12, v9  }
0x73: {  	v58 =	vld [tilespmem:s23+$0x28D0]  }
0x74: {  	v13 =	vadd.f32 v14, v13;
	v7 =	vadd.f32 v7, v8;
	v8 =	vld [tilespmem:$0xB960];
	v16 =	vmul.f32 $2.000000030e-01, v9  }
0x75: {  	v6 =	vadd.f32 v6, v15;
	vm0 =	vgt.f32 v9, $0.0e+00  }
0x76: {  	v60 =	vld [tilespmem:$0xB970];
	v10 =	vadd.f32 v56, v13;
	v59 =	vmul.f32 $2.000000030e-01, v7;
	v9 =	vsel vm0, v9, v16  }
0x77: {  	vm13 =	vgt.f32 v7, $0.0e+00;
	v9 =	vmul.f32 v9, v57  }
0x78: {  	v61 =	vld [tilespmem:$0xB980];
	v6 =	vadd.f32 v58, v6;
	v62 =	vmul.f32 $2.000000030e-01, v10;
	v7 =	vsel vm13, v7, v59  }
0x79: {  	vm14 =	vgt.f32 v10, $0.0e+00;
	v7 =	vmul.f32 v7, v8;
	v8 =	vadd.f32 $0.0e+00, v9  }
0x7a: {  	v63 =	vmul.f32 $2.000000030e-01, v6;
	v10 =	vsel vm14, v10, v62  }
0x7b: {  	vm15 =	vgt.f32 v6, $0.0e+00;
	v7 =	vadd.f32 v7, v8;
	v8 =	vmul.f32 v10, v60  }
0x7c: {  	v6 =	vsel vm15, v6, v63  }
0x7d: {  	v6 =	vmul.f32 v6, v61;
	v7 =	vadd.f32 v8, v7;
	_ =	sdelay $0x1  }
0x7e: {  	v6 =	vadd.f32 v6, v7;
	_ =	sdelay $0x1  }
0x7f: {  	[tilespmem:$0xB990] =	vst v6  }
0x80: {  	v7 =	vld.idx.msk [tilespmem:v1+s16+$0x0], $0xffff;
	_ =	sdelay $0x4  }
0x81: {  	v6 =	vadd.f32 v6, v7;
	_ =	sdelay $0x1  }
0x82: {  	[tilespmem:$0xB990] =	vst v6  }
0x83: {  	v7 =	vld.idx.msk [tilespmem:v3+s16+$0x0], $0xffff;
	_ =	sdelay $0x4  }
0x84: {  	v6 =	vadd.f32 v6, v7;
	_ =	sdelay $0x1  }
0x85: {  	[tilespmem:$0xB990] =	vst v6  }
0x86: {  	v7 =	vld.idx.msk [tilespmem:v4+s16+$0x0], $0xffff;
	_ =	sdelay $0x4  }
0x87: {  	v6 =	vadd.f32 v7, v6;
	_ =	sdelay $0x1  }
0x88: {  	[tilespmem:$0xB990] =	vst v6  }
0x89: {  	v7 =	vld.idx.msk [tilespmem:v2+s16+$0x0], $0xffff;
	_ =	sdelay $0x4  }
0x8a: {  	v6 =	vadd.f32 v7, v6;
	_ =	sdelay $0x1  }
0x8b: {  	v7 =	vmul.f32 $1.442695020e+00, v6  }
0x8c: {  	[tilespmem:$0xB990] =	vst v6  }
0x8d: {  	s13 =	simm.s32 $0x7960;
	s14 =	simm.s32 $0x100;
	s2 =	simm.s32 $0x7960;
	v6 =	vld [tilespmem:s23+$0xA0];
	(erf) = vpow2.f32 v7  }
.LBB2_5:
0x8e: {  	_ =	sdelay $0x6  }
0x8f: {  	p1 =	sne.s32 s14, $0x4F00  }
0x90: {  	s13 =	sadd.s32 $0x50, s13;
	s15 =	smov.u32 s14;
	s14 =	sadd.s32 $0x100, s14;
	v7 =	vpop (erf)  }
0x91: {  	v6 =	vmul.f32 v7, v6;
	_ =	sdelay $0x1  }
0x92: {  	[tilespmem:s2+$0xFFFFFFE0] =	vst v6  }
0x93: {  	v6 =	vld [tilespmem:s23+$0xB0];
	_ =	sdelay $0x1  }
0x94: {  	s15 =	sshra.s32 s15, $0x2;
	_ =	sdelay $0x2  }
0x95: {  	v6 =	vmul.f32 v6, v7;
	_ =	sdelay $0x1  }
0x96: {  	[tilespmem:s2+$0xFFFFFFF0] =	vst v6  }
0x97: {  	v6 =	vld [tilespmem:s23+$0xC0];
	_ =	sdelay $0x4  }
0x98: {  	v6 =	vmul.f32 v6, v7;
	_ =	sdelay $0x1  }
0x99: {  	[tilespmem:s2+$0x0] =	vst v6;
	v6 =	vmul.f32 v5, v7  }
0x9a: {  	v8 =	vld [tilespmem:s23+$0xD0];
	s23 =	smov.u32 s15  }
0x9b: {  	[tilespmem:s2+$0x20] =	vst v6;
	_ =	sdelay $0x3  }
0x9c: {  	v6 =	vmul.f32 v8, v7;
	_ =	sdelay $0x1  }
0x9d: {  	[tilespmem:s2+$0x10] =	vst v6;
	s2 =	smov.u32 s13  }
0x9e: {  	v6 =	vld [tilespmem:s23+$0x14D0]  }
0x9f: {  	v7 =	vld [tilespmem:s23+$0xD0]  }
0xa0: {  	v8 =	vld [tilespmem:s23+$0x28B0]  }
0xa1: {  	v9 =	vld [tilespmem:s23+$0x14B0]  }
0xa2: {  	v10 =	vld [tilespmem:s23+$0xB0]  }
0xa3: {  	v11 =	vld [tilespmem:s23+$0xA0]  }
0xa4: {  	v12 =	vld [tilespmem:s23+$0x14A0]  }
0xa5: {  	v13 =	vld [tilespmem:s23+$0x28D0]  }
0xa6: {  	v14 =	vld [tilespmem:s23+$0x28A0]  }
0xa7: {  	v6 =	vadd.f32 v6, v7;
	v9 =	vadd.f32 v9, v10;
	v10 =	vld [tilespmem:s23+$0xC0]  }
0xa8: {  	v7 =	vld [tilespmem:s23+$0x14C0]  }
0xa9: {  	v11 =	vadd.f32 v12, v11;
	v8 =	vadd.f32 v8, v9  }
0xaa: {  	v9 =	vld [tilespmem:s23+$0x28C0];
	v6 =	vadd.f32 v13, v6  }
0xab: {  	v11 =	vadd.f32 v14, v11;
	v12 =	vld [tilespmem:$0xB950];
	v13 =	vmul.f32 $2.000000030e-01, v8  }
0xac: {  	vm0 =	vgt.f32 v8, $0.0e+00;
	v14 =	vld [tilespmem:$0xB960];
	vm1 =	vgt.f32 v6, $0.0e+00;
	v15 =	vmul.f32 $2.000000030e-01, v6  }
0xad: {  	vm2 =	vgt.f32 v11, $0.0e+00;
	v16 =	vmul.f32 $2.000000030e-01, v11;
	v7 =	vadd.f32 v7, v10  }
0xae: {  	v8 =	vsel vm0, v8, v13;
	v6 =	vsel vm1, v6, v15  }
0xaf: {  	v10 =	vsel vm2, v11, v16;
	v7 =	vadd.f32 v9, v7;
	v9 =	vld [tilespmem:$0xB970]  }
0xb0: {  	v10 =	vmul.f32 v10, v12;
	v11 =	vld [tilespmem:$0xB980]  }
0xb1: {  	v8 =	vmul.f32 v8, v14;
	v12 =	vmul.f32 $2.000000030e-01, v7  }
0xb2: {  	vm0 =	vgt.f32 v7, $0.0e+00;
	v10 =	vadd.f32 $0.0e+00, v10  }
0xb3: {  	v7 =	vsel vm0, v7, v12  }
0xb4: {  	v8 =	vadd.f32 v8, v10;
	v7 =	vmul.f32 v7, v9  }
0xb5: {  	v6 =	vmul.f32 v6, v11  }
0xb6: {  	v7 =	vadd.f32 v7, v8;
	_ =	sdelay $0x1  }
0xb7: {  	v6 =	vadd.f32 v6, v7;
	_ =	sdelay $0x1  }
0xb8: {  	[tilespmem:$0xB990] =	vst v6  }
0xb9: {  	v7 =	vld.idx.msk [tilespmem:v1+s16+$0x0], $0xffff;
	_ =	sdelay $0x5  }
0xba: {  	v6 =	vadd.f32 v6, v7;
	_ =	sdelay $0x1  }
0xbb: {  	[tilespmem:$0xB990] =	vst v6  }
0xbc: {  	v7 =	vld.idx.msk [tilespmem:v3+s16+$0x0], $0xffff;
	_ =	sdelay $0x5  }
0xbd: {  	v6 =	vadd.f32 v6, v7;
	_ =	sdelay $0x1  }
0xbe: {  	[tilespmem:$0xB990] =	vst v6  }
0xbf: {  	v7 =	vld.idx.msk [tilespmem:v4+s16+$0x0], $0xffff;
	_ =	sdelay $0x5  }
0xc0: {  	v6 =	vadd.f32 v7, v6;
	_ =	sdelay $0x1  }
0xc1: {  	[tilespmem:$0xB990] =	vst v6  }
0xc2: {  	v7 =	vld.idx.msk [tilespmem:v2+s16+$0x0], $0xffff;
	_ =	sdelay $0x5  }
.Ltmp1:
0xc3: {  	v6 =	vadd.f32 v7, v6;
	(pc) =	sbr.rel @p1 .LBB2_5-.Ltmp1, $4  }
0xc4: {  	_ = 	snop  }
0xc5: {  	v7 =	vmul.f32 $1.442695020e+00, v6;
	[tilespmem:$0xB990] =	vst v6  }
0xc6: {  	v6 =	vld [tilespmem:s23+$0xA0]  }
0xc7: {  	(erf) = vpow2.f32 v7  }
0xc8: {  	_ =	sdelay $0x7  }
0xc9: {  	v7 =	vpop (erf)  }
0xca: {  	v6 =	vmul.f32 v7, v6;
	_ =	sdelay $0x1  }
0xcb: {  	[tilespmem:s2+$0xFFFFFFE0] =	vst v6  }
0xcc: {  	v6 =	vld [tilespmem:s23+$0xB0];
	_ =	sdelay $0x4  }
0xcd: {  	v6 =	vmul.f32 v6, v7;
	_ =	sdelay $0x1  }
0xce: {  	[tilespmem:s2+$0xFFFFFFF0] =	vst v6  }
0xcf: {  	v6 =	vld [tilespmem:s23+$0xC0];
	_ =	sdelay $0x4  }
0xd0: {  	v6 =	vmul.f32 v6, v7;
	_ =	sdelay $0x1  }
0xd1: {  	[tilespmem:s2+$0x0] =	vst v6  }
0xd2: {  	v6 =	vld [tilespmem:s23+$0xD0];
	_ =	sdelay $0x3  }
0xd3: {  	v8 =	vmul.f32 v5, v7  }
0xd4: {  	v6 =	vmul.f32 v6, v7  }
0xd5: {  	[tilespmem:s2+$0x20] =	vst v8  }
0xd6: {  	[tilespmem:s2+$0x10] =	vst v6  }
0xd7: {  	[spmem:s1] =	stream.indirect.scatter.add.f32 [tilespmem:s17], [sflag:$0x7], $0x50, s29, s29, $0xb8;
	[tilespmem:$0x17CF0] =	vst v63  }
0xd8: {  	_ =	swait.ge [sflag:s26], $0x1900  }
0xd9: {  	[sflag:s26] =	ssyncset.done $0x0  }
0xda: {  	[sflag:s26] =	ssyncadd.s32 $0xFFFFE700  }
0xdb: {  	_ =	swait.ge [sflag:s20], $0x1400  }
0xdc: {  	[sflag:s20] =	ssyncset.done $0x0  }
0xdd: {  	[sflag:s20] =	ssyncadd.s32 $0xFFFFEC00  }
0xde: {  	_ =	swait.ge [sflag:s21], $0x1400  }
0xdf: {  	[sflag:s21] =	ssyncset.done $0x0  }
0xe0: {  	[sflag:s21] =	ssyncadd.s32 $0xFFFFEC00  }
0xe1: {  	s23 =	sadd.s32 s10, s19;
	_ =	swait.ge [sflag:s22], $0x1400  }
0xe2: {  	s10 =	sshrl.u32 s23, $0x3;
	[sflag:s22] =	ssyncset.done $0x0  }
0xe3: {  	s14 =	simm.s32 $0x0;
	s13 =	sadd.s32 s3, s10;
	[sflag:s22] =	ssyncadd.s32 $0xFFFFEC00  }
0xe4: {  	[tilespmem:s14], [sflag:$0x7] =	stream.linear.gather [hbm4b:s13+s14], $0x50, $0x38;
	[tilespmem:$0x17CF0] =	vst v63  }
0xe5: {  	_ =	swait.ge [sflag:s26], $0x50  }
0xe6: {  	[sflag:s26] =	ssyncset.done $0x0  }
0xe7: {  	s10 =	sadd.s32 s5, s10;
	[sflag:s26] =	ssyncadd.s32 $0xFFFFFFB0  }
0xe8: {  	[tilespmem:s29], [sflag:$0x7] =	stream.linear.gather [hbm4b:s10+s14], $0x50, $0x38;
	[tilespmem:$0x17CF0] =	vst v63  }
0xe9: {  	_ =	swait.ge [sflag:s26], $0x50  }
0xea: {  	[sflag:s26] =	ssyncset.done $0x0  }
0xeb: {  	s2 =	sshll.u32 s23, $0x3;
	[sflag:s26] =	ssyncadd.s32 $0xFFFFFFB0  }
0xec: {  	[tilespmem:s30], [sflag:$0x1] =	stream.indirect.gather [hbm4b:s6+s29], $0x40, s14, s29, $0xb8;
	[tilespmem:$0x17CF0] =	vst v63  }
0xed: {  	s2 =	sand.u32 $0x1FFFFF80, s2  }
0xee: {  	[tilespmem:s31], [sflag:$0x2] =	stream.indirect.gather [hbm4b:s7+s29], $0x40, s29, s29, $0xb8;
	[tilespmem:$0x17CF0] =	vst v63  }
0xef: {  	s2 =	sadd.s32 s8, s2;
	s10 =	simm.s32 $0x0  }
0xf0: {  	[tilespmem:s0], [sflag:$0x3] =	stream.linear.gather [hbm4b:s2+s14], $0x1400, $0x38;
	[tilespmem:$0x17CF0] =	vst v63  }
0xf1: {  	v6 =	vld [tilespmem:s10+$0x5170]  }
0xf2: {  	v7 =	vld [tilespmem:s10+$0x6550]  }
0xf3: {  	v8 =	vld [tilespmem:s10+$0x5150]  }
0xf4: {  	v9 =	vld [tilespmem:s10+$0x3D40]  }
0xf5: {  	v10 =	vld [tilespmem:s10+$0x5140]  }
0xf6: {  	v11 =	vld [tilespmem:s10+$0x3D50]  }
0xf7: {  	v12 =	vld [tilespmem:s10+$0x6540]  }
0xf8: {  	v13 =	vld [tilespmem:s10+$0x3D60]  }
0xf9: {  	v14 =	vld [tilespmem:s10+$0x5160]  }
0xfa: {  	v15 =	vld [tilespmem:s10+$0x3D70];
	v9 =	vadd.f32 v10, v9  }
0xfb: {  	v56 =	vld [tilespmem:s10+$0x6560]  }
0xfc: {  	v57 =	vld [tilespmem:$0xB950];
	v8 =	vadd.f32 v8, v11;
	v9 =	vadd.f32 v12, v9  }
0xfd: {  	v58 =	vld [tilespmem:s10+$0x6570]  }
0xfe: {  	v13 =	vadd.f32 v14, v13;
	v7 =	vadd.f32 v7, v8;
	v8 =	vld [tilespmem:$0xB960];
	v16 =	vmul.f32 $2.000000030e-01, v9  }
0xff: {  	v6 =	vadd.f32 v6, v15;
	vm0 =	vgt.f32 v9, $0.0e+00  }
0x100: {  	v60 =	vld [tilespmem:$0xB970];
	v10 =	vadd.f32 v56, v13;
	v59 =	vmul.f32 $2.000000030e-01, v7;
	v9 =	vsel vm0, v9, v16  }
0x101: {  	vm13 =	vgt.f32 v7, $0.0e+00;
	v9 =	vmul.f32 v9, v57  }
0x102: {  	v61 =	vld [tilespmem:$0xB980];
	v6 =	vadd.f32 v58, v6;
	v62 =	vmul.f32 $2.000000030e-01, v10;
	v7 =	vsel vm13, v7, v59  }
0x103: {  	vm14 =	vgt.f32 v10, $0.0e+00;
	v7 =	vmul.f32 v7, v8;
	v8 =	vadd.f32 $0.0e+00, v9  }
0x104: {  	v63 =	vmul.f32 $2.000000030e-01, v6;
	v10 =	vsel vm14, v10, v62  }
0x105: {  	vm15 =	vgt.f32 v6, $0.0e+00;
	v7 =	vadd.f32 v7, v8;
	v8 =	vmul.f32 v10, v60  }
0x106: {  	v6 =	vsel vm15, v6, v63  }
0x107: {  	v6 =	vmul.f32 v6, v61;
	v7 =	vadd.f32 v8, v7;
	_ =	sdelay $0x1  }
0x108: {  	v6 =	vadd.f32 v6, v7;
	_ =	sdelay $0x1  }
0x109: {  	[tilespmem:$0xB990] =	vst v6  }
0x10a: {  	v7 =	vld.idx.msk [tilespmem:v1+s16+$0x0], $0xffff;
	_ =	sdelay $0x4  }
0x10b: {  	v6 =	vadd.f32 v6, v7;
	_ =	sdelay $0x1  }
0x10c: {  	[tilespmem:$0xB990] =	vst v6  }
0x10d: {  	v7 =	vld.idx.msk [tilespmem:v3+s16+$0x0], $0xffff;
	_ =	sdelay $0x4  }
0x10e: {  	v6 =	vadd.f32 v6, v7;
	_ =	sdelay $0x1  }
0x10f: {  	[tilespmem:$0xB990] =	vst v6  }
0x110: {  	v7 =	vld.idx.msk [tilespmem:v4+s16+$0x0], $0xffff;
	_ =	sdelay $0x4  }
0x111: {  	v6 =	vadd.f32 v7, v6;
	_ =	sdelay $0x1  }
0x112: {  	[tilespmem:$0xB990] =	vst v6  }
0x113: {  	v7 =	vld.idx.msk [tilespmem:v2+s16+$0x0], $0xffff;
	_ =	sdelay $0x4  }
0x114: {  	v6 =	vadd.f32 v7, v6;
	_ =	sdelay $0x1  }
0x115: {  	v7 =	vmul.f32 $1.442695020e+00, v6  }
0x116: {  	[tilespmem:$0xB990] =	vst v6  }
0x117: {  	s13 =	simm.s32 $0x7960;
	s14 =	simm.s32 $0x100;
	s2 =	simm.s32 $0x7960;
	v6 =	vld [tilespmem:s10+$0x3D40];
	(erf) = vpow2.f32 v7  }
.LBB2_7:
0x118: {  	_ =	sdelay $0x6  }
0x119: {  	p1 =	sne.s32 s14, $0x4F00  }
0x11a: {  	s13 =	sadd.s32 $0x50, s13;
	s15 =	smov.u32 s14;
	s14 =	sadd.s32 $0x100, s14;
	v7 =	vpop (erf)  }
0x11b: {  	v6 =	vmul.f32 v7, v6;
	_ =	sdelay $0x1  }
0x11c: {  	[tilespmem:s2+$0xFFFFFFE0] =	vst v6  }
0x11d: {  	v6 =	vld [tilespmem:s10+$0x3D50];
	_ =	sdelay $0x1  }
0x11e: {  	s15 =	sshra.s32 s15, $0x2;
	_ =	sdelay $0x2  }
0x11f: {  	v6 =	vmul.f32 v6, v7;
	_ =	sdelay $0x1  }
0x120: {  	[tilespmem:s2+$0xFFFFFFF0] =	vst v6  }
0x121: {  	v6 =	vld [tilespmem:s10+$0x3D60];
	_ =	sdelay $0x4  }
0x122: {  	v6 =	vmul.f32 v6, v7;
	_ =	sdelay $0x1  }
0x123: {  	[tilespmem:s2+$0x0] =	vst v6;
	v6 =	vmul.f32 v5, v7  }
0x124: {  	v8 =	vld [tilespmem:s10+$0x3D70];
	s10 =	smov.u32 s15  }
0x125: {  	[tilespmem:s2+$0x20] =	vst v6;
	_ =	sdelay $0x3  }
0x126: {  	v6 =	vmul.f32 v8, v7;
	_ =	sdelay $0x1  }
0x127: {  	[tilespmem:s2+$0x10] =	vst v6;
	s2 =	smov.u32 s13  }
0x128: {  	v6 =	vld [tilespmem:s10+$0x5170]  }
0x129: {  	v7 =	vld [tilespmem:s10+$0x3D70]  }
0x12a: {  	v8 =	vld [tilespmem:s10+$0x6550]  }
0x12b: {  	v9 =	vld [tilespmem:s10+$0x5150]  }
0x12c: {  	v10 =	vld [tilespmem:s10+$0x3D50]  }
0x12d: {  	v11 =	vld [tilespmem:s10+$0x3D40]  }
0x12e: {  	v12 =	vld [tilespmem:s10+$0x5140]  }
0x12f: {  	v13 =	vld [tilespmem:s10+$0x6570]  }
0x130: {  	v14 =	vld [tilespmem:s10+$0x6540]  }
0x131: {  	v6 =	vadd.f32 v6, v7;
	v9 =	vadd.f32 v9, v10;
	v10 =	vld [tilespmem:s10+$0x3D60]  }
0x132: {  	v7 =	vld [tilespmem:s10+$0x5160]  }
0x133: {  	v11 =	vadd.f32 v12, v11;
	v8 =	vadd.f32 v8, v9  }
0x134: {  	v9 =	vld [tilespmem:s10+$0x6560];
	v6 =	vadd.f32 v13, v6  }
0x135: {  	v11 =	vadd.f32 v14, v11;
	v12 =	vld [tilespmem:$0xB950];
	v13 =	vmul.f32 $2.000000030e-01, v8  }
0x136: {  	vm0 =	vgt.f32 v8, $0.0e+00;
	v14 =	vld [tilespmem:$0xB960];
	vm1 =	vgt.f32 v6, $0.0e+00;
	v15 =	vmul.f32 $2.000000030e-01, v6  }
0x137: {  	vm2 =	vgt.f32 v11, $0.0e+00;
	v16 =	vmul.f32 $2.000000030e-01, v11;
	v7 =	vadd.f32 v7, v10  }
0x138: {  	v8 =	vsel vm0, v8, v13;
	v6 =	vsel vm1, v6, v15  }
0x139: {  	v10 =	vsel vm2, v11, v16;
	v7 =	vadd.f32 v9, v7;
	v9 =	vld [tilespmem:$0xB970]  }
0x13a: {  	v10 =	vmul.f32 v10, v12;
	v11 =	vld [tilespmem:$0xB980]  }
0x13b: {  	v8 =	vmul.f32 v8, v14;
	v12 =	vmul.f32 $2.000000030e-01, v7  }
0x13c: {  	vm0 =	vgt.f32 v7, $0.0e+00;
	v10 =	vadd.f32 $0.0e+00, v10  }
0x13d: {  	v7 =	vsel vm0, v7, v12  }
0x13e: {  	v8 =	vadd.f32 v8, v10;
	v7 =	vmul.f32 v7, v9  }
0x13f: {  	v6 =	vmul.f32 v6, v11  }
0x140: {  	v7 =	vadd.f32 v7, v8;
	_ =	sdelay $0x1  }
0x141: {  	v6 =	vadd.f32 v6, v7;
	_ =	sdelay $0x1  }
0x142: {  	[tilespmem:$0xB990] =	vst v6  }
0x143: {  	v7 =	vld.idx.msk [tilespmem:v1+s16+$0x0], $0xffff;
	_ =	sdelay $0x5  }
0x144: {  	v6 =	vadd.f32 v6, v7;
	_ =	sdelay $0x1  }
0x145: {  	[tilespmem:$0xB990] =	vst v6  }
0x146: {  	v7 =	vld.idx.msk [tilespmem:v3+s16+$0x0], $0xffff;
	_ =	sdelay $0x5  }
0x147: {  	v6 =	vadd.f32 v6, v7;
	_ =	sdelay $0x1  }
0x148: {  	[tilespmem:$0xB990] =	vst v6  }
0x149: {  	v7 =	vld.idx.msk [tilespmem:v4+s16+$0x0], $0xffff;
	_ =	sdelay $0x5  }
0x14a: {  	v6 =	vadd.f32 v7, v6;
	_ =	sdelay $0x1  }
0x14b: {  	[tilespmem:$0xB990] =	vst v6  }
0x14c: {  	v7 =	vld.idx.msk [tilespmem:v2+s16+$0x0], $0xffff;
	_ =	sdelay $0x5  }
.Ltmp2:
0x14d: {  	v6 =	vadd.f32 v7, v6;
	(pc) =	sbr.rel @p1 .LBB2_7-.Ltmp2, $4  }
0x14e: {  	_ = 	snop  }
0x14f: {  	v7 =	vmul.f32 $1.442695020e+00, v6;
	[tilespmem:$0xB990] =	vst v6  }
0x150: {  	v6 =	vld [tilespmem:s10+$0x3D40]  }
0x151: {  	(erf) = vpow2.f32 v7  }
0x152: {  	_ =	sdelay $0x7  }
0x153: {  	v7 =	vpop (erf)  }
0x154: {  	v6 =	vmul.f32 v7, v6;
	_ =	sdelay $0x1  }
0x155: {  	[tilespmem:s2+$0xFFFFFFE0] =	vst v6  }
0x156: {  	v6 =	vld [tilespmem:s10+$0x3D50];
	_ =	sdelay $0x4  }
0x157: {  	v6 =	vmul.f32 v6, v7;
	_ =	sdelay $0x1  }
0x158: {  	[tilespmem:s2+$0xFFFFFFF0] =	vst v6  }
0x159: {  	v6 =	vld [tilespmem:s10+$0x3D60];
	_ =	sdelay $0x4  }
0x15a: {  	v6 =	vmul.f32 v6, v7;
	_ =	sdelay $0x1  }
0x15b: {  	[tilespmem:s2+$0x0] =	vst v6  }
0x15c: {  	v6 =	vld [tilespmem:s10+$0x3D70];
	_ =	sdelay $0x3  }
0x15d: {  	v8 =	vmul.f32 v5, v7  }
0x15e: {  	s25 =	sadd.s32 $0x1, s25;
	v6 =	vmul.f32 v6, v7  }
0x15f: {  	p1 =	sne.s32 s25, $0x3E;
	[tilespmem:s2+$0x20] =	vst v8  }
.Ltmp3:
0x160: {  	[tilespmem:s2+$0x10] =	vst v6;
	(pc) =	sbr.rel @p1 .LBB2_4-.Ltmp3, $4  }
0x161: {  	[spmem:s1] =	stream.indirect.scatter.add.f32 [tilespmem:s17], [sflag:$0x7], $0x50, s12, s29, $0xb8;
	[tilespmem:$0x17CF0] =	vst v63  }
0x162: {  	_ =	swait.ge [sflag:s26], $0x1900  }
0x163: {  	[sflag:s26] =	ssyncset.done $0x0  }
0x164: {  	[sflag:s26] =	ssyncadd.s32 $0xFFFFE700  }
0x165: {  	_ =	swait.ge [sflag:s28], $0x1400  }
0x166: {  	[sflag:s28] =	ssyncset.done $0x0  }
0x167: {  	[sflag:s28] =	ssyncadd.s32 $0xFFFFEC00  }
0x168: {  	_ =	swait.ge [sflag:s4], $0x1400  }
0x169: {  	[sflag:s4] =	ssyncset.done $0x0  }
0x16a: {  	[sflag:s4] =	ssyncadd.s32 $0xFFFFEC00  }
0x16b: {  	_ =	swait.ge [sflag:s9], $0x1400  }
0x16c: {  	[sflag:s9] =	ssyncset.done $0x0  }
0x16d: {  	s10 =	simm.s32 $0x0;
	[sflag:s9] =	ssyncadd.s32 $0xFFFFEC00  }
0x16e: {  	v6 =	vld [tilespmem:s10+$0x14D0]  }
0x16f: {  	v7 =	vld [tilespmem:s10+$0x28B0]  }
0x170: {  	v8 =	vld [tilespmem:s10+$0x14B0]  }
0x171: {  	v9 =	vld [tilespmem:s10+$0xA0]  }
0x172: {  	v10 =	vld [tilespmem:s10+$0x14A0]  }
0x173: {  	v11 =	vld [tilespmem:s10+$0xB0]  }
0x174: {  	v12 =	vld [tilespmem:s10+$0x28A0]  }
0x175: {  	v13 =	vld [tilespmem:s10+$0xC0]  }
0x176: {  	v14 =	vld [tilespmem:s10+$0x14C0]  }
0x177: {  	v15 =	vld [tilespmem:s10+$0xD0];
	v9 =	vadd.f32 v10, v9  }
0x178: {  	v56 =	vld [tilespmem:s10+$0x28C0]  }
0x179: {  	v57 =	vld [tilespmem:$0xB950];
	v8 =	vadd.f32 v8, v11;
	v9 =	vadd.f32 v12, v9  }
0x17a: {  	v58 =	vld [tilespmem:s10+$0x28D0]  }
0x17b: {  	v13 =	vadd.f32 v14, v13;
	v7 =	vadd.f32 v7, v8;
	v8 =	vld [tilespmem:$0xB960];
	v16 =	vmul.f32 $2.000000030e-01, v9  }
0x17c: {  	v6 =	vadd.f32 v6, v15;
	vm0 =	vgt.f32 v9, $0.0e+00  }
0x17d: {  	v60 =	vld [tilespmem:$0xB970];
	v10 =	vadd.f32 v56, v13;
	v59 =	vmul.f32 $2.000000030e-01, v7;
	v9 =	vsel vm0, v9, v16  }
0x17e: {  	vm13 =	vgt.f32 v7, $0.0e+00;
	v9 =	vmul.f32 v9, v57  }
0x17f: {  	v61 =	vld [tilespmem:$0xB980];
	v6 =	vadd.f32 v58, v6;
	v62 =	vmul.f32 $2.000000030e-01, v10;
	v7 =	vsel vm13, v7, v59  }
0x180: {  	vm14 =	vgt.f32 v10, $0.0e+00;
	v7 =	vmul.f32 v7, v8;
	v8 =	vadd.f32 $0.0e+00, v9  }
0x181: {  	v63 =	vmul.f32 $2.000000030e-01, v6;
	v10 =	vsel vm14, v10, v62  }
0x182: {  	vm15 =	vgt.f32 v6, $0.0e+00;
	v7 =	vadd.f32 v7, v8;
	v8 =	vmul.f32 v10, v60  }
0x183: {  	v6 =	vsel vm15, v6, v63  }
0x184: {  	v6 =	vmul.f32 v6, v61;
	v7 =	vadd.f32 v8, v7;
	_ =	sdelay $0x1  }
0x185: {  	v6 =	vadd.f32 v6, v7;
	_ =	sdelay $0x1  }
0x186: {  	[tilespmem:$0xB990] =	vst v6  }
0x187: {  	v7 =	vld.idx.msk [tilespmem:v1+s16+$0x0], $0xffff;
	_ =	sdelay $0x4  }
0x188: {  	v6 =	vadd.f32 v6, v7;
	_ =	sdelay $0x1  }
0x189: {  	[tilespmem:$0xB990] =	vst v6  }
0x18a: {  	v7 =	vld.idx.msk [tilespmem:v3+s16+$0x0], $0xffff;
	_ =	sdelay $0x4  }
0x18b: {  	v6 =	vadd.f32 v6, v7;
	_ =	sdelay $0x1  }
0x18c: {  	[tilespmem:$0xB990] =	vst v6  }
0x18d: {  	v7 =	vld.idx.msk [tilespmem:v4+s16+$0x0], $0xffff;
	_ =	sdelay $0x4  }
0x18e: {  	v6 =	vadd.f32 v7, v6;
	_ =	sdelay $0x1  }
0x18f: {  	[tilespmem:$0xB990] =	vst v6  }
0x190: {  	v7 =	vld.idx.msk [tilespmem:v2+s16+$0x0], $0xffff;
	_ =	sdelay $0x4  }
0x191: {  	v6 =	vadd.f32 v7, v6;
	_ =	sdelay $0x1  }
0x192: {  	v7 =	vmul.f32 $1.442695020e+00, v6  }
0x193: {  	[tilespmem:$0xB990] =	vst v6  }
0x194: {  	s13 =	simm.s32 $0x7960;
	s14 =	simm.s32 $0x100;
	s2 =	simm.s32 $0x7960;
	v6 =	vld [tilespmem:s10+$0xA0];
	(erf) = vpow2.f32 v7  }
.LBB2_10:
0x195: {  	_ =	sdelay $0x6  }
0x196: {  	p1 =	sne.s32 s14, $0x4F00  }
0x197: {  	s13 =	sadd.s32 $0x50, s13;
	s15 =	smov.u32 s14;
	s14 =	sadd.s32 $0x100, s14;
	v7 =	vpop (erf)  }
0x198: {  	v6 =	vmul.f32 v7, v6;
	_ =	sdelay $0x1  }
0x199: {  	[tilespmem:s2+$0xFFFFFFE0] =	vst v6  }
0x19a: {  	v6 =	vld [tilespmem:s10+$0xB0];
	_ =	sdelay $0x1  }
0x19b: {  	s15 =	sshra.s32 s15, $0x2;
	_ =	sdelay $0x2  }
0x19c: {  	v6 =	vmul.f32 v6, v7;
	_ =	sdelay $0x1  }
0x19d: {  	[tilespmem:s2+$0xFFFFFFF0] =	vst v6  }
0x19e: {  	v6 =	vld [tilespmem:s10+$0xC0];
	_ =	sdelay $0x4  }
0x19f: {  	v6 =	vmul.f32 v6, v7;
	_ =	sdelay $0x1  }
0x1a0: {  	[tilespmem:s2+$0x0] =	vst v6;
	v6 =	vmul.f32 v5, v7  }
0x1a1: {  	v8 =	vld [tilespmem:s10+$0xD0];
	s10 =	smov.u32 s15  }
0x1a2: {  	[tilespmem:s2+$0x20] =	vst v6;
	_ =	sdelay $0x3  }
0x1a3: {  	v6 =	vmul.f32 v8, v7;
	_ =	sdelay $0x1  }
0x1a4: {  	[tilespmem:s2+$0x10] =	vst v6;
	s2 =	smov.u32 s13  }
0x1a5: {  	v6 =	vld [tilespmem:s10+$0x14D0]  }
0x1a6: {  	v7 =	vld [tilespmem:s10+$0xD0]  }
0x1a7: {  	v8 =	vld [tilespmem:s10+$0x28B0]  }
0x1a8: {  	v9 =	vld [tilespmem:s10+$0x14B0]  }
0x1a9: {  	v10 =	vld [tilespmem:s10+$0xB0]  }
0x1aa: {  	v11 =	vld [tilespmem:s10+$0xA0]  }
0x1ab: {  	v12 =	vld [tilespmem:s10+$0x14A0]  }
0x1ac: {  	v13 =	vld [tilespmem:s10+$0x28D0]  }
0x1ad: {  	v14 =	vld [tilespmem:s10+$0x28A0]  }
0x1ae: {  	v6 =	vadd.f32 v6, v7;
	v9 =	vadd.f32 v9, v10;
	v10 =	vld [tilespmem:s10+$0xC0]  }
0x1af: {  	v7 =	vld [tilespmem:s10+$0x14C0]  }
0x1b0: {  	v11 =	vadd.f32 v12, v11;
	v8 =	vadd.f32 v8, v9  }
0x1b1: {  	v9 =	vld [tilespmem:s10+$0x28C0];
	v6 =	vadd.f32 v13, v6  }
0x1b2: {  	v11 =	vadd.f32 v14, v11;
	v12 =	vld [tilespmem:$0xB950];
	v13 =	vmul.f32 $2.000000030e-01, v8  }
0x1b3: {  	vm0 =	vgt.f32 v8, $0.0e+00;
	v14 =	vld [tilespmem:$0xB960];
	vm1 =	vgt.f32 v6, $0.0e+00;
	v15 =	vmul.f32 $2.000000030e-01, v6  }
0x1b4: {  	vm2 =	vgt.f32 v11, $0.0e+00;
	v16 =	vmul.f32 $2.000000030e-01, v11;
	v7 =	vadd.f32 v7, v10  }
0x1b5: {  	v8 =	vsel vm0, v8, v13;
	v6 =	vsel vm1, v6, v15  }
0x1b6: {  	v10 =	vsel vm2, v11, v16;
	v7 =	vadd.f32 v9, v7;
	v9 =	vld [tilespmem:$0xB970]  }
0x1b7: {  	v10 =	vmul.f32 v10, v12;
	v11 =	vld [tilespmem:$0xB980]  }
0x1b8: {  	v8 =	vmul.f32 v8, v14;
	v12 =	vmul.f32 $2.000000030e-01, v7  }
0x1b9: {  	vm0 =	vgt.f32 v7, $0.0e+00;
	v10 =	vadd.f32 $0.0e+00, v10  }
0x1ba: {  	v7 =	vsel vm0, v7, v12  }
0x1bb: {  	v8 =	vadd.f32 v8, v10;
	v7 =	vmul.f32 v7, v9  }
0x1bc: {  	v6 =	vmul.f32 v6, v11  }
0x1bd: {  	v7 =	vadd.f32 v7, v8;
	_ =	sdelay $0x1  }
0x1be: {  	v6 =	vadd.f32 v6, v7;
	_ =	sdelay $0x1  }
0x1bf: {  	[tilespmem:$0xB990] =	vst v6  }
0x1c0: {  	v7 =	vld.idx.msk [tilespmem:v1+s16+$0x0], $0xffff;
	_ =	sdelay $0x5  }
0x1c1: {  	v6 =	vadd.f32 v6, v7;
	_ =	sdelay $0x1  }
0x1c2: {  	[tilespmem:$0xB990] =	vst v6  }
0x1c3: {  	v7 =	vld.idx.msk [tilespmem:v3+s16+$0x0], $0xffff;
	_ =	sdelay $0x5  }
0x1c4: {  	v6 =	vadd.f32 v6, v7;
	_ =	sdelay $0x1  }
0x1c5: {  	[tilespmem:$0xB990] =	vst v6  }
0x1c6: {  	v7 =	vld.idx.msk [tilespmem:v4+s16+$0x0], $0xffff;
	_ =	sdelay $0x5  }
0x1c7: {  	v6 =	vadd.f32 v7, v6;
	_ =	sdelay $0x1  }
0x1c8: {  	[tilespmem:$0xB990] =	vst v6  }
0x1c9: {  	v7 =	vld.idx.msk [tilespmem:v2+s16+$0x0], $0xffff;
	_ =	sdelay $0x5  }
.Ltmp4:
0x1ca: {  	v6 =	vadd.f32 v7, v6;
	(pc) =	sbr.rel @p1 .LBB2_10-.Ltmp4, $4  }
0x1cb: {  	_ = 	snop  }
0x1cc: {  	v7 =	vmul.f32 $1.442695020e+00, v6;
	[tilespmem:$0xB990] =	vst v6  }
0x1cd: {  	v6 =	vld [tilespmem:s10+$0xA0]  }
0x1ce: {  	(erf) = vpow2.f32 v7  }
0x1cf: {  	_ =	sdelay $0x7  }
0x1d0: {  	v7 =	vpop (erf)  }
0x1d1: {  	v6 =	vmul.f32 v7, v6;
	_ =	sdelay $0x1  }
0x1d2: {  	[tilespmem:s2+$0xFFFFFFE0] =	vst v6  }
0x1d3: {  	v6 =	vld [tilespmem:s10+$0xB0];
	_ =	sdelay $0x4  }
0x1d4: {  	v6 =	vmul.f32 v6, v7;
	_ =	sdelay $0x1  }
0x1d5: {  	[tilespmem:s2+$0xFFFFFFF0] =	vst v6  }
0x1d6: {  	v6 =	vld [tilespmem:s10+$0xC0];
	_ =	sdelay $0x4  }
0x1d7: {  	v6 =	vmul.f32 v6, v7;
	_ =	sdelay $0x1  }
0x1d8: {  	[tilespmem:s2+$0x0] =	vst v6  }
0x1d9: {  	v6 =	vld [tilespmem:s10+$0xD0];
	_ =	sdelay $0x3  }
0x1da: {  	v8 =	vmul.f32 v5, v7  }
0x1db: {  	v6 =	vmul.f32 v6, v7  }
0x1dc: {  	[tilespmem:s2+$0x20] =	vst v8  }
0x1dd: {  	[tilespmem:s2+$0x10] =	vst v6  }
0x1de: {  	[spmem:s1] =	stream.indirect.scatter.add.f32 [tilespmem:s17], [sflag:$0x7], $0x50, s29, s29, $0xb8;
	[tilespmem:$0x17CF0] =	vst v63  }
0x1df: {  	_ =	swait.ge [sflag:s26], $0x1900  }
0x1e0: {  	[sflag:s26] =	ssyncset.done $0x0  }
0x1e1: {  	[sflag:s26] =	ssyncadd.s32 $0xFFFFE700  }
0x1e2: {  	[bflag:$0x0] =	sbarrier.arrive $0xFFFF  }
0x1e3: {  	s10 =	rddreg [dreg:$0xe]  }
0x1e4: {  	s2 =	simm.s32 @p0 $0x1FC7;
	s13 =	rddreg [dreg:$0x10]  }
0x1e5: {  	[hbm:s10], [sflag:s2] =	dma.local @p0 [spmem:s13], $0x1450  }
0x1e6: {  	s2 =	simm.s32 @p0 $0x7  }
0x1e7: {  	s10 =	stileid.u32;
	_ =	swait.ge @p0 [sflag:s2], $0x1450  }
0x1e8: {  	s10 =	sshll.u32 @!p0 s10, $0x6;
	[sflag:s2] =	ssyncset.done @p0 $0x0;
	s13 =	rddreg [dreg:$0x11]  }
0x1e9: {  	[sflag:s2] =	ssyncadd.s32 @p0 $0xFFFFEBB0;
	s2 =	sor.u32 @!p0 $0x1C07, s10;
	s10 =	rddreg [dreg:$0xd]  }
0x1ea: {  	[hbm:s10], [sflag:s2] =	dma.local @!p0 [spmem:s13], $0x18B0  }
0x1eb: {  	s2 =	simm.s32 @!p0 $0x7  }
0x1ec: {  	_ =	swait.ge @!p0 [sflag:s2], $0x18B0  }
0x1ed: {  	s23 =	rddreg [dreg:$0x3]  }
0x1ee: {  	s25 =	rddreg [dreg:$0xf];
	s13 =	sadd.s32 $0x1, s23  }
0x1ef: {  	p1 =	sne.s32 s13, s25  }
.Ltmp5:
0x1f0: {  	_ = 	snop;
	(pc) =	sbr.rel @p1 .LBB2_1-.Ltmp5, $3  }
0x1f1: {  	_ =	sdelay $0x1  }
0x1f2: {  	[sflag:s2] =	ssyncset.done @!p0 $0x0  }
0x1f3: {  	[sflag:s2] =	ssyncadd.s32 @!p0 $0xFFFFE750  }
0x1f4: {  	_ =	sfence.sel $0x180000  }
0x1f5: {  	[bflag:$0x0] =	sbarrier.arrive $0xFFFF  }
0x1f6: {  	_ =	strace $0x9000004A  }
0x1f7: {  	s0 =	stileid.u32;
	[bflag:$0x2] =	sbarrier.arrive $0xFFFF  }
0x1f8: {  	p0 =	sne.s32 s0, $0x0;
	s0 =	rddreg [dreg:$0x2]  }
0x1f9: {  	s0 =	sadd.s32 @!p0 $0x100000, s0  }
0x1fa: {  	[sflag:s0] =	ssyncadd.tile.s32 @!p0 $0x1;
	_ =	shalt  }
.Lfunc_end2:
_tile_overlayer_lowered:
.L_overlay_start_2:
0x1fb: {  	(tag) =	ssettag $0x2  }
0x1fc: {  	s0 =	rddreg [dreg:$0x0];
	s2 =	stileid.u32  }
0x1fd: {  	s1 =	rddreg [dreg:$0x1];
	p0 =	sne.s32 s2, $0x0  }
0x1fe: {  	s3 =	rddreg [dreg:$0x2];
	[bflag:$0x3] =	sbarrier.arrive $0xFFFF;
	s2 =	simm.s32 @!p0 $0x1C07  }
0x1ff: {  	[timem:s3], [sflag:s2] =	dma.local @!p0 [hbm:s0], s1  }
0x200: {  	s0 =	simm.s32 @!p0 $0x7  }
0x201: {  	_ =	swait.ge @!p0 [sflag:s0], s1  }
0x202: {  	s1 =	ssub.s32 @!p0 $0x0, s1;
	[sflag:s0] =	ssyncset.done @!p0 $0x0  }
0x203: {  	[sflag:s0] =	ssyncadd.s32 @!p0 s1  }
0x204: {  	[bflag:$0x3] =	sbarrier.arrive $0xFFFF  }
0x205: {  	_ =	shalt  }

// kernel: kernel.14.cloned.1.call-start
scs
__scs_entry_jumppad:
0x0: {  	(pc) =	sbr.rel $0x88, $3  }
0x1: {  	(tag) =	ssettag $0x0;
	lr =	simm.s32 $0x1  }
0x2: {  	[smem:$0x3F89] =	sst lr;
	_ =	strace $0xD0000000  }
0x3: {  	_ = 	snop  }
0x4: {  	_ = 	snop  }
0x5: {  	_ = 	snop  }
0x6: {  	_ = 	snop  }
0x7: {  	_ = 	snop  }
__scs_overlays_trampoline_lowered:
0x8: {  	[smem:$0x3F98] =	sst s0  }
0x9: {  	[smem:$0x3F99] =	sst s1  }
0xa: {  	[smem:$0x3F9A] =	sst s2  }
0xb: {  	[smem:$0x3F9B] =	sst s3  }
0xc: {  	[smem:$0x3F9C] =	sst s4  }
0xd: {  	[smem:$0x3F9D] =	sst s5  }
0xe: {  	[smem:$0x3F9E] =	sst s6  }
0xf: {  	[smem:$0x3F9F] =	sst s7  }
0x10: {  	[smem:$0x3FA0] =	sst s8  }
0x11: {  	[smem:$0x3FA1] =	sst s9;
	s0 =	simm.s32 @!p0 $0x0  }
0x12: {  	s1 =	sld [smem:$0x3F87];
	s0 =	simm.s32 @p0 $0x1  }
0x13: {  	[smem:$0x3FA2] =	sst s0;
	s0 =	simm.s32 @!p1 $0x0  }
0x14: {  	s2 =	sld [smem:$0x3F86];
	s0 =	simm.s32 @p1 $0x1  }
0x15: {  	[smem:$0x3FA3] =	sst s0;
	s0 =	simm.s32 @!p2 $0x0  }
0x16: {  	s3 =	sld [smem:$0x3FDB];
	s0 =	simm.s32 @p2 $0x1  }
0x17: {  	s4 =	simm.s32 $0x1BF5;
	[smem:$0x3FA5] =	sst s0  }
0x18: {  	s0 =	sld [smem:$0x3F88];
	_ =	swait.ge [sflag:s4], $0x0  }
0x19: {  	s7 =	sld [smem:$0x3F89]  }
0x1a: {  	s8 =	sadd.s32 $0xFFFFE003, lr  }
0x1b: {  	s9 =	sadd.s32 $0xFFFFFEF7, lr;
	s5 =	simm.s32 $0xFFFFFFFF;
	p2 =	slt.u32 s8, $0xFFFFF086  }
0x1c: {  	p1 =	slt.u32 s9, $0xF7A;
	s5 =	simm.s32 @!p2 $0x0  }
0x1d: {  	s5 =	simm.s32 @p1 $0x1;
	p0 =	seq.s32 s7, s2  }
0x1e: {  	s7 =	smul.u32 @!p0 $0xF7A, s2;
	p2 =	seq.s32 @!p0 s5, $0x0  }
0x1f: {  	s9 =	smul.u32 $0xF7A, s1;
	s8 =	simm.s32 @!p0 $0x1BF5;
	p2 =	por !p2, p0  }
0x20: {  	[sflag:s8] =	ssyncset.s32 @!p0 $0xFFFFF086;
	s6 =	sadd.s32 @!p0 s3, s7;
	s7 =	simm.s32 @!p0 $0x108  }
0x21: {  	s3 =	sadd.s32 s3, s9;
	s6 =	sadd.s32 @!p0 $0x88, s6;
	s7 =	simm.s32 @p2 $0x1082  }
0x22: {  	[simem:s7], [sflag:s8] =	dma.local @!p0 [hbm:s6], $0xF7A  }
0x23: {  	s9 =	sor.u32 $0xD0000000, s2;
	s6 =	simm.s32 $0x108;
	_ =	swait.ge @!p0 [sflag:s8], $0x0  }
0x24: {  	s3 =	sadd.s32 $0x88, s3;
	s6 =	simm.s32 @!p1 $0x1082;
	[sflag:s4] =	ssyncset.s32 $0xFFFFF086  }
0x25: {  	[simem:s6], [sflag:s4] =	dma.local [hbm:s3], $0xF7A  }
0x26: {  	[smem:$0x3F89] =	sst s1;
	(tag) =	ssettag s2;
	_ =	strace s9  }
0x27: {  	s1 =	sld [smem:$0x3F99]  }
0x28: {  	s2 =	sld [smem:$0x3F9A]  }
0x29: {  	s4 =	sld [smem:$0x3F9C]  }
0x2a: {  	p0 =	seq.s32 s5, $0x0;
	s5 =	sld [smem:$0x3F9D]  }
0x2b: {  	s6 =	sld [smem:$0x3F9E]  }
0x2c: {  	s7 =	sld [smem:$0x3F9F]  }
0x2d: {  	s3 =	simm.s32 $0x108;
	s8 =	sld [smem:$0x3FA0]  }
0x2e: {  	s3 =	simm.s32 @!p0 $0x1082;
	s9 =	sld [smem:$0x3FA1]  }
0x2f: {  	lr =	sadd.s32 s0, s3;
	s0 =	sld [smem:$0x3F98]  }
0x30: {  	s3 =	sld [smem:$0x3F9B]  }
0x31: {  	[smem:$0x3FA4] =	sst s10  }
0x32: {  	s10 =	sld [smem:$0x3FA2];
	_ =	sdelay $0x3  }
0x33: {  	p0 =	seq.s32 s10, $0x1;
	s10 =	sld [smem:$0x3FA4];
	_ =	sdelay $0x3  }
0x34: {  	[smem:$0x3FA4] =	sst s10  }
0x35: {  	s10 =	sld [smem:$0x3FA3];
	_ =	sdelay $0x3  }
0x36: {  	p1 =	seq.s32 s10, $0x1;
	s10 =	sld [smem:$0x3FA4];
	_ =	sdelay $0x3  }
0x37: {  	[smem:$0x3FA4] =	sst s10  }
0x38: {  	s10 =	sld [smem:$0x3FA5]  }
0x39: {  	_ = 	snop;
	(pc) =	sbr.ind lr, $3  }
0x3a: {  	_ = 	snop  }
0x3b: {  	_ = 	snop  }
0x3c: {  	p2 =	seq.s32 s10, $0x1;
	s10 =	sld [smem:$0x3FA4]  }
0x3d: {  	_ =	shalt  }
0x3e: {  	_ =	shalt  }
0x3f: {  	_ =	shalt  }
0x40: {  	_ =	shalt  }
0x41: {  	_ =	shalt  }
0x42: {  	_ =	shalt  }
0x43: {  	_ =	shalt  }
0x44: {  	_ =	shalt  }
0x45: {  	_ =	shalt  }
0x46: {  	_ =	shalt  }
0x47: {  	_ =	shalt  }
0x48: {  	_ =	shalt  }
0x49: {  	_ =	shalt  }
0x4a: {  	_ =	shalt  }
0x4b: {  	_ =	shalt  }
0x4c: {  	_ =	shalt  }
0x4d: {  	_ =	shalt  }
0x4e: {  	_ =	shalt  }
0x4f: {  	_ =	shalt  }
0x50: {  	_ =	shalt  }
0x51: {  	_ =	shalt  }
0x52: {  	_ =	shalt  }
0x53: {  	_ =	shalt  }
0x54: {  	_ =	shalt  }
0x55: {  	_ =	shalt  }
0x56: {  	_ =	shalt  }
0x57: {  	_ =	shalt  }
0x58: {  	_ =	shalt  }
0x59: {  	_ =	shalt  }
0x5a: {  	_ =	shalt  }
0x5b: {  	_ =	shalt  }
0x5c: {  	_ =	shalt  }
0x5d: {  	_ =	shalt  }
0x5e: {  	_ =	shalt  }
0x5f: {  	_ =	shalt  }
0x60: {  	_ =	shalt  }
0x61: {  	_ =	shalt  }
0x62: {  	_ =	shalt  }
0x63: {  	_ =	shalt  }
0x64: {  	_ =	shalt  }
0x65: {  	_ =	shalt  }
0x66: {  	_ =	shalt  }
0x67: {  	_ =	shalt  }
0x68: {  	_ =	shalt  }
0x69: {  	_ =	shalt  }
0x6a: {  	_ =	shalt  }
0x6b: {  	_ =	shalt  }
0x6c: {  	_ =	shalt  }
0x6d: {  	_ =	shalt  }
0x6e: {  	_ =	shalt  }
0x6f: {  	_ =	shalt  }
0x70: {  	_ =	shalt  }
0x71: {  	_ =	shalt  }
0x72: {  	_ =	shalt  }
0x73: {  	_ =	shalt  }
0x74: {  	_ =	shalt  }
0x75: {  	_ =	shalt  }
0x76: {  	_ =	shalt  }
0x77: {  	_ =	shalt  }
0x78: {  	_ =	shalt  }
0x79: {  	_ =	shalt  }
0x7a: {  	_ =	shalt  }
0x7b: {  	_ =	shalt  }
0x7c: {  	_ =	shalt  }
0x7d: {  	_ =	shalt  }
0x7e: {  	_ =	shalt  }
0x7f: {  	_ =	shalt  }
0x80: {  	_ =	shalt  }
0x81: {  	_ =	shalt  }
0x82: {  	_ =	shalt  }
0x83: {  	_ =	shalt  }
0x84: {  	_ =	shalt  }
0x85: {  	_ =	shalt  }
0x86: {  	_ =	shalt  }
0x87: {  	_ =	shalt  }
.Lfunc_end0:
.L_simem_size_0:
called_computation.1_lowered:
.L_overlay_start_0:
0x88: {  	s2 =	sld [smem:$0x3FD9]  }
0x89: {  	s3 =	sld [smem:$0x3FFE];
	_ =	sdelay $0x1  }
0x8a: {  	s1 =	srdreg.scid  }
0x8b: {  	s0 =	sand.u32 $0x1, s1  }
0x8c: {  	s17 =	sshll.u32 s0, $0xA;
	s2 =	sadd.s32 s3, s2  }
0x8d: {  	s2 =	sadd.s32 s2, s17  }
0x8e: {  	[smem:$0x3FB0] =	sst s2  }
0x8f: {  	_ = 	snop  }
0x90: {  	s2 =	sld [smem:$0x3FD0];
	(tm) =	ssettm $0x1  }
0x91: {  	s18 =	sld [smem:$0x3FFB];
	_ =	sdelay $0x3  }
0x92: {  	_ =	strace s18  }
0x93: {  	s3 =	sld [smem:$0x3FFC];
	_ =	sdelay $0x3  }
0x94: {  	_ =	strace s3  }
0x95: {  	s3 =	sld [smem:$0x3FFD];
	_ =	sdelay $0x3  }
0x96: {  	_ =	strace s3  }
0x97: {  	_ =	strace $0x8FFFFFFF  }
0x98: {  	s19 =	sld [smem:$0x3FDB];
	_ =	sdelay $0x1  }
0x99: {  	s4 =	simm.s32 $_scs_section_size  }
0x9a: {  	s5 =	simm.s32 $_size__tile_overlayer_lowered;
	s6 =	simm.s32 $_tile_overlayer_lowered  }
0x9b: {  	s22 =	simm.s32 $0x1BFF;
	s21 =	sshll.u32 s6, $0x1;
	s3 =	sadd.s32 s4, s19  }
0x9c: {  	s7 =	simm.s32 $0x0;
	s20 =	sshll.u32 s5, $0x1;
	s5 =	sadd.s32 s21, s3  }
0x9d: {  	[timem:s7], [sflag:s22] =	dma.local [hbm:s5], s20  }
0x9e: {  	_ =	swait.ge [sflag:s22], s20  }
0x9f: {  	s4 =	ssub.s32 $0x0, s20;
	[sflag:s22] =	ssyncset.done $0x0  }
0xa0: {  	[sflag:s22] =	ssyncadd.s32 s4;
	_ =	sdelay $0x1  }
0xa1: {  	s23 =	simm.s32 $0x1B8B  }
0xa2: {  	_ =	swait.ge [sflag:s23], $0x1  }
0xa3: {  	[sflag:s23] =	ssyncset.done $0x0  }
0xa4: {  	s25 =	simm.s32 $0x1B8E;
	s24 =	sld [smem:$0x3FFE];
	[sflag:s23] =	ssyncadd.s32 $0xFFFFFFFF  }
0xa5: {  	s26 =	simm.s32 $execute0_lowered;
	[smem:$0x3FD2] =	sst s25  }
0xa6: {  	s5 =	sshll.u32 s26, $0x1;
	_ =	strace $0x80000046;
	[dreg:$0x1] =	wrdreg $0xFFFFFFFF  }
0xa7: {  	s28 =	simm.s32 $_size_execute0_lowered;
	s3 =	sadd.s32 s3, s5;
	[dreg:$0x0] =	wrdreg $0x0  }
0xa8: {  	s5 =	sshll.u32 s28, $0x1;
	[dreg:$0x2] =	wrdreg s3  }
0xa9: {  	[dreg:$0x3] =	wrdreg s5  }
0xaa: {  	[dreg:$0x4] =	wrdreg $0xC0  }
0xab: {  	_ =	task [dreg:s7], $0x5FFFF  }
0xac: {  	[dreg:$0x1] =	wrdreg $0xFFFFFFFF  }
0xad: {  	[dreg:$0x0] =	wrdreg $0x60  }
0xae: {  	[dreg:$0x2] =	wrdreg s24  }
0xaf: {  	[dreg:$0x3] =	wrdreg s2  }
0xb0: {  	[dreg:$0x4] =	wrdreg $0xB9A00  }
0xb1: {  	[dreg:$0x5] =	wrdreg $0xA  }
0xb2: {  	_ =	task.clear_ibuf [dreg:s7], $0x6FFFF;
	_ =	strace $0x90000046  }
0xb3: {  	s29 =	simm.s32 $0xA;
	_ =	strace $0x80000048  }
0xb4: {  	_ =	swait.ge [sflag:s29], $0x1  }
0xb5: {  	[sflag:s29] =	ssyncadd.s32 $0xFFFFFFFF  }
0xb6: {  	_ =	strace $0x90000048  }
0xb7: {  	_ =	sfence  }
0xb8: {  	s30 =	sld [smem:$0x0];
	_ =	sdelay $0x2  }
0xb9: {  	s31 =	sshll.u32 s1, $0xD;
	s1 =	sshrl.u32 s1, $0x2  }
0xba: {  	s3 =	sand.u32 $0x4000, s31;
	s1 =	sadd.s32 s1, s30  }
0xbb: {  	s0 =	sor.u32 s3, s0;
	s1 =	sshll.u32 s1, $0x11  }
0xbc: {  	s0 =	sor.u32 s1, s0  }
0xbd: {  	s0 =	sadd.s32 $0x8F2B, s0  }
0xbe: {  	[sflag:s0] =	ssyncadd.remote.s32 $0x1  }
0xbf: {  	_ =	sfence.sel $0xFFFF  }
0xc0: {  	[dreg:$0x0] =	wrdreg $0xFFFFFFFF;
	(pc) =	sbr.abs _section_cstart, $3  }
0xc1: {  	[dreg:$0x1] =	wrdreg $0xFFFFFFFF  }
0xc2: {  	_ =	task.clear_ibuf [dreg:s7], $0x2FFFF;
	_ =	strace $0x9FFFFFFF  }
0xc3: {  	(tm) =	ssettm $0x7FFFFFFF  }
tec
execute0_lowered:
.L_overlay_start_1:
0x0: {  	(tag) =	ssettag $0x1  }
0x1: {  	s0 =	rddreg [dreg:$0x0]  }
0x2: {  	s2 =	rddreg [dreg:$0x2]  }
0x3: {  	s13 =	simm.s32 $0x0;
	s1 =	srdreg.scid;
	s14 =	stileid.u32  }
0x4: {  	s29 =	simm.s32 $0x50;
	s30 =	simm.s32 $0xA0;
	s31 =	simm.s32 $0x14A0  }
0x5: {  	s28 =	simm.s32 $0x2;
	[smem:$0x7FF] =	sst s13;
	s5 =	sadd.s32 $0xAAC00, s0  }
0x6: {  	s6 =	sadd.s32 $0xA0E00, s0;
	s7 =	sadd.s32 $0x8D400, s0;
	s1 =	sand.u32 $0x1, s1  }
0x7: {  	s8 =	sadd.s32 $0x79A00, s0;
	s4 =	smul.u32 $0x30D40, s14;
	s9 =	sadd.s32 $0xB4A00, s0  }
0x8: {  	s0 =	sadd.s32 $0x325C00, s0;
	s23 =	smul.u32 $0xC580, s14;
	p0 =	seq.s32 s14, $0xF  }
0x9: {  	_ =	strace $0x80000047;
	s3 =	sshll.u32 s1, $0x4;
	s10 =	ssub.s32 $0x2, s1  }
0xa: {  	s1 =	smul.u32 $0xC3500, s1;
	s3 =	sor.u32 s14, s3;
	s4 =	sshrl.u32 s4, $0x2  }
0xb: {  	s12 =	sshrl.u32 s10, $0x1;
	s11 =	smul.u32 $0x2710, s3;
	s15 =	sadd.s32 s4, s2  }
0xc: {  	s3 =	smul.u32 $0x13880, s3;
	s17 =	ssub.s32 s10, s12;
	s25 =	sadd.s32 s23, s1  }
0xd: {  	s1 =	sshrl.u32 s1, $0x3;
	s20 =	sadd.s32 $0x2710, s15;
	[dreg:$0x5] =	wrdreg s15  }
0xe: {  	s4 =	simm.s32 $0x3;
	s21 =	sadd.s32 $0x4E20, s15;
	[dreg:$0x6] =	wrdreg s20  }
0xf: {  	v0 =	vimm.s32 $0xEFCDAB89;
	v1 =	vimm.s32 $0x67452301;
	s12 =	simm.s32 $0x3CF0;
	s16 =	sadd.s32 $0x7530, s15;
	[dreg:$0x7] =	wrdreg s21  }
0x10: {  	v2 =	vimm.s32 $0xDCFE98BA;
	v3 =	vimm.s32 $0x54761032;
	s15 =	sadd.s32 $0x9C40, s15;
	s26 =	smax.u32 s17, $0x1;
	[dreg:$0x8] =	wrdreg s16  }
0x11: {  	v4 =	vimm.s32 $0xBA98FEDC;
	v5 =	vimm.s32 $0x32107654;
	s17 =	simm.s32 $0x7940;
	s22 =	sshrl.u32 s11, $0x3;
	[dreg:$0x9] =	wrdreg s15  }
0x12: {  	v6 =	vimm.s32 $0xFEDCBA98;
	v7 =	vimm.s32 $0x76543210;
	s3 =	sadd.s32 s9, s3;
	s18 =	sadd.s32 $0x50, s11;
	s19 =	sadd.s32 $0xA0, s11  }
0x13: {  	v0 =	vunpack.c.l.s4.s8 v0;
	v1 =	vunpack.c.l.s4.s8 v1;
	v2 =	vunpack.c.l.s4.s8 v2;
	[dreg:$0xf] =	wrdreg s26;
	s26 =	simm.s32 $0x7;
	s11 =	simm.s32 $0x3CA0  }
0x14: {  	v3 =	vunpack.c.l.s4.s8 v3;
	v4 =	vunpack.c.l.s4.s8 v4;
	v5 =	vunpack.c.l.s4.s8 v5;
	s16 =	simm.s32 $0xB990;
	s20 =	simm.s32 $0x4;
	s24 =	sadd.s32 s5, s22  }
0x15: {  	v6 =	vunpack.c.l.s4.s8 v6;
	v7 =	vunpack.c.l.s4.s8 v7;
	v0 =	vunpack.c.0.s8.s32 v0;
	s10 =	sadd.s32 s6, s22;
	[dreg:$0xc] =	wrdreg s3;
	s3 =	sshrl.u32 s25, $0x3  }
0x16: {  	v1 =	vunpack.c.0.s8.s32 v1;
	v2 =	vunpack.c.0.s8.s32 v2;
	v3 =	vunpack.c.0.s8.s32 v3;
	[dreg:$0xa] =	wrdreg s24;
	s3 =	sadd.s32 s0, s3;
	s0 =	sadd.s32 s0, s1  }
0x17: {  	v4 =	vunpack.c.0.s8.s32 v4;
	v5 =	vunpack.c.0.s8.s32 v5;
	v6 =	vunpack.c.0.s8.s32 v6;
	s21 =	simm.s32 $0x5;
	[dreg:$0xb] =	wrdreg s10;
	s0 =	sadd.s32 $0x17250, s0  }
0x18: {  	v1 =	vcombine.low v1, v0;
	v3 =	vcombine.low v3, v2;
	v2 =	vunpack.c.0.s8.s32 v7;
	s22 =	simm.s32 $0x6;
	[dreg:$0xe] =	wrdreg s0;
	s0 =	sadd.s32 $0xB9280, s2  }
0x19: {  	vm0 =	vcmask $0x300;
	v4 =	vcombine.low v5, v4;
	v5 =	vand.u32 $0xF, v6;
	s1 =	sadd.s32 s23, s2;
	[dreg:$0xd] =	wrdreg s3;
	s0 =	sshrl.u32 @p0 s0, $0x3  }
0x1a: {  	v0 =	vimm.f32 $0.0e+00;
	v1 =	vand.u32 $0xF, v1;
	v2 =	vcombine.low v5, v2;
	s24 =	simm.s32 $0x0;
	[dreg:$0x10] =	wrdreg s0;
	s0 =	sshrl.u32 @!p0 s1, $0x3  }
0x1b: {  	v3 =	vand.u32 $0xF, v3;
	v4 =	vand.u32 $0xF, v4;
	v5 =	vsel vm0, $0x3F800000, v0;
	s1 =	simm.s32 $0x1;
	[dreg:$0x11] =	wrdreg s0;
	s0 =	simm.s32 $0x28A0  }
.LBB2_1:
0x1c: {  	[dreg:$0x4] =	wrdreg s13;
	s10 =	simm.s32 $0x140;
	s3 =	simm.s32 $0x0  }
.LBB2_2:
0x1d: {  	p1 =	sne.s32 s10, $0x9B00;
	[tilespmem:s3+$0x9280] =	vst v0;
	s13 =	smov.u32 s10;
	s10 =	sadd.s32 $0x140, s10  }
.Ltmp0:
0x1e: {  	[tilespmem:s3+$0x9270] =	vst v0;
	(pc) =	sbr.rel @p1 .LBB2_2-.Ltmp0, $4  }
0x1f: {  	[tilespmem:s3+$0x9260] =	vst v0  }
0x20: {  	[tilespmem:s3+$0x9240] =	vst v0  }
0x21: {  	[tilespmem:s3+$0x9250] =	vst v0  }
0x22: {  	s3 =	sshra.s32 s13, $0x2  }
0x23: {  	[tilespmem:s3+$0x9280] =	vst v0  }
0x24: {  	[tilespmem:s3+$0x9270] =	vst v0  }
0x25: {  	[tilespmem:s3+$0x9260] =	vst v0  }
0x26: {  	[tilespmem:s3+$0x9240] =	vst v0  }
0x27: {  	[tilespmem:s3+$0x9250] =	vst v0;
	s13 =	rddreg [dreg:$0x5];
	s10 =	simm.s32 $0x9240  }
0x28: {  	[spmem:s13] =	stream.linear.scatter [tilespmem:s10], [sflag:$0x7], $0x2710, $0x38;
	[tilespmem:$0x17CF0] =	vst v63  }
0x29: {  	_ =	swait.ge [sflag:s26], $0x2710  }
0x2a: {  	[sflag:s26] =	ssyncset.done $0x0  }
0x2b: {  	s14 =	rddreg [dreg:$0x6];
	[sflag:s26] =	ssyncadd.s32 $0xFFFFD8F0  }
0x2c: {  	[spmem:s14] =	stream.linear.scatter [tilespmem:s10], [sflag:$0x7], $0x2710, $0x38;
	[tilespmem:$0x17CF0] =	vst v63  }
0x2d: {  	_ =	swait.ge [sflag:s26], $0x2710  }
0x2e: {  	[sflag:s26] =	ssyncset.done $0x0  }
0x2f: {  	s15 =	rddreg [dreg:$0x7];
	[sflag:s26] =	ssyncadd.s32 $0xFFFFD8F0  }
0x30: {  	[spmem:s15] =	stream.linear.scatter [tilespmem:s10], [sflag:$0x7], $0x2710, $0x38;
	[tilespmem:$0x17CF0] =	vst v63  }
0x31: {  	_ =	swait.ge [sflag:s26], $0x2710  }
0x32: {  	[sflag:s26] =	ssyncset.done $0x0  }
0x33: {  	s23 =	rddreg [dreg:$0x8];
	[sflag:s26] =	ssyncadd.s32 $0xFFFFD8F0  }
0x34: {  	[spmem:s23] =	stream.linear.scatter [tilespmem:s10], [sflag:$0x7], $0x2710, $0x38;
	[tilespmem:$0x17CF0] =	vst v63  }
0x35: {  	_ =	swait.ge [sflag:s26], $0x2710  }
0x36: {  	[sflag:s26] =	ssyncset.done $0x0  }
0x37: {  	s25 =	rddreg [dreg:$0x9];
	[sflag:s26] =	ssyncadd.s32 $0xFFFFD8F0  }
0x38: {  	[spmem:s25] =	stream.linear.scatter [tilespmem:s10], [sflag:$0x7], $0x2710, $0x38;
	[tilespmem:$0x17CF0] =	vst v63  }
0x39: {  	_ =	swait.ge [sflag:s26], $0x2710  }
0x3a: {  	[sflag:s26] =	ssyncset.done $0x0  }
0x3b: {  	[sflag:s26] =	ssyncadd.s32 $0xFFFFD8F0  }
0x3c: {  	[bflag:$0x0] =	sbarrier.arrive $0xFFFF  }
0x3d: {  	s14 =	simm.s32 $0xB950;
	s13 =	rddreg [dreg:$0x1]  }
0x3e: {  	[tilespmem:s14], [sflag:$0x7] =	stream.linear.gather [hbm4b:s13+s24], $0x40, $0x38;
	[tilespmem:$0x17CF0] =	vst v63  }
0x3f: {  	_ =	swait.ge [sflag:s26], $0x40  }
0x40: {  	[sflag:s26] =	ssyncset.done $0x0  }
0x41: {  	s15 =	rddreg [dreg:$0xa];
	[sflag:s26] =	ssyncadd.s32 $0xFFFFFFC0  }
0x42: {  	[tilespmem:s24], [sflag:$0x7] =	stream.linear.gather [hbm4b:s15+s24], $0x50, $0x38;
	[tilespmem:$0x17CF0] =	vst v63  }
0x43: {  	_ =	swait.ge [sflag:s26], $0x50  }
0x44: {  	[sflag:s26] =	ssyncset.done $0x0  }
0x45: {  	s23 =	rddreg [dreg:$0xb];
	[sflag:s26] =	ssyncadd.s32 $0xFFFFFFB0  }
0x46: {  	[tilespmem:s29], [sflag:$0x7] =	stream.linear.gather [hbm4b:s23+s24], $0x50, $0x38;
	[tilespmem:$0x17CF0] =	vst v63  }
0x47: {  	_ =	swait.ge [sflag:s26], $0x50  }
0x48: {  	[sflag:s26] =	ssyncset.done $0x0  }
0x49: {  	[sflag:s26] =	ssyncadd.s32 $0xFFFFFFB0  }
0x4a: {  	[tilespmem:s30], [sflag:$0x1] =	stream.indirect.gather [hbm4b:s7+s29], $0x40, s24, s29, $0xb8;
	[tilespmem:$0x17CF0] =	vst v63  }
0x4b: {  	_ = 	snop  }
0x4c: {  	[tilespmem:s31], [sflag:$0x2] =	stream.indirect.gather [hbm4b:s8+s29], $0x40, s29, s29, $0xb8;
	[tilespmem:$0x17CF0] =	vst v63  }
0x4d: {  	s25 =	rddreg [dreg:$0xc]  }
0x4e: {  	[tilespmem:s0], [sflag:$0x3] =	stream.linear.gather [hbm4b:s25+s24], $0x1400, $0x38;
	[tilespmem:$0x17CF0] =	vst v63  }
0x4f: {  	s25 =	simm.s32 $0x0  }
.LBB2_4:
0x50: {  	_ =	swait.ge [sflag:s1], $0x1400  }
0x51: {  	[sflag:s1] =	ssyncset.done $0x0  }
0x52: {  	[sflag:s1] =	ssyncadd.s32 $0xFFFFEC00  }
0x53: {  	_ =	swait.ge [sflag:s28], $0x1400  }
0x54: {  	s10 =	smul.u32 $0xA0, s25;
	[sflag:s28] =	ssyncset.done $0x0  }
0x55: {  	[sflag:s28] =	ssyncadd.s32 $0xFFFFEC00  }
0x56: {  	s3 =	sadd.s32 s10, s18;
	_ =	swait.ge [sflag:s4], $0x1400  }
0x57: {  	s13 =	sshrl.u32 s3, $0x3;
	[sflag:s4] =	ssyncset.done $0x0  }
0x58: {  	s14 =	sadd.s32 s5, s13;
	[sflag:s4] =	ssyncadd.s32 $0xFFFFEC00  }
0x59: {  	[tilespmem:s11], [sflag:$0x7] =	stream.linear.gather [hbm4b:s14+s24], $0x50, $0x38;
	[tilespmem:$0x17CF0] =	vst v63  }
0x5a: {  	_ =	swait.ge [sflag:s26], $0x50  }
0x5b: {  	[sflag:s26] =	ssyncset.done $0x0  }
0x5c: {  	s13 =	sadd.s32 s6, s13;
	[sflag:s26] =	ssyncadd.s32 $0xFFFFFFB0  }
0x5d: {  	[tilespmem:s12], [sflag:$0x7] =	stream.linear.gather [hbm4b:s13+s24], $0x50, $0x38;
	[tilespmem:$0x17CF0] =	vst v63  }
0x5e: {  	_ =	swait.ge [sflag:s26], $0x50  }
0x5f: {  	[sflag:s26] =	ssyncset.done $0x0  }
0x60: {  	s3 =	sshll.u32 s3, $0x3;
	s14 =	simm.s32 $0x3D40;
	[sflag:s26] =	ssyncadd.s32 $0xFFFFFFB0  }
0x61: {  	[tilespmem:s14], [sflag:$0x4] =	stream.indirect.gather [hbm4b:s7+s29], $0x40, s11, s29, $0xb8;
	[tilespmem:$0x17CF0] =	vst v63  }
0x62: {  	s15 =	simm.s32 $0x5140;
	s3 =	sand.u32 $0x1FFFFF80, s3  }
0x63: {  	[tilespmem:s15], [sflag:$0x5] =	stream.indirect.gather [hbm4b:s8+s29], $0x40, s12, s29, $0xb8;
	[tilespmem:$0x17CF0] =	vst v63  }
0x64: {  	s23 =	simm.s32 $0x6540;
	s3 =	sadd.s32 s9, s3  }
0x65: {  	[tilespmem:s23], [sflag:$0x6] =	stream.linear.gather [hbm4b:s3+s24], $0x1400, $0x38;
	[tilespmem:$0x17CF0] =	vst v63  }
0x66: {  	s23 =	simm.s32 $0x0  }
0x67: {  	v6 =	vld [tilespmem:s23+$0x14D0]  }
0x68: {  	v7 =	vld [tilespmem:s23+$0x28B0]  }
0x69: {  	v8 =	vld [tilespmem:s23+$0x14B0]  }
0x6a: {  	v9 =	vld [tilespmem:s23+$0xA0]  }
0x6b: {  	v10 =	vld [tilespmem:s23+$0x14A0]  }
0x6c: {  	v11 =	vld [tilespmem:s23+$0xB0]  }
0x6d: {  	v12 =	vld [tilespmem:s23+$0x28A0]  }
0x6e: {  	v13 =	vld [tilespmem:s23+$0xC0]  }
0x6f: {  	v14 =	vld [tilespmem:s23+$0x14C0]  }
0x70: {  	v15 =	vld [tilespmem:s23+$0xD0];
	v9 =	vadd.f32 v10, v9  }
0x71: {  	v56 =	vld [tilespmem:s23+$0x28C0]  }
0x72: {  	v57 =	vld [tilespmem:$0xB950];
	v8 =	vadd.f32 v8, v11;
	v9 =	vadd.f32 v12, v9  }
0x73: {  	v58 =	vld [tilespmem:s23+$0x28D0]  }
0x74: {  	v13 =	vadd.f32 v14, v13;
	v7 =	vadd.f32 v7, v8;
	v8 =	vld [tilespmem:$0xB960];
	v16 =	vmul.f32 $2.000000030e-01, v9  }
0x75: {  	v6 =	vadd.f32 v6, v15;
	vm0 =	vgt.f32 v9, $0.0e+00  }
0x76: {  	v60 =	vld [tilespmem:$0xB970];
	v10 =	vadd.f32 v56, v13;
	v59 =	vmul.f32 $2.000000030e-01, v7;
	v9 =	vsel vm0, v9, v16  }
0x77: {  	vm13 =	vgt.f32 v7, $0.0e+00;
	v9 =	vmul.f32 v9, v57  }
0x78: {  	v61 =	vld [tilespmem:$0xB980];
	v6 =	vadd.f32 v58, v6;
	v62 =	vmul.f32 $2.000000030e-01, v10;
	v7 =	vsel vm13, v7, v59  }
0x79: {  	vm14 =	vgt.f32 v10, $0.0e+00;
	v7 =	vmul.f32 v7, v8;
	v8 =	vadd.f32 $0.0e+00, v9  }
0x7a: {  	v63 =	vmul.f32 $2.000000030e-01, v6;
	v10 =	vsel vm14, v10, v62  }
0x7b: {  	vm15 =	vgt.f32 v6, $0.0e+00;
	v7 =	vadd.f32 v7, v8;
	v8 =	vmul.f32 v10, v60  }
0x7c: {  	v6 =	vsel vm15, v6, v63  }
0x7d: {  	v6 =	vmul.f32 v6, v61;
	v7 =	vadd.f32 v8, v7;
	_ =	sdelay $0x1  }
0x7e: {  	v6 =	vadd.f32 v6, v7;
	_ =	sdelay $0x1  }
0x7f: {  	[tilespmem:$0xB990] =	vst v6  }
0x80: {  	v7 =	vld.idx.msk [tilespmem:v1+s16+$0x0], $0xffff;
	_ =	sdelay $0x4  }
0x81: {  	v6 =	vadd.f32 v6, v7;
	_ =	sdelay $0x1  }
0x82: {  	[tilespmem:$0xB990] =	vst v6  }
0x83: {  	v7 =	vld.idx.msk [tilespmem:v3+s16+$0x0], $0xffff;
	_ =	sdelay $0x4  }
0x84: {  	v6 =	vadd.f32 v6, v7;
	_ =	sdelay $0x1  }
0x85: {  	[tilespmem:$0xB990] =	vst v6  }
0x86: {  	v7 =	vld.idx.msk [tilespmem:v4+s16+$0x0], $0xffff;
	_ =	sdelay $0x4  }
0x87: {  	v6 =	vadd.f32 v7, v6;
	_ =	sdelay $0x1  }
0x88: {  	[tilespmem:$0xB990] =	vst v6  }
0x89: {  	v7 =	vld.idx.msk [tilespmem:v2+s16+$0x0], $0xffff;
	_ =	sdelay $0x4  }
0x8a: {  	v6 =	vadd.f32 v7, v6;
	_ =	sdelay $0x1  }
0x8b: {  	v7 =	vmul.f32 $1.442695020e+00, v6  }
0x8c: {  	[tilespmem:$0xB990] =	vst v6  }
0x8d: {  	s13 =	simm.s32 $0x7960;
	s14 =	simm.s32 $0x100;
	s3 =	simm.s32 $0x7960;
	v6 =	vld [tilespmem:s23+$0xA0];
	(erf) = vpow2.f32 v7  }
.LBB2_5:
0x8e: {  	_ =	sdelay $0x6  }
0x8f: {  	p1 =	sne.s32 s14, $0x4F00  }
0x90: {  	s13 =	sadd.s32 $0x50, s13;
	s15 =	smov.u32 s14;
	s14 =	sadd.s32 $0x100, s14;
	v7 =	vpop (erf)  }
0x91: {  	v6 =	vmul.f32 v7, v6;
	_ =	sdelay $0x1  }
0x92: {  	[tilespmem:s3+$0xFFFFFFE0] =	vst v6  }
0x93: {  	v6 =	vld [tilespmem:s23+$0xB0];
	_ =	sdelay $0x1  }
0x94: {  	s15 =	sshra.s32 s15, $0x2;
	_ =	sdelay $0x2  }
0x95: {  	v6 =	vmul.f32 v6, v7;
	_ =	sdelay $0x1  }
0x96: {  	[tilespmem:s3+$0xFFFFFFF0] =	vst v6  }
0x97: {  	v6 =	vld [tilespmem:s23+$0xC0];
	_ =	sdelay $0x4  }
0x98: {  	v6 =	vmul.f32 v6, v7;
	_ =	sdelay $0x1  }
0x99: {  	[tilespmem:s3+$0x0] =	vst v6;
	v6 =	vmul.f32 v5, v7  }
0x9a: {  	v8 =	vld [tilespmem:s23+$0xD0];
	s23 =	smov.u32 s15  }
0x9b: {  	[tilespmem:s3+$0x20] =	vst v6;
	_ =	sdelay $0x3  }
0x9c: {  	v6 =	vmul.f32 v8, v7;
	_ =	sdelay $0x1  }
0x9d: {  	[tilespmem:s3+$0x10] =	vst v6;
	s3 =	smov.u32 s13  }
0x9e: {  	v6 =	vld [tilespmem:s23+$0x14D0]  }
0x9f: {  	v7 =	vld [tilespmem:s23+$0xD0]  }
0xa0: {  	v8 =	vld [tilespmem:s23+$0x28B0]  }
0xa1: {  	v9 =	vld [tilespmem:s23+$0x14B0]  }
0xa2: {  	v10 =	vld [tilespmem:s23+$0xB0]  }
0xa3: {  	v11 =	vld [tilespmem:s23+$0xA0]  }
0xa4: {  	v12 =	vld [tilespmem:s23+$0x14A0]  }
0xa5: {  	v13 =	vld [tilespmem:s23+$0x28D0]  }
0xa6: {  	v14 =	vld [tilespmem:s23+$0x28A0]  }
0xa7: {  	v6 =	vadd.f32 v6, v7;
	v9 =	vadd.f32 v9, v10;
	v10 =	vld [tilespmem:s23+$0xC0]  }
0xa8: {  	v7 =	vld [tilespmem:s23+$0x14C0]  }
0xa9: {  	v11 =	vadd.f32 v12, v11;
	v8 =	vadd.f32 v8, v9  }
0xaa: {  	v9 =	vld [tilespmem:s23+$0x28C0];
	v6 =	vadd.f32 v13, v6  }
0xab: {  	v11 =	vadd.f32 v14, v11;
	v12 =	vld [tilespmem:$0xB950];
	v13 =	vmul.f32 $2.000000030e-01, v8  }
0xac: {  	vm0 =	vgt.f32 v8, $0.0e+00;
	v14 =	vld [tilespmem:$0xB960];
	vm1 =	vgt.f32 v6, $0.0e+00;
	v15 =	vmul.f32 $2.000000030e-01, v6  }
0xad: {  	vm2 =	vgt.f32 v11, $0.0e+00;
	v16 =	vmul.f32 $2.000000030e-01, v11;
	v7 =	vadd.f32 v7, v10  }
0xae: {  	v8 =	vsel vm0, v8, v13;
	v6 =	vsel vm1, v6, v15  }
0xaf: {  	v10 =	vsel vm2, v11, v16;
	v7 =	vadd.f32 v9, v7;
	v9 =	vld [tilespmem:$0xB970]  }
0xb0: {  	v10 =	vmul.f32 v10, v12;
	v11 =	vld [tilespmem:$0xB980]  }
0xb1: {  	v8 =	vmul.f32 v8, v14;
	v12 =	vmul.f32 $2.000000030e-01, v7  }
0xb2: {  	vm0 =	vgt.f32 v7, $0.0e+00;
	v10 =	vadd.f32 $0.0e+00, v10  }
0xb3: {  	v7 =	vsel vm0, v7, v12  }
0xb4: {  	v8 =	vadd.f32 v8, v10;
	v7 =	vmul.f32 v7, v9  }
0xb5: {  	v6 =	vmul.f32 v6, v11  }
0xb6: {  	v7 =	vadd.f32 v7, v8;
	_ =	sdelay $0x1  }
0xb7: {  	v6 =	vadd.f32 v6, v7;
	_ =	sdelay $0x1  }
0xb8: {  	[tilespmem:$0xB990] =	vst v6  }
0xb9: {  	v7 =	vld.idx.msk [tilespmem:v1+s16+$0x0], $0xffff;
	_ =	sdelay $0x5  }
0xba: {  	v6 =	vadd.f32 v6, v7;
	_ =	sdelay $0x1  }
0xbb: {  	[tilespmem:$0xB990] =	vst v6  }
0xbc: {  	v7 =	vld.idx.msk [tilespmem:v3+s16+$0x0], $0xffff;
	_ =	sdelay $0x5  }
0xbd: {  	v6 =	vadd.f32 v6, v7;
	_ =	sdelay $0x1  }
0xbe: {  	[tilespmem:$0xB990] =	vst v6  }
0xbf: {  	v7 =	vld.idx.msk [tilespmem:v4+s16+$0x0], $0xffff;
	_ =	sdelay $0x5  }
0xc0: {  	v6 =	vadd.f32 v7, v6;
	_ =	sdelay $0x1  }
0xc1: {  	[tilespmem:$0xB990] =	vst v6  }
0xc2: {  	v7 =	vld.idx.msk [tilespmem:v2+s16+$0x0], $0xffff;
	_ =	sdelay $0x5  }
.Ltmp1:
0xc3: {  	v6 =	vadd.f32 v7, v6;
	(pc) =	sbr.rel @p1 .LBB2_5-.Ltmp1, $4  }
0xc4: {  	_ = 	snop  }
0xc5: {  	v7 =	vmul.f32 $1.442695020e+00, v6;
	[tilespmem:$0xB990] =	vst v6  }
0xc6: {  	v6 =	vld [tilespmem:s23+$0xA0]  }
0xc7: {  	(erf) = vpow2.f32 v7  }
0xc8: {  	_ =	sdelay $0x7  }
0xc9: {  	v7 =	vpop (erf)  }
0xca: {  	v6 =	vmul.f32 v7, v6;
	_ =	sdelay $0x1  }
0xcb: {  	[tilespmem:s3+$0xFFFFFFE0] =	vst v6  }
0xcc: {  	v6 =	vld [tilespmem:s23+$0xB0];
	_ =	sdelay $0x4  }
0xcd: {  	v6 =	vmul.f32 v6, v7;
	_ =	sdelay $0x1  }
0xce: {  	[tilespmem:s3+$0xFFFFFFF0] =	vst v6  }
0xcf: {  	v6 =	vld [tilespmem:s23+$0xC0];
	_ =	sdelay $0x4  }
0xd0: {  	v6 =	vmul.f32 v6, v7;
	_ =	sdelay $0x1  }
0xd1: {  	[tilespmem:s3+$0x0] =	vst v6  }
0xd2: {  	v6 =	vld [tilespmem:s23+$0xD0];
	_ =	sdelay $0x3  }
0xd3: {  	v8 =	vmul.f32 v5, v7  }
0xd4: {  	v6 =	vmul.f32 v6, v7  }
0xd5: {  	[tilespmem:s3+$0x20] =	vst v8  }
0xd6: {  	[tilespmem:s3+$0x10] =	vst v6  }
0xd7: {  	[spmem:s2] =	stream.indirect.scatter.add.f32 [tilespmem:s17], [sflag:$0x7], $0x50, s29, s29, $0xb8;
	[tilespmem:$0x17CF0] =	vst v63  }
0xd8: {  	_ =	swait.ge [sflag:s26], $0x1900  }
0xd9: {  	[sflag:s26] =	ssyncset.done $0x0  }
0xda: {  	[sflag:s26] =	ssyncadd.s32 $0xFFFFE700  }
0xdb: {  	_ =	swait.ge [sflag:s20], $0x1400  }
0xdc: {  	[sflag:s20] =	ssyncset.done $0x0  }
0xdd: {  	[sflag:s20] =	ssyncadd.s32 $0xFFFFEC00  }
0xde: {  	_ =	swait.ge [sflag:s21], $0x1400  }
0xdf: {  	[sflag:s21] =	ssyncset.done $0x0  }
0xe0: {  	[sflag:s21] =	ssyncadd.s32 $0xFFFFEC00  }
0xe1: {  	s23 =	sadd.s32 s10, s19;
	_ =	swait.ge [sflag:s22], $0x1400  }
0xe2: {  	s10 =	sshrl.u32 s23, $0x3;
	[sflag:s22] =	ssyncset.done $0x0  }
0xe3: {  	s14 =	simm.s32 $0x0;
	s13 =	sadd.s32 s5, s10;
	[sflag:s22] =	ssyncadd.s32 $0xFFFFEC00  }
0xe4: {  	[tilespmem:s14], [sflag:$0x7] =	stream.linear.gather [hbm4b:s13+s14], $0x50, $0x38;
	[tilespmem:$0x17CF0] =	vst v63  }
0xe5: {  	_ =	swait.ge [sflag:s26], $0x50  }
0xe6: {  	[sflag:s26] =	ssyncset.done $0x0  }
0xe7: {  	s10 =	sadd.s32 s6, s10;
	[sflag:s26] =	ssyncadd.s32 $0xFFFFFFB0  }
0xe8: {  	[tilespmem:s29], [sflag:$0x7] =	stream.linear.gather [hbm4b:s10+s14], $0x50, $0x38;
	[tilespmem:$0x17CF0] =	vst v63  }
0xe9: {  	_ =	swait.ge [sflag:s26], $0x50  }
0xea: {  	[sflag:s26] =	ssyncset.done $0x0  }
0xeb: {  	s3 =	sshll.u32 s23, $0x3;
	[sflag:s26] =	ssyncadd.s32 $0xFFFFFFB0  }
0xec: {  	[tilespmem:s30], [sflag:$0x1] =	stream.indirect.gather [hbm4b:s7+s29], $0x40, s14, s29, $0xb8;
	[tilespmem:$0x17CF0] =	vst v63  }
0xed: {  	s3 =	sand.u32 $0x1FFFFF80, s3  }
0xee: {  	[tilespmem:s31], [sflag:$0x2] =	stream.indirect.gather [hbm4b:s8+s29], $0x40, s29, s29, $0xb8;
	[tilespmem:$0x17CF0] =	vst v63  }
0xef: {  	s3 =	sadd.s32 s9, s3;
	s10 =	simm.s32 $0x0  }
0xf0: {  	[tilespmem:s0], [sflag:$0x3] =	stream.linear.gather [hbm4b:s3+s14], $0x1400, $0x38;
	[tilespmem:$0x17CF0] =	vst v63  }
0xf1: {  	v6 =	vld [tilespmem:s10+$0x5170]  }
0xf2: {  	v7 =	vld [tilespmem:s10+$0x6550]  }
0xf3: {  	v8 =	vld [tilespmem:s10+$0x5150]  }
0xf4: {  	v9 =	vld [tilespmem:s10+$0x3D40]  }
0xf5: {  	v10 =	vld [tilespmem:s10+$0x5140]  }
0xf6: {  	v11 =	vld [tilespmem:s10+$0x3D50]  }
0xf7: {  	v12 =	vld [tilespmem:s10+$0x6540]  }
0xf8: {  	v13 =	vld [tilespmem:s10+$0x3D60]  }
0xf9: {  	v14 =	vld [tilespmem:s10+$0x5160]  }
0xfa: {  	v15 =	vld [tilespmem:s10+$0x3D70];
	v9 =	vadd.f32 v10, v9  }
0xfb: {  	v56 =	vld [tilespmem:s10+$0x6560]  }
0xfc: {  	v57 =	vld [tilespmem:$0xB950];
	v8 =	vadd.f32 v8, v11;
	v9 =	vadd.f32 v12, v9  }
0xfd: {  	v58 =	vld [tilespmem:s10+$0x6570]  }
0xfe: {  	v13 =	vadd.f32 v14, v13;
	v7 =	vadd.f32 v7, v8;
	v8 =	vld [tilespmem:$0xB960];
	v16 =	vmul.f32 $2.000000030e-01, v9  }
0xff: {  	v6 =	vadd.f32 v6, v15;
	vm0 =	vgt.f32 v9, $0.0e+00  }
0x100: {  	v60 =	vld [tilespmem:$0xB970];
	v10 =	vadd.f32 v56, v13;
	v59 =	vmul.f32 $2.000000030e-01, v7;
	v9 =	vsel vm0, v9, v16  }
0x101: {  	vm13 =	vgt.f32 v7, $0.0e+00;
	v9 =	vmul.f32 v9, v57  }
0x102: {  	v61 =	vld [tilespmem:$0xB980];
	v6 =	vadd.f32 v58, v6;
	v62 =	vmul.f32 $2.000000030e-01, v10;
	v7 =	vsel vm13, v7, v59  }
0x103: {  	vm14 =	vgt.f32 v10, $0.0e+00;
	v7 =	vmul.f32 v7, v8;
	v8 =	vadd.f32 $0.0e+00, v9  }
0x104: {  	v63 =	vmul.f32 $2.000000030e-01, v6;
	v10 =	vsel vm14, v10, v62  }
0x105: {  	vm15 =	vgt.f32 v6, $0.0e+00;
	v7 =	vadd.f32 v7, v8;
	v8 =	vmul.f32 v10, v60  }
0x106: {  	v6 =	vsel vm15, v6, v63  }
0x107: {  	v6 =	vmul.f32 v6, v61;
	v7 =	vadd.f32 v8, v7;
	_ =	sdelay $0x1  }
0x108: {  	v6 =	vadd.f32 v6, v7;
	_ =	sdelay $0x1  }
0x109: {  	[tilespmem:$0xB990] =	vst v6  }
0x10a: {  	v7 =	vld.idx.msk [tilespmem:v1+s16+$0x0], $0xffff;
	_ =	sdelay $0x4  }
0x10b: {  	v6 =	vadd.f32 v6, v7;
	_ =	sdelay $0x1  }
0x10c: {  	[tilespmem:$0xB990] =	vst v6  }
0x10d: {  	v7 =	vld.idx.msk [tilespmem:v3+s16+$0x0], $0xffff;
	_ =	sdelay $0x4  }
0x10e: {  	v6 =	vadd.f32 v6, v7;
	_ =	sdelay $0x1  }
0x10f: {  	[tilespmem:$0xB990] =	vst v6  }
0x110: {  	v7 =	vld.idx.msk [tilespmem:v4+s16+$0x0], $0xffff;
	_ =	sdelay $0x4  }
0x111: {  	v6 =	vadd.f32 v7, v6;
	_ =	sdelay $0x1  }
0x112: {  	[tilespmem:$0xB990] =	vst v6  }
0x113: {  	v7 =	vld.idx.msk [tilespmem:v2+s16+$0x0], $0xffff;
	_ =	sdelay $0x4  }
0x114: {  	v6 =	vadd.f32 v7, v6;
	_ =	sdelay $0x1  }
0x115: {  	v7 =	vmul.f32 $1.442695020e+00, v6  }
0x116: {  	[tilespmem:$0xB990] =	vst v6  }
0x117: {  	s13 =	simm.s32 $0x7960;
	s14 =	simm.s32 $0x100;
	s3 =	simm.s32 $0x7960;
	v6 =	vld [tilespmem:s10+$0x3D40];
	(erf) = vpow2.f32 v7  }
.LBB2_7:
0x118: {  	_ =	sdelay $0x6  }
0x119: {  	p1 =	sne.s32 s14, $0x4F00  }
0x11a: {  	s13 =	sadd.s32 $0x50, s13;
	s15 =	smov.u32 s14;
	s14 =	sadd.s32 $0x100, s14;
	v7 =	vpop (erf)  }
0x11b: {  	v6 =	vmul.f32 v7, v6;
	_ =	sdelay $0x1  }
0x11c: {  	[tilespmem:s3+$0xFFFFFFE0] =	vst v6  }
0x11d: {  	v6 =	vld [tilespmem:s10+$0x3D50];
	_ =	sdelay $0x1  }
0x11e: {  	s15 =	sshra.s32 s15, $0x2;
	_ =	sdelay $0x2  }
0x11f: {  	v6 =	vmul.f32 v6, v7;
	_ =	sdelay $0x1  }
0x120: {  	[tilespmem:s3+$0xFFFFFFF0] =	vst v6  }
0x121: {  	v6 =	vld [tilespmem:s10+$0x3D60];
	_ =	sdelay $0x4  }
0x122: {  	v6 =	vmul.f32 v6, v7;
	_ =	sdelay $0x1  }
0x123: {  	[tilespmem:s3+$0x0] =	vst v6;
	v6 =	vmul.f32 v5, v7  }
0x124: {  	v8 =	vld [tilespmem:s10+$0x3D70];
	s10 =	smov.u32 s15  }
0x125: {  	[tilespmem:s3+$0x20] =	vst v6;
	_ =	sdelay $0x3  }
0x126: {  	v6 =	vmul.f32 v8, v7;
	_ =	sdelay $0x1  }
0x127: {  	[tilespmem:s3+$0x10] =	vst v6;
	s3 =	smov.u32 s13  }
0x128: {  	v6 =	vld [tilespmem:s10+$0x5170]  }
0x129: {  	v7 =	vld [tilespmem:s10+$0x3D70]  }
0x12a: {  	v8 =	vld [tilespmem:s10+$0x6550]  }
0x12b: {  	v9 =	vld [tilespmem:s10+$0x5150]  }
0x12c: {  	v10 =	vld [tilespmem:s10+$0x3D50]  }
0x12d: {  	v11 =	vld [tilespmem:s10+$0x3D40]  }
0x12e: {  	v12 =	vld [tilespmem:s10+$0x5140]  }
0x12f: {  	v13 =	vld [tilespmem:s10+$0x6570]  }
0x130: {  	v14 =	vld [tilespmem:s10+$0x6540]  }
0x131: {  	v6 =	vadd.f32 v6, v7;
	v9 =	vadd.f32 v9, v10;
	v10 =	vld [tilespmem:s10+$0x3D60]  }
0x132: {  	v7 =	vld [tilespmem:s10+$0x5160]  }
0x133: {  	v11 =	vadd.f32 v12, v11;
	v8 =	vadd.f32 v8, v9  }
0x134: {  	v9 =	vld [tilespmem:s10+$0x6560];
	v6 =	vadd.f32 v13, v6  }
0x135: {  	v11 =	vadd.f32 v14, v11;
	v12 =	vld [tilespmem:$0xB950];
	v13 =	vmul.f32 $2.000000030e-01, v8  }
0x136: {  	vm0 =	vgt.f32 v8, $0.0e+00;
	v14 =	vld [tilespmem:$0xB960];
	vm1 =	vgt.f32 v6, $0.0e+00;
	v15 =	vmul.f32 $2.000000030e-01, v6  }
0x137: {  	vm2 =	vgt.f32 v11, $0.0e+00;
	v16 =	vmul.f32 $2.000000030e-01, v11;
	v7 =	vadd.f32 v7, v10  }
0x138: {  	v8 =	vsel vm0, v8, v13;
	v6 =	vsel vm1, v6, v15  }
0x139: {  	v10 =	vsel vm2, v11, v16;
	v7 =	vadd.f32 v9, v7;
	v9 =	vld [tilespmem:$0xB970]  }
0x13a: {  	v10 =	vmul.f32 v10, v12;
	v11 =	vld [tilespmem:$0xB980]  }
0x13b: {  	v8 =	vmul.f32 v8, v14;
	v12 =	vmul.f32 $2.000000030e-01, v7  }
0x13c: {  	vm0 =	vgt.f32 v7, $0.0e+00;
	v10 =	vadd.f32 $0.0e+00, v10  }
0x13d: {  	v7 =	vsel vm0, v7, v12  }
0x13e: {  	v8 =	vadd.f32 v8, v10;
	v7 =	vmul.f32 v7, v9  }
0x13f: {  	v6 =	vmul.f32 v6, v11  }
0x140: {  	v7 =	vadd.f32 v7, v8;
	_ =	sdelay $0x1  }
0x141: {  	v6 =	vadd.f32 v6, v7;
	_ =	sdelay $0x1  }
0x142: {  	[tilespmem:$0xB990] =	vst v6  }
0x143: {  	v7 =	vld.idx.msk [tilespmem:v1+s16+$0x0], $0xffff;
	_ =	sdelay $0x5  }
0x144: {  	v6 =	vadd.f32 v6, v7;
	_ =	sdelay $0x1  }
0x145: {  	[tilespmem:$0xB990] =	vst v6  }
0x146: {  	v7 =	vld.idx.msk [tilespmem:v3+s16+$0x0], $0xffff;
	_ =	sdelay $0x5  }
0x147: {  	v6 =	vadd.f32 v6, v7;
	_ =	sdelay $0x1  }
0x148: {  	[tilespmem:$0xB990] =	vst v6  }
0x149: {  	v7 =	vld.idx.msk [tilespmem:v4+s16+$0x0], $0xffff;
	_ =	sdelay $0x5  }
0x14a: {  	v6 =	vadd.f32 v7, v6;
	_ =	sdelay $0x1  }
0x14b: {  	[tilespmem:$0xB990] =	vst v6  }
0x14c: {  	v7 =	vld.idx.msk [tilespmem:v2+s16+$0x0], $0xffff;
	_ =	sdelay $0x5  }
.Ltmp2:
0x14d: {  	v6 =	vadd.f32 v7, v6;
	(pc) =	sbr.rel @p1 .LBB2_7-.Ltmp2, $4  }
0x14e: {  	_ = 	snop  }
0x14f: {  	v7 =	vmul.f32 $1.442695020e+00, v6;
	[tilespmem:$0xB990] =	vst v6  }
0x150: {  	v6 =	vld [tilespmem:s10+$0x3D40]  }
0x151: {  	(erf) = vpow2.f32 v7  }
0x152: {  	_ =	sdelay $0x7  }
0x153: {  	v7 =	vpop (erf)  }
0x154: {  	v6 =	vmul.f32 v7, v6;
	_ =	sdelay $0x1  }
0x155: {  	[tilespmem:s3+$0xFFFFFFE0] =	vst v6  }
0x156: {  	v6 =	vld [tilespmem:s10+$0x3D50];
	_ =	sdelay $0x4  }
0x157: {  	v6 =	vmul.f32 v6, v7;
	_ =	sdelay $0x1  }
0x158: {  	[tilespmem:s3+$0xFFFFFFF0] =	vst v6  }
0x159: {  	v6 =	vld [tilespmem:s10+$0x3D60];
	_ =	sdelay $0x4  }
0x15a: {  	v6 =	vmul.f32 v6, v7;
	_ =	sdelay $0x1  }
0x15b: {  	[tilespmem:s3+$0x0] =	vst v6  }
0x15c: {  	v6 =	vld [tilespmem:s10+$0x3D70];
	_ =	sdelay $0x3  }
0x15d: {  	v8 =	vmul.f32 v5, v7  }
0x15e: {  	s25 =	sadd.s32 $0x1, s25;
	v6 =	vmul.f32 v6, v7  }
0x15f: {  	p1 =	sne.s32 s25, $0x3E;
	[tilespmem:s3+$0x20] =	vst v8  }
.Ltmp3:
0x160: {  	[tilespmem:s3+$0x10] =	vst v6;
	(pc) =	sbr.rel @p1 .LBB2_4-.Ltmp3, $4  }
0x161: {  	[spmem:s2] =	stream.indirect.scatter.add.f32 [tilespmem:s17], [sflag:$0x7], $0x50, s12, s29, $0xb8;
	[tilespmem:$0x17CF0] =	vst v63  }
0x162: {  	_ =	swait.ge [sflag:s26], $0x1900  }
0x163: {  	[sflag:s26] =	ssyncset.done $0x0  }
0x164: {  	[sflag:s26] =	ssyncadd.s32 $0xFFFFE700  }
0x165: {  	_ =	swait.ge [sflag:s1], $0x1400  }
0x166: {  	[sflag:s1] =	ssyncset.done $0x0  }
0x167: {  	[sflag:s1] =	ssyncadd.s32 $0xFFFFEC00  }
0x168: {  	_ =	swait.ge [sflag:s28], $0x1400  }
0x169: {  	[sflag:s28] =	ssyncset.done $0x0  }
0x16a: {  	[sflag:s28] =	ssyncadd.s32 $0xFFFFEC00  }
0x16b: {  	_ =	swait.ge [sflag:s4], $0x1400  }
0x16c: {  	[sflag:s4] =	ssyncset.done $0x0  }
0x16d: {  	s10 =	simm.s32 $0x0;
	[sflag:s4] =	ssyncadd.s32 $0xFFFFEC00  }
0x16e: {  	v6 =	vld [tilespmem:s10+$0x14D0]  }
0x16f: {  	v7 =	vld [tilespmem:s10+$0x28B0]  }
0x170: {  	v8 =	vld [tilespmem:s10+$0x14B0]  }
0x171: {  	v9 =	vld [tilespmem:s10+$0xA0]  }
0x172: {  	v10 =	vld [tilespmem:s10+$0x14A0]  }
0x173: {  	v11 =	vld [tilespmem:s10+$0xB0]  }
0x174: {  	v12 =	vld [tilespmem:s10+$0x28A0]  }
0x175: {  	v13 =	vld [tilespmem:s10+$0xC0]  }
0x176: {  	v14 =	vld [tilespmem:s10+$0x14C0]  }
0x177: {  	v15 =	vld [tilespmem:s10+$0xD0];
	v9 =	vadd.f32 v10, v9  }
0x178: {  	v56 =	vld [tilespmem:s10+$0x28C0]  }
0x179: {  	v57 =	vld [tilespmem:$0xB950];
	v8 =	vadd.f32 v8, v11;
	v9 =	vadd.f32 v12, v9  }
0x17a: {  	v58 =	vld [tilespmem:s10+$0x28D0]  }
0x17b: {  	v13 =	vadd.f32 v14, v13;
	v7 =	vadd.f32 v7, v8;
	v8 =	vld [tilespmem:$0xB960];
	v16 =	vmul.f32 $2.000000030e-01, v9  }
0x17c: {  	v6 =	vadd.f32 v6, v15;
	vm0 =	vgt.f32 v9, $0.0e+00  }
0x17d: {  	v60 =	vld [tilespmem:$0xB970];
	v10 =	vadd.f32 v56, v13;
	v59 =	vmul.f32 $2.000000030e-01, v7;
	v9 =	vsel vm0, v9, v16  }
0x17e: {  	vm13 =	vgt.f32 v7, $0.0e+00;
	v9 =	vmul.f32 v9, v57  }
0x17f: {  	v61 =	vld [tilespmem:$0xB980];
	v6 =	vadd.f32 v58, v6;
	v62 =	vmul.f32 $2.000000030e-01, v10;
	v7 =	vsel vm13, v7, v59  }
0x180: {  	vm14 =	vgt.f32 v10, $0.0e+00;
	v7 =	vmul.f32 v7, v8;
	v8 =	vadd.f32 $0.0e+00, v9  }
0x181: {  	v63 =	vmul.f32 $2.000000030e-01, v6;
	v10 =	vsel vm14, v10, v62  }
0x182: {  	vm15 =	vgt.f32 v6, $0.0e+00;
	v7 =	vadd.f32 v7, v8;
	v8 =	vmul.f32 v10, v60  }
0x183: {  	v6 =	vsel vm15, v6, v63  }
0x184: {  	v6 =	vmul.f32 v6, v61;
	v7 =	vadd.f32 v8, v7;
	_ =	sdelay $0x1  }
0x185: {  	v6 =	vadd.f32 v6, v7;
	_ =	sdelay $0x1  }
0x186: {  	[tilespmem:$0xB990] =	vst v6  }
0x187: {  	v7 =	vld.idx.msk [tilespmem:v1+s16+$0x0], $0xffff;
	_ =	sdelay $0x4  }
0x188: {  	v6 =	vadd.f32 v6, v7;
	_ =	sdelay $0x1  }
0x189: {  	[tilespmem:$0xB990] =	vst v6  }
0x18a: {  	v7 =	vld.idx.msk [tilespmem:v3+s16+$0x0], $0xffff;
	_ =	sdelay $0x4  }
0x18b: {  	v6 =	vadd.f32 v6, v7;
	_ =	sdelay $0x1  }
0x18c: {  	[tilespmem:$0xB990] =	vst v6  }
0x18d: {  	v7 =	vld.idx.msk [tilespmem:v4+s16+$0x0], $0xffff;
	_ =	sdelay $0x4  }
0x18e: {  	v6 =	vadd.f32 v7, v6;
	_ =	sdelay $0x1  }
0x18f: {  	[tilespmem:$0xB990] =	vst v6  }
0x190: {  	v7 =	vld.idx.msk [tilespmem:v2+s16+$0x0], $0xffff;
	_ =	sdelay $0x4  }
0x191: {  	v6 =	vadd.f32 v7, v6;
	_ =	sdelay $0x1  }
0x192: {  	v7 =	vmul.f32 $1.442695020e+00, v6  }
0x193: {  	[tilespmem:$0xB990] =	vst v6  }
0x194: {  	s13 =	simm.s32 $0x7960;
	s14 =	simm.s32 $0x100;
	s3 =	simm.s32 $0x7960;
	v6 =	vld [tilespmem:s10+$0xA0];
	(erf) = vpow2.f32 v7  }
.LBB2_10:
0x195: {  	_ =	sdelay $0x6  }
0x196: {  	p1 =	sne.s32 s14, $0x4F00  }
0x197: {  	s13 =	sadd.s32 $0x50, s13;
	s15 =	smov.u32 s14;
	s14 =	sadd.s32 $0x100, s14;
	v7 =	vpop (erf)  }
0x198: {  	v6 =	vmul.f32 v7, v6;
	_ =	sdelay $0x1  }
0x199: {  	[tilespmem:s3+$0xFFFFFFE0] =	vst v6  }
0x19a: {  	v6 =	vld [tilespmem:s10+$0xB0];
	_ =	sdelay $0x1  }
0x19b: {  	s15 =	sshra.s32 s15, $0x2;
	_ =	sdelay $0x2  }
0x19c: {  	v6 =	vmul.f32 v6, v7;
	_ =	sdelay $0x1  }
0x19d: {  	[tilespmem:s3+$0xFFFFFFF0] =	vst v6  }
0x19e: {  	v6 =	vld [tilespmem:s10+$0xC0];
	_ =	sdelay $0x4  }
0x19f: {  	v6 =	vmul.f32 v6, v7;
	_ =	sdelay $0x1  }
0x1a0: {  	[tilespmem:s3+$0x0] =	vst v6;
	v6 =	vmul.f32 v5, v7  }
0x1a1: {  	v8 =	vld [tilespmem:s10+$0xD0];
	s10 =	smov.u32 s15  }
0x1a2: {  	[tilespmem:s3+$0x20] =	vst v6;
	_ =	sdelay $0x3  }
0x1a3: {  	v6 =	vmul.f32 v8, v7;
	_ =	sdelay $0x1  }
0x1a4: {  	[tilespmem:s3+$0x10] =	vst v6;
	s3 =	smov.u32 s13  }
0x1a5: {  	v6 =	vld [tilespmem:s10+$0x14D0]  }
0x1a6: {  	v7 =	vld [tilespmem:s10+$0xD0]  }
0x1a7: {  	v8 =	vld [tilespmem:s10+$0x28B0]  }
0x1a8: {  	v9 =	vld [tilespmem:s10+$0x14B0]  }
0x1a9: {  	v10 =	vld [tilespmem:s10+$0xB0]  }
0x1aa: {  	v11 =	vld [tilespmem:s10+$0xA0]  }
0x1ab: {  	v12 =	vld [tilespmem:s10+$0x14A0]  }
0x1ac: {  	v13 =	vld [tilespmem:s10+$0x28D0]  }
0x1ad: {  	v14 =	vld [tilespmem:s10+$0x28A0]  }
0x1ae: {  	v6 =	vadd.f32 v6, v7;
	v9 =	vadd.f32 v9, v10;
	v10 =	vld [tilespmem:s10+$0xC0]  }
0x1af: {  	v7 =	vld [tilespmem:s10+$0x14C0]  }
0x1b0: {  	v11 =	vadd.f32 v12, v11;
	v8 =	vadd.f32 v8, v9  }
0x1b1: {  	v9 =	vld [tilespmem:s10+$0x28C0];
	v6 =	vadd.f32 v13, v6  }
0x1b2: {  	v11 =	vadd.f32 v14, v11;
	v12 =	vld [tilespmem:$0xB950];
	v13 =	vmul.f32 $2.000000030e-01, v8  }
0x1b3: {  	vm0 =	vgt.f32 v8, $0.0e+00;
	v14 =	vld [tilespmem:$0xB960];
	vm1 =	vgt.f32 v6, $0.0e+00;
	v15 =	vmul.f32 $2.000000030e-01, v6  }
0x1b4: {  	vm2 =	vgt.f32 v11, $0.0e+00;
	v16 =	vmul.f32 $2.000000030e-01, v11;
	v7 =	vadd.f32 v7, v10  }
0x1b5: {  	v8 =	vsel vm0, v8, v13;
	v6 =	vsel vm1, v6, v15  }
0x1b6: {  	v10 =	vsel vm2, v11, v16;
	v7 =	vadd.f32 v9, v7;
	v9 =	vld [tilespmem:$0xB970]  }
0x1b7: {  	v10 =	vmul.f32 v10, v12;
	v11 =	vld [tilespmem:$0xB980]  }
0x1b8: {  	v8 =	vmul.f32 v8, v14;
	v12 =	vmul.f32 $2.000000030e-01, v7  }
0x1b9: {  	vm0 =	vgt.f32 v7, $0.0e+00;
	v10 =	vadd.f32 $0.0e+00, v10  }
0x1ba: {  	v7 =	vsel vm0, v7, v12  }
0x1bb: {  	v8 =	vadd.f32 v8, v10;
	v7 =	vmul.f32 v7, v9  }
0x1bc: {  	v6 =	vmul.f32 v6, v11  }
0x1bd: {  	v7 =	vadd.f32 v7, v8;
	_ =	sdelay $0x1  }
0x1be: {  	v6 =	vadd.f32 v6, v7;
	_ =	sdelay $0x1  }
0x1bf: {  	[tilespmem:$0xB990] =	vst v6  }
0x1c0: {  	v7 =	vld.idx.msk [tilespmem:v1+s16+$0x0], $0xffff;
	_ =	sdelay $0x5  }
0x1c1: {  	v6 =	vadd.f32 v6, v7;
	_ =	sdelay $0x1  }
0x1c2: {  	[tilespmem:$0xB990] =	vst v6  }
0x1c3: {  	v7 =	vld.idx.msk [tilespmem:v3+s16+$0x0], $0xffff;
	_ =	sdelay $0x5  }
0x1c4: {  	v6 =	vadd.f32 v6, v7;
	_ =	sdelay $0x1  }
0x1c5: {  	[tilespmem:$0xB990] =	vst v6  }
0x1c6: {  	v7 =	vld.idx.msk [tilespmem:v4+s16+$0x0], $0xffff;
	_ =	sdelay $0x5  }
0x1c7: {  	v6 =	vadd.f32 v7, v6;
	_ =	sdelay $0x1  }
0x1c8: {  	[tilespmem:$0xB990] =	vst v6  }
0x1c9: {  	v7 =	vld.idx.msk [tilespmem:v2+s16+$0x0], $0xffff;
	_ =	sdelay $0x5  }
.Ltmp4:
0x1ca: {  	v6 =	vadd.f32 v7, v6;
	(pc) =	sbr.rel @p1 .LBB2_10-.Ltmp4, $4  }
0x1cb: {  	_ = 	snop  }
0x1cc: {  	v7 =	vmul.f32 $1.442695020e+00, v6;
	[tilespmem:$0xB990] =	vst v6  }
0x1cd: {  	v6 =	vld [tilespmem:s10+$0xA0]  }
0x1ce: {  	(erf) = vpow2.f32 v7  }
0x1cf: {  	_ =	sdelay $0x7  }
0x1d0: {  	v7 =	vpop (erf)  }
0x1d1: {  	v6 =	vmul.f32 v7, v6;
	_ =	sdelay $0x1  }
0x1d2: {  	[tilespmem:s3+$0xFFFFFFE0] =	vst v6  }
0x1d3: {  	v6 =	vld [tilespmem:s10+$0xB0];
	_ =	sdelay $0x4  }
0x1d4: {  	v6 =	vmul.f32 v6, v7;
	_ =	sdelay $0x1  }
0x1d5: {  	[tilespmem:s3+$0xFFFFFFF0] =	vst v6  }
0x1d6: {  	v6 =	vld [tilespmem:s10+$0xC0];
	_ =	sdelay $0x4  }
0x1d7: {  	v6 =	vmul.f32 v6, v7;
	_ =	sdelay $0x1  }
0x1d8: {  	[tilespmem:s3+$0x0] =	vst v6  }
0x1d9: {  	v6 =	vld [tilespmem:s10+$0xD0];
	_ =	sdelay $0x3  }
0x1da: {  	v8 =	vmul.f32 v5, v7  }
0x1db: {  	v6 =	vmul.f32 v6, v7  }
0x1dc: {  	[tilespmem:s3+$0x20] =	vst v8  }
0x1dd: {  	[tilespmem:s3+$0x10] =	vst v6  }
0x1de: {  	[spmem:s2] =	stream.indirect.scatter.add.f32 [tilespmem:s17], [sflag:$0x7], $0x50, s29, s29, $0xb8;
	[tilespmem:$0x17CF0] =	vst v63  }
0x1df: {  	_ =	swait.ge [sflag:s26], $0x1900  }
0x1e0: {  	[sflag:s26] =	ssyncset.done $0x0  }
0x1e1: {  	[sflag:s26] =	ssyncadd.s32 $0xFFFFE700  }
0x1e2: {  	[bflag:$0x0] =	sbarrier.arrive $0xFFFF  }
0x1e3: {  	s10 =	rddreg [dreg:$0xe]  }
0x1e4: {  	s3 =	simm.s32 @p0 $0x1FC7;
	s13 =	rddreg [dreg:$0x10]  }
0x1e5: {  	[hbm:s10], [sflag:s3] =	dma.local @p0 [spmem:s13], $0x1450  }
0x1e6: {  	s3 =	simm.s32 @p0 $0x7  }
0x1e7: {  	s10 =	stileid.u32;
	_ =	swait.ge @p0 [sflag:s3], $0x1450  }
0x1e8: {  	s10 =	sshll.u32 @!p0 s10, $0x6;
	[sflag:s3] =	ssyncset.done @p0 $0x0;
	s13 =	rddreg [dreg:$0x11]  }
0x1e9: {  	[sflag:s3] =	ssyncadd.s32 @p0 $0xFFFFEBB0;
	s3 =	sor.u32 @!p0 $0x1C07, s10;
	s10 =	rddreg [dreg:$0xd]  }
0x1ea: {  	[hbm:s10], [sflag:s3] =	dma.local @!p0 [spmem:s13], $0x18B0  }
0x1eb: {  	s3 =	simm.s32 @!p0 $0x7  }
0x1ec: {  	_ =	swait.ge @!p0 [sflag:s3], $0x18B0  }
0x1ed: {  	s23 =	rddreg [dreg:$0x4]  }
0x1ee: {  	s25 =	rddreg [dreg:$0xf];
	s13 =	sadd.s32 $0x1, s23  }
0x1ef: {  	p1 =	sne.s32 s13, s25  }
.Ltmp5:
0x1f0: {  	_ = 	snop;
	(pc) =	sbr.rel @p1 .LBB2_1-.Ltmp5, $3  }
0x1f1: {  	_ =	sdelay $0x1  }
0x1f2: {  	[sflag:s3] =	ssyncset.done @!p0 $0x0  }
0x1f3: {  	[sflag:s3] =	ssyncadd.s32 @!p0 $0xFFFFE750  }
0x1f4: {  	_ =	sfence.sel $0x180000  }
0x1f5: {  	[bflag:$0x0] =	sbarrier.arrive $0xFFFF  }
0x1f6: {  	_ =	strace $0x90000047  }
0x1f7: {  	s0 =	stileid.u32;
	[bflag:$0x2] =	sbarrier.arrive $0xFFFF  }
0x1f8: {  	p0 =	sne.s32 s0, $0x0;
	s0 =	rddreg [dreg:$0x3]  }
0x1f9: {  	s0 =	sadd.s32 @!p0 $0x100000, s0  }
0x1fa: {  	[sflag:s0] =	ssyncadd.tile.s32 @!p0 $0x1;
	_ =	shalt  }
.Lfunc_end2:
_tile_overlayer_lowered:
.L_overlay_start_2:
0x1fb: {  	(tag) =	ssettag $0x2  }
0x1fc: {  	s0 =	rddreg [dreg:$0x0];
	s2 =	stileid.u32  }
0x1fd: {  	s1 =	rddreg [dreg:$0x1];
	p0 =	sne.s32 s2, $0x0  }
0x1fe: {  	s3 =	rddreg [dreg:$0x2];
	[bflag:$0x3] =	sbarrier.arrive $0xFFFF;
	s2 =	simm.s32 @!p0 $0x1C07  }
0x1ff: {  	[timem:s3], [sflag:s2] =	dma.local @!p0 [hbm:s0], s1  }
0x200: {  	s0 =	simm.s32 @!p0 $0x7  }
0x201: {  	_ =	swait.ge @!p0 [sflag:s0], s1  }
0x202: {  	s1 =	ssub.s32 @!p0 $0x0, s1;
	[sflag:s0] =	ssyncset.done @!p0 $0x0  }
0x203: {  	[sflag:s0] =	ssyncadd.s32 @!p0 s1  }
0x204: {  	[bflag:$0x3] =	sbarrier.arrive $0xFFFF  }
0x205: {  	_ =	shalt  }

// kernel: kernel.17.cloned.1.call-start
scs
__scs_entry_jumppad:
0x0: {  	(pc) =	sbr.rel $0x88, $3  }
0x1: {  	(tag) =	ssettag $0x0;
	lr =	simm.s32 $0x1  }
0x2: {  	[smem:$0x3F89] =	sst lr;
	_ =	strace $0xD0000000  }
0x3: {  	_ = 	snop  }
0x4: {  	_ = 	snop  }
0x5: {  	_ = 	snop  }
0x6: {  	_ = 	snop  }
0x7: {  	_ = 	snop  }
__scs_overlays_trampoline_lowered:
0x8: {  	[smem:$0x3F98] =	sst s0  }
0x9: {  	[smem:$0x3F99] =	sst s1  }
0xa: {  	[smem:$0x3F9A] =	sst s2  }
0xb: {  	[smem:$0x3F9B] =	sst s3  }
0xc: {  	[smem:$0x3F9C] =	sst s4  }
0xd: {  	[smem:$0x3F9D] =	sst s5  }
0xe: {  	[smem:$0x3F9E] =	sst s6  }
0xf: {  	[smem:$0x3F9F] =	sst s7  }
0x10: {  	[smem:$0x3FA0] =	sst s8  }
0x11: {  	[smem:$0x3FA1] =	sst s9;
	s0 =	simm.s32 @!p0 $0x0  }
0x12: {  	s1 =	sld [smem:$0x3F87];
	s0 =	simm.s32 @p0 $0x1  }
0x13: {  	[smem:$0x3FA2] =	sst s0;
	s0 =	simm.s32 @!p1 $0x0  }
0x14: {  	s2 =	sld [smem:$0x3F86];
	s0 =	simm.s32 @p1 $0x1  }
0x15: {  	[smem:$0x3FA3] =	sst s0;
	s0 =	simm.s32 @!p2 $0x0  }
0x16: {  	s3 =	sld [smem:$0x3FDB];
	s0 =	simm.s32 @p2 $0x1  }
0x17: {  	s4 =	simm.s32 $0x1BF5;
	[smem:$0x3FA5] =	sst s0  }
0x18: {  	s0 =	sld [smem:$0x3F88];
	_ =	swait.ge [sflag:s4], $0x0  }
0x19: {  	s7 =	sld [smem:$0x3F89]  }
0x1a: {  	s8 =	sadd.s32 $0xFFFFE003, lr  }
0x1b: {  	s9 =	sadd.s32 $0xFFFFFEF7, lr;
	s5 =	simm.s32 $0xFFFFFFFF;
	p2 =	slt.u32 s8, $0xFFFFF086  }
0x1c: {  	p1 =	slt.u32 s9, $0xF7A;
	s5 =	simm.s32 @!p2 $0x0  }
0x1d: {  	s5 =	simm.s32 @p1 $0x1;
	p0 =	seq.s32 s7, s2  }
0x1e: {  	s7 =	smul.u32 @!p0 $0xF7A, s2;
	p2 =	seq.s32 @!p0 s5, $0x0  }
0x1f: {  	s9 =	smul.u32 $0xF7A, s1;
	s8 =	simm.s32 @!p0 $0x1BF5;
	p2 =	por !p2, p0  }
0x20: {  	[sflag:s8] =	ssyncset.s32 @!p0 $0xFFFFF086;
	s6 =	sadd.s32 @!p0 s3, s7;
	s7 =	simm.s32 @!p0 $0x108  }
0x21: {  	s3 =	sadd.s32 s3, s9;
	s6 =	sadd.s32 @!p0 $0x88, s6;
	s7 =	simm.s32 @p2 $0x1082  }
0x22: {  	[simem:s7], [sflag:s8] =	dma.local @!p0 [hbm:s6], $0xF7A  }
0x23: {  	s9 =	sor.u32 $0xD0000000, s2;
	s6 =	simm.s32 $0x108;
	_ =	swait.ge @!p0 [sflag:s8], $0x0  }
0x24: {  	s3 =	sadd.s32 $0x88, s3;
	s6 =	simm.s32 @!p1 $0x1082;
	[sflag:s4] =	ssyncset.s32 $0xFFFFF086  }
0x25: {  	[simem:s6], [sflag:s4] =	dma.local [hbm:s3], $0xF7A  }
0x26: {  	[smem:$0x3F89] =	sst s1;
	(tag) =	ssettag s2;
	_ =	strace s9  }
0x27: {  	s1 =	sld [smem:$0x3F99]  }
0x28: {  	s2 =	sld [smem:$0x3F9A]  }
0x29: {  	s4 =	sld [smem:$0x3F9C]  }
0x2a: {  	p0 =	seq.s32 s5, $0x0;
	s5 =	sld [smem:$0x3F9D]  }
0x2b: {  	s6 =	sld [smem:$0x3F9E]  }
0x2c: {  	s7 =	sld [smem:$0x3F9F]  }
0x2d: {  	s3 =	simm.s32 $0x108;
	s8 =	sld [smem:$0x3FA0]  }
0x2e: {  	s3 =	simm.s32 @!p0 $0x1082;
	s9 =	sld [smem:$0x3FA1]  }
0x2f: {  	lr =	sadd.s32 s0, s3;
	s0 =	sld [smem:$0x3F98]  }
0x30: {  	s3 =	sld [smem:$0x3F9B]  }
0x31: {  	[smem:$0x3FA4] =	sst s10  }
0x32: {  	s10 =	sld [smem:$0x3FA2];
	_ =	sdelay $0x3  }
0x33: {  	p0 =	seq.s32 s10, $0x1;
	s10 =	sld [smem:$0x3FA4];
	_ =	sdelay $0x3  }
0x34: {  	[smem:$0x3FA4] =	sst s10  }
0x35: {  	s10 =	sld [smem:$0x3FA3];
	_ =	sdelay $0x3  }
0x36: {  	p1 =	seq.s32 s10, $0x1;
	s10 =	sld [smem:$0x3FA4];
	_ =	sdelay $0x3  }
0x37: {  	[smem:$0x3FA4] =	sst s10  }
0x38: {  	s10 =	sld [smem:$0x3FA5]  }
0x39: {  	_ = 	snop;
	(pc) =	sbr.ind lr, $3  }
0x3a: {  	_ = 	snop  }
0x3b: {  	_ = 	snop  }
0x3c: {  	p2 =	seq.s32 s10, $0x1;
	s10 =	sld [smem:$0x3FA4]  }
0x3d: {  	_ =	shalt  }
0x3e: {  	_ =	shalt  }
0x3f: {  	_ =	shalt  }
0x40: {  	_ =	shalt  }
0x41: {  	_ =	shalt  }
0x42: {  	_ =	shalt  }
0x43: {  	_ =	shalt  }
0x44: {  	_ =	shalt  }
0x45: {  	_ =	shalt  }
0x46: {  	_ =	shalt  }
0x47: {  	_ =	shalt  }
0x48: {  	_ =	shalt  }
0x49: {  	_ =	shalt  }
0x4a: {  	_ =	shalt  }
0x4b: {  	_ =	shalt  }
0x4c: {  	_ =	shalt  }
0x4d: {  	_ =	shalt  }
0x4e: {  	_ =	shalt  }
0x4f: {  	_ =	shalt  }
0x50: {  	_ =	shalt  }
0x51: {  	_ =	shalt  }
0x52: {  	_ =	shalt  }
0x53: {  	_ =	shalt  }
0x54: {  	_ =	shalt  }
0x55: {  	_ =	shalt  }
0x56: {  	_ =	shalt  }
0x57: {  	_ =	shalt  }
0x58: {  	_ =	shalt  }
0x59: {  	_ =	shalt  }
0x5a: {  	_ =	shalt  }
0x5b: {  	_ =	shalt  }
0x5c: {  	_ =	shalt  }
0x5d: {  	_ =	shalt  }
0x5e: {  	_ =	shalt  }
0x5f: {  	_ =	shalt  }
0x60: {  	_ =	shalt  }
0x61: {  	_ =	shalt  }
0x62: {  	_ =	shalt  }
0x63: {  	_ =	shalt  }
0x64: {  	_ =	shalt  }
0x65: {  	_ =	shalt  }
0x66: {  	_ =	shalt  }
0x67: {  	_ =	shalt  }
0x68: {  	_ =	shalt  }
0x69: {  	_ =	shalt  }
0x6a: {  	_ =	shalt  }
0x6b: {  	_ =	shalt  }
0x6c: {  	_ =	shalt  }
0x6d: {  	_ =	shalt  }
0x6e: {  	_ =	shalt  }
0x6f: {  	_ =	shalt  }
0x70: {  	_ =	shalt  }
0x71: {  	_ =	shalt  }
0x72: {  	_ =	shalt  }
0x73: {  	_ =	shalt  }
0x74: {  	_ =	shalt  }
0x75: {  	_ =	shalt  }
0x76: {  	_ =	shalt  }
0x77: {  	_ =	shalt  }
0x78: {  	_ =	shalt  }
0x79: {  	_ =	shalt  }
0x7a: {  	_ =	shalt  }
0x7b: {  	_ =	shalt  }
0x7c: {  	_ =	shalt  }
0x7d: {  	_ =	shalt  }
0x7e: {  	_ =	shalt  }
0x7f: {  	_ =	shalt  }
0x80: {  	_ =	shalt  }
0x81: {  	_ =	shalt  }
0x82: {  	_ =	shalt  }
0x83: {  	_ =	shalt  }
0x84: {  	_ =	shalt  }
0x85: {  	_ =	shalt  }
0x86: {  	_ =	shalt  }
0x87: {  	_ =	shalt  }
.Lfunc_end0:
.L_simem_size_0:
called_computation.2_lowered:
.L_overlay_start_0:
0x88: {  	s2 =	sld [smem:$0x3FD9]  }
0x89: {  	s3 =	sld [smem:$0x3FFE];
	_ =	sdelay $0x1  }
0x8a: {  	s1 =	srdreg.scid  }
0x8b: {  	s0 =	sand.u32 $0x1, s1  }
0x8c: {  	s17 =	sshll.u32 s0, $0xA;
	s2 =	sadd.s32 s3, s2  }
0x8d: {  	s2 =	sadd.s32 s2, s17  }
0x8e: {  	[smem:$0x3FB0] =	sst s2  }
0x8f: {  	_ = 	snop  }
0x90: {  	s2 =	sld [smem:$0x3FB9];
	(tm) =	ssettm $0x1  }
0x91: {  	s18 =	sld [smem:$0x3FFB];
	_ =	sdelay $0x3  }
0x92: {  	_ =	strace s18  }
0x93: {  	s3 =	sld [smem:$0x3FFC];
	_ =	sdelay $0x3  }
0x94: {  	_ =	strace s3  }
0x95: {  	s3 =	sld [smem:$0x3FFD];
	_ =	sdelay $0x3  }
0x96: {  	_ =	strace s3  }
0x97: {  	_ =	strace $0x8FFFFFFF  }
0x98: {  	s19 =	sld [smem:$0x3FDB];
	_ =	sdelay $0x1  }
0x99: {  	s4 =	simm.s32 $_scs_section_size  }
0x9a: {  	s5 =	simm.s32 $_size__tile_overlayer_lowered;
	s6 =	simm.s32 $_tile_overlayer_lowered  }
0x9b: {  	s22 =	simm.s32 $0x1BFF;
	s21 =	sshll.u32 s6, $0x1;
	s3 =	sadd.s32 s4, s19  }
0x9c: {  	s7 =	simm.s32 $0x0;
	s20 =	sshll.u32 s5, $0x1;
	s5 =	sadd.s32 s21, s3  }
0x9d: {  	[timem:s7], [sflag:s22] =	dma.local [hbm:s5], s20  }
0x9e: {  	_ =	swait.ge [sflag:s22], s20  }
0x9f: {  	s4 =	ssub.s32 $0x0, s20;
	[sflag:s22] =	ssyncset.done $0x0  }
0xa0: {  	[sflag:s22] =	ssyncadd.s32 s4;
	_ =	sdelay $0x1  }
0xa1: {  	s23 =	simm.s32 $0x1B8B  }
0xa2: {  	_ =	swait.ge [sflag:s23], $0x1  }
0xa3: {  	[sflag:s23] =	ssyncset.done $0x0  }
0xa4: {  	s25 =	simm.s32 $0x1B8E;
	s24 =	sld [smem:$0x3FFE];
	[sflag:s23] =	ssyncadd.s32 $0xFFFFFFFF  }
0xa5: {  	s26 =	simm.s32 $execute0_lowered;
	[smem:$0x3FD2] =	sst s25  }
0xa6: {  	s5 =	sshll.u32 s26, $0x1;
	_ =	strace $0x8000004C;
	[dreg:$0x1] =	wrdreg $0xFFFFFFFF  }
0xa7: {  	s28 =	simm.s32 $_size_execute0_lowered;
	s3 =	sadd.s32 s3, s5;
	[dreg:$0x0] =	wrdreg $0x0  }
0xa8: {  	s5 =	sshll.u32 s28, $0x1;
	[dreg:$0x2] =	wrdreg s3  }
0xa9: {  	[dreg:$0x3] =	wrdreg s5  }
0xaa: {  	[dreg:$0x4] =	wrdreg $0xC0  }
0xab: {  	_ =	task [dreg:s7], $0x5FFFF  }
0xac: {  	[dreg:$0x1] =	wrdreg $0xFFFFFFFF  }
0xad: {  	[dreg:$0x0] =	wrdreg $0x60  }
0xae: {  	[dreg:$0x2] =	wrdreg s24  }
0xaf: {  	[dreg:$0x3] =	wrdreg s2  }
0xb0: {  	[dreg:$0x4] =	wrdreg $0xB9A00  }
0xb1: {  	[dreg:$0x5] =	wrdreg $0x9  }
0xb2: {  	_ =	task.clear_ibuf [dreg:s7], $0x6FFFF;
	_ =	strace $0x9000004C  }
0xb3: {  	s29 =	simm.s32 $0x9;
	_ =	strace $0x8000004E  }
0xb4: {  	_ =	swait.ge [sflag:s29], $0x1  }
0xb5: {  	[sflag:s29] =	ssyncadd.s32 $0xFFFFFFFF  }
0xb6: {  	_ =	strace $0x9000004E  }
0xb7: {  	_ =	sfence  }
0xb8: {  	s30 =	sld [smem:$0x0];
	_ =	sdelay $0x2  }
0xb9: {  	s31 =	sshll.u32 s1, $0xD;
	s1 =	sshrl.u32 s1, $0x2  }
0xba: {  	s3 =	sand.u32 $0x4000, s31;
	s1 =	sadd.s32 s1, s30  }
0xbb: {  	s0 =	sor.u32 s3, s0;
	s1 =	sshll.u32 s1, $0x11  }
0xbc: {  	s0 =	sor.u32 s1, s0  }
0xbd: {  	s0 =	sadd.s32 $0x8F2B, s0  }
0xbe: {  	[sflag:s0] =	ssyncadd.remote.s32 $0x1  }
0xbf: {  	_ =	sfence.sel $0xFFFF  }
0xc0: {  	[dreg:$0x0] =	wrdreg $0xFFFFFFFF;
	(pc) =	sbr.abs _section_cstart, $3  }
0xc1: {  	[dreg:$0x1] =	wrdreg $0xFFFFFFFF  }
0xc2: {  	_ =	task.clear_ibuf [dreg:s7], $0x2FFFF;
	_ =	strace $0x9FFFFFFF  }
0xc3: {  	(tm) =	ssettm $0x7FFFFFFF  }
tec
execute0_lowered:
.L_overlay_start_1:
0x0: {  	(tag) =	ssettag $0x1  }
0x1: {  	s0 =	rddreg [dreg:$0x0]  }
0x2: {  	s2 =	rddreg [dreg:$0x2]  }
0x3: {  	s13 =	simm.s32 $0x0;
	s1 =	srdreg.scid;
	s14 =	stileid.u32  }
0x4: {  	s29 =	simm.s32 $0x50;
	s30 =	simm.s32 $0xA0;
	s31 =	simm.s32 $0x14A0  }
0x5: {  	s28 =	simm.s32 $0x2;
	[smem:$0x7FF] =	sst s13;
	s5 =	sadd.s32 $0xAAC00, s0  }
0x6: {  	s6 =	sadd.s32 $0xA0E00, s0;
	s7 =	sadd.s32 $0x17E00, s0;
	s1 =	sand.u32 $0x1, s1  }
0x7: {  	s8 =	sadd.s32 $0x4400, s0;
	s4 =	smul.u32 $0x30D40, s14;
	s9 =	sadd.s32 $0x5F8800, s0  }
0x8: {  	s0 =	sadd.s32 $0x2B800, s0;
	s23 =	smul.u32 $0xC580, s14;
	p0 =	seq.s32 s14, $0xF  }
0x9: {  	_ =	strace $0x8000004D;
	s3 =	sshll.u32 s1, $0x4;
	s10 =	ssub.s32 $0x2, s1  }
0xa: {  	s1 =	smul.u32 $0xC3500, s1;
	s3 =	sor.u32 s14, s3;
	s4 =	sshrl.u32 s4, $0x2  }
0xb: {  	s12 =	sshrl.u32 s10, $0x1;
	s11 =	smul.u32 $0x2710, s3;
	s15 =	sadd.s32 s4, s2  }
0xc: {  	s3 =	smul.u32 $0x13880, s3;
	s17 =	ssub.s32 s10, s12;
	s25 =	sadd.s32 s23, s1  }
0xd: {  	s1 =	sshrl.u32 s1, $0x3;
	s20 =	sadd.s32 $0x2710, s15;
	[dreg:$0x5] =	wrdreg s15  }
0xe: {  	s4 =	simm.s32 $0x3;
	s21 =	sadd.s32 $0x4E20, s15;
	[dreg:$0x6] =	wrdreg s20  }
0xf: {  	v0 =	vimm.s32 $0xEFCDAB89;
	v1 =	vimm.s32 $0x67452301;
	s12 =	simm.s32 $0x3CF0;
	s16 =	sadd.s32 $0x7530, s15;
	[dreg:$0x7] =	wrdreg s21  }
0x10: {  	v2 =	vimm.s32 $0xDCFE98BA;
	v3 =	vimm.s32 $0x54761032;
	s15 =	sadd.s32 $0x9C40, s15;
	s26 =	smax.u32 s17, $0x1;
	[dreg:$0x8] =	wrdreg s16  }
0x11: {  	v4 =	vimm.s32 $0xBA98FEDC;
	v5 =	vimm.s32 $0x32107654;
	s17 =	simm.s32 $0x7940;
	s22 =	sshrl.u32 s11, $0x3;
	[dreg:$0x9] =	wrdreg s15  }
0x12: {  	v6 =	vimm.s32 $0xFEDCBA98;
	v7 =	vimm.s32 $0x76543210;
	s3 =	sadd.s32 s9, s3;
	s18 =	sadd.s32 $0x50, s11;
	s19 =	sadd.s32 $0xA0, s11  }
0x13: {  	v0 =	vunpack.c.l.s4.s8 v0;
	v1 =	vunpack.c.l.s4.s8 v1;
	v2 =	vunpack.c.l.s4.s8 v2;
	[dreg:$0xf] =	wrdreg s26;
	s26 =	simm.s32 $0x7;
	s11 =	simm.s32 $0x3CA0  }
0x14: {  	v3 =	vunpack.c.l.s4.s8 v3;
	v4 =	vunpack.c.l.s4.s8 v4;
	v5 =	vunpack.c.l.s4.s8 v5;
	s16 =	simm.s32 $0xB990;
	s20 =	simm.s32 $0x4;
	s24 =	sadd.s32 s5, s22  }
0x15: {  	v6 =	vunpack.c.l.s4.s8 v6;
	v7 =	vunpack.c.l.s4.s8 v7;
	v0 =	vunpack.c.0.s8.s32 v0;
	s10 =	sadd.s32 s6, s22;
	[dreg:$0xc] =	wrdreg s3;
	s3 =	sshrl.u32 s25, $0x3  }
0x16: {  	v1 =	vunpack.c.0.s8.s32 v1;
	v2 =	vunpack.c.0.s8.s32 v2;
	v3 =	vunpack.c.0.s8.s32 v3;
	[dreg:$0xa] =	wrdreg s24;
	s3 =	sadd.s32 s0, s3;
	s0 =	sadd.s32 s0, s1  }
0x17: {  	v4 =	vunpack.c.0.s8.s32 v4;
	v5 =	vunpack.c.0.s8.s32 v5;
	v6 =	vunpack.c.0.s8.s32 v6;
	s21 =	simm.s32 $0x5;
	[dreg:$0xb] =	wrdreg s10;
	s0 =	sadd.s32 $0x17250, s0  }
0x18: {  	v1 =	vcombine.low v1, v0;
	v3 =	vcombine.low v3, v2;
	v2 =	vunpack.c.0.s8.s32 v7;
	s22 =	simm.s32 $0x6;
	[dreg:$0xe] =	wrdreg s0;
	s0 =	sadd.s32 $0xB9280, s2  }
0x19: {  	vm0 =	vcmask $0x300;
	v4 =	vcombine.low v5, v4;
	v5 =	vand.u32 $0xF, v6;
	s1 =	sadd.s32 s23, s2;
	[dreg:$0xd] =	wrdreg s3;
	s0 =	sshrl.u32 @p0 s0, $0x3  }
0x1a: {  	v0 =	vimm.f32 $0.0e+00;
	v1 =	vand.u32 $0xF, v1;
	v2 =	vcombine.low v5, v2;
	s24 =	simm.s32 $0x0;
	[dreg:$0x10] =	wrdreg s0;
	s0 =	sshrl.u32 @!p0 s1, $0x3  }
0x1b: {  	v3 =	vand.u32 $0xF, v3;
	v4 =	vand.u32 $0xF, v4;
	v5 =	vsel vm0, $0x3F800000, v0;
	s1 =	simm.s32 $0x1;
	[dreg:$0x11] =	wrdreg s0;
	s0 =	simm.s32 $0x28A0  }
.LBB2_1:
0x1c: {  	[dreg:$0x4] =	wrdreg s13;
	s10 =	simm.s32 $0x140;
	s3 =	simm.s32 $0x0  }
.LBB2_2:
0x1d: {  	p1 =	sne.s32 s10, $0x9B00;
	[tilespmem:s3+$0x9280] =	vst v0;
	s13 =	smov.u32 s10;
	s10 =	sadd.s32 $0x140, s10  }
.Ltmp0:
0x1e: {  	[tilespmem:s3+$0x9270] =	vst v0;
	(pc) =	sbr.rel @p1 .LBB2_2-.Ltmp0, $4  }
0x1f: {  	[tilespmem:s3+$0x9260] =	vst v0  }
0x20: {  	[tilespmem:s3+$0x9240] =	vst v0  }
0x21: {  	[tilespmem:s3+$0x9250] =	vst v0  }
0x22: {  	s3 =	sshra.s32 s13, $0x2  }
0x23: {  	[tilespmem:s3+$0x9280] =	vst v0  }
0x24: {  	[tilespmem:s3+$0x9270] =	vst v0  }
0x25: {  	[tilespmem:s3+$0x9260] =	vst v0  }
0x26: {  	[tilespmem:s3+$0x9240] =	vst v0  }
0x27: {  	[tilespmem:s3+$0x9250] =	vst v0;
	s13 =	rddreg [dreg:$0x5];
	s10 =	simm.s32 $0x9240  }
0x28: {  	[spmem:s13] =	stream.linear.scatter [tilespmem:s10], [sflag:$0x7], $0x2710, $0x38;
	[tilespmem:$0x17CF0] =	vst v63  }
0x29: {  	_ =	swait.ge [sflag:s26], $0x2710  }
0x2a: {  	[sflag:s26] =	ssyncset.done $0x0  }
0x2b: {  	s14 =	rddreg [dreg:$0x6];
	[sflag:s26] =	ssyncadd.s32 $0xFFFFD8F0  }
0x2c: {  	[spmem:s14] =	stream.linear.scatter [tilespmem:s10], [sflag:$0x7], $0x2710, $0x38;
	[tilespmem:$0x17CF0] =	vst v63  }
0x2d: {  	_ =	swait.ge [sflag:s26], $0x2710  }
0x2e: {  	[sflag:s26] =	ssyncset.done $0x0  }
0x2f: {  	s15 =	rddreg [dreg:$0x7];
	[sflag:s26] =	ssyncadd.s32 $0xFFFFD8F0  }
0x30: {  	[spmem:s15] =	stream.linear.scatter [tilespmem:s10], [sflag:$0x7], $0x2710, $0x38;
	[tilespmem:$0x17CF0] =	vst v63  }
0x31: {  	_ =	swait.ge [sflag:s26], $0x2710  }
0x32: {  	[sflag:s26] =	ssyncset.done $0x0  }
0x33: {  	s23 =	rddreg [dreg:$0x8];
	[sflag:s26] =	ssyncadd.s32 $0xFFFFD8F0  }
0x34: {  	[spmem:s23] =	stream.linear.scatter [tilespmem:s10], [sflag:$0x7], $0x2710, $0x38;
	[tilespmem:$0x17CF0] =	vst v63  }
0x35: {  	_ =	swait.ge [sflag:s26], $0x2710  }
0x36: {  	[sflag:s26] =	ssyncset.done $0x0  }
0x37: {  	s25 =	rddreg [dreg:$0x9];
	[sflag:s26] =	ssyncadd.s32 $0xFFFFD8F0  }
0x38: {  	[spmem:s25] =	stream.linear.scatter [tilespmem:s10], [sflag:$0x7], $0x2710, $0x38;
	[tilespmem:$0x17CF0] =	vst v63  }
0x39: {  	_ =	swait.ge [sflag:s26], $0x2710  }
0x3a: {  	[sflag:s26] =	ssyncset.done $0x0  }
0x3b: {  	[sflag:s26] =	ssyncadd.s32 $0xFFFFD8F0  }
0x3c: {  	[bflag:$0x0] =	sbarrier.arrive $0xFFFF  }
0x3d: {  	s14 =	simm.s32 $0xB950;
	s13 =	rddreg [dreg:$0x1]  }
0x3e: {  	[tilespmem:s14], [sflag:$0x7] =	stream.linear.gather [hbm4b:s13+s24], $0x40, $0x38;
	[tilespmem:$0x17CF0] =	vst v63  }
0x3f: {  	_ =	swait.ge [sflag:s26], $0x40  }
0x40: {  	[sflag:s26] =	ssyncset.done $0x0  }
0x41: {  	s15 =	rddreg [dreg:$0xa];
	[sflag:s26] =	ssyncadd.s32 $0xFFFFFFC0  }
0x42: {  	[tilespmem:s24], [sflag:$0x7] =	stream.linear.gather [hbm4b:s15+s24], $0x50, $0x38;
	[tilespmem:$0x17CF0] =	vst v63  }
0x43: {  	_ =	swait.ge [sflag:s26], $0x50  }
0x44: {  	[sflag:s26] =	ssyncset.done $0x0  }
0x45: {  	s23 =	rddreg [dreg:$0xb];
	[sflag:s26] =	ssyncadd.s32 $0xFFFFFFB0  }
0x46: {  	[tilespmem:s29], [sflag:$0x7] =	stream.linear.gather [hbm4b:s23+s24], $0x50, $0x38;
	[tilespmem:$0x17CF0] =	vst v63  }
0x47: {  	_ =	swait.ge [sflag:s26], $0x50  }
0x48: {  	[sflag:s26] =	ssyncset.done $0x0  }
0x49: {  	[sflag:s26] =	ssyncadd.s32 $0xFFFFFFB0  }
0x4a: {  	[tilespmem:s30], [sflag:$0x1] =	stream.indirect.gather [hbm4b:s7+s29], $0x40, s24, s29, $0xb8;
	[tilespmem:$0x17CF0] =	vst v63  }
0x4b: {  	_ = 	snop  }
0x4c: {  	[tilespmem:s31], [sflag:$0x2] =	stream.indirect.gather [hbm4b:s8+s29], $0x40, s29, s29, $0xb8;
	[tilespmem:$0x17CF0] =	vst v63  }
0x4d: {  	s25 =	rddreg [dreg:$0xc]  }
0x4e: {  	[tilespmem:s0], [sflag:$0x3] =	stream.linear.gather [hbm4b:s25+s24], $0x1400, $0x38;
	[tilespmem:$0x17CF0] =	vst v63  }
0x4f: {  	s25 =	simm.s32 $0x0  }
.LBB2_4:
0x50: {  	_ =	swait.ge [sflag:s1], $0x1400  }
0x51: {  	[sflag:s1] =	ssyncset.done $0x0  }
0x52: {  	[sflag:s1] =	ssyncadd.s32 $0xFFFFEC00  }
0x53: {  	_ =	swait.ge [sflag:s28], $0x1400  }
0x54: {  	s10 =	smul.u32 $0xA0, s25;
	[sflag:s28] =	ssyncset.done $0x0  }
0x55: {  	[sflag:s28] =	ssyncadd.s32 $0xFFFFEC00  }
0x56: {  	s3 =	sadd.s32 s10, s18;
	_ =	swait.ge [sflag:s4], $0x1400  }
0x57: {  	s13 =	sshrl.u32 s3, $0x3;
	[sflag:s4] =	ssyncset.done $0x0  }
0x58: {  	s14 =	sadd.s32 s5, s13;
	[sflag:s4] =	ssyncadd.s32 $0xFFFFEC00  }
0x59: {  	[tilespmem:s11], [sflag:$0x7] =	stream.linear.gather [hbm4b:s14+s24], $0x50, $0x38;
	[tilespmem:$0x17CF0] =	vst v63  }
0x5a: {  	_ =	swait.ge [sflag:s26], $0x50  }
0x5b: {  	[sflag:s26] =	ssyncset.done $0x0  }
0x5c: {  	s13 =	sadd.s32 s6, s13;
	[sflag:s26] =	ssyncadd.s32 $0xFFFFFFB0  }
0x5d: {  	[tilespmem:s12], [sflag:$0x7] =	stream.linear.gather [hbm4b:s13+s24], $0x50, $0x38;
	[tilespmem:$0x17CF0] =	vst v63  }
0x5e: {  	_ =	swait.ge [sflag:s26], $0x50  }
0x5f: {  	[sflag:s26] =	ssyncset.done $0x0  }
0x60: {  	s3 =	sshll.u32 s3, $0x3;
	s14 =	simm.s32 $0x3D40;
	[sflag:s26] =	ssyncadd.s32 $0xFFFFFFB0  }
0x61: {  	[tilespmem:s14], [sflag:$0x4] =	stream.indirect.gather [hbm4b:s7+s29], $0x40, s11, s29, $0xb8;
	[tilespmem:$0x17CF0] =	vst v63  }
0x62: {  	s15 =	simm.s32 $0x5140;
	s3 =	sand.u32 $0x1FFFFF80, s3  }
0x63: {  	[tilespmem:s15], [sflag:$0x5] =	stream.indirect.gather [hbm4b:s8+s29], $0x40, s12, s29, $0xb8;
	[tilespmem:$0x17CF0] =	vst v63  }
0x64: {  	s23 =	simm.s32 $0x6540;
	s3 =	sadd.s32 s9, s3  }
0x65: {  	[tilespmem:s23], [sflag:$0x6] =	stream.linear.gather [hbm4b:s3+s24], $0x1400, $0x38;
	[tilespmem:$0x17CF0] =	vst v63  }
0x66: {  	s23 =	simm.s32 $0x0  }
0x67: {  	v6 =	vld [tilespmem:s23+$0x14D0]  }
0x68: {  	v7 =	vld [tilespmem:s23+$0x28B0]  }
0x69: {  	v8 =	vld [tilespmem:s23+$0x14B0]  }
0x6a: {  	v9 =	vld [tilespmem:s23+$0xA0]  }
0x6b: {  	v10 =	vld [tilespmem:s23+$0x14A0]  }
0x6c: {  	v11 =	vld [tilespmem:s23+$0xB0]  }
0x6d: {  	v12 =	vld [tilespmem:s23+$0x28A0]  }
0x6e: {  	v13 =	vld [tilespmem:s23+$0xC0]  }
0x6f: {  	v14 =	vld [tilespmem:s23+$0x14C0]  }
0x70: {  	v15 =	vld [tilespmem:s23+$0xD0];
	v9 =	vadd.f32 v10, v9  }
0x71: {  	v56 =	vld [tilespmem:s23+$0x28C0]  }
0x72: {  	v57 =	vld [tilespmem:$0xB950];
	v8 =	vadd.f32 v8, v11;
	v9 =	vadd.f32 v12, v9  }
0x73: {  	v58 =	vld [tilespmem:s23+$0x28D0]  }
0x74: {  	v13 =	vadd.f32 v14, v13;
	v7 =	vadd.f32 v7, v8;
	v8 =	vld [tilespmem:$0xB960];
	v16 =	vmul.f32 $2.000000030e-01, v9  }
0x75: {  	v6 =	vadd.f32 v6, v15;
	vm0 =	vgt.f32 v9, $0.0e+00  }
0x76: {  	v60 =	vld [tilespmem:$0xB970];
	v10 =	vadd.f32 v56, v13;
	v59 =	vmul.f32 $2.000000030e-01, v7;
	v9 =	vsel vm0, v9, v16  }
0x77: {  	vm13 =	vgt.f32 v7, $0.0e+00;
	v9 =	vmul.f32 v9, v57  }
0x78: {  	v61 =	vld [tilespmem:$0xB980];
	v6 =	vadd.f32 v58, v6;
	v62 =	vmul.f32 $2.000000030e-01, v10;
	v7 =	vsel vm13, v7, v59  }
0x79: {  	vm14 =	vgt.f32 v10, $0.0e+00;
	v7 =	vmul.f32 v7, v8;
	v8 =	vadd.f32 $0.0e+00, v9  }
0x7a: {  	v63 =	vmul.f32 $2.000000030e-01, v6;
	v10 =	vsel vm14, v10, v62  }
0x7b: {  	vm15 =	vgt.f32 v6, $0.0e+00;
	v7 =	vadd.f32 v7, v8;
	v8 =	vmul.f32 v10, v60  }
0x7c: {  	v6 =	vsel vm15, v6, v63  }
0x7d: {  	v6 =	vmul.f32 v6, v61;
	v7 =	vadd.f32 v8, v7;
	_ =	sdelay $0x1  }
0x7e: {  	v6 =	vadd.f32 v6, v7;
	_ =	sdelay $0x1  }
0x7f: {  	[tilespmem:$0xB990] =	vst v6  }
0x80: {  	v7 =	vld.idx.msk [tilespmem:v1+s16+$0x0], $0xffff;
	_ =	sdelay $0x4  }
0x81: {  	v6 =	vadd.f32 v6, v7;
	_ =	sdelay $0x1  }
0x82: {  	[tilespmem:$0xB990] =	vst v6  }
0x83: {  	v7 =	vld.idx.msk [tilespmem:v3+s16+$0x0], $0xffff;
	_ =	sdelay $0x4  }
0x84: {  	v6 =	vadd.f32 v6, v7;
	_ =	sdelay $0x1  }
0x85: {  	[tilespmem:$0xB990] =	vst v6  }
0x86: {  	v7 =	vld.idx.msk [tilespmem:v4+s16+$0x0], $0xffff;
	_ =	sdelay $0x4  }
0x87: {  	v6 =	vadd.f32 v7, v6;
	_ =	sdelay $0x1  }
0x88: {  	[tilespmem:$0xB990] =	vst v6  }
0x89: {  	v7 =	vld.idx.msk [tilespmem:v2+s16+$0x0], $0xffff;
	_ =	sdelay $0x4  }
0x8a: {  	v6 =	vadd.f32 v7, v6;
	_ =	sdelay $0x1  }
0x8b: {  	v7 =	vmul.f32 $1.442695020e+00, v6  }
0x8c: {  	[tilespmem:$0xB990] =	vst v6  }
0x8d: {  	s13 =	simm.s32 $0x7960;
	s14 =	simm.s32 $0x100;
	s3 =	simm.s32 $0x7960;
	v6 =	vld [tilespmem:s23+$0xA0];
	(erf) = vpow2.f32 v7  }
.LBB2_5:
0x8e: {  	_ =	sdelay $0x6  }
0x8f: {  	p1 =	sne.s32 s14, $0x4F00  }
0x90: {  	s13 =	sadd.s32 $0x50, s13;
	s15 =	smov.u32 s14;
	s14 =	sadd.s32 $0x100, s14;
	v7 =	vpop (erf)  }
0x91: {  	v6 =	vmul.f32 v7, v6;
	_ =	sdelay $0x1  }
0x92: {  	[tilespmem:s3+$0xFFFFFFE0] =	vst v6  }
0x93: {  	v6 =	vld [tilespmem:s23+$0xB0];
	_ =	sdelay $0x1  }
0x94: {  	s15 =	sshra.s32 s15, $0x2;
	_ =	sdelay $0x2  }
0x95: {  	v6 =	vmul.f32 v6, v7;
	_ =	sdelay $0x1  }
0x96: {  	[tilespmem:s3+$0xFFFFFFF0] =	vst v6  }
0x97: {  	v6 =	vld [tilespmem:s23+$0xC0];
	_ =	sdelay $0x4  }
0x98: {  	v6 =	vmul.f32 v6, v7;
	_ =	sdelay $0x1  }
0x99: {  	[tilespmem:s3+$0x0] =	vst v6;
	v6 =	vmul.f32 v5, v7  }
0x9a: {  	v8 =	vld [tilespmem:s23+$0xD0];
	s23 =	smov.u32 s15  }
0x9b: {  	[tilespmem:s3+$0x20] =	vst v6;
	_ =	sdelay $0x3  }
0x9c: {  	v6 =	vmul.f32 v8, v7;
	_ =	sdelay $0x1  }
0x9d: {  	[tilespmem:s3+$0x10] =	vst v6;
	s3 =	smov.u32 s13  }
0x9e: {  	v6 =	vld [tilespmem:s23+$0x14D0]  }
0x9f: {  	v7 =	vld [tilespmem:s23+$0xD0]  }
0xa0: {  	v8 =	vld [tilespmem:s23+$0x28B0]  }
0xa1: {  	v9 =	vld [tilespmem:s23+$0x14B0]  }
0xa2: {  	v10 =	vld [tilespmem:s23+$0xB0]  }
0xa3: {  	v11 =	vld [tilespmem:s23+$0xA0]  }
0xa4: {  	v12 =	vld [tilespmem:s23+$0x14A0]  }
0xa5: {  	v13 =	vld [tilespmem:s23+$0x28D0]  }
0xa6: {  	v14 =	vld [tilespmem:s23+$0x28A0]  }
0xa7: {  	v6 =	vadd.f32 v6, v7;
	v9 =	vadd.f32 v9, v10;
	v10 =	vld [tilespmem:s23+$0xC0]  }
0xa8: {  	v7 =	vld [tilespmem:s23+$0x14C0]  }
0xa9: {  	v11 =	vadd.f32 v12, v11;
	v8 =	vadd.f32 v8, v9  }
0xaa: {  	v9 =	vld [tilespmem:s23+$0x28C0];
	v6 =	vadd.f32 v13, v6  }
0xab: {  	v11 =	vadd.f32 v14, v11;
	v12 =	vld [tilespmem:$0xB950];
	v13 =	vmul.f32 $2.000000030e-01, v8  }
0xac: {  	vm0 =	vgt.f32 v8, $0.0e+00;
	v14 =	vld [tilespmem:$0xB960];
	vm1 =	vgt.f32 v6, $0.0e+00;
	v15 =	vmul.f32 $2.000000030e-01, v6  }
0xad: {  	vm2 =	vgt.f32 v11, $0.0e+00;
	v16 =	vmul.f32 $2.000000030e-01, v11;
	v7 =	vadd.f32 v7, v10  }
0xae: {  	v8 =	vsel vm0, v8, v13;
	v6 =	vsel vm1, v6, v15  }
0xaf: {  	v10 =	vsel vm2, v11, v16;
	v7 =	vadd.f32 v9, v7;
	v9 =	vld [tilespmem:$0xB970]  }
0xb0: {  	v10 =	vmul.f32 v10, v12;
	v11 =	vld [tilespmem:$0xB980]  }
0xb1: {  	v8 =	vmul.f32 v8, v14;
	v12 =	vmul.f32 $2.000000030e-01, v7  }
0xb2: {  	vm0 =	vgt.f32 v7, $0.0e+00;
	v10 =	vadd.f32 $0.0e+00, v10  }
0xb3: {  	v7 =	vsel vm0, v7, v12  }
0xb4: {  	v8 =	vadd.f32 v8, v10;
	v7 =	vmul.f32 v7, v9  }
0xb5: {  	v6 =	vmul.f32 v6, v11  }
0xb6: {  	v7 =	vadd.f32 v7, v8;
	_ =	sdelay $0x1  }
0xb7: {  	v6 =	vadd.f32 v6, v7;
	_ =	sdelay $0x1  }
0xb8: {  	[tilespmem:$0xB990] =	vst v6  }
0xb9: {  	v7 =	vld.idx.msk [tilespmem:v1+s16+$0x0], $0xffff;
	_ =	sdelay $0x5  }
0xba: {  	v6 =	vadd.f32 v6, v7;
	_ =	sdelay $0x1  }
0xbb: {  	[tilespmem:$0xB990] =	vst v6  }
0xbc: {  	v7 =	vld.idx.msk [tilespmem:v3+s16+$0x0], $0xffff;
	_ =	sdelay $0x5  }
0xbd: {  	v6 =	vadd.f32 v6, v7;
	_ =	sdelay $0x1  }
0xbe: {  	[tilespmem:$0xB990] =	vst v6  }
0xbf: {  	v7 =	vld.idx.msk [tilespmem:v4+s16+$0x0], $0xffff;
	_ =	sdelay $0x5  }
0xc0: {  	v6 =	vadd.f32 v7, v6;
	_ =	sdelay $0x1  }
0xc1: {  	[tilespmem:$0xB990] =	vst v6  }
0xc2: {  	v7 =	vld.idx.msk [tilespmem:v2+s16+$0x0], $0xffff;
	_ =	sdelay $0x5  }
.Ltmp1:
0xc3: {  	v6 =	vadd.f32 v7, v6;
	(pc) =	sbr.rel @p1 .LBB2_5-.Ltmp1, $4  }
0xc4: {  	_ = 	snop  }
0xc5: {  	v7 =	vmul.f32 $1.442695020e+00, v6;
	[tilespmem:$0xB990] =	vst v6  }
0xc6: {  	v6 =	vld [tilespmem:s23+$0xA0]  }
0xc7: {  	(erf) = vpow2.f32 v7  }
0xc8: {  	_ =	sdelay $0x7  }
0xc9: {  	v7 =	vpop (erf)  }
0xca: {  	v6 =	vmul.f32 v7, v6;
	_ =	sdelay $0x1  }
0xcb: {  	[tilespmem:s3+$0xFFFFFFE0] =	vst v6  }
0xcc: {  	v6 =	vld [tilespmem:s23+$0xB0];
	_ =	sdelay $0x4  }
0xcd: {  	v6 =	vmul.f32 v6, v7;
	_ =	sdelay $0x1  }
0xce: {  	[tilespmem:s3+$0xFFFFFFF0] =	vst v6  }
0xcf: {  	v6 =	vld [tilespmem:s23+$0xC0];
	_ =	sdelay $0x4  }
0xd0: {  	v6 =	vmul.f32 v6, v7;
	_ =	sdelay $0x1  }
0xd1: {  	[tilespmem:s3+$0x0] =	vst v6  }
0xd2: {  	v6 =	vld [tilespmem:s23+$0xD0];
	_ =	sdelay $0x3  }
0xd3: {  	v8 =	vmul.f32 v5, v7  }
0xd4: {  	v6 =	vmul.f32 v6, v7  }
0xd5: {  	[tilespmem:s3+$0x20] =	vst v8  }
0xd6: {  	[tilespmem:s3+$0x10] =	vst v6  }
0xd7: {  	[spmem:s2] =	stream.indirect.scatter.add.f32 [tilespmem:s17], [sflag:$0x7], $0x50, s29, s29, $0xb8;
	[tilespmem:$0x17CF0] =	vst v63  }
0xd8: {  	_ =	swait.ge [sflag:s26], $0x1900  }
0xd9: {  	[sflag:s26] =	ssyncset.done $0x0  }
0xda: {  	[sflag:s26] =	ssyncadd.s32 $0xFFFFE700  }
0xdb: {  	_ =	swait.ge [sflag:s20], $0x1400  }
0xdc: {  	[sflag:s20] =	ssyncset.done $0x0  }
0xdd: {  	[sflag:s20] =	ssyncadd.s32 $0xFFFFEC00  }
0xde: {  	_ =	swait.ge [sflag:s21], $0x1400  }
0xdf: {  	[sflag:s21] =	ssyncset.done $0x0  }
0xe0: {  	[sflag:s21] =	ssyncadd.s32 $0xFFFFEC00  }
0xe1: {  	s23 =	sadd.s32 s10, s19;
	_ =	swait.ge [sflag:s22], $0x1400  }
0xe2: {  	s10 =	sshrl.u32 s23, $0x3;
	[sflag:s22] =	ssyncset.done $0x0  }
0xe3: {  	s14 =	simm.s32 $0x0;
	s13 =	sadd.s32 s5, s10;
	[sflag:s22] =	ssyncadd.s32 $0xFFFFEC00  }
0xe4: {  	[tilespmem:s14], [sflag:$0x7] =	stream.linear.gather [hbm4b:s13+s14], $0x50, $0x38;
	[tilespmem:$0x17CF0] =	vst v63  }
0xe5: {  	_ =	swait.ge [sflag:s26], $0x50  }
0xe6: {  	[sflag:s26] =	ssyncset.done $0x0  }
0xe7: {  	s10 =	sadd.s32 s6, s10;
	[sflag:s26] =	ssyncadd.s32 $0xFFFFFFB0  }
0xe8: {  	[tilespmem:s29], [sflag:$0x7] =	stream.linear.gather [hbm4b:s10+s14], $0x50, $0x38;
	[tilespmem:$0x17CF0] =	vst v63  }
0xe9: {  	_ =	swait.ge [sflag:s26], $0x50  }
0xea: {  	[sflag:s26] =	ssyncset.done $0x0  }
0xeb: {  	s3 =	sshll.u32 s23, $0x3;
	[sflag:s26] =	ssyncadd.s32 $0xFFFFFFB0  }
0xec: {  	[tilespmem:s30], [sflag:$0x1] =	stream.indirect.gather [hbm4b:s7+s29], $0x40, s14, s29, $0xb8;
	[tilespmem:$0x17CF0] =	vst v63  }
0xed: {  	s3 =	sand.u32 $0x1FFFFF80, s3  }
0xee: {  	[tilespmem:s31], [sflag:$0x2] =	stream.indirect.gather [hbm4b:s8+s29], $0x40, s29, s29, $0xb8;
	[tilespmem:$0x17CF0] =	vst v63  }
0xef: {  	s3 =	sadd.s32 s9, s3;
	s10 =	simm.s32 $0x0  }
0xf0: {  	[tilespmem:s0], [sflag:$0x3] =	stream.linear.gather [hbm4b:s3+s14], $0x1400, $0x38;
	[tilespmem:$0x17CF0] =	vst v63  }
0xf1: {  	v6 =	vld [tilespmem:s10+$0x5170]  }
0xf2: {  	v7 =	vld [tilespmem:s10+$0x6550]  }
0xf3: {  	v8 =	vld [tilespmem:s10+$0x5150]  }
0xf4: {  	v9 =	vld [tilespmem:s10+$0x3D40]  }
0xf5: {  	v10 =	vld [tilespmem:s10+$0x5140]  }
0xf6: {  	v11 =	vld [tilespmem:s10+$0x3D50]  }
0xf7: {  	v12 =	vld [tilespmem:s10+$0x6540]  }
0xf8: {  	v13 =	vld [tilespmem:s10+$0x3D60]  }
0xf9: {  	v14 =	vld [tilespmem:s10+$0x5160]  }
0xfa: {  	v15 =	vld [tilespmem:s10+$0x3D70];
	v9 =	vadd.f32 v10, v9  }
0xfb: {  	v56 =	vld [tilespmem:s10+$0x6560]  }
0xfc: {  	v57 =	vld [tilespmem:$0xB950];
	v8 =	vadd.f32 v8, v11;
	v9 =	vadd.f32 v12, v9  }
0xfd: {  	v58 =	vld [tilespmem:s10+$0x6570]  }
0xfe: {  	v13 =	vadd.f32 v14, v13;
	v7 =	vadd.f32 v7, v8;
	v8 =	vld [tilespmem:$0xB960];
	v16 =	vmul.f32 $2.000000030e-01, v9  }
0xff: {  	v6 =	vadd.f32 v6, v15;
	vm0 =	vgt.f32 v9, $0.0e+00  }
0x100: {  	v60 =	vld [tilespmem:$0xB970];
	v10 =	vadd.f32 v56, v13;
	v59 =	vmul.f32 $2.000000030e-01, v7;
	v9 =	vsel vm0, v9, v16  }
0x101: {  	vm13 =	vgt.f32 v7, $0.0e+00;
	v9 =	vmul.f32 v9, v57  }
0x102: {  	v61 =	vld [tilespmem:$0xB980];
	v6 =	vadd.f32 v58, v6;
	v62 =	vmul.f32 $2.000000030e-01, v10;
	v7 =	vsel vm13, v7, v59  }
0x103: {  	vm14 =	vgt.f32 v10, $0.0e+00;
	v7 =	vmul.f32 v7, v8;
	v8 =	vadd.f32 $0.0e+00, v9  }
0x104: {  	v63 =	vmul.f32 $2.000000030e-01, v6;
	v10 =	vsel vm14, v10, v62  }
0x105: {  	vm15 =	vgt.f32 v6, $0.0e+00;
	v7 =	vadd.f32 v7, v8;
	v8 =	vmul.f32 v10, v60  }
0x106: {  	v6 =	vsel vm15, v6, v63  }
0x107: {  	v6 =	vmul.f32 v6, v61;
	v7 =	vadd.f32 v8, v7;
	_ =	sdelay $0x1  }
0x108: {  	v6 =	vadd.f32 v6, v7;
	_ =	sdelay $0x1  }
0x109: {  	[tilespmem:$0xB990] =	vst v6  }
0x10a: {  	v7 =	vld.idx.msk [tilespmem:v1+s16+$0x0], $0xffff;
	_ =	sdelay $0x4  }
0x10b: {  	v6 =	vadd.f32 v6, v7;
	_ =	sdelay $0x1  }
0x10c: {  	[tilespmem:$0xB990] =	vst v6  }
0x10d: {  	v7 =	vld.idx.msk [tilespmem:v3+s16+$0x0], $0xffff;
	_ =	sdelay $0x4  }
0x10e: {  	v6 =	vadd.f32 v6, v7;
	_ =	sdelay $0x1  }
0x10f: {  	[tilespmem:$0xB990] =	vst v6  }
0x110: {  	v7 =	vld.idx.msk [tilespmem:v4+s16+$0x0], $0xffff;
	_ =	sdelay $0x4  }
0x111: {  	v6 =	vadd.f32 v7, v6;
	_ =	sdelay $0x1  }
0x112: {  	[tilespmem:$0xB990] =	vst v6  }
0x113: {  	v7 =	vld.idx.msk [tilespmem:v2+s16+$0x0], $0xffff;
	_ =	sdelay $0x4  }
0x114: {  	v6 =	vadd.f32 v7, v6;
	_ =	sdelay $0x1  }
0x115: {  	v7 =	vmul.f32 $1.442695020e+00, v6  }
0x116: {  	[tilespmem:$0xB990] =	vst v6  }
0x117: {  	s13 =	simm.s32 $0x7960;
	s14 =	simm.s32 $0x100;
	s3 =	simm.s32 $0x7960;
	v6 =	vld [tilespmem:s10+$0x3D40];
	(erf) = vpow2.f32 v7  }
.LBB2_7:
0x118: {  	_ =	sdelay $0x6  }
0x119: {  	p1 =	sne.s32 s14, $0x4F00  }
0x11a: {  	s13 =	sadd.s32 $0x50, s13;
	s15 =	smov.u32 s14;
	s14 =	sadd.s32 $0x100, s14;
	v7 =	vpop (erf)  }
0x11b: {  	v6 =	vmul.f32 v7, v6;
	_ =	sdelay $0x1  }
0x11c: {  	[tilespmem:s3+$0xFFFFFFE0] =	vst v6  }
0x11d: {  	v6 =	vld [tilespmem:s10+$0x3D50];
	_ =	sdelay $0x1  }
0x11e: {  	s15 =	sshra.s32 s15, $0x2;
	_ =	sdelay $0x2  }
0x11f: {  	v6 =	vmul.f32 v6, v7;
	_ =	sdelay $0x1  }
0x120: {  	[tilespmem:s3+$0xFFFFFFF0] =	vst v6  }
0x121: {  	v6 =	vld [tilespmem:s10+$0x3D60];
	_ =	sdelay $0x4  }
0x122: {  	v6 =	vmul.f32 v6, v7;
	_ =	sdelay $0x1  }
0x123: {  	[tilespmem:s3+$0x0] =	vst v6;
	v6 =	vmul.f32 v5, v7  }
0x124: {  	v8 =	vld [tilespmem:s10+$0x3D70];
	s10 =	smov.u32 s15  }
0x125: {  	[tilespmem:s3+$0x20] =	vst v6;
	_ =	sdelay $0x3  }
0x126: {  	v6 =	vmul.f32 v8, v7;
	_ =	sdelay $0x1  }
0x127: {  	[tilespmem:s3+$0x10] =	vst v6;
	s3 =	smov.u32 s13  }
0x128: {  	v6 =	vld [tilespmem:s10+$0x5170]  }
0x129: {  	v7 =	vld [tilespmem:s10+$0x3D70]  }
0x12a: {  	v8 =	vld [tilespmem:s10+$0x6550]  }
0x12b: {  	v9 =	vld [tilespmem:s10+$0x5150]  }
0x12c: {  	v10 =	vld [tilespmem:s10+$0x3D50]  }
0x12d: {  	v11 =	vld [tilespmem:s10+$0x3D40]  }
0x12e: {  	v12 =	vld [tilespmem:s10+$0x5140]  }
0x12f: {  	v13 =	vld [tilespmem:s10+$0x6570]  }
0x130: {  	v14 =	vld [tilespmem:s10+$0x6540]  }
0x131: {  	v6 =	vadd.f32 v6, v7;
	v9 =	vadd.f32 v9, v10;
	v10 =	vld [tilespmem:s10+$0x3D60]  }
0x132: {  	v7 =	vld [tilespmem:s10+$0x5160]  }
0x133: {  	v11 =	vadd.f32 v12, v11;
	v8 =	vadd.f32 v8, v9  }
0x134: {  	v9 =	vld [tilespmem:s10+$0x6560];
	v6 =	vadd.f32 v13, v6  }
0x135: {  	v11 =	vadd.f32 v14, v11;
	v12 =	vld [tilespmem:$0xB950];
	v13 =	vmul.f32 $2.000000030e-01, v8  }
0x136: {  	vm0 =	vgt.f32 v8, $0.0e+00;
	v14 =	vld [tilespmem:$0xB960];
	vm1 =	vgt.f32 v6, $0.0e+00;
	v15 =	vmul.f32 $2.000000030e-01, v6  }
0x137: {  	vm2 =	vgt.f32 v11, $0.0e+00;
	v16 =	vmul.f32 $2.000000030e-01, v11;
	v7 =	vadd.f32 v7, v10  }
0x138: {  	v8 =	vsel vm0, v8, v13;
	v6 =	vsel vm1, v6, v15  }
0x139: {  	v10 =	vsel vm2, v11, v16;
	v7 =	vadd.f32 v9, v7;
	v9 =	vld [tilespmem:$0xB970]  }
0x13a: {  	v10 =	vmul.f32 v10, v12;
	v11 =	vld [tilespmem:$0xB980]  }
0x13b: {  	v8 =	vmul.f32 v8, v14;
	v12 =	vmul.f32 $2.000000030e-01, v7  }
0x13c: {  	vm0 =	vgt.f32 v7, $0.0e+00;
	v10 =	vadd.f32 $0.0e+00, v10  }
0x13d: {  	v7 =	vsel vm0, v7, v12  }
0x13e: {  	v8 =	vadd.f32 v8, v10;
	v7 =	vmul.f32 v7, v9  }
0x13f: {  	v6 =	vmul.f32 v6, v11  }
0x140: {  	v7 =	vadd.f32 v7, v8;
	_ =	sdelay $0x1  }
0x141: {  	v6 =	vadd.f32 v6, v7;
	_ =	sdelay $0x1  }
0x142: {  	[tilespmem:$0xB990] =	vst v6  }
0x143: {  	v7 =	vld.idx.msk [tilespmem:v1+s16+$0x0], $0xffff;
	_ =	sdelay $0x5  }
0x144: {  	v6 =	vadd.f32 v6, v7;
	_ =	sdelay $0x1  }
0x145: {  	[tilespmem:$0xB990] =	vst v6  }
0x146: {  	v7 =	vld.idx.msk [tilespmem:v3+s16+$0x0], $0xffff;
	_ =	sdelay $0x5  }
0x147: {  	v6 =	vadd.f32 v6, v7;
	_ =	sdelay $0x1  }
0x148: {  	[tilespmem:$0xB990] =	vst v6  }
0x149: {  	v7 =	vld.idx.msk [tilespmem:v4+s16+$0x0], $0xffff;
	_ =	sdelay $0x5  }
0x14a: {  	v6 =	vadd.f32 v7, v6;
	_ =	sdelay $0x1  }
0x14b: {  	[tilespmem:$0xB990] =	vst v6  }
0x14c: {  	v7 =	vld.idx.msk [tilespmem:v2+s16+$0x0], $0xffff;
	_ =	sdelay $0x5  }
.Ltmp2:
0x14d: {  	v6 =	vadd.f32 v7, v6;
	(pc) =	sbr.rel @p1 .LBB2_7-.Ltmp2, $4  }
0x14e: {  	_ = 	snop  }
0x14f: {  	v7 =	vmul.f32 $1.442695020e+00, v6;
	[tilespmem:$0xB990] =	vst v6  }
0x150: {  	v6 =	vld [tilespmem:s10+$0x3D40]  }
0x151: {  	(erf) = vpow2.f32 v7  }
0x152: {  	_ =	sdelay $0x7  }
0x153: {  	v7 =	vpop (erf)  }
0x154: {  	v6 =	vmul.f32 v7, v6;
	_ =	sdelay $0x1  }
0x155: {  	[tilespmem:s3+$0xFFFFFFE0] =	vst v6  }
0x156: {  	v6 =	vld [tilespmem:s10+$0x3D50];
	_ =	sdelay $0x4  }
0x157: {  	v6 =	vmul.f32 v6, v7;
	_ =	sdelay $0x1  }
0x158: {  	[tilespmem:s3+$0xFFFFFFF0] =	vst v6  }
0x159: {  	v6 =	vld [tilespmem:s10+$0x3D60];
	_ =	sdelay $0x4  }
0x15a: {  	v6 =	vmul.f32 v6, v7;
	_ =	sdelay $0x1  }
0x15b: {  	[tilespmem:s3+$0x0] =	vst v6  }
0x15c: {  	v6 =	vld [tilespmem:s10+$0x3D70];
	_ =	sdelay $0x3  }
0x15d: {  	v8 =	vmul.f32 v5, v7  }
0x15e: {  	s25 =	sadd.s32 $0x1, s25;
	v6 =	vmul.f32 v6, v7  }
0x15f: {  	p1 =	sne.s32 s25, $0x3E;
	[tilespmem:s3+$0x20] =	vst v8  }
.Ltmp3:
0x160: {  	[tilespmem:s3+$0x10] =	vst v6;
	(pc) =	sbr.rel @p1 .LBB2_4-.Ltmp3, $4  }
0x161: {  	[spmem:s2] =	stream.indirect.scatter.add.f32 [tilespmem:s17], [sflag:$0x7], $0x50, s12, s29, $0xb8;
	[tilespmem:$0x17CF0] =	vst v63  }
0x162: {  	_ =	swait.ge [sflag:s26], $0x1900  }
0x163: {  	[sflag:s26] =	ssyncset.done $0x0  }
0x164: {  	[sflag:s26] =	ssyncadd.s32 $0xFFFFE700  }
0x165: {  	_ =	swait.ge [sflag:s1], $0x1400  }
0x166: {  	[sflag:s1] =	ssyncset.done $0x0  }
0x167: {  	[sflag:s1] =	ssyncadd.s32 $0xFFFFEC00  }
0x168: {  	_ =	swait.ge [sflag:s28], $0x1400  }
0x169: {  	[sflag:s28] =	ssyncset.done $0x0  }
0x16a: {  	[sflag:s28] =	ssyncadd.s32 $0xFFFFEC00  }
0x16b: {  	_ =	swait.ge [sflag:s4], $0x1400  }
0x16c: {  	[sflag:s4] =	ssyncset.done $0x0  }
0x16d: {  	s10 =	simm.s32 $0x0;
	[sflag:s4] =	ssyncadd.s32 $0xFFFFEC00  }
0x16e: {  	v6 =	vld [tilespmem:s10+$0x14D0]  }
0x16f: {  	v7 =	vld [tilespmem:s10+$0x28B0]  }
0x170: {  	v8 =	vld [tilespmem:s10+$0x14B0]  }
0x171: {  	v9 =	vld [tilespmem:s10+$0xA0]  }
0x172: {  	v10 =	vld [tilespmem:s10+$0x14A0]  }
0x173: {  	v11 =	vld [tilespmem:s10+$0xB0]  }
0x174: {  	v12 =	vld [tilespmem:s10+$0x28A0]  }
0x175: {  	v13 =	vld [tilespmem:s10+$0xC0]  }
0x176: {  	v14 =	vld [tilespmem:s10+$0x14C0]  }
0x177: {  	v15 =	vld [tilespmem:s10+$0xD0];
	v9 =	vadd.f32 v10, v9  }
0x178: {  	v56 =	vld [tilespmem:s10+$0x28C0]  }
0x179: {  	v57 =	vld [tilespmem:$0xB950];
	v8 =	vadd.f32 v8, v11;
	v9 =	vadd.f32 v12, v9  }
0x17a: {  	v58 =	vld [tilespmem:s10+$0x28D0]  }
0x17b: {  	v13 =	vadd.f32 v14, v13;
	v7 =	vadd.f32 v7, v8;
	v8 =	vld [tilespmem:$0xB960];
	v16 =	vmul.f32 $2.000000030e-01, v9  }
0x17c: {  	v6 =	vadd.f32 v6, v15;
	vm0 =	vgt.f32 v9, $0.0e+00  }
0x17d: {  	v60 =	vld [tilespmem:$0xB970];
	v10 =	vadd.f32 v56, v13;
	v59 =	vmul.f32 $2.000000030e-01, v7;
	v9 =	vsel vm0, v9, v16  }
0x17e: {  	vm13 =	vgt.f32 v7, $0.0e+00;
	v9 =	vmul.f32 v9, v57  }
0x17f: {  	v61 =	vld [tilespmem:$0xB980];
	v6 =	vadd.f32 v58, v6;
	v62 =	vmul.f32 $2.000000030e-01, v10;
	v7 =	vsel vm13, v7, v59  }
0x180: {  	vm14 =	vgt.f32 v10, $0.0e+00;
	v7 =	vmul.f32 v7, v8;
	v8 =	vadd.f32 $0.0e+00, v9  }
0x181: {  	v63 =	vmul.f32 $2.000000030e-01, v6;
	v10 =	vsel vm14, v10, v62  }
0x182: {  	vm15 =	vgt.f32 v6, $0.0e+00;
	v7 =	vadd.f32 v7, v8;
	v8 =	vmul.f32 v10, v60  }
0x183: {  	v6 =	vsel vm15, v6, v63  }
0x184: {  	v6 =	vmul.f32 v6, v61;
	v7 =	vadd.f32 v8, v7;
	_ =	sdelay $0x1  }
0x185: {  	v6 =	vadd.f32 v6, v7;
	_ =	sdelay $0x1  }
0x186: {  	[tilespmem:$0xB990] =	vst v6  }
0x187: {  	v7 =	vld.idx.msk [tilespmem:v1+s16+$0x0], $0xffff;
	_ =	sdelay $0x4  }
0x188: {  	v6 =	vadd.f32 v6, v7;
	_ =	sdelay $0x1  }
0x189: {  	[tilespmem:$0xB990] =	vst v6  }
0x18a: {  	v7 =	vld.idx.msk [tilespmem:v3+s16+$0x0], $0xffff;
	_ =	sdelay $0x4  }
0x18b: {  	v6 =	vadd.f32 v6, v7;
	_ =	sdelay $0x1  }
0x18c: {  	[tilespmem:$0xB990] =	vst v6  }
0x18d: {  	v7 =	vld.idx.msk [tilespmem:v4+s16+$0x0], $0xffff;
	_ =	sdelay $0x4  }
0x18e: {  	v6 =	vadd.f32 v7, v6;
	_ =	sdelay $0x1  }
0x18f: {  	[tilespmem:$0xB990] =	vst v6  }
0x190: {  	v7 =	vld.idx.msk [tilespmem:v2+s16+$0x0], $0xffff;
	_ =	sdelay $0x4  }
0x191: {  	v6 =	vadd.f32 v7, v6;
	_ =	sdelay $0x1  }
0x192: {  	v7 =	vmul.f32 $1.442695020e+00, v6  }
0x193: {  	[tilespmem:$0xB990] =	vst v6  }
0x194: {  	s13 =	simm.s32 $0x7960;
	s14 =	simm.s32 $0x100;
	s3 =	simm.s32 $0x7960;
	v6 =	vld [tilespmem:s10+$0xA0];
	(erf) = vpow2.f32 v7  }
.LBB2_10:
0x195: {  	_ =	sdelay $0x6  }
0x196: {  	p1 =	sne.s32 s14, $0x4F00  }
0x197: {  	s13 =	sadd.s32 $0x50, s13;
	s15 =	smov.u32 s14;
	s14 =	sadd.s32 $0x100, s14;
	v7 =	vpop (erf)  }
0x198: {  	v6 =	vmul.f32 v7, v6;
	_ =	sdelay $0x1  }
0x199: {  	[tilespmem:s3+$0xFFFFFFE0] =	vst v6  }
0x19a: {  	v6 =	vld [tilespmem:s10+$0xB0];
	_ =	sdelay $0x1  }
0x19b: {  	s15 =	sshra.s32 s15, $0x2;
	_ =	sdelay $0x2  }
0x19c: {  	v6 =	vmul.f32 v6, v7;
	_ =	sdelay $0x1  }
0x19d: {  	[tilespmem:s3+$0xFFFFFFF0] =	vst v6  }
0x19e: {  	v6 =	vld [tilespmem:s10+$0xC0];
	_ =	sdelay $0x4  }
0x19f: {  	v6 =	vmul.f32 v6, v7;
	_ =	sdelay $0x1  }
0x1a0: {  	[tilespmem:s3+$0x0] =	vst v6;
	v6 =	vmul.f32 v5, v7  }
0x1a1: {  	v8 =	vld [tilespmem:s10+$0xD0];
	s10 =	smov.u32 s15  }
0x1a2: {  	[tilespmem:s3+$0x20] =	vst v6;
	_ =	sdelay $0x3  }
0x1a3: {  	v6 =	vmul.f32 v8, v7;
	_ =	sdelay $0x1  }
0x1a4: {  	[tilespmem:s3+$0x10] =	vst v6;
	s3 =	smov.u32 s13  }
0x1a5: {  	v6 =	vld [tilespmem:s10+$0x14D0]  }
0x1a6: {  	v7 =	vld [tilespmem:s10+$0xD0]  }
0x1a7: {  	v8 =	vld [tilespmem:s10+$0x28B0]  }
0x1a8: {  	v9 =	vld [tilespmem:s10+$0x14B0]  }
0x1a9: {  	v10 =	vld [tilespmem:s10+$0xB0]  }
0x1aa: {  	v11 =	vld [tilespmem:s10+$0xA0]  }
0x1ab: {  	v12 =	vld [tilespmem:s10+$0x14A0]  }
0x1ac: {  	v13 =	vld [tilespmem:s10+$0x28D0]  }
0x1ad: {  	v14 =	vld [tilespmem:s10+$0x28A0]  }
0x1ae: {  	v6 =	vadd.f32 v6, v7;
	v9 =	vadd.f32 v9, v10;
	v10 =	vld [tilespmem:s10+$0xC0]  }
0x1af: {  	v7 =	vld [tilespmem:s10+$0x14C0]  }
0x1b0: {  	v11 =	vadd.f32 v12, v11;
	v8 =	vadd.f32 v8, v9  }
0x1b1: {  	v9 =	vld [tilespmem:s10+$0x28C0];
	v6 =	vadd.f32 v13, v6  }
0x1b2: {  	v11 =	vadd.f32 v14, v11;
	v12 =	vld [tilespmem:$0xB950];
	v13 =	vmul.f32 $2.000000030e-01, v8  }
0x1b3: {  	vm0 =	vgt.f32 v8, $0.0e+00;
	v14 =	vld [tilespmem:$0xB960];
	vm1 =	vgt.f32 v6, $0.0e+00;
	v15 =	vmul.f32 $2.000000030e-01, v6  }
0x1b4: {  	vm2 =	vgt.f32 v11, $0.0e+00;
	v16 =	vmul.f32 $2.000000030e-01, v11;
	v7 =	vadd.f32 v7, v10  }
0x1b5: {  	v8 =	vsel vm0, v8, v13;
	v6 =	vsel vm1, v6, v15  }
0x1b6: {  	v10 =	vsel vm2, v11, v16;
	v7 =	vadd.f32 v9, v7;
	v9 =	vld [tilespmem:$0xB970]  }
0x1b7: {  	v10 =	vmul.f32 v10, v12;
	v11 =	vld [tilespmem:$0xB980]  }
0x1b8: {  	v8 =	vmul.f32 v8, v14;
	v12 =	vmul.f32 $2.000000030e-01, v7  }
0x1b9: {  	vm0 =	vgt.f32 v7, $0.0e+00;
	v10 =	vadd.f32 $0.0e+00, v10  }
0x1ba: {  	v7 =	vsel vm0, v7, v12  }
0x1bb: {  	v8 =	vadd.f32 v8, v10;
	v7 =	vmul.f32 v7, v9  }
0x1bc: {  	v6 =	vmul.f32 v6, v11  }
0x1bd: {  	v7 =	vadd.f32 v7, v8;
	_ =	sdelay $0x1  }
0x1be: {  	v6 =	vadd.f32 v6, v7;
	_ =	sdelay $0x1  }
0x1bf: {  	[tilespmem:$0xB990] =	vst v6  }
0x1c0: {  	v7 =	vld.idx.msk [tilespmem:v1+s16+$0x0], $0xffff;
	_ =	sdelay $0x5  }
0x1c1: {  	v6 =	vadd.f32 v6, v7;
	_ =	sdelay $0x1  }
0x1c2: {  	[tilespmem:$0xB990] =	vst v6  }
0x1c3: {  	v7 =	vld.idx.msk [tilespmem:v3+s16+$0x0], $0xffff;
	_ =	sdelay $0x5  }
0x1c4: {  	v6 =	vadd.f32 v6, v7;
	_ =	sdelay $0x1  }
0x1c5: {  	[tilespmem:$0xB990] =	vst v6  }
0x1c6: {  	v7 =	vld.idx.msk [tilespmem:v4+s16+$0x0], $0xffff;
	_ =	sdelay $0x5  }
0x1c7: {  	v6 =	vadd.f32 v7, v6;
	_ =	sdelay $0x1  }
0x1c8: {  	[tilespmem:$0xB990] =	vst v6  }
0x1c9: {  	v7 =	vld.idx.msk [tilespmem:v2+s16+$0x0], $0xffff;
	_ =	sdelay $0x5  }
.Ltmp4:
0x1ca: {  	v6 =	vadd.f32 v7, v6;
	(pc) =	sbr.rel @p1 .LBB2_10-.Ltmp4, $4  }
0x1cb: {  	_ = 	snop  }
0x1cc: {  	v7 =	vmul.f32 $1.442695020e+00, v6;
	[tilespmem:$0xB990] =	vst v6  }
0x1cd: {  	v6 =	vld [tilespmem:s10+$0xA0]  }
0x1ce: {  	(erf) = vpow2.f32 v7  }
0x1cf: {  	_ =	sdelay $0x7  }
0x1d0: {  	v7 =	vpop (erf)  }
0x1d1: {  	v6 =	vmul.f32 v7, v6;
	_ =	sdelay $0x1  }
0x1d2: {  	[tilespmem:s3+$0xFFFFFFE0] =	vst v6  }
0x1d3: {  	v6 =	vld [tilespmem:s10+$0xB0];
	_ =	sdelay $0x4  }
0x1d4: {  	v6 =	vmul.f32 v6, v7;
	_ =	sdelay $0x1  }
0x1d5: {  	[tilespmem:s3+$0xFFFFFFF0] =	vst v6  }
0x1d6: {  	v6 =	vld [tilespmem:s10+$0xC0];
	_ =	sdelay $0x4  }
0x1d7: {  	v6 =	vmul.f32 v6, v7;
	_ =	sdelay $0x1  }
0x1d8: {  	[tilespmem:s3+$0x0] =	vst v6  }
0x1d9: {  	v6 =	vld [tilespmem:s10+$0xD0];
	_ =	sdelay $0x3  }
0x1da: {  	v8 =	vmul.f32 v5, v7  }
0x1db: {  	v6 =	vmul.f32 v6, v7  }
0x1dc: {  	[tilespmem:s3+$0x20] =	vst v8  }
0x1dd: {  	[tilespmem:s3+$0x10] =	vst v6  }
0x1de: {  	[spmem:s2] =	stream.indirect.scatter.add.f32 [tilespmem:s17], [sflag:$0x7], $0x50, s29, s29, $0xb8;
	[tilespmem:$0x17CF0] =	vst v63  }
0x1df: {  	_ =	swait.ge [sflag:s26], $0x1900  }
0x1e0: {  	[sflag:s26] =	ssyncset.done $0x0  }
0x1e1: {  	[sflag:s26] =	ssyncadd.s32 $0xFFFFE700  }
0x1e2: {  	[bflag:$0x0] =	sbarrier.arrive $0xFFFF  }
0x1e3: {  	s10 =	rddreg [dreg:$0xe]  }
0x1e4: {  	s3 =	simm.s32 @p0 $0x1FC7;
	s13 =	rddreg [dreg:$0x10]  }
0x1e5: {  	[hbm:s10], [sflag:s3] =	dma.local @p0 [spmem:s13], $0x1450  }
0x1e6: {  	s3 =	simm.s32 @p0 $0x7  }
0x1e7: {  	s10 =	stileid.u32;
	_ =	swait.ge @p0 [sflag:s3], $0x1450  }
0x1e8: {  	s10 =	sshll.u32 @!p0 s10, $0x6;
	[sflag:s3] =	ssyncset.done @p0 $0x0;
	s13 =	rddreg [dreg:$0x11]  }
0x1e9: {  	[sflag:s3] =	ssyncadd.s32 @p0 $0xFFFFEBB0;
	s3 =	sor.u32 @!p0 $0x1C07, s10;
	s10 =	rddreg [dreg:$0xd]  }
0x1ea: {  	[hbm:s10], [sflag:s3] =	dma.local @!p0 [spmem:s13], $0x18B0  }
0x1eb: {  	s3 =	simm.s32 @!p0 $0x7  }
0x1ec: {  	_ =	swait.ge @!p0 [sflag:s3], $0x18B0  }
0x1ed: {  	s23 =	rddreg [dreg:$0x4]  }
0x1ee: {  	s25 =	rddreg [dreg:$0xf];
	s13 =	sadd.s32 $0x1, s23  }
0x1ef: {  	p1 =	sne.s32 s13, s25  }
.Ltmp5:
0x1f0: {  	_ = 	snop;
	(pc) =	sbr.rel @p1 .LBB2_1-.Ltmp5, $3  }
0x1f1: {  	_ =	sdelay $0x1  }
0x1f2: {  	[sflag:s3] =	ssyncset.done @!p0 $0x0  }
0x1f3: {  	[sflag:s3] =	ssyncadd.s32 @!p0 $0xFFFFE750  }
0x1f4: {  	_ =	sfence.sel $0x180000  }
0x1f5: {  	[bflag:$0x0] =	sbarrier.arrive $0xFFFF  }
0x1f6: {  	_ =	strace $0x9000004D  }
0x1f7: {  	s0 =	stileid.u32;
	[bflag:$0x2] =	sbarrier.arrive $0xFFFF  }
0x1f8: {  	p0 =	sne.s32 s0, $0x0;
	s0 =	rddreg [dreg:$0x3]  }
0x1f9: {  	s0 =	sadd.s32 @!p0 $0x100000, s0  }
0x1fa: {  	[sflag:s0] =	ssyncadd.tile.s32 @!p0 $0x1;
	_ =	shalt  }
.Lfunc_end2:
_tile_overlayer_lowered:
.L_overlay_start_2:
0x1fb: {  	(tag) =	ssettag $0x2  }
0x1fc: {  	s0 =	rddreg [dreg:$0x0];
	s2 =	stileid.u32  }
0x1fd: {  	s1 =	rddreg [dreg:$0x1];
	p0 =	sne.s32 s2, $0x0  }
0x1fe: {  	s3 =	rddreg [dreg:$0x2];
	[bflag:$0x3] =	sbarrier.arrive $0xFFFF;
	s2 =	simm.s32 @!p0 $0x1C07  }
0x1ff: {  	[timem:s3], [sflag:s2] =	dma.local @!p0 [hbm:s0], s1  }
0x200: {  	s0 =	simm.s32 @!p0 $0x7  }
0x201: {  	_ =	swait.ge @!p0 [sflag:s0], s1  }
0x202: {  	s1 =	ssub.s32 @!p0 $0x0, s1;
	[sflag:s0] =	ssyncset.done @!p0 $0x0  }
0x203: {  	[sflag:s0] =	ssyncadd.s32 @!p0 s1  }
0x204: {  	[bflag:$0x3] =	sbarrier.arrive $0xFFFF  }
0x205: {  	_ =	shalt  }

</sc_bundles>
